<compile_context>
chip_gen: v7x
topology: tpu7x:2x2x1
jax: 0.10.2.dev20260603
libtpu: 0.0.44.dev20260713+nightly
codegen_flags: <defaults>
</compile_context>

<pallas_src>
import functools

import jax
import jax.numpy as jnp
from jax import lax
from jax.experimental import pallas as pl
from jax.experimental.pallas import tpu as pltpu
from jax.experimental.pallas import tpu_sc as plsc

_N = 10000
_E = 320000
_DIN = 128
_DH = 256
_DOUT = 64

_NC = 2
_NS = 16
_NW = _NC * _NS
_EPW = _E // _NW
_CH = 128
_NCH = 80
_EPWP = _NCH * _CH
_NP = 10240
_RPT = _NP // _NS


def _mesh():
    return plsc.VectorSubcoreMesh(core_axis_name="c", subcore_axis_name="s")


def _make_deg():
    @functools.partial(
        pl.kernel,
        out_type=jax.ShapeDtypeStruct((_NW, 1, _NP), jnp.float32),
        mesh=_mesh(),
        compiler_params=pltpu.CompilerParams(needs_layout_passes=False),
        scratch_types=[
            pltpu.VMEM((_EPW,), jnp.int32),
            pltpu.VMEM((_NP,), jnp.float32),
        ],
    )
    def deg_kernel(col_hbm, degp_hbm, col_v, deg_v):
        c = lax.axis_index("c")
        s = lax.axis_index("s")
        wid = s * _NC + c
        pltpu.sync_copy(col_hbm.at[pl.ds(wid * _EPW, _EPW)], col_v)
        zero16 = jnp.zeros((16,), jnp.float32)
        one16 = jnp.ones((16,), jnp.float32)

        def zbody(i, carry):
            for u in range(8):
                deg_v[pl.ds((i * 8 + u) * 16, 16)] = zero16
            return carry

        lax.fori_loop(0, _NP // 128, zbody, 0)

        def abody(i, carry):
            for u in range(5):
                idx = col_v[pl.ds((i * 5 + u) * 16, 16)]
                plsc.addupdate_scatter(deg_v, [idx], one16)
            return carry

        lax.fori_loop(0, _EPW // 80, abody, 0)
        pltpu.sync_copy(deg_v, degp_hbm.at[wid, 0])

    return deg_kernel


_NB = 2
_NBI = 4


def _make_prop(depth):
    @functools.partial(
        pl.kernel,
        out_type=jax.ShapeDtypeStruct((_NC, _NP, depth), jnp.float32),
        mesh=_mesh(),
        compiler_params=pltpu.CompilerParams(needs_layout_passes=False),
        scratch_types=[
            pltpu.VMEM_SHARED((_NP, depth), jnp.float32),
            pltpu.VMEM((_NBI, _CH), jnp.int32),
            pltpu.VMEM((_NBI, _CH), jnp.int32),
            pltpu.VMEM((_NB, _CH, depth), jnp.float32),
            pltpu.SemaphoreType.DMA((_NBI,)),
            pltpu.SemaphoreType.DMA((_NB,)),
            pltpu.SemaphoreType.DMA((_NBI,)),
        ],
    )
    def prop_kernel(xs_hbm, row_hbm, col_hbm, z_hbm, up_hbm,
                    u_sh, row_ring, col_ring, rows_v, isem, gsem, ssem):
        c = lax.axis_index("c")
        s = lax.axis_index("s")
        wid = s * _NC + c

        def i_start(j, q):
            pltpu.async_copy(row_hbm.at[wid, j], row_ring.at[q], isem.at[q])
            pltpu.async_copy(col_hbm.at[wid, j], col_ring.at[q], isem.at[q])

        def i_wait(j, q):
            pltpu.make_async_copy(
                row_hbm.at[wid, j], row_ring.at[q], isem.at[q]).wait()
            pltpu.make_async_copy(
                col_hbm.at[wid, j], col_ring.at[q], isem.at[q]).wait()

        def g_start(q, b):
            pltpu.async_copy(
                xs_hbm.at[row_ring.at[q]], rows_v.at[b], gsem.at[b])

        def g_wait(q, b):
            pltpu.make_async_copy(
                xs_hbm.at[row_ring.at[q]], rows_v.at[b], gsem.at[b]).wait()

        def s_start(q, b):
            pltpu.async_copy(rows_v.at[b], u_sh.at[col_ring.at[q]],
                             ssem.at[q], add=True)

        def s_wait(q, b):
            pltpu.make_async_copy(
                rows_v.at[b], u_sh.at[col_ring.at[q]], ssem.at[q]).wait()

        def step(j, prefetch):
            b, q = j % _NB, j % _NBI
            s_wait((q + _NB) % _NBI, b)
            if prefetch:
                i_start(j + _NB, (q + _NB) % _NBI)
            i_wait(j, q)
            g_start(q, b)
            g_wait((q + _NBI - 1) % _NBI, (b + _NB - 1) % _NB)
            s_start((q + _NBI - 1) % _NBI, (b + _NB - 1) % _NB)

        for q in range(_NBI):
            i_start(q, q)
        pltpu.sync_copy(z_hbm, u_sh.at[pl.ds(s * _RPT, _RPT)])
        i_wait(0, 0)
        g_start(0, 0)
        i_wait(1, 1)
        g_start(1, 1)
        plsc.subcore_barrier()
        g_wait(0, 0)
        s_start(0, 0)

        nmain = ((_NCH - 2 - _NB) // _NBI) * _NBI

        def body(kk, carry):
            j0 = 2 + kk * _NBI
            for u in range(_NBI):
                step(j0 + u, True)
            return carry

        lax.fori_loop(0, nmain // _NBI, body, 0)
        for j in range(2 + nmain, _NCH):
            step(j, j + _NB < _NCH)
        qf, bf = (_NCH - 1) % _NBI, (_NCH - 1) % _NB
        g_wait(qf, bf)
        s_start(qf, bf)
        for j in range(_NCH - _NB, _NCH):
            s_wait(j % _NBI, j % _NB)
        plsc.subcore_barrier()
        pltpu.sync_copy(u_sh.at[pl.ds(s * _RPT, _RPT)],
                        up_hbm.at[c].at[pl.ds(s * _RPT, _RPT)])

    return prop_kernel


_R = 1000


_RD = 1024


def _prep_body(degp_ref, x_ref, dinv_ref, xs_ref):
    deg = 1.0 + jnp.sum(degp_ref[...], axis=(0, 1))
    dinv = lax.rsqrt(deg)[:, None]
    dinv_ref[...] = dinv
    xs_ref[...] = x_ref[...] * dinv


def _make_prep():
    return pl.pallas_call(
        _prep_body,
        grid=(_NP // _RD,),
        in_specs=[
            pl.BlockSpec((_NW, 1, _RD), lambda i: (0, 0, i)),
            pl.BlockSpec((_RD, _DIN), lambda i: (i, 0)),
        ],
        out_specs=[
            pl.BlockSpec((_RD, 1), lambda i: (i, 0)),
            pl.BlockSpec((_RD, _DIN), lambda i: (i, 0)),
        ],
        out_shape=[
            jax.ShapeDtypeStruct((_NP, 1), jnp.float32),
            jax.ShapeDtypeStruct((_N, _DIN), jnp.float32),
        ],
    )


def _mid_body(up_ref, xs_ref, dinv_ref, w1_ref, b1_ref, w2_ref, ps_ref):
    dinv = dinv_ref[...]
    t = (up_ref[0] + up_ref[1] + xs_ref[...]) * dinv
    h = jnp.dot(t, w1_ref[...], preferred_element_type=jnp.float32) + b1_ref[...]
    h = jnp.maximum(h, 0.0)
    ps = jnp.dot(h * dinv, w2_ref[...], preferred_element_type=jnp.float32)
    ps_ref[...] = jnp.concatenate(
        [ps, jnp.zeros((_R, _DIN - _DOUT), jnp.float32)], axis=1)


def _make_mid():
    return pl.pallas_call(
        _mid_body,
        grid=(_N // _R,),
        in_specs=[
            pl.BlockSpec((_NC, _R, _DIN), lambda i: (0, i, 0)),
            pl.BlockSpec((_R, _DIN), lambda i: (i, 0)),
            pl.BlockSpec((_R, 1), lambda i: (i, 0)),
            pl.BlockSpec((_DIN, _DH), lambda i: (0, 0)),
            pl.BlockSpec((1, _DH), lambda i: (0, 0)),
            pl.BlockSpec((_DH, _DOUT), lambda i: (0, 0)),
        ],
        out_specs=pl.BlockSpec((_R, _DIN), lambda i: (i, 0)),
        out_shape=jax.ShapeDtypeStruct((_N, _DIN), jnp.float32),
    )


def _fin_body(u2_ref, ps_ref, dinv_ref, b2_ref, out_ref):
    u2 = u2_ref[0, :, :_DOUT] + u2_ref[1, :, :_DOUT] + ps_ref[:, :_DOUT]
    out_ref[...] = u2 * dinv_ref[...] + b2_ref[...]


def _make_fin():
    return pl.pallas_call(
        _fin_body,
        grid=(_N // _R,),
        in_specs=[
            pl.BlockSpec((_NC, _R, _DIN), lambda i: (0, i, 0)),
            pl.BlockSpec((_R, _DIN), lambda i: (i, 0)),
            pl.BlockSpec((_R, 1), lambda i: (i, 0)),
            pl.BlockSpec((1, _DOUT), lambda i: (0, 0)),
        ],
        out_specs=pl.BlockSpec((_R, _DOUT), lambda i: (i, 0)),
        out_shape=jax.ShapeDtypeStruct((_N, _DOUT), jnp.float32),
    )


_deg = _make_deg()
_prop128 = _make_prop(_DIN)
_prep = _make_prep()
_mid = _make_mid()
_fin = _make_fin()


def kernel(x, edge_index, W1, b1, W2, b2):
    npad = _EPWP - _EPW
    pad_r = jnp.broadcast_to((jnp.arange(npad, dtype=jnp.int32) * 41) % _N,
                             (_NW, npad))
    pad_c = jnp.broadcast_to(_N + jnp.arange(npad, dtype=jnp.int32),
                             (_NW, npad))
    row3 = jnp.concatenate(
        [edge_index[0].reshape(_NW, _EPW), pad_r], axis=1
    ).reshape(_NW, _NCH, _CH)
    col = edge_index[1]
    col3 = jnp.concatenate(
        [col.reshape(_NW, _EPW), pad_c], axis=1).reshape(_NW, _NCH, _CH)
    z128 = jnp.zeros((_RPT, _DIN), jnp.float32)

    degp = _deg(col)
    dinv, xs = _prep(degp, x)
    up = _prop128(xs, row3, col3, z128)
    ps = _mid(up, xs, dinv, W1, b1.reshape(1, -1), W2)
    u2 = _prop128(ps, row3, col3, z128)
    out = _fin(u2, ps, dinv, b2.reshape(1, -1))
    return out

# --- scband reference (transcript-rebuilt; emitter-appended) ---
"""Pipeline reference for scband-sgc-67542655697002 (READ-ONLY COPY).

The authoritative reference and input builder live on the scoring server;
editing this copy changes nothing except your own understanding.
"""

import jax, jax.numpy as jnp
import numpy as np

N = 10000
E = 320000
D_IN = 128
D_H = 256
D_OUT = 64


def setup_inputs(seed: int = 0) -> dict:
    key = jax.random.key(seed)
    k1, k2, k3, k4 = jax.random.split(key, 4)
    x = jax.random.normal(k1, (N, D_IN), dtype=jnp.float32)
    edge_index = jax.random.randint(k2, (2, E), 0, N, dtype=jnp.int32)
    W1 = jax.random.normal(k3, (D_IN, D_H), dtype=jnp.float32) * (1.0 / np.sqrt(D_IN))
    b1 = jnp.zeros((D_H,), dtype=jnp.float32)
    W2 = jax.random.normal(k4, (D_H, D_OUT), dtype=jnp.float32) * (1.0 / np.sqrt(D_H))
    b2 = jnp.zeros((D_OUT,), dtype=jnp.float32)
    return {"x": x, "edge_index": edge_index, "W1": W1, "b1": b1, "W2": W2, "b2": b2}


def _gcn_norm(edge_index, num_nodes):
    # PyG gcn_norm with add_self_loops=True, edge_weight=1
    loop = jnp.arange(num_nodes, dtype=edge_index.dtype)
    row = jnp.concatenate([edge_index[0], loop])
    col = jnp.concatenate([edge_index[1], loop])
    ew = jnp.ones(row.shape[0], dtype=jnp.float32)
    deg = jnp.zeros((num_nodes,), dtype=jnp.float32).at[col].add(ew)
    deg_inv_sqrt = jnp.where(deg > 0, 1.0 / jnp.sqrt(deg), 0.0)
    norm = deg_inv_sqrt[row] * ew * deg_inv_sqrt[col]
    return row, col, norm


def _propagate(x, row, col, norm, num_nodes):
    # aggregate x[src] * norm into dst (flow source_to_target)
    msgs = x[row] * norm[:, None]
    return jnp.zeros((num_nodes, x.shape[1]), dtype=x.dtype).at[col].add(msgs)


def reference(x, edge_index, W1, b1, W2, b2):
    row, col, norm = _gcn_norm(edge_index, N)
    # SGConv(K=1): lin(A_norm @ x)
    h = _propagate(x, row, col, norm, N)
    h = h @ W1 + b1
    h = jax.nn.relu(h)
    # dropout is identity in eval mode (training=False)
    h2 = _propagate(h, row, col, norm, N)
    out = h2 @ W2 + b2
    return out

if __name__ == "__main__":
    import jax
    _d = setup_inputs()
    print(jax.jit(kernel)(*tuple(_d.values())))

</pallas_src>

<mosaic_0001>
#map = affine_map<(d0, d1) -> (0, 0)>
#map1 = affine_map<(d0, d1) -> (0, 0, 0)>
module attributes {stable_mosaic.version = 14 : i64} {
  func.func @prop_kernel(%arg0: i32, %arg1: i32, %arg2: memref<10000x128xf32, #tpu.memory_space<hbm>>, %arg3: memref<32x80x128xi32, #tpu.memory_space<hbm>>, %arg4: memref<32x80x128xi32, #tpu.memory_space<hbm>>, %arg5: memref<640x128xf32, #tpu.memory_space<hbm>>, %arg6: memref<2x10240x128xf32, #tpu.memory_space<hbm>>, %arg7: memref<10240x128xf32, #tpu.memory_space<vmem_shared>>, %arg8: memref<4x128xi32, #tpu.memory_space<vmem>>, %arg9: memref<4x128xi32, #tpu.memory_space<vmem>>, %arg10: memref<2x128x128xf32, #tpu.memory_space<vmem>>, %arg11: memref<4x!tpu.dma_semaphore, #tpu.memory_space<semaphore_mem>>, %arg12: memref<2x!tpu.dma_semaphore, #tpu.memory_space<semaphore_mem>>, %arg13: memref<4x!tpu.dma_semaphore, #tpu.memory_space<semaphore_mem>>) attributes {dimension_semantics = [#tpu.dimension_semantics<core_parallel>, #tpu.dimension_semantics<subcore_parallel>], iteration_bounds = array<i64: 2, 16>, scalar_prefetch = 0 : i64, scratch_operands = 7 : i64, tpu.core_type = #tpu.core_type<sc_vector_subcore>, window_params = [{transform_indices = #map}, {transform_indices = #map1}, {transform_indices = #map1}, {transform_indices = #map}, {transform_indices = #map1}]} {
    %mul3A = arith.constant 2 : i32
    %mul3A_0 = arith.muli %arg1, %mul3A : i32
    %add3A = arith.addi %mul3A_0, %arg0 : i32
    %dma_start3A = arith.constant 0 : i32
    %dma_start3A_1 = arith.constant 0 : i32
    %dma_start3A_2 = arith.constant 0 : i32
    %dma_start3A_3 = arith.constant 0 : i32
    %dma_start3A_4 = tpu.memref_slice %arg8[%dma_start3A_1, %dma_start3A_3] : memref<4x128xi32, #tpu.memory_space<vmem>> -> memref<1x128xi32, #tpu.memory_space<vmem>>
    %dma_start3A_5 = tpu.memref_squeeze %dma_start3A_4 : memref<1x128xi32, #tpu.memory_space<vmem>> -> memref<128xi32, #tpu.memory_space<vmem>>
    %dma_start3A_6 = arith.constant 0 : i32
    %dma_start3A_7 = tpu.memref_slice %arg3[%add3A, %dma_start3A, %dma_start3A_6] : memref<32x80x128xi32, #tpu.memory_space<hbm>> -> memref<1x1x128xi32, #tpu.memory_space<hbm>>
    %dma_start3A_8 = tpu.memref_squeeze %dma_start3A_7 : memref<1x1x128xi32, #tpu.memory_space<hbm>> -> memref<128xi32, #tpu.memory_space<hbm>>
    %dma_start3A_9 = tpu.memref_slice %arg11[%dma_start3A_2] : memref<4x!tpu.dma_semaphore, #tpu.memory_space<semaphore_mem>> -> memref<1x!tpu.dma_semaphore, #tpu.memory_space<semaphore_mem>>
    %dma_start3A_10 = tpu.memref_squeeze %dma_start3A_9 : memref<1x!tpu.dma_semaphore, #tpu.memory_space<semaphore_mem>> -> memref<!tpu.dma_semaphore, #tpu.memory_space<semaphore_mem>>
    %dma_start3A_11 = arith.constant 0 : i32
    %dma_start3A_12 = tpu.memref_slice %arg8[%dma_start3A_1, %dma_start3A_11] : memref<4x128xi32, #tpu.memory_space<vmem>> -> memref<1x128xi32, #tpu.memory_space<vmem>>
    %dma_start3A_13 = tpu.memref_squeeze %dma_start3A_12 : memref<1x128xi32, #tpu.memory_space<vmem>> -> memref<128xi32, #tpu.memory_space<vmem>>
    %dma_start3A_14 = arith.constant 0 : i32
    %dma_start3A_15 = tpu.memref_slice %arg3[%add3A, %dma_start3A, %dma_start3A_14] : memref<32x80x128xi32, #tpu.memory_space<hbm>> -> memref<1x1x128xi32, #tpu.memory_space<hbm>>
    %dma_start3A_16 = tpu.memref_squeeze %dma_start3A_15 : memref<1x1x128xi32, #tpu.memory_space<hbm>> -> memref<128xi32, #tpu.memory_space<hbm>>
    tpu.enqueue_dma source(%dma_start3A_16 : memref<128xi32, #tpu.memory_space<hbm>>) target(%dma_start3A_13 : memref<128xi32, #tpu.memory_space<vmem>>) target_semaphore(%dma_start3A_10 : memref<!tpu.dma_semaphore, #tpu.memory_space<semaphore_mem>>)
    %dma_start3A_17 = arith.constant 0 : i32
    %dma_start3A_18 = arith.constant 0 : i32
    %dma_start3A_19 = arith.constant 0 : i32
    %dma_start3A_20 = arith.constant 0 : i32
    %dma_start3A_21 = tpu.memref_slice %arg9[%dma_start3A_18, %dma_start3A_20] : memref<4x128xi32, #tpu.memory_space<vmem>> -> memref<1x128xi32, #tpu.memory_space<vmem>>
    %dma_start3A_22 = tpu.memref_squeeze %dma_start3A_21 : memref<1x128xi32, #tpu.memory_space<vmem>> -> memref<128xi32, #tpu.memory_space<vmem>>
    %dma_start3A_23 = arith.constant 0 : i32
    %dma_start3A_24 = tpu.memref_slice %arg4[%add3A, %dma_start3A_17, %dma_start3A_23] : memref<32x80x128xi32, #tpu.memory_space<hbm>> -> memref<1x1x128xi32, #tpu.memory_space<hbm>>
    %dma_start3A_25 = tpu.memref_squeeze %dma_start3A_24 : memref<1x1x128xi32, #tpu.memory_space<hbm>> -> memref<128xi32, #tpu.memory_space<hbm>>
    %dma_start3A_26 = tpu.memref_slice %arg11[%dma_start3A_19] : memref<4x!tpu.dma_semaphore, #tpu.memory_space<semaphore_mem>> -> memref<1x!tpu.dma_semaphore, #tpu.memory_space<semaphore_mem>>
    %dma_start3A_27 = tpu.memref_squeeze %dma_start3A_26 : memref<1x!tpu.dma_semaphore, #tpu.memory_space<semaphore_mem>> -> memref<!tpu.dma_semaphore, #tpu.memory_space<semaphore_mem>>
    %dma_start3A_28 = arith.constant 0 : i32
    %dma_start3A_29 = tpu.memref_slice %arg9[%dma_start3A_18, %dma_start3A_28] : memref<4x128xi32, #tpu.memory_space<vmem>> -> memref<1x128xi32, #tpu.memory_space<vmem>>
    %dma_start3A_30 = tpu.memref_squeeze %dma_start3A_29 : memref<1x128xi32, #tpu.memory_space<vmem>> -> memref<128xi32, #tpu.memory_space<vmem>>
    %dma_start3A_31 = arith.constant 0 : i32
    %dma_start3A_32 = tpu.memref_slice %arg4[%add3A, %dma_start3A_17, %dma_start3A_31] : memref<32x80x128xi32, #tpu.memory_space<hbm>> -> memref<1x1x128xi32, #tpu.memory_space<hbm>>
    %dma_start3A_33 = tpu.memref_squeeze %dma_start3A_32 : memref<1x1x128xi32, #tpu.memory_space<hbm>> -> memref<128xi32, #tpu.memory_space<hbm>>
    tpu.enqueue_dma source(%dma_start3A_33 : memref<128xi32, #tpu.memory_space<hbm>>) target(%dma_start3A_30 : memref<128xi32, #tpu.memory_space<vmem>>) target_semaphore(%dma_start3A_27 : memref<!tpu.dma_semaphore, #tpu.memory_space<semaphore_mem>>)
    %dma_start3A_34 = arith.constant 1 : i32
    %dma_start3A_35 = arith.constant 1 : i32
    %dma_start3A_36 = arith.constant 1 : i32
    %dma_start3A_37 = arith.constant 0 : i32
    %dma_start3A_38 = tpu.memref_slice %arg8[%dma_start3A_35, %dma_start3A_37] : memref<4x128xi32, #tpu.memory_space<vmem>> -> memref<1x128xi32, #tpu.memory_space<vmem>>
    %dma_start3A_39 = tpu.memref_squeeze %dma_start3A_38 : memref<1x128xi32, #tpu.memory_space<vmem>> -> memref<128xi32, #tpu.memory_space<vmem>>
    %dma_start3A_40 = arith.constant 0 : i32
    %dma_start3A_41 = tpu.memref_slice %arg3[%add3A, %dma_start3A_34, %dma_start3A_40] : memref<32x80x128xi32, #tpu.memory_space<hbm>> -> memref<1x1x128xi32, #tpu.memory_space<hbm>>
    %dma_start3A_42 = tpu.memref_squeeze %dma_start3A_41 : memref<1x1x128xi32, #tpu.memory_space<hbm>> -> memref<128xi32, #tpu.memory_space<hbm>>
    %dma_start3A_43 = tpu.memref_slice %arg11[%dma_start3A_36] : memref<4x!tpu.dma_semaphore, #tpu.memory_space<semaphore_mem>> -> memref<1x!tpu.dma_semaphore, #tpu.memory_space<semaphore_mem>>
    %dma_start3A_44 = tpu.memref_squeeze %dma_start3A_43 : memref<1x!tpu.dma_semaphore, #tpu.memory_space<semaphore_mem>> -> memref<!tpu.dma_semaphore, #tpu.memory_space<semaphore_mem>>
    %dma_start3A_45 = arith.constant 0 : i32
    %dma_start3A_46 = tpu.memref_slice %arg8[%dma_start3A_35, %dma_start3A_45] : memref<4x128xi32, #tpu.memory_space<vmem>> -> memref<1x128xi32, #tpu.memory_space<vmem>>
    %dma_start3A_47 = tpu.memref_squeeze %dma_start3A_46 : memref<1x128xi32, #tpu.memory_space<vmem>> -> memref<128xi32, #tpu.memory_space<vmem>>
    %dma_start3A_48 = arith.constant 0 : i32
    %dma_start3A_49 = tpu.memref_slice %arg3[%add3A, %dma_start3A_34, %dma_start3A_48] : memref<32x80x128xi32, #tpu.memory_space<hbm>> -> memref<1x1x128xi32, #tpu.memory_space<hbm>>
    %dma_start3A_50 = tpu.memref_squeeze %dma_start3A_49 : memref<1x1x128xi32, #tpu.memory_space<hbm>> -> memref<128xi32, #tpu.memory_space<hbm>>
    tpu.enqueue_dma source(%dma_start3A_50 : memref<128xi32, #tpu.memory_space<hbm>>) target(%dma_start3A_47 : memref<128xi32, #tpu.memory_space<vmem>>) target_semaphore(%dma_start3A_44 : memref<!tpu.dma_semaphore, #tpu.memory_space<semaphore_mem>>)
    %dma_start3A_51 = arith.constant 1 : i32
    %dma_start3A_52 = arith.constant 1 : i32
    %dma_start3A_53 = arith.constant 1 : i32
    %dma_start3A_54 = arith.constant 0 : i32
    %dma_start3A_55 = tpu.memref_slice %arg9[%dma_start3A_52, %dma_start3A_54] : memref<4x128xi32, #tpu.memory_space<vmem>> -> memref<1x128xi32, #tpu.memory_space<vmem>>
    %dma_start3A_56 = tpu.memref_squeeze %dma_start3A_55 : memref<1x128xi32, #tpu.memory_space<vmem>> -> memref<128xi32, #tpu.memory_space<vmem>>
    %dma_start3A_57 = arith.constant 0 : i32
    %dma_start3A_58 = tpu.memref_slice %arg4[%add3A, %dma_start3A_51, %dma_start3A_57] : memref<32x80x128xi32, #tpu.memory_space<hbm>> -> memref<1x1x128xi32, #tpu.memory_space<hbm>>
    %dma_start3A_59 = tpu.memref_squeeze %dma_start3A_58 : memref<1x1x128xi32, #tpu.memory_space<hbm>> -> memref<128xi32, #tpu.memory_space<hbm>>
    %dma_start3A_60 = tpu.memref_slice %arg11[%dma_start3A_53] : memref<4x!tpu.dma_semaphore, #tpu.memory_space<semaphore_mem>> -> memref<1x!tpu.dma_semaphore, #tpu.memory_space<semaphore_mem>>
    %dma_start3A_61 = tpu.memref_squeeze %dma_start3A_60 : memref<1x!tpu.dma_semaphore, #tpu.memory_space<semaphore_mem>> -> memref<!tpu.dma_semaphore, #tpu.memory_space<semaphore_mem>>
    %dma_start3A_62 = arith.constant 0 : i32
    %dma_start3A_63 = tpu.memref_slice %arg9[%dma_start3A_52, %dma_start3A_62] : memref<4x128xi32, #tpu.memory_space<vmem>> -> memref<1x128xi32, #tpu.memory_space<vmem>>
    %dma_start3A_64 = tpu.memref_squeeze %dma_start3A_63 : memref<1x128xi32, #tpu.memory_space<vmem>> -> memref<128xi32, #tpu.memory_space<vmem>>
    %dma_start3A_65 = arith.constant 0 : i32
    %dma_start3A_66 = tpu.memref_slice %arg4[%add3A, %dma_start3A_51, %dma_start3A_65] : memref<32x80x128xi32, #tpu.memory_space<hbm>> -> memref<1x1x128xi32, #tpu.memory_space<hbm>>
    %dma_start3A_67 = tpu.memref_squeeze %dma_start3A_66 : memref<1x1x128xi32, #tpu.memory_space<hbm>> -> memref<128xi32, #tpu.memory_space<hbm>>
    tpu.enqueue_dma source(%dma_start3A_67 : memref<128xi32, #tpu.memory_space<hbm>>) target(%dma_start3A_64 : memref<128xi32, #tpu.memory_space<vmem>>) target_semaphore(%dma_start3A_61 : memref<!tpu.dma_semaphore, #tpu.memory_space<semaphore_mem>>)
    %dma_start3A_68 = arith.constant 2 : i32
    %dma_start3A_69 = arith.constant 2 : i32
    %dma_start3A_70 = arith.constant 2 : i32
    %dma_start3A_71 = arith.constant 0 : i32
    %dma_start3A_72 = tpu.memref_slice %arg8[%dma_start3A_69, %dma_start3A_71] : memref<4x128xi32, #tpu.memory_space<vmem>> -> memref<1x128xi32, #tpu.memory_space<vmem>>
    %dma_start3A_73 = tpu.memref_squeeze %dma_start3A_72 : memref<1x128xi32, #tpu.memory_space<vmem>> -> memref<128xi32, #tpu.memory_space<vmem>>
    %dma_start3A_74 = arith.constant 0 : i32
    %dma_start3A_75 = tpu.memref_slice %arg3[%add3A, %dma_start3A_68, %dma_start3A_74] : memref<32x80x128xi32, #tpu.memory_space<hbm>> -> memref<1x1x128xi32, #tpu.memory_space<hbm>>
    %dma_start3A_76 = tpu.memref_squeeze %dma_start3A_75 : memref<1x1x128xi32, #tpu.memory_space<hbm>> -> memref<128xi32, #tpu.memory_space<hbm>>
    %dma_start3A_77 = tpu.memref_slice %arg11[%dma_start3A_70] : memref<4x!tpu.dma_semaphore, #tpu.memory_space<semaphore_mem>> -> memref<1x!tpu.dma_semaphore, #tpu.memory_space<semaphore_mem>>
    %dma_start3A_78 = tpu.memref_squeeze %dma_start3A_77 : memref<1x!tpu.dma_semaphore, #tpu.memory_space<semaphore_mem>> -> memref<!tpu.dma_semaphore, #tpu.memory_space<semaphore_mem>>
    %dma_start3A_79 = arith.constant 0 : i32
    %dma_start3A_80 = tpu.memref_slice %arg8[%dma_start3A_69, %dma_start3A_79] : memref<4x128xi32, #tpu.memory_space<vmem>> -> memref<1x128xi32, #tpu.memory_space<vmem>>
    %dma_start3A_81 = tpu.memref_squeeze %dma_start3A_80 : memref<1x128xi32, #tpu.memory_space<vmem>> -> memref<128xi32, #tpu.memory_space<vmem>>
    %dma_start3A_82 = arith.constant 0 : i32
    %dma_start3A_83 = tpu.memref_slice %arg3[%add3A, %dma_start3A_68, %dma_start3A_82] : memref<32x80x128xi32, #tpu.memory_space<hbm>> -> memref<1x1x128xi32, #tpu.memory_space<hbm>>
    %dma_start3A_84 = tpu.memref_squeeze %dma_start3A_83 : memref<1x1x128xi32, #tpu.memory_space<hbm>> -> memref<128xi32, #tpu.memory_space<hbm>>
    tpu.enqueue_dma source(%dma_start3A_84 : memref<128xi32, #tpu.memory_space<hbm>>) target(%dma_start3A_81 : memref<128xi32, #tpu.memory_space<vmem>>) target_semaphore(%dma_start3A_78 : memref<!tpu.dma_semaphore, #tpu.memory_space<semaphore_mem>>)
    %dma_start3A_85 = arith.constant 2 : i32
    %dma_start3A_86 = arith.constant 2 : i32
    %dma_start3A_87 = arith.constant 2 : i32
    %dma_start3A_88 = arith.constant 0 : i32
    %dma_start3A_89 = tpu.memref_slice %arg9[%dma_start3A_86, %dma_start3A_88] : memref<4x128xi32, #tpu.memory_space<vmem>> -> memref<1x128xi32, #tpu.memory_space<vmem>>
    %dma_start3A_90 = tpu.memref_squeeze %dma_start3A_89 : memref<1x128xi32, #tpu.memory_space<vmem>> -> memref<128xi32, #tpu.memory_space<vmem>>
    %dma_start3A_91 = arith.constant 0 : i32
    %dma_start3A_92 = tpu.memref_slice %arg4[%add3A, %dma_start3A_85, %dma_start3A_91] : memref<32x80x128xi32, #tpu.memory_space<hbm>> -> memref<1x1x128xi32, #tpu.memory_space<hbm>>
    %dma_start3A_93 = tpu.memref_squeeze %dma_start3A_92 : memref<1x1x128xi32, #tpu.memory_space<hbm>> -> memref<128xi32, #tpu.memory_space<hbm>>
    %dma_start3A_94 = tpu.memref_slice %arg11[%dma_start3A_87] : memref<4x!tpu.dma_semaphore, #tpu.memory_space<semaphore_mem>> -> memref<1x!tpu.dma_semaphore, #tpu.memory_space<semaphore_mem>>
    %dma_start3A_95 = tpu.memref_squeeze %dma_start3A_94 : memref<1x!tpu.dma_semaphore, #tpu.memory_space<semaphore_mem>> -> memref<!tpu.dma_semaphore, #tpu.memory_space<semaphore_mem>>
    %dma_start3A_96 = arith.constant 0 : i32
    %dma_start3A_97 = tpu.memref_slice %arg9[%dma_start3A_86, %dma_start3A_96] : memref<4x128xi32, #tpu.memory_space<vmem>> -> memref<1x128xi32, #tpu.memory_space<vmem>>
    %dma_start3A_98 = tpu.memref_squeeze %dma_start3A_97 : memref<1x128xi32, #tpu.memory_space<vmem>> -> memref<128xi32, #tpu.memory_space<vmem>>
    %dma_start3A_99 = arith.constant 0 : i32
    %dma_start3A_100 = tpu.memref_slice %arg4[%add3A, %dma_start3A_85, %dma_start3A_99] : memref<32x80x128xi32, #tpu.memory_space<hbm>> -> memref<1x1x128xi32, #tpu.memory_space<hbm>>
    %dma_start3A_101 = tpu.memref_squeeze %dma_start3A_100 : memref<1x1x128xi32, #tpu.memory_space<hbm>> -> memref<128xi32, #tpu.memory_space<hbm>>
    tpu.enqueue_dma source(%dma_start3A_101 : memref<128xi32, #tpu.memory_space<hbm>>) target(%dma_start3A_98 : memref<128xi32, #tpu.memory_space<vmem>>) target_semaphore(%dma_start3A_95 : memref<!tpu.dma_semaphore, #tpu.memory_space<semaphore_mem>>)
    %dma_start3A_102 = arith.constant 3 : i32
    %dma_start3A_103 = arith.constant 3 : i32
    %dma_start3A_104 = arith.constant 3 : i32
    %dma_start3A_105 = arith.constant 0 : i32
    %dma_start3A_106 = tpu.memref_slice %arg8[%dma_start3A_103, %dma_start3A_105] : memref<4x128xi32, #tpu.memory_space<vmem>> -> memref<1x128xi32, #tpu.memory_space<vmem>>
    %dma_start3A_107 = tpu.memref_squeeze %dma_start3A_106 : memref<1x128xi32, #tpu.memory_space<vmem>> -> memref<128xi32, #tpu.memory_space<vmem>>
    %dma_start3A_108 = arith.constant 0 : i32
    %dma_start3A_109 = tpu.memref_slice %arg3[%add3A, %dma_start3A_102, %dma_start3A_108] : memref<32x80x128xi32, #tpu.memory_space<hbm>> -> memref<1x1x128xi32, #tpu.memory_space<hbm>>
    %dma_start3A_110 = tpu.memref_squeeze %dma_start3A_109 : memref<1x1x128xi32, #tpu.memory_space<hbm>> -> memref<128xi32, #tpu.memory_space<hbm>>
    %dma_start3A_111 = tpu.memref_slice %arg11[%dma_start3A_104] : memref<4x!tpu.dma_semaphore, #tpu.memory_space<semaphore_mem>> -> memref<1x!tpu.dma_semaphore, #tpu.memory_space<semaphore_mem>>
    %dma_start3A_112 = tpu.memref_squeeze %dma_start3A_111 : memref<1x!tpu.dma_semaphore, #tpu.memory_space<semaphore_mem>> -> memref<!tpu.dma_semaphore, #tpu.memory_space<semaphore_mem>>
    %dma_start3A_113 = arith.constant 0 : i32
    %dma_start3A_114 = tpu.memref_slice %arg8[%dma_start3A_103, %dma_start3A_113] : memref<4x128xi32, #tpu.memory_space<vmem>> -> memref<1x128xi32, #tpu.memory_space<vmem>>
    %dma_start3A_115 = tpu.memref_squeeze %dma_start3A_114 : memref<1x128xi32, #tpu.memory_space<vmem>> -> memref<128xi32, #tpu.memory_space<vmem>>
    %dma_start3A_116 = arith.constant 0 : i32
    %dma_start3A_117 = tpu.memref_slice %arg3[%add3A, %dma_start3A_102, %dma_start3A_116] : memref<32x80x128xi32, #tpu.memory_space<hbm>> -> memref<1x1x128xi32, #tpu.memory_space<hbm>>
    %dma_start3A_118 = tpu.memref_squeeze %dma_start3A_117 : memref<1x1x128xi32, #tpu.memory_space<hbm>> -> memref<128xi32, #tpu.memory_space<hbm>>
    tpu.enqueue_dma source(%dma_start3A_118 : memref<128xi32, #tpu.memory_space<hbm>>) target(%dma_start3A_115 : memref<128xi32, #tpu.memory_space<vmem>>) target_semaphore(%dma_start3A_112 : memref<!tpu.dma_semaphore, #tpu.memory_space<semaphore_mem>>)
    %dma_start3A_119 = arith.constant 3 : i32
    %dma_start3A_120 = arith.constant 3 : i32
    %dma_start3A_121 = arith.constant 3 : i32
    %dma_start3A_122 = arith.constant 0 : i32
    %dma_start3A_123 = tpu.memref_slice %arg9[%dma_start3A_120, %dma_start3A_122] : memref<4x128xi32, #tpu.memory_space<vmem>> -> memref<1x128xi32, #tpu.memory_space<vmem>>
    %dma_start3A_124 = tpu.memref_squeeze %dma_start3A_123 : memref<1x128xi32, #tpu.memory_space<vmem>> -> memref<128xi32, #tpu.memory_space<vmem>>
    %dma_start3A_125 = arith.constant 0 : i32
    %dma_start3A_126 = tpu.memref_slice %arg4[%add3A, %dma_start3A_119, %dma_start3A_125] : memref<32x80x128xi32, #tpu.memory_space<hbm>> -> memref<1x1x128xi32, #tpu.memory_space<hbm>>
    %dma_start3A_127 = tpu.memref_squeeze %dma_start3A_126 : memref<1x1x128xi32, #tpu.memory_space<hbm>> -> memref<128xi32, #tpu.memory_space<hbm>>
    %dma_start3A_128 = tpu.memref_slice %arg11[%dma_start3A_121] : memref<4x!tpu.dma_semaphore, #tpu.memory_space<semaphore_mem>> -> memref<1x!tpu.dma_semaphore, #tpu.memory_space<semaphore_mem>>
    %dma_start3A_129 = tpu.memref_squeeze %dma_start3A_128 : memref<1x!tpu.dma_semaphore, #tpu.memory_space<semaphore_mem>> -> memref<!tpu.dma_semaphore, #tpu.memory_space<semaphore_mem>>
    %dma_start3A_130 = arith.constant 0 : i32
    %dma_start3A_131 = tpu.memref_slice %arg9[%dma_start3A_120, %dma_start3A_130] : memref<4x128xi32, #tpu.memory_space<vmem>> -> memref<1x128xi32, #tpu.memory_space<vmem>>
    %dma_start3A_132 = tpu.memref_squeeze %dma_start3A_131 : memref<1x128xi32, #tpu.memory_space<vmem>> -> memref<128xi32, #tpu.memory_space<vmem>>
    %dma_start3A_133 = arith.constant 0 : i32
    %dma_start3A_134 = tpu.memref_slice %arg4[%add3A, %dma_start3A_119, %dma_start3A_133] : memref<32x80x128xi32, #tpu.memory_space<hbm>> -> memref<1x1x128xi32, #tpu.memory_space<hbm>>
    %dma_start3A_135 = tpu.memref_squeeze %dma_start3A_134 : memref<1x1x128xi32, #tpu.memory_space<hbm>> -> memref<128xi32, #tpu.memory_space<hbm>>
    tpu.enqueue_dma source(%dma_start3A_135 : memref<128xi32, #tpu.memory_space<hbm>>) target(%dma_start3A_132 : memref<128xi32, #tpu.memory_space<vmem>>) target_semaphore(%dma_start3A_129 : memref<!tpu.dma_semaphore, #tpu.memory_space<semaphore_mem>>)
    %mul3A_136 = arith.constant 640 : i32
    %mul3A_137 = arith.muli %arg1, %mul3A_136 : i32
    "tpu.region"() ({
      %run_scoped3A = tpu.sem_alloc : memref<!tpu.dma_semaphore, #tpu.memory_space<semaphore_mem>>
      %dma_start3A_523 = arith.constant 0 : i32
      %dma_start3A_524 = tpu.memref_slice %arg7[%mul3A_137, %dma_start3A_523] : memref<10240x128xf32, #tpu.memory_space<vmem_shared>> -> memref<640x128xf32, #tpu.memory_space<vmem_shared>>
      tpu.enqueue_dma source(%arg5 : memref<640x128xf32, #tpu.memory_space<hbm>>) target(%dma_start3A_524 : memref<640x128xf32, #tpu.memory_space<vmem_shared>>) target_semaphore(%run_scoped3A : memref<!tpu.dma_semaphore, #tpu.memory_space<semaphore_mem>>)
      %dma_wait3A_525 = arith.constant 0 : i32
      %dma_wait3A_526 = tpu.memref_slice %arg7[%mul3A_137, %dma_wait3A_525] : memref<10240x128xf32, #tpu.memory_space<vmem_shared>> -> memref<640x128xf32, #tpu.memory_space<vmem_shared>>
      tpu.wait_dma2 semaphore(%run_scoped3A : memref<!tpu.dma_semaphore, #tpu.memory_space<semaphore_mem>>) src(%arg5 : memref<640x128xf32, #tpu.memory_space<hbm>>) dst(%dma_wait3A_526 : memref<640x128xf32, #tpu.memory_space<vmem_shared>>)
      tpu.yield
    }) : () -> ()
    %dma_wait3A = arith.constant 0 : i32
    %dma_wait3A_138 = arith.constant 0 : i32
    %dma_wait3A_139 = arith.constant 0 : i32
    %dma_wait3A_140 = arith.constant 0 : i32
    %dma_wait3A_141 = tpu.memref_slice %arg8[%dma_wait3A_138, %dma_wait3A_140] : memref<4x128xi32, #tpu.memory_space<vmem>> -> memref<1x128xi32, #tpu.memory_space<vmem>>
    %dma_wait3A_142 = tpu.memref_squeeze %dma_wait3A_141 : memref<1x128xi32, #tpu.memory_space<vmem>> -> memref<128xi32, #tpu.memory_space<vmem>>
    %dma_wait3A_143 = arith.constant 0 : i32
    %dma_wait3A_144 = tpu.memref_slice %arg3[%add3A, %dma_wait3A, %dma_wait3A_143] : memref<32x80x128xi32, #tpu.memory_space<hbm>> -> memref<1x1x128xi32, #tpu.memory_space<hbm>>
    %dma_wait3A_145 = tpu.memref_squeeze %dma_wait3A_144 : memref<1x1x128xi32, #tpu.memory_space<hbm>> -> memref<128xi32, #tpu.memory_space<hbm>>
    %dma_wait3A_146 = tpu.memref_slice %arg11[%dma_wait3A_139] : memref<4x!tpu.dma_semaphore, #tpu.memory_space<semaphore_mem>> -> memref<1x!tpu.dma_semaphore, #tpu.memory_space<semaphore_mem>>
    %dma_wait3A_147 = tpu.memref_squeeze %dma_wait3A_146 : memref<1x!tpu.dma_semaphore, #tpu.memory_space<semaphore_mem>> -> memref<!tpu.dma_semaphore, #tpu.memory_space<semaphore_mem>>
    %dma_wait3A_148 = arith.constant 0 : i32
    %dma_wait3A_149 = tpu.memref_slice %arg8[%dma_wait3A_138, %dma_wait3A_148] : memref<4x128xi32, #tpu.memory_space<vmem>> -> memref<1x128xi32, #tpu.memory_space<vmem>>
    %dma_wait3A_150 = tpu.memref_squeeze %dma_wait3A_149 : memref<1x128xi32, #tpu.memory_space<vmem>> -> memref<128xi32, #tpu.memory_space<vmem>>
    %dma_wait3A_151 = arith.constant 0 : i32
    %dma_wait3A_152 = tpu.memref_slice %arg3[%add3A, %dma_wait3A, %dma_wait3A_151] : memref<32x80x128xi32, #tpu.memory_space<hbm>> -> memref<1x1x128xi32, #tpu.memory_space<hbm>>
    %dma_wait3A_153 = tpu.memref_squeeze %dma_wait3A_152 : memref<1x1x128xi32, #tpu.memory_space<hbm>> -> memref<128xi32, #tpu.memory_space<hbm>>
    tpu.wait_dma2 semaphore(%dma_wait3A_147 : memref<!tpu.dma_semaphore, #tpu.memory_space<semaphore_mem>>) src(%dma_wait3A_153 : memref<128xi32, #tpu.memory_space<hbm>>) dst(%dma_wait3A_150 : memref<128xi32, #tpu.memory_space<vmem>>)
    %dma_wait3A_154 = arith.constant 0 : i32
    %dma_wait3A_155 = arith.constant 0 : i32
    %dma_wait3A_156 = arith.constant 0 : i32
    %dma_wait3A_157 = arith.constant 0 : i32
    %dma_wait3A_158 = tpu.memref_slice %arg9[%dma_wait3A_155, %dma_wait3A_157] : memref<4x128xi32, #tpu.memory_space<vmem>> -> memref<1x128xi32, #tpu.memory_space<vmem>>
    %dma_wait3A_159 = tpu.memref_squeeze %dma_wait3A_158 : memref<1x128xi32, #tpu.memory_space<vmem>> -> memref<128xi32, #tpu.memory_space<vmem>>
    %dma_wait3A_160 = arith.constant 0 : i32
    %dma_wait3A_161 = tpu.memref_slice %arg4[%add3A, %dma_wait3A_154, %dma_wait3A_160] : memref<32x80x128xi32, #tpu.memory_space<hbm>> -> memref<1x1x128xi32, #tpu.memory_space<hbm>>
    %dma_wait3A_162 = tpu.memref_squeeze %dma_wait3A_161 : memref<1x1x128xi32, #tpu.memory_space<hbm>> -> memref<128xi32, #tpu.memory_space<hbm>>
    %dma_wait3A_163 = tpu.memref_slice %arg11[%dma_wait3A_156] : memref<4x!tpu.dma_semaphore, #tpu.memory_space<semaphore_mem>> -> memref<1x!tpu.dma_semaphore, #tpu.memory_space<semaphore_mem>>
    %dma_wait3A_164 = tpu.memref_squeeze %dma_wait3A_163 : memref<1x!tpu.dma_semaphore, #tpu.memory_space<semaphore_mem>> -> memref<!tpu.dma_semaphore, #tpu.memory_space<semaphore_mem>>
    %dma_wait3A_165 = arith.constant 0 : i32
    %dma_wait3A_166 = tpu.memref_slice %arg9[%dma_wait3A_155, %dma_wait3A_165] : memref<4x128xi32, #tpu.memory_space<vmem>> -> memref<1x128xi32, #tpu.memory_space<vmem>>
    %dma_wait3A_167 = tpu.memref_squeeze %dma_wait3A_166 : memref<1x128xi32, #tpu.memory_space<vmem>> -> memref<128xi32, #tpu.memory_space<vmem>>
    %dma_wait3A_168 = arith.constant 0 : i32
    %dma_wait3A_169 = tpu.memref_slice %arg4[%add3A, %dma_wait3A_154, %dma_wait3A_168] : memref<32x80x128xi32, #tpu.memory_space<hbm>> -> memref<1x1x128xi32, #tpu.memory_space<hbm>>
    %dma_wait3A_170 = tpu.memref_squeeze %dma_wait3A_169 : memref<1x1x128xi32, #tpu.memory_space<hbm>> -> memref<128xi32, #tpu.memory_space<hbm>>
    tpu.wait_dma2 semaphore(%dma_wait3A_164 : memref<!tpu.dma_semaphore, #tpu.memory_space<semaphore_mem>>) src(%dma_wait3A_170 : memref<128xi32, #tpu.memory_space<hbm>>) dst(%dma_wait3A_167 : memref<128xi32, #tpu.memory_space<vmem>>)
    %dma_start3A_171 = arith.constant 0 : i32
    %dma_start3A_172 = arith.constant 0 : i32
    %dma_start3A_173 = arith.constant 0 : i32
    %dma_start3A_174 = arith.constant 0 : i32
    %dma_start3A_175 = arith.constant 0 : i32
    %dma_start3A_176 = tpu.memref_slice %arg10[%dma_start3A_172, %dma_start3A_174, %dma_start3A_175] : memref<2x128x128xf32, #tpu.memory_space<vmem>> -> memref<1x128x128xf32, #tpu.memory_space<vmem>>
    %dma_start3A_177 = tpu.memref_squeeze %dma_start3A_176 : memref<1x128x128xf32, #tpu.memory_space<vmem>> -> memref<128x128xf32, #tpu.memory_space<vmem>>
    %dma_start3A_178 = arith.constant 0 : i32
    %dma_start3A_179 = tpu.memref_slice %arg8[%dma_start3A_171, %dma_start3A_178] : memref<4x128xi32, #tpu.memory_space<vmem>> -> memref<1x128xi32, #tpu.memory_space<vmem>>
    %dma_start3A_180 = tpu.memref_squeeze %dma_start3A_179 : memref<1x128xi32, #tpu.memory_space<vmem>> -> memref<128xi32, #tpu.memory_space<vmem>>
    %dma_start3A_181 = arith.constant 0 : i32
    %dma_start3A_182 = arith.constant 0 : i32
    %dma_start3A_183 = tpu.memref_slice %arg2[%dma_start3A_181, %dma_start3A_182] : memref<10000x128xf32, #tpu.memory_space<hbm>> -> memref<10000x128xf32, #tpu.memory_space<hbm>>
    %dma_start3A_184 = tpu.memref_slice %arg12[%dma_start3A_173] : memref<2x!tpu.dma_semaphore, #tpu.memory_space<semaphore_mem>> -> memref<1x!tpu.dma_semaphore, #tpu.memory_space<semaphore_mem>>
    %dma_start3A_185 = tpu.memref_squeeze %dma_start3A_184 : memref<1x!tpu.dma_semaphore, #tpu.memory_space<semaphore_mem>> -> memref<!tpu.dma_semaphore, #tpu.memory_space<semaphore_mem>>
    tpu.enqueue_indirect_dma source(%dma_start3A_183 : memref<10000x128xf32, #tpu.memory_space<hbm>>) target(%dma_start3A_177 : memref<128x128xf32, #tpu.memory_space<vmem>>) offsets(%dma_start3A_180 : memref<128xi32, #tpu.memory_space<vmem>>) semaphore(%dma_start3A_185 : memref<!tpu.dma_semaphore, #tpu.memory_space<semaphore_mem>>)
    %dma_wait3A_186 = arith.constant 1 : i32
    %dma_wait3A_187 = arith.constant 1 : i32
    %dma_wait3A_188 = arith.constant 1 : i32
    %dma_wait3A_189 = arith.constant 0 : i32
    %dma_wait3A_190 = tpu.memref_slice %arg8[%dma_wait3A_187, %dma_wait3A_189] : memref<4x128xi32, #tpu.memory_space<vmem>> -> memref<1x128xi32, #tpu.memory_space<vmem>>
    %dma_wait3A_191 = tpu.memref_squeeze %dma_wait3A_190 : memref<1x128xi32, #tpu.memory_space<vmem>> -> memref<128xi32, #tpu.memory_space<vmem>>
    %dma_wait3A_192 = arith.constant 0 : i32
    %dma_wait3A_193 = tpu.memref_slice %arg3[%add3A, %dma_wait3A_186, %dma_wait3A_192] : memref<32x80x128xi32, #tpu.memory_space<hbm>> -> memref<1x1x128xi32, #tpu.memory_space<hbm>>
    %dma_wait3A_194 = tpu.memref_squeeze %dma_wait3A_193 : memref<1x1x128xi32, #tpu.memory_space<hbm>> -> memref<128xi32, #tpu.memory_space<hbm>>
    %dma_wait3A_195 = tpu.memref_slice %arg11[%dma_wait3A_188] : memref<4x!tpu.dma_semaphore, #tpu.memory_space<semaphore_mem>> -> memref<1x!tpu.dma_semaphore, #tpu.memory_space<semaphore_mem>>
    %dma_wait3A_196 = tpu.memref_squeeze %dma_wait3A_195 : memref<1x!tpu.dma_semaphore, #tpu.memory_space<semaphore_mem>> -> memref<!tpu.dma_semaphore, #tpu.memory_space<semaphore_mem>>
    %dma_wait3A_197 = arith.constant 0 : i32
    %dma_wait3A_198 = tpu.memref_slice %arg8[%dma_wait3A_187, %dma_wait3A_197] : memref<4x128xi32, #tpu.memory_space<vmem>> -> memref<1x128xi32, #tpu.memory_space<vmem>>
    %dma_wait3A_199 = tpu.memref_squeeze %dma_wait3A_198 : memref<1x128xi32, #tpu.memory_space<vmem>> -> memref<128xi32, #tpu.memory_space<vmem>>
    %dma_wait3A_200 = arith.constant 0 : i32
    %dma_wait3A_201 = tpu.memref_slice %arg3[%add3A, %dma_wait3A_186, %dma_wait3A_200] : memref<32x80x128xi32, #tpu.memory_space<hbm>> -> memref<1x1x128xi32, #tpu.memory_space<hbm>>
    %dma_wait3A_202 = tpu.memref_squeeze %dma_wait3A_201 : memref<1x1x128xi32, #tpu.memory_space<hbm>> -> memref<128xi32, #tpu.memory_space<hbm>>
    tpu.wait_dma2 semaphore(%dma_wait3A_196 : memref<!tpu.dma_semaphore, #tpu.memory_space<semaphore_mem>>) src(%dma_wait3A_202 : memref<128xi32, #tpu.memory_space<hbm>>) dst(%dma_wait3A_199 : memref<128xi32, #tpu.memory_space<vmem>>)
    %dma_wait3A_203 = arith.constant 1 : i32
    %dma_wait3A_204 = arith.constant 1 : i32
    %dma_wait3A_205 = arith.constant 1 : i32
    %dma_wait3A_206 = arith.constant 0 : i32
    %dma_wait3A_207 = tpu.memref_slice %arg9[%dma_wait3A_204, %dma_wait3A_206] : memref<4x128xi32, #tpu.memory_space<vmem>> -> memref<1x128xi32, #tpu.memory_space<vmem>>
    %dma_wait3A_208 = tpu.memref_squeeze %dma_wait3A_207 : memref<1x128xi32, #tpu.memory_space<vmem>> -> memref<128xi32, #tpu.memory_space<vmem>>
    %dma_wait3A_209 = arith.constant 0 : i32
    %dma_wait3A_210 = tpu.memref_slice %arg4[%add3A, %dma_wait3A_203, %dma_wait3A_209] : memref<32x80x128xi32, #tpu.memory_space<hbm>> -> memref<1x1x128xi32, #tpu.memory_space<hbm>>
    %dma_wait3A_211 = tpu.memref_squeeze %dma_wait3A_210 : memref<1x1x128xi32, #tpu.memory_space<hbm>> -> memref<128xi32, #tpu.memory_space<hbm>>
    %dma_wait3A_212 = tpu.memref_slice %arg11[%dma_wait3A_205] : memref<4x!tpu.dma_semaphore, #tpu.memory_space<semaphore_mem>> -> memref<1x!tpu.dma_semaphore, #tpu.memory_space<semaphore_mem>>
    %dma_wait3A_213 = tpu.memref_squeeze %dma_wait3A_212 : memref<1x!tpu.dma_semaphore, #tpu.memory_space<semaphore_mem>> -> memref<!tpu.dma_semaphore, #tpu.memory_space<semaphore_mem>>
    %dma_wait3A_214 = arith.constant 0 : i32
    %dma_wait3A_215 = tpu.memref_slice %arg9[%dma_wait3A_204, %dma_wait3A_214] : memref<4x128xi32, #tpu.memory_space<vmem>> -> memref<1x128xi32, #tpu.memory_space<vmem>>
    %dma_wait3A_216 = tpu.memref_squeeze %dma_wait3A_215 : memref<1x128xi32, #tpu.memory_space<vmem>> -> memref<128xi32, #tpu.memory_space<vmem>>
    %dma_wait3A_217 = arith.constant 0 : i32
    %dma_wait3A_218 = tpu.memref_slice %arg4[%add3A, %dma_wait3A_203, %dma_wait3A_217] : memref<32x80x128xi32, #tpu.memory_space<hbm>> -> memref<1x1x128xi32, #tpu.memory_space<hbm>>
    %dma_wait3A_219 = tpu.memref_squeeze %dma_wait3A_218 : memref<1x1x128xi32, #tpu.memory_space<hbm>> -> memref<128xi32, #tpu.memory_space<hbm>>
    tpu.wait_dma2 semaphore(%dma_wait3A_213 : memref<!tpu.dma_semaphore, #tpu.memory_space<semaphore_mem>>) src(%dma_wait3A_219 : memref<128xi32, #tpu.memory_space<hbm>>) dst(%dma_wait3A_216 : memref<128xi32, #tpu.memory_space<vmem>>)
    %dma_start3A_220 = arith.constant 1 : i32
    %dma_start3A_221 = arith.constant 1 : i32
    %dma_start3A_222 = arith.constant 1 : i32
    %dma_start3A_223 = arith.constant 0 : i32
    %dma_start3A_224 = arith.constant 0 : i32
    %dma_start3A_225 = tpu.memref_slice %arg10[%dma_start3A_221, %dma_start3A_223, %dma_start3A_224] : memref<2x128x128xf32, #tpu.memory_space<vmem>> -> memref<1x128x128xf32, #tpu.memory_space<vmem>>
    %dma_start3A_226 = tpu.memref_squeeze %dma_start3A_225 : memref<1x128x128xf32, #tpu.memory_space<vmem>> -> memref<128x128xf32, #tpu.memory_space<vmem>>
    %dma_start3A_227 = arith.constant 0 : i32
    %dma_start3A_228 = tpu.memref_slice %arg8[%dma_start3A_220, %dma_start3A_227] : memref<4x128xi32, #tpu.memory_space<vmem>> -> memref<1x128xi32, #tpu.memory_space<vmem>>
    %dma_start3A_229 = tpu.memref_squeeze %dma_start3A_228 : memref<1x128xi32, #tpu.memory_space<vmem>> -> memref<128xi32, #tpu.memory_space<vmem>>
    %dma_start3A_230 = arith.constant 0 : i32
    %dma_start3A_231 = arith.constant 0 : i32
    %dma_start3A_232 = tpu.memref_slice %arg2[%dma_start3A_230, %dma_start3A_231] : memref<10000x128xf32, #tpu.memory_space<hbm>> -> memref<10000x128xf32, #tpu.memory_space<hbm>>
    %dma_start3A_233 = tpu.memref_slice %arg12[%dma_start3A_222] : memref<2x!tpu.dma_semaphore, #tpu.memory_space<semaphore_mem>> -> memref<1x!tpu.dma_semaphore, #tpu.memory_space<semaphore_mem>>
    %dma_start3A_234 = tpu.memref_squeeze %dma_start3A_233 : memref<1x!tpu.dma_semaphore, #tpu.memory_space<semaphore_mem>> -> memref<!tpu.dma_semaphore, #tpu.memory_space<semaphore_mem>>
    tpu.enqueue_indirect_dma source(%dma_start3A_232 : memref<10000x128xf32, #tpu.memory_space<hbm>>) target(%dma_start3A_226 : memref<128x128xf32, #tpu.memory_space<vmem>>) offsets(%dma_start3A_229 : memref<128xi32, #tpu.memory_space<vmem>>) semaphore(%dma_start3A_234 : memref<!tpu.dma_semaphore, #tpu.memory_space<semaphore_mem>>)
    %barrier3A = arith.constant 0 : index
    tpu.barrier barrier_id(%barrier3A)
    %dma_wait3A_235 = arith.constant 0 : i32
    %dma_wait3A_236 = arith.constant 0 : i32
    %dma_wait3A_237 = arith.constant 0 : i32
    %dma_wait3A_238 = arith.constant 0 : i32
    %dma_wait3A_239 = arith.constant 0 : i32
    %dma_wait3A_240 = tpu.memref_slice %arg10[%dma_wait3A_236, %dma_wait3A_238, %dma_wait3A_239] : memref<2x128x128xf32, #tpu.memory_space<vmem>> -> memref<1x128x128xf32, #tpu.memory_space<vmem>>
    %dma_wait3A_241 = tpu.memref_squeeze %dma_wait3A_240 : memref<1x128x128xf32, #tpu.memory_space<vmem>> -> memref<128x128xf32, #tpu.memory_space<vmem>>
    %dma_wait3A_242 = arith.constant 0 : i32
    %dma_wait3A_243 = tpu.memref_slice %arg8[%dma_wait3A_235, %dma_wait3A_242] : memref<4x128xi32, #tpu.memory_space<vmem>> -> memref<1x128xi32, #tpu.memory_space<vmem>>
    %dma_wait3A_244 = tpu.memref_squeeze %dma_wait3A_243 : memref<1x128xi32, #tpu.memory_space<vmem>> -> memref<128xi32, #tpu.memory_space<vmem>>
    %dma_wait3A_245 = arith.constant 0 : i32
    %dma_wait3A_246 = arith.constant 0 : i32
    %dma_wait3A_247 = tpu.memref_slice %arg2[%dma_wait3A_245, %dma_wait3A_246] : memref<10000x128xf32, #tpu.memory_space<hbm>> -> memref<10000x128xf32, #tpu.memory_space<hbm>>
    %dma_wait3A_248 = tpu.memref_slice %arg12[%dma_wait3A_237] : memref<2x!tpu.dma_semaphore, #tpu.memory_space<semaphore_mem>> -> memref<1x!tpu.dma_semaphore, #tpu.memory_space<semaphore_mem>>
    %dma_wait3A_249 = tpu.memref_squeeze %dma_wait3A_248 : memref<1x!tpu.dma_semaphore, #tpu.memory_space<semaphore_mem>> -> memref<!tpu.dma_semaphore, #tpu.memory_space<semaphore_mem>>
    tpu.wait_indirect_dma semaphore(%dma_wait3A_249 : memref<!tpu.dma_semaphore, #tpu.memory_space<semaphore_mem>>) src(%dma_wait3A_247 : memref<10000x128xf32, #tpu.memory_space<hbm>>) dst(%dma_wait3A_241 : memref<128x128xf32, #tpu.memory_space<vmem>>)
    %dma_start3A_250 = arith.constant 0 : i32
    %dma_start3A_251 = arith.constant 0 : i32
    %dma_start3A_252 = arith.constant 0 : i32
    %dma_start3A_253 = arith.constant 0 : i32
    %dma_start3A_254 = arith.constant 0 : i32
    %dma_start3A_255 = tpu.memref_slice %arg10[%dma_start3A_250, %dma_start3A_253, %dma_start3A_254] : memref<2x128x128xf32, #tpu.memory_space<vmem>> -> memref<1x128x128xf32, #tpu.memory_space<vmem>>
    %dma_start3A_256 = tpu.memref_squeeze %dma_start3A_255 : memref<1x128x128xf32, #tpu.memory_space<vmem>> -> memref<128x128xf32, #tpu.memory_space<vmem>>
    %dma_start3A_257 = arith.constant 0 : i32
    %dma_start3A_258 = tpu.memref_slice %arg9[%dma_start3A_251, %dma_start3A_257] : memref<4x128xi32, #tpu.memory_space<vmem>> -> memref<1x128xi32, #tpu.memory_space<vmem>>
    %dma_start3A_259 = tpu.memref_squeeze %dma_start3A_258 : memref<1x128xi32, #tpu.memory_space<vmem>> -> memref<128xi32, #tpu.memory_space<vmem>>
    %dma_start3A_260 = arith.constant 0 : i32
    %dma_start3A_261 = arith.constant 0 : i32
    %dma_start3A_262 = tpu.memref_slice %arg7[%dma_start3A_260, %dma_start3A_261] : memref<10240x128xf32, #tpu.memory_space<vmem_shared>> -> memref<10240x128xf32, #tpu.memory_space<vmem_shared>>
    %dma_start3A_263 = tpu.memref_slice %arg13[%dma_start3A_252] : memref<4x!tpu.dma_semaphore, #tpu.memory_space<semaphore_mem>> -> memref<1x!tpu.dma_semaphore, #tpu.memory_space<semaphore_mem>>
    %dma_start3A_264 = tpu.memref_squeeze %dma_start3A_263 : memref<1x!tpu.dma_semaphore, #tpu.memory_space<semaphore_mem>> -> memref<!tpu.dma_semaphore, #tpu.memory_space<semaphore_mem>>
    tpu.enqueue_indirect_dma source(%dma_start3A_256 : memref<128x128xf32, #tpu.memory_space<vmem>>) target(%dma_start3A_262 : memref<10240x128xf32, #tpu.memory_space<vmem_shared>>) offsets(%dma_start3A_259 : memref<128xi32, #tpu.memory_space<vmem>>) semaphore(%dma_start3A_264 : memref<!tpu.dma_semaphore, #tpu.memory_space<semaphore_mem>>) {add = true}
    %scan3A = arith.constant 0 : i32
    %scan3A_265 = arith.constant 0 : i32
    %scan3A_266 = arith.constant 19 : i32
    %scan3A_267 = arith.addi %scan3A_265, %scan3A_266 : i32
    %scan3A_268 = arith.constant 1 : i32
    scf.for %scan3A_523 = %scan3A_265 to %scan3A_267 step %scan3A_268  : i32 {
      %mul3A_524 = arith.constant 4 : i32
      %mul3A_525 = arith.muli %scan3A_523, %mul3A_524 : i32
      %add3A_526 = arith.constant 2 : i32
      %add3A_527 = arith.addi %add3A_526, %mul3A_525 : i32
      %add3A_528 = arith.constant 0 : i32
      %add3A_529 = arith.addi %add3A_527, %add3A_528 : i32
      %jit3A = arith.constant 2 : i32
      %eq3A = arith.constant 0 : i32
      %eq3A_530 = arith.cmpi eq, %jit3A, %eq3A : i32
      %jit3A_531 = arith.constant 1 : i32
      %select_n3A = arith.select %eq3A_530, %jit3A_531, %jit3A : i32
      %rem3A = arith.remsi %add3A_529, %select_n3A : i32
      %ne3A = arith.constant 0 : i32
      %ne3A_532 = arith.cmpi ne, %rem3A, %ne3A : i32
      %lt3A = arith.constant 0 : i32
      %lt3A_533 = arith.cmpi slt, %rem3A, %lt3A : i32
      %lt3A_534 = arith.constant 0 : i32
      %lt3A_535 = arith.cmpi slt, %select_n3A, %lt3A_534 : i32
      %ne3A_536 = arith.xori %lt3A_533, %lt3A_535 : i1
      %and3A = arith.andi %ne3A_536, %ne3A_532 : i1
      %add3A_537 = arith.addi %rem3A, %select_n3A : i32
      %select_n3A_538 = arith.select %and3A, %add3A_537, %rem3A : i32
      %jit3A_539 = arith.constant 4 : i32
      %eq3A_540 = arith.constant 0 : i32
      %eq3A_541 = arith.cmpi eq, %jit3A_539, %eq3A_540 : i32
      %jit3A_542 = arith.constant 1 : i32
      %select_n3A_543 = arith.select %eq3A_541, %jit3A_542, %jit3A_539 : i32
      %rem3A_544 = arith.remsi %add3A_529, %select_n3A_543 : i32
      %ne3A_545 = arith.constant 0 : i32
      %ne3A_546 = arith.cmpi ne, %rem3A_544, %ne3A_545 : i32
      %lt3A_547 = arith.constant 0 : i32
      %lt3A_548 = arith.cmpi slt, %rem3A_544, %lt3A_547 : i32
      %lt3A_549 = arith.constant 0 : i32
      %lt3A_550 = arith.cmpi slt, %select_n3A_543, %lt3A_549 : i32
      %ne3A_551 = arith.xori %lt3A_548, %lt3A_550 : i1
      %and3A_552 = arith.andi %ne3A_551, %ne3A_546 : i1
      %add3A_553 = arith.addi %rem3A_544, %select_n3A_543 : i32
      %select_n3A_554 = arith.select %and3A_552, %add3A_553, %rem3A_544 : i32
      %add3A_555 = arith.constant 2 : i32
      %add3A_556 = arith.addi %select_n3A_554, %add3A_555 : i32
      %jit3A_557 = arith.constant 4 : i32
      %eq3A_558 = arith.constant 0 : i32
      %eq3A_559 = arith.cmpi eq, %jit3A_557, %eq3A_558 : i32
      %jit3A_560 = arith.constant 1 : i32
      %select_n3A_561 = arith.select %eq3A_559, %jit3A_560, %jit3A_557 : i32
      %rem3A_562 = arith.remsi %add3A_556, %select_n3A_561 : i32
      %ne3A_563 = arith.constant 0 : i32
      %ne3A_564 = arith.cmpi ne, %rem3A_562, %ne3A_563 : i32
      %lt3A_565 = arith.constant 0 : i32
      %lt3A_566 = arith.cmpi slt, %rem3A_562, %lt3A_565 : i32
      %lt3A_567 = arith.constant 0 : i32
      %lt3A_568 = arith.cmpi slt, %select_n3A_561, %lt3A_567 : i32
      %ne3A_569 = arith.xori %lt3A_566, %lt3A_568 : i1
      %and3A_570 = arith.andi %ne3A_569, %ne3A_564 : i1
      %add3A_571 = arith.addi %rem3A_562, %select_n3A_561 : i32
      %select_n3A_572 = arith.select %and3A_570, %add3A_571, %rem3A_562 : i32
      %dma_wait3A_573 = arith.constant 0 : i32
      %dma_wait3A_574 = arith.constant 0 : i32
      %dma_wait3A_575 = tpu.memref_slice %arg10[%select_n3A_538, %dma_wait3A_573, %dma_wait3A_574] : memref<2x128x128xf32, #tpu.memory_space<vmem>> -> memref<1x128x128xf32, #tpu.memory_space<vmem>>
      %dma_wait3A_576 = tpu.memref_squeeze %dma_wait3A_575 : memref<1x128x128xf32, #tpu.memory_space<vmem>> -> memref<128x128xf32, #tpu.memory_space<vmem>>
      %dma_wait3A_577 = arith.constant 0 : i32
      %dma_wait3A_578 = tpu.memref_slice %arg9[%select_n3A_572, %dma_wait3A_577] : memref<4x128xi32, #tpu.memory_space<vmem>> -> memref<1x128xi32, #tpu.memory_space<vmem>>
      %dma_wait3A_579 = tpu.memref_squeeze %dma_wait3A_578 : memref<1x128xi32, #tpu.memory_space<vmem>> -> memref<128xi32, #tpu.memory_space<vmem>>
      %dma_wait3A_580 = arith.constant 0 : i32
      %dma_wait3A_581 = arith.constant 0 : i32
      %dma_wait3A_582 = tpu.memref_slice %arg7[%dma_wait3A_580, %dma_wait3A_581] : memref<10240x128xf32, #tpu.memory_space<vmem_shared>> -> memref<10240x128xf32, #tpu.memory_space<vmem_shared>>
      %dma_wait3A_583 = tpu.memref_slice %arg13[%select_n3A_572] : memref<4x!tpu.dma_semaphore, #tpu.memory_space<semaphore_mem>> -> memref<1x!tpu.dma_semaphore, #tpu.memory_space<semaphore_mem>>
      %dma_wait3A_584 = tpu.memref_squeeze %dma_wait3A_583 : memref<1x!tpu.dma_semaphore, #tpu.memory_space<semaphore_mem>> -> memref<!tpu.dma_semaphore, #tpu.memory_space<semaphore_mem>>
      tpu.wait_indirect_dma semaphore(%dma_wait3A_584 : memref<!tpu.dma_semaphore, #tpu.memory_space<semaphore_mem>>) src(%dma_wait3A_576 : memref<128x128xf32, #tpu.memory_space<vmem>>) dst(%dma_wait3A_582 : memref<10240x128xf32, #tpu.memory_space<vmem_shared>>)
      %add3A_585 = arith.constant 2 : i32
      %add3A_586 = arith.addi %add3A_529, %add3A_585 : i32
      %add3A_587 = arith.constant 2 : i32
      %add3A_588 = arith.addi %select_n3A_554, %add3A_587 : i32
      %jit3A_589 = arith.constant 4 : i32
      %eq3A_590 = arith.constant 0 : i32
      %eq3A_591 = arith.cmpi eq, %jit3A_589, %eq3A_590 : i32
      %jit3A_592 = arith.constant 1 : i32
      %select_n3A_593 = arith.select %eq3A_591, %jit3A_592, %jit3A_589 : i32
      %rem3A_594 = arith.remsi %add3A_588, %select_n3A_593 : i32
      %ne3A_595 = arith.constant 0 : i32
      %ne3A_596 = arith.cmpi ne, %rem3A_594, %ne3A_595 : i32
      %lt3A_597 = arith.constant 0 : i32
      %lt3A_598 = arith.cmpi slt, %rem3A_594, %lt3A_597 : i32
      %lt3A_599 = arith.constant 0 : i32
      %lt3A_600 = arith.cmpi slt, %select_n3A_593, %lt3A_599 : i32
      %ne3A_601 = arith.xori %lt3A_598, %lt3A_600 : i1
      %and3A_602 = arith.andi %ne3A_601, %ne3A_596 : i1
      %add3A_603 = arith.addi %rem3A_594, %select_n3A_593 : i32
      %select_n3A_604 = arith.select %and3A_602, %add3A_603, %rem3A_594 : i32
      %dma_start3A_605 = arith.constant 0 : i32
      %dma_start3A_606 = tpu.memref_slice %arg8[%select_n3A_604, %dma_start3A_605] : memref<4x128xi32, #tpu.memory_space<vmem>> -> memref<1x128xi32, #tpu.memory_space<vmem>>
      %dma_start3A_607 = tpu.memref_squeeze %dma_start3A_606 : memref<1x128xi32, #tpu.memory_space<vmem>> -> memref<128xi32, #tpu.memory_space<vmem>>
      %dma_start3A_608 = arith.constant 0 : i32
      %dma_start3A_609 = tpu.memref_slice %arg3[%add3A, %add3A_586, %dma_start3A_608] : memref<32x80x128xi32, #tpu.memory_space<hbm>> -> memref<1x1x128xi32, #tpu.memory_space<hbm>>
      %dma_start3A_610 = tpu.memref_squeeze %dma_start3A_609 : memref<1x1x128xi32, #tpu.memory_space<hbm>> -> memref<128xi32, #tpu.memory_space<hbm>>
      %dma_start3A_611 = tpu.memref_slice %arg11[%select_n3A_604] : memref<4x!tpu.dma_semaphore, #tpu.memory_space<semaphore_mem>> -> memref<1x!tpu.dma_semaphore, #tpu.memory_space<semaphore_mem>>
      %dma_start3A_612 = tpu.memref_squeeze %dma_start3A_611 : memref<1x!tpu.dma_semaphore, #tpu.memory_space<semaphore_mem>> -> memref<!tpu.dma_semaphore, #tpu.memory_space<semaphore_mem>>
      %dma_start3A_613 = arith.constant 0 : i32
      %dma_start3A_614 = tpu.memref_slice %arg8[%select_n3A_604, %dma_start3A_613] : memref<4x128xi32, #tpu.memory_space<vmem>> -> memref<1x128xi32, #tpu.memory_space<vmem>>
      %dma_start3A_615 = tpu.memref_squeeze %dma_start3A_614 : memref<1x128xi32, #tpu.memory_space<vmem>> -> memref<128xi32, #tpu.memory_space<vmem>>
      %dma_start3A_616 = arith.constant 0 : i32
      %dma_start3A_617 = tpu.memref_slice %arg3[%add3A, %add3A_586, %dma_start3A_616] : memref<32x80x128xi32, #tpu.memory_space<hbm>> -> memref<1x1x128xi32, #tpu.memory_space<hbm>>
      %dma_start3A_618 = tpu.memref_squeeze %dma_start3A_617 : memref<1x1x128xi32, #tpu.memory_space<hbm>> -> memref<128xi32, #tpu.memory_space<hbm>>
      tpu.enqueue_dma source(%dma_start3A_618 : memref<128xi32, #tpu.memory_space<hbm>>) target(%dma_start3A_615 : memref<128xi32, #tpu.memory_space<vmem>>) target_semaphore(%dma_start3A_612 : memref<!tpu.dma_semaphore, #tpu.memory_space<semaphore_mem>>)
      %dma_start3A_619 = arith.constant 0 : i32
      %dma_start3A_620 = tpu.memref_slice %arg9[%select_n3A_604, %dma_start3A_619] : memref<4x128xi32, #tpu.memory_space<vmem>> -> memref<1x128xi32, #tpu.memory_space<vmem>>
      %dma_start3A_621 = tpu.memref_squeeze %dma_start3A_620 : memref<1x128xi32, #tpu.memory_space<vmem>> -> memref<128xi32, #tpu.memory_space<vmem>>
      %dma_start3A_622 = arith.constant 0 : i32
      %dma_start3A_623 = tpu.memref_slice %arg4[%add3A, %add3A_586, %dma_start3A_622] : memref<32x80x128xi32, #tpu.memory_space<hbm>> -> memref<1x1x128xi32, #tpu.memory_space<hbm>>
      %dma_start3A_624 = tpu.memref_squeeze %dma_start3A_623 : memref<1x1x128xi32, #tpu.memory_space<hbm>> -> memref<128xi32, #tpu.memory_space<hbm>>
      %dma_start3A_625 = tpu.memref_slice %arg11[%select_n3A_604] : memref<4x!tpu.dma_semaphore, #tpu.memory_space<semaphore_mem>> -> memref<1x!tpu.dma_semaphore, #tpu.memory_space<semaphore_mem>>
      %dma_start3A_626 = tpu.memref_squeeze %dma_start3A_625 : memref<1x!tpu.dma_semaphore, #tpu.memory_space<semaphore_mem>> -> memref<!tpu.dma_semaphore, #tpu.memory_space<semaphore_mem>>
      %dma_start3A_627 = arith.constant 0 : i32
      %dma_start3A_628 = tpu.memref_slice %arg9[%select_n3A_604, %dma_start3A_627] : memref<4x128xi32, #tpu.memory_space<vmem>> -> memref<1x128xi32, #tpu.memory_space<vmem>>
      %dma_start3A_629 = tpu.memref_squeeze %dma_start3A_628 : memref<1x128xi32, #tpu.memory_space<vmem>> -> memref<128xi32, #tpu.memory_space<vmem>>
      %dma_start3A_630 = arith.constant 0 : i32
      %dma_start3A_631 = tpu.memref_slice %arg4[%add3A, %add3A_586, %dma_start3A_630] : memref<32x80x128xi32, #tpu.memory_space<hbm>> -> memref<1x1x128xi32, #tpu.memory_space<hbm>>
      %dma_start3A_632 = tpu.memref_squeeze %dma_start3A_631 : memref<1x1x128xi32, #tpu.memory_space<hbm>> -> memref<128xi32, #tpu.memory_space<hbm>>
      tpu.enqueue_dma source(%dma_start3A_632 : memref<128xi32, #tpu.memory_space<hbm>>) target(%dma_start3A_629 : memref<128xi32, #tpu.memory_space<vmem>>) target_semaphore(%dma_start3A_626 : memref<!tpu.dma_semaphore, #tpu.memory_space<semaphore_mem>>)
      %dma_wait3A_633 = arith.constant 0 : i32
      %dma_wait3A_634 = tpu.memref_slice %arg8[%select_n3A_554, %dma_wait3A_633] : memref<4x128xi32, #tpu.memory_space<vmem>> -> memref<1x128xi32, #tpu.memory_space<vmem>>
      %dma_wait3A_635 = tpu.memref_squeeze %dma_wait3A_634 : memref<1x128xi32, #tpu.memory_space<vmem>> -> memref<128xi32, #tpu.memory_space<vmem>>
      %dma_wait3A_636 = arith.constant 0 : i32
      %dma_wait3A_637 = tpu.memref_slice %arg3[%add3A, %add3A_529, %dma_wait3A_636] : memref<32x80x128xi32, #tpu.memory_space<hbm>> -> memref<1x1x128xi32, #tpu.memory_space<hbm>>
      %dma_wait3A_638 = tpu.memref_squeeze %dma_wait3A_637 : memref<1x1x128xi32, #tpu.memory_space<hbm>> -> memref<128xi32, #tpu.memory_space<hbm>>
      %dma_wait3A_639 = tpu.memref_slice %arg11[%select_n3A_554] : memref<4x!tpu.dma_semaphore, #tpu.memory_space<semaphore_mem>> -> memref<1x!tpu.dma_semaphore, #tpu.memory_space<semaphore_mem>>
      %dma_wait3A_640 = tpu.memref_squeeze %dma_wait3A_639 : memref<1x!tpu.dma_semaphore, #tpu.memory_space<semaphore_mem>> -> memref<!tpu.dma_semaphore, #tpu.memory_space<semaphore_mem>>
      %dma_wait3A_641 = arith.constant 0 : i32
      %dma_wait3A_642 = tpu.memref_slice %arg8[%select_n3A_554, %dma_wait3A_641] : memref<4x128xi32, #tpu.memory_space<vmem>> -> memref<1x128xi32, #tpu.memory_space<vmem>>
      %dma_wait3A_643 = tpu.memref_squeeze %dma_wait3A_642 : memref<1x128xi32, #tpu.memory_space<vmem>> -> memref<128xi32, #tpu.memory_space<vmem>>
      %dma_wait3A_644 = arith.constant 0 : i32
      %dma_wait3A_645 = tpu.memref_slice %arg3[%add3A, %add3A_529, %dma_wait3A_644] : memref<32x80x128xi32, #tpu.memory_space<hbm>> -> memref<1x1x128xi32, #tpu.memory_space<hbm>>
      %dma_wait3A_646 = tpu.memref_squeeze %dma_wait3A_645 : memref<1x1x128xi32, #tpu.memory_space<hbm>> -> memref<128xi32, #tpu.memory_space<hbm>>
      tpu.wait_dma2 semaphore(%dma_wait3A_640 : memref<!tpu.dma_semaphore, #tpu.memory_space<semaphore_mem>>) src(%dma_wait3A_646 : memref<128xi32, #tpu.memory_space<hbm>>) dst(%dma_wait3A_643 : memref<128xi32, #tpu.memory_space<vmem>>)
      %dma_wait3A_647 = arith.constant 0 : i32
      %dma_wait3A_648 = tpu.memref_slice %arg9[%select_n3A_554, %dma_wait3A_647] : memref<4x128xi32, #tpu.memory_space<vmem>> -> memref<1x128xi32, #tpu.memory_space<vmem>>
      %dma_wait3A_649 = tpu.memref_squeeze %dma_wait3A_648 : memref<1x128xi32, #tpu.memory_space<vmem>> -> memref<128xi32, #tpu.memory_space<vmem>>
      %dma_wait3A_650 = arith.constant 0 : i32
      %dma_wait3A_651 = tpu.memref_slice %arg4[%add3A, %add3A_529, %dma_wait3A_650] : memref<32x80x128xi32, #tpu.memory_space<hbm>> -> memref<1x1x128xi32, #tpu.memory_space<hbm>>
      %dma_wait3A_652 = tpu.memref_squeeze %dma_wait3A_651 : memref<1x1x128xi32, #tpu.memory_space<hbm>> -> memref<128xi32, #tpu.memory_space<hbm>>
      %dma_wait3A_653 = tpu.memref_slice %arg11[%select_n3A_554] : memref<4x!tpu.dma_semaphore, #tpu.memory_space<semaphore_mem>> -> memref<1x!tpu.dma_semaphore, #tpu.memory_space<semaphore_mem>>
      %dma_wait3A_654 = tpu.memref_squeeze %dma_wait3A_653 : memref<1x!tpu.dma_semaphore, #tpu.memory_space<semaphore_mem>> -> memref<!tpu.dma_semaphore, #tpu.memory_space<semaphore_mem>>
      %dma_wait3A_655 = arith.constant 0 : i32
      %dma_wait3A_656 = tpu.memref_slice %arg9[%select_n3A_554, %dma_wait3A_655] : memref<4x128xi32, #tpu.memory_space<vmem>> -> memref<1x128xi32, #tpu.memory_space<vmem>>
      %dma_wait3A_657 = tpu.memref_squeeze %dma_wait3A_656 : memref<1x128xi32, #tpu.memory_space<vmem>> -> memref<128xi32, #tpu.memory_space<vmem>>
      %dma_wait3A_658 = arith.constant 0 : i32
      %dma_wait3A_659 = tpu.memref_slice %arg4[%add3A, %add3A_529, %dma_wait3A_658] : memref<32x80x128xi32, #tpu.memory_space<hbm>> -> memref<1x1x128xi32, #tpu.memory_space<hbm>>
      %dma_wait3A_660 = tpu.memref_squeeze %dma_wait3A_659 : memref<1x1x128xi32, #tpu.memory_space<hbm>> -> memref<128xi32, #tpu.memory_space<hbm>>
      tpu.wait_dma2 semaphore(%dma_wait3A_654 : memref<!tpu.dma_semaphore, #tpu.memory_space<semaphore_mem>>) src(%dma_wait3A_660 : memref<128xi32, #tpu.memory_space<hbm>>) dst(%dma_wait3A_657 : memref<128xi32, #tpu.memory_space<vmem>>)
      %dma_start3A_661 = arith.constant 0 : i32
      %dma_start3A_662 = arith.constant 0 : i32
      %dma_start3A_663 = tpu.memref_slice %arg10[%select_n3A_538, %dma_start3A_661, %dma_start3A_662] : memref<2x128x128xf32, #tpu.memory_space<vmem>> -> memref<1x128x128xf32, #tpu.memory_space<vmem>>
      %dma_start3A_664 = tpu.memref_squeeze %dma_start3A_663 : memref<1x128x128xf32, #tpu.memory_space<vmem>> -> memref<128x128xf32, #tpu.memory_space<vmem>>
      %dma_start3A_665 = arith.constant 0 : i32
      %dma_start3A_666 = tpu.memref_slice %arg8[%select_n3A_554, %dma_start3A_665] : memref<4x128xi32, #tpu.memory_space<vmem>> -> memref<1x128xi32, #tpu.memory_space<vmem>>
      %dma_start3A_667 = tpu.memref_squeeze %dma_start3A_666 : memref<1x128xi32, #tpu.memory_space<vmem>> -> memref<128xi32, #tpu.memory_space<vmem>>
      %dma_start3A_668 = arith.constant 0 : i32
      %dma_start3A_669 = arith.constant 0 : i32
      %dma_start3A_670 = tpu.memref_slice %arg2[%dma_start3A_668, %dma_start3A_669] : memref<10000x128xf32, #tpu.memory_space<hbm>> -> memref<10000x128xf32, #tpu.memory_space<hbm>>
      %dma_start3A_671 = tpu.memref_slice %arg12[%select_n3A_538] : memref<2x!tpu.dma_semaphore, #tpu.memory_space<semaphore_mem>> -> memref<1x!tpu.dma_semaphore, #tpu.memory_space<semaphore_mem>>
      %dma_start3A_672 = tpu.memref_squeeze %dma_start3A_671 : memref<1x!tpu.dma_semaphore, #tpu.memory_space<semaphore_mem>> -> memref<!tpu.dma_semaphore, #tpu.memory_space<semaphore_mem>>
      tpu.enqueue_indirect_dma source(%dma_start3A_670 : memref<10000x128xf32, #tpu.memory_space<hbm>>) target(%dma_start3A_664 : memref<128x128xf32, #tpu.memory_space<vmem>>) offsets(%dma_start3A_667 : memref<128xi32, #tpu.memory_space<vmem>>) semaphore(%dma_start3A_672 : memref<!tpu.dma_semaphore, #tpu.memory_space<semaphore_mem>>)
      %add3A_673 = arith.constant 4 : i32
      %add3A_674 = arith.addi %select_n3A_554, %add3A_673 : i32
      %sub3A = arith.constant 1 : i32
      %sub3A_675 = arith.subi %add3A_674, %sub3A : i32
      %jit3A_676 = arith.constant 4 : i32
      %eq3A_677 = arith.constant 0 : i32
      %eq3A_678 = arith.cmpi eq, %jit3A_676, %eq3A_677 : i32
      %jit3A_679 = arith.constant 1 : i32
      %select_n3A_680 = arith.select %eq3A_678, %jit3A_679, %jit3A_676 : i32
      %rem3A_681 = arith.remsi %sub3A_675, %select_n3A_680 : i32
      %ne3A_682 = arith.constant 0 : i32
      %ne3A_683 = arith.cmpi ne, %rem3A_681, %ne3A_682 : i32
      %lt3A_684 = arith.constant 0 : i32
      %lt3A_685 = arith.cmpi slt, %rem3A_681, %lt3A_684 : i32
      %lt3A_686 = arith.constant 0 : i32
      %lt3A_687 = arith.cmpi slt, %select_n3A_680, %lt3A_686 : i32
      %ne3A_688 = arith.xori %lt3A_685, %lt3A_687 : i1
      %and3A_689 = arith.andi %ne3A_688, %ne3A_683 : i1
      %add3A_690 = arith.addi %rem3A_681, %select_n3A_680 : i32
      %select_n3A_691 = arith.select %and3A_689, %add3A_690, %rem3A_681 : i32
      %add3A_692 = arith.constant 2 : i32
      %add3A_693 = arith.addi %select_n3A_538, %add3A_692 : i32
      %sub3A_694 = arith.constant 1 : i32
      %sub3A_695 = arith.subi %add3A_693, %sub3A_694 : i32
      %jit3A_696 = arith.constant 2 : i32
      %eq3A_697 = arith.constant 0 : i32
      %eq3A_698 = arith.cmpi eq, %jit3A_696, %eq3A_697 : i32
      %jit3A_699 = arith.constant 1 : i32
      %select_n3A_700 = arith.select %eq3A_698, %jit3A_699, %jit3A_696 : i32
      %rem3A_701 = arith.remsi %sub3A_695, %select_n3A_700 : i32
      %ne3A_702 = arith.constant 0 : i32
      %ne3A_703 = arith.cmpi ne, %rem3A_701, %ne3A_702 : i32
      %lt3A_704 = arith.constant 0 : i32
      %lt3A_705 = arith.cmpi slt, %rem3A_701, %lt3A_704 : i32
      %lt3A_706 = arith.constant 0 : i32
      %lt3A_707 = arith.cmpi slt, %select_n3A_700, %lt3A_706 : i32
      %ne3A_708 = arith.xori %lt3A_705, %lt3A_707 : i1
      %and3A_709 = arith.andi %ne3A_708, %ne3A_703 : i1
      %add3A_710 = arith.addi %rem3A_701, %select_n3A_700 : i32
      %select_n3A_711 = arith.select %and3A_709, %add3A_710, %rem3A_701 : i32
      %dma_wait3A_712 = arith.constant 0 : i32
      %dma_wait3A_713 = arith.constant 0 : i32
      %dma_wait3A_714 = tpu.memref_slice %arg10[%select_n3A_711, %dma_wait3A_712, %dma_wait3A_713] : memref<2x128x128xf32, #tpu.memory_space<vmem>> -> memref<1x128x128xf32, #tpu.memory_space<vmem>>
      %dma_wait3A_715 = tpu.memref_squeeze %dma_wait3A_714 : memref<1x128x128xf32, #tpu.memory_space<vmem>> -> memref<128x128xf32, #tpu.memory_space<vmem>>
      %dma_wait3A_716 = arith.constant 0 : i32
      %dma_wait3A_717 = tpu.memref_slice %arg8[%select_n3A_691, %dma_wait3A_716] : memref<4x128xi32, #tpu.memory_space<vmem>> -> memref<1x128xi32, #tpu.memory_space<vmem>>
      %dma_wait3A_718 = tpu.memref_squeeze %dma_wait3A_717 : memref<1x128xi32, #tpu.memory_space<vmem>> -> memref<128xi32, #tpu.memory_space<vmem>>
      %dma_wait3A_719 = arith.constant 0 : i32
      %dma_wait3A_720 = arith.constant 0 : i32
      %dma_wait3A_721 = tpu.memref_slice %arg2[%dma_wait3A_719, %dma_wait3A_720] : memref<10000x128xf32, #tpu.memory_space<hbm>> -> memref<10000x128xf32, #tpu.memory_space<hbm>>
      %dma_wait3A_722 = tpu.memref_slice %arg12[%select_n3A_711] : memref<2x!tpu.dma_semaphore, #tpu.memory_space<semaphore_mem>> -> memref<1x!tpu.dma_semaphore, #tpu.memory_space<semaphore_mem>>
      %dma_wait3A_723 = tpu.memref_squeeze %dma_wait3A_722 : memref<1x!tpu.dma_semaphore, #tpu.memory_space<semaphore_mem>> -> memref<!tpu.dma_semaphore, #tpu.memory_space<semaphore_mem>>
      tpu.wait_indirect_dma semaphore(%dma_wait3A_723 : memref<!tpu.dma_semaphore, #tpu.memory_space<semaphore_mem>>) src(%dma_wait3A_721 : memref<10000x128xf32, #tpu.memory_space<hbm>>) dst(%dma_wait3A_715 : memref<128x128xf32, #tpu.memory_space<vmem>>)
      %add3A_724 = arith.constant 4 : i32
      %add3A_725 = arith.addi %select_n3A_554, %add3A_724 : i32
      %sub3A_726 = arith.constant 1 : i32
      %sub3A_727 = arith.subi %add3A_725, %sub3A_726 : i32
      %jit3A_728 = arith.constant 4 : i32
      %eq3A_729 = arith.constant 0 : i32
      %eq3A_730 = arith.cmpi eq, %jit3A_728, %eq3A_729 : i32
      %jit3A_731 = arith.constant 1 : i32
      %select_n3A_732 = arith.select %eq3A_730, %jit3A_731, %jit3A_728 : i32
      %rem3A_733 = arith.remsi %sub3A_727, %select_n3A_732 : i32
      %ne3A_734 = arith.constant 0 : i32
      %ne3A_735 = arith.cmpi ne, %rem3A_733, %ne3A_734 : i32
      %lt3A_736 = arith.constant 0 : i32
      %lt3A_737 = arith.cmpi slt, %rem3A_733, %lt3A_736 : i32
      %lt3A_738 = arith.constant 0 : i32
      %lt3A_739 = arith.cmpi slt, %select_n3A_732, %lt3A_738 : i32
      %ne3A_740 = arith.xori %lt3A_737, %lt3A_739 : i1
      %and3A_741 = arith.andi %ne3A_740, %ne3A_735 : i1
      %add3A_742 = arith.addi %rem3A_733, %select_n3A_732 : i32
      %select_n3A_743 = arith.select %and3A_741, %add3A_742, %rem3A_733 : i32
      %add3A_744 = arith.constant 2 : i32
      %add3A_745 = arith.addi %select_n3A_538, %add3A_744 : i32
      %sub3A_746 = arith.constant 1 : i32
      %sub3A_747 = arith.subi %add3A_745, %sub3A_746 : i32
      %jit3A_748 = arith.constant 2 : i32
      %eq3A_749 = arith.constant 0 : i32
      %eq3A_750 = arith.cmpi eq, %jit3A_748, %eq3A_749 : i32
      %jit3A_751 = arith.constant 1 : i32
      %select_n3A_752 = arith.select %eq3A_750, %jit3A_751, %jit3A_748 : i32
      %rem3A_753 = arith.remsi %sub3A_747, %select_n3A_752 : i32
      %ne3A_754 = arith.constant 0 : i32
      %ne3A_755 = arith.cmpi ne, %rem3A_753, %ne3A_754 : i32
      %lt3A_756 = arith.constant 0 : i32
      %lt3A_757 = arith.cmpi slt, %rem3A_753, %lt3A_756 : i32
      %lt3A_758 = arith.constant 0 : i32
      %lt3A_759 = arith.cmpi slt, %select_n3A_752, %lt3A_758 : i32
      %ne3A_760 = arith.xori %lt3A_757, %lt3A_759 : i1
      %and3A_761 = arith.andi %ne3A_760, %ne3A_755 : i1
      %add3A_762 = arith.addi %rem3A_753, %select_n3A_752 : i32
      %select_n3A_763 = arith.select %and3A_761, %add3A_762, %rem3A_753 : i32
      %dma_start3A_764 = arith.constant 0 : i32
      %dma_start3A_765 = arith.constant 0 : i32
      %dma_start3A_766 = tpu.memref_slice %arg10[%select_n3A_763, %dma_start3A_764, %dma_start3A_765] : memref<2x128x128xf32, #tpu.memory_space<vmem>> -> memref<1x128x128xf32, #tpu.memory_space<vmem>>
      %dma_start3A_767 = tpu.memref_squeeze %dma_start3A_766 : memref<1x128x128xf32, #tpu.memory_space<vmem>> -> memref<128x128xf32, #tpu.memory_space<vmem>>
      %dma_start3A_768 = arith.constant 0 : i32
      %dma_start3A_769 = tpu.memref_slice %arg9[%select_n3A_743, %dma_start3A_768] : memref<4x128xi32, #tpu.memory_space<vmem>> -> memref<1x128xi32, #tpu.memory_space<vmem>>
      %dma_start3A_770 = tpu.memref_squeeze %dma_start3A_769 : memref<1x128xi32, #tpu.memory_space<vmem>> -> memref<128xi32, #tpu.memory_space<vmem>>
      %dma_start3A_771 = arith.constant 0 : i32
      %dma_start3A_772 = arith.constant 0 : i32
      %dma_start3A_773 = tpu.memref_slice %arg7[%dma_start3A_771, %dma_start3A_772] : memref<10240x128xf32, #tpu.memory_space<vmem_shared>> -> memref<10240x128xf32, #tpu.memory_space<vmem_shared>>
      %dma_start3A_774 = tpu.memref_slice %arg13[%select_n3A_743] : memref<4x!tpu.dma_semaphore, #tpu.memory_space<semaphore_mem>> -> memref<1x!tpu.dma_semaphore, #tpu.memory_space<semaphore_mem>>
      %dma_start3A_775 = tpu.memref_squeeze %dma_start3A_774 : memref<1x!tpu.dma_semaphore, #tpu.memory_space<semaphore_mem>> -> memref<!tpu.dma_semaphore, #tpu.memory_space<semaphore_mem>>
      tpu.enqueue_indirect_dma source(%dma_start3A_767 : memref<128x128xf32, #tpu.memory_space<vmem>>) target(%dma_start3A_773 : memref<10240x128xf32, #tpu.memory_space<vmem_shared>>) offsets(%dma_start3A_770 : memref<128xi32, #tpu.memory_space<vmem>>) semaphore(%dma_start3A_775 : memref<!tpu.dma_semaphore, #tpu.memory_space<semaphore_mem>>) {add = true}
      %add3A_776 = arith.constant 1 : i32
      %add3A_777 = arith.addi %add3A_527, %add3A_776 : i32
      %jit3A_778 = arith.constant 2 : i32
      %eq3A_779 = arith.constant 0 : i32
      %eq3A_780 = arith.cmpi eq, %jit3A_778, %eq3A_779 : i32
      %jit3A_781 = arith.constant 1 : i32
      %select_n3A_782 = arith.select %eq3A_780, %jit3A_781, %jit3A_778 : i32
      %rem3A_783 = arith.remsi %add3A_777, %select_n3A_782 : i32
      %ne3A_784 = arith.constant 0 : i32
      %ne3A_785 = arith.cmpi ne, %rem3A_783, %ne3A_784 : i32
      %lt3A_786 = arith.constant 0 : i32
      %lt3A_787 = arith.cmpi slt, %rem3A_783, %lt3A_786 : i32
      %lt3A_788 = arith.constant 0 : i32
      %lt3A_789 = arith.cmpi slt, %select_n3A_782, %lt3A_788 : i32
      %ne3A_790 = arith.xori %lt3A_787, %lt3A_789 : i1
      %and3A_791 = arith.andi %ne3A_790, %ne3A_785 : i1
      %add3A_792 = arith.addi %rem3A_783, %select_n3A_782 : i32
      %select_n3A_793 = arith.select %and3A_791, %add3A_792, %rem3A_783 : i32
      %jit3A_794 = arith.constant 4 : i32
      %eq3A_795 = arith.constant 0 : i32
      %eq3A_796 = arith.cmpi eq, %jit3A_794, %eq3A_795 : i32
      %jit3A_797 = arith.constant 1 : i32
      %select_n3A_798 = arith.select %eq3A_796, %jit3A_797, %jit3A_794 : i32
      %rem3A_799 = arith.remsi %add3A_777, %select_n3A_798 : i32
      %ne3A_800 = arith.constant 0 : i32
      %ne3A_801 = arith.cmpi ne, %rem3A_799, %ne3A_800 : i32
      %lt3A_802 = arith.constant 0 : i32
      %lt3A_803 = arith.cmpi slt, %rem3A_799, %lt3A_802 : i32
      %lt3A_804 = arith.constant 0 : i32
      %lt3A_805 = arith.cmpi slt, %select_n3A_798, %lt3A_804 : i32
      %ne3A_806 = arith.xori %lt3A_803, %lt3A_805 : i1
      %and3A_807 = arith.andi %ne3A_806, %ne3A_801 : i1
      %add3A_808 = arith.addi %rem3A_799, %select_n3A_798 : i32
      %select_n3A_809 = arith.select %and3A_807, %add3A_808, %rem3A_799 : i32
      %add3A_810 = arith.constant 2 : i32
      %add3A_811 = arith.addi %select_n3A_809, %add3A_810 : i32
      %jit3A_812 = arith.constant 4 : i32
      %eq3A_813 = arith.constant 0 : i32
      %eq3A_814 = arith.cmpi eq, %jit3A_812, %eq3A_813 : i32
      %jit3A_815 = arith.constant 1 : i32
      %select_n3A_816 = arith.select %eq3A_814, %jit3A_815, %jit3A_812 : i32
      %rem3A_817 = arith.remsi %add3A_811, %select_n3A_816 : i32
      %ne3A_818 = arith.constant 0 : i32
      %ne3A_819 = arith.cmpi ne, %rem3A_817, %ne3A_818 : i32
      %lt3A_820 = arith.constant 0 : i32
      %lt3A_821 = arith.cmpi slt, %rem3A_817, %lt3A_820 : i32
      %lt3A_822 = arith.constant 0 : i32
      %lt3A_823 = arith.cmpi slt, %select_n3A_816, %lt3A_822 : i32
      %ne3A_824 = arith.xori %lt3A_821, %lt3A_823 : i1
      %and3A_825 = arith.andi %ne3A_824, %ne3A_819 : i1
      %add3A_826 = arith.addi %rem3A_817, %select_n3A_816 : i32
      %select_n3A_827 = arith.select %and3A_825, %add3A_826, %rem3A_817 : i32
      %dma_wait3A_828 = arith.constant 0 : i32
      %dma_wait3A_829 = arith.constant 0 : i32
      %dma_wait3A_830 = tpu.memref_slice %arg10[%select_n3A_793, %dma_wait3A_828, %dma_wait3A_829] : memref<2x128x128xf32, #tpu.memory_space<vmem>> -> memref<1x128x128xf32, #tpu.memory_space<vmem>>
      %dma_wait3A_831 = tpu.memref_squeeze %dma_wait3A_830 : memref<1x128x128xf32, #tpu.memory_space<vmem>> -> memref<128x128xf32, #tpu.memory_space<vmem>>
      %dma_wait3A_832 = arith.constant 0 : i32
      %dma_wait3A_833 = tpu.memref_slice %arg9[%select_n3A_827, %dma_wait3A_832] : memref<4x128xi32, #tpu.memory_space<vmem>> -> memref<1x128xi32, #tpu.memory_space<vmem>>
      %dma_wait3A_834 = tpu.memref_squeeze %dma_wait3A_833 : memref<1x128xi32, #tpu.memory_space<vmem>> -> memref<128xi32, #tpu.memory_space<vmem>>
      %dma_wait3A_835 = arith.constant 0 : i32
      %dma_wait3A_836 = arith.constant 0 : i32
      %dma_wait3A_837 = tpu.memref_slice %arg7[%dma_wait3A_835, %dma_wait3A_836] : memref<10240x128xf32, #tpu.memory_space<vmem_shared>> -> memref<10240x128xf32, #tpu.memory_space<vmem_shared>>
      %dma_wait3A_838 = tpu.memref_slice %arg13[%select_n3A_827] : memref<4x!tpu.dma_semaphore, #tpu.memory_space<semaphore_mem>> -> memref<1x!tpu.dma_semaphore, #tpu.memory_space<semaphore_mem>>
      %dma_wait3A_839 = tpu.memref_squeeze %dma_wait3A_838 : memref<1x!tpu.dma_semaphore, #tpu.memory_space<semaphore_mem>> -> memref<!tpu.dma_semaphore, #tpu.memory_space<semaphore_mem>>
      tpu.wait_indirect_dma semaphore(%dma_wait3A_839 : memref<!tpu.dma_semaphore, #tpu.memory_space<semaphore_mem>>) src(%dma_wait3A_831 : memref<128x128xf32, #tpu.memory_space<vmem>>) dst(%dma_wait3A_837 : memref<10240x128xf32, #tpu.memory_space<vmem_shared>>)
      %add3A_840 = arith.constant 2 : i32
      %add3A_841 = arith.addi %add3A_777, %add3A_840 : i32
      %add3A_842 = arith.constant 2 : i32
      %add3A_843 = arith.addi %select_n3A_809, %add3A_842 : i32
      %jit3A_844 = arith.constant 4 : i32
      %eq3A_845 = arith.constant 0 : i32
      %eq3A_846 = arith.cmpi eq, %jit3A_844, %eq3A_845 : i32
      %jit3A_847 = arith.constant 1 : i32
      %select_n3A_848 = arith.select %eq3A_846, %jit3A_847, %jit3A_844 : i32
      %rem3A_849 = arith.remsi %add3A_843, %select_n3A_848 : i32
      %ne3A_850 = arith.constant 0 : i32
      %ne3A_851 = arith.cmpi ne, %rem3A_849, %ne3A_850 : i32
      %lt3A_852 = arith.constant 0 : i32
      %lt3A_853 = arith.cmpi slt, %rem3A_849, %lt3A_852 : i32
      %lt3A_854 = arith.constant 0 : i32
      %lt3A_855 = arith.cmpi slt, %select_n3A_848, %lt3A_854 : i32
      %ne3A_856 = arith.xori %lt3A_853, %lt3A_855 : i1
      %and3A_857 = arith.andi %ne3A_856, %ne3A_851 : i1
      %add3A_858 = arith.addi %rem3A_849, %select_n3A_848 : i32
      %select_n3A_859 = arith.select %and3A_857, %add3A_858, %rem3A_849 : i32
      %dma_start3A_860 = arith.constant 0 : i32
      %dma_start3A_861 = tpu.memref_slice %arg8[%select_n3A_859, %dma_start3A_860] : memref<4x128xi32, #tpu.memory_space<vmem>> -> memref<1x128xi32, #tpu.memory_space<vmem>>
      %dma_start3A_862 = tpu.memref_squeeze %dma_start3A_861 : memref<1x128xi32, #tpu.memory_space<vmem>> -> memref<128xi32, #tpu.memory_space<vmem>>
      %dma_start3A_863 = arith.constant 0 : i32
      %dma_start3A_864 = tpu.memref_slice %arg3[%add3A, %add3A_841, %dma_start3A_863] : memref<32x80x128xi32, #tpu.memory_space<hbm>> -> memref<1x1x128xi32, #tpu.memory_space<hbm>>
      %dma_start3A_865 = tpu.memref_squeeze %dma_start3A_864 : memref<1x1x128xi32, #tpu.memory_space<hbm>> -> memref<128xi32, #tpu.memory_space<hbm>>
      %dma_start3A_866 = tpu.memref_slice %arg11[%select_n3A_859] : memref<4x!tpu.dma_semaphore, #tpu.memory_space<semaphore_mem>> -> memref<1x!tpu.dma_semaphore, #tpu.memory_space<semaphore_mem>>
      %dma_start3A_867 = tpu.memref_squeeze %dma_start3A_866 : memref<1x!tpu.dma_semaphore, #tpu.memory_space<semaphore_mem>> -> memref<!tpu.dma_semaphore, #tpu.memory_space<semaphore_mem>>
      %dma_start3A_868 = arith.constant 0 : i32
      %dma_start3A_869 = tpu.memref_slice %arg8[%select_n3A_859, %dma_start3A_868] : memref<4x128xi32, #tpu.memory_space<vmem>> -> memref<1x128xi32, #tpu.memory_space<vmem>>
      %dma_start3A_870 = tpu.memref_squeeze %dma_start3A_869 : memref<1x128xi32, #tpu.memory_space<vmem>> -> memref<128xi32, #tpu.memory_space<vmem>>
      %dma_start3A_871 = arith.constant 0 : i32
      %dma_start3A_872 = tpu.memref_slice %arg3[%add3A, %add3A_841, %dma_start3A_871] : memref<32x80x128xi32, #tpu.memory_space<hbm>> -> memref<1x1x128xi32, #tpu.memory_space<hbm>>
      %dma_start3A_873 = tpu.memref_squeeze %dma_start3A_872 : memref<1x1x128xi32, #tpu.memory_space<hbm>> -> memref<128xi32, #tpu.memory_space<hbm>>
      tpu.enqueue_dma source(%dma_start3A_873 : memref<128xi32, #tpu.memory_space<hbm>>) target(%dma_start3A_870 : memref<128xi32, #tpu.memory_space<vmem>>) target_semaphore(%dma_start3A_867 : memref<!tpu.dma_semaphore, #tpu.memory_space<semaphore_mem>>)
      %dma_start3A_874 = arith.constant 0 : i32
      %dma_start3A_875 = tpu.memref_slice %arg9[%select_n3A_859, %dma_start3A_874] : memref<4x128xi32, #tpu.memory_space<vmem>> -> memref<1x128xi32, #tpu.memory_space<vmem>>
      %dma_start3A_876 = tpu.memref_squeeze %dma_start3A_875 : memref<1x128xi32, #tpu.memory_space<vmem>> -> memref<128xi32, #tpu.memory_space<vmem>>
      %dma_start3A_877 = arith.constant 0 : i32
      %dma_start3A_878 = tpu.memref_slice %arg4[%add3A, %add3A_841, %dma_start3A_877] : memref<32x80x128xi32, #tpu.memory_space<hbm>> -> memref<1x1x128xi32, #tpu.memory_space<hbm>>
      %dma_start3A_879 = tpu.memref_squeeze %dma_start3A_878 : memref<1x1x128xi32, #tpu.memory_space<hbm>> -> memref<128xi32, #tpu.memory_space<hbm>>
      %dma_start3A_880 = tpu.memref_slice %arg11[%select_n3A_859] : memref<4x!tpu.dma_semaphore, #tpu.memory_space<semaphore_mem>> -> memref<1x!tpu.dma_semaphore, #tpu.memory_space<semaphore_mem>>
      %dma_start3A_881 = tpu.memref_squeeze %dma_start3A_880 : memref<1x!tpu.dma_semaphore, #tpu.memory_space<semaphore_mem>> -> memref<!tpu.dma_semaphore, #tpu.memory_space<semaphore_mem>>
      %dma_start3A_882 = arith.constant 0 : i32
      %dma_start3A_883 = tpu.memref_slice %arg9[%select_n3A_859, %dma_start3A_882] : memref<4x128xi32, #tpu.memory_space<vmem>> -> memref<1x128xi32, #tpu.memory_space<vmem>>
      %dma_start3A_884 = tpu.memref_squeeze %dma_start3A_883 : memref<1x128xi32, #tpu.memory_space<vmem>> -> memref<128xi32, #tpu.memory_space<vmem>>
      %dma_start3A_885 = arith.constant 0 : i32
      %dma_start3A_886 = tpu.memref_slice %arg4[%add3A, %add3A_841, %dma_start3A_885] : memref<32x80x128xi32, #tpu.memory_space<hbm>> -> memref<1x1x128xi32, #tpu.memory_space<hbm>>
      %dma_start3A_887 = tpu.memref_squeeze %dma_start3A_886 : memref<1x1x128xi32, #tpu.memory_space<hbm>> -> memref<128xi32, #tpu.memory_space<hbm>>
      tpu.enqueue_dma source(%dma_start3A_887 : memref<128xi32, #tpu.memory_space<hbm>>) target(%dma_start3A_884 : memref<128xi32, #tpu.memory_space<vmem>>) target_semaphore(%dma_start3A_881 : memref<!tpu.dma_semaphore, #tpu.memory_space<semaphore_mem>>)
      %dma_wait3A_888 = arith.constant 0 : i32
      %dma_wait3A_889 = tpu.memref_slice %arg8[%select_n3A_809, %dma_wait3A_888] : memref<4x128xi32, #tpu.memory_space<vmem>> -> memref<1x128xi32, #tpu.memory_space<vmem>>
      %dma_wait3A_890 = tpu.memref_squeeze %dma_wait3A_889 : memref<1x128xi32, #tpu.memory_space<vmem>> -> memref<128xi32, #tpu.memory_space<vmem>>
      %dma_wait3A_891 = arith.constant 0 : i32
      %dma_wait3A_892 = tpu.memref_slice %arg3[%add3A, %add3A_777, %dma_wait3A_891] : memref<32x80x128xi32, #tpu.memory_space<hbm>> -> memref<1x1x128xi32, #tpu.memory_space<hbm>>
      %dma_wait3A_893 = tpu.memref_squeeze %dma_wait3A_892 : memref<1x1x128xi32, #tpu.memory_space<hbm>> -> memref<128xi32, #tpu.memory_space<hbm>>
      %dma_wait3A_894 = tpu.memref_slice %arg11[%select_n3A_809] : memref<4x!tpu.dma_semaphore, #tpu.memory_space<semaphore_mem>> -> memref<1x!tpu.dma_semaphore, #tpu.memory_space<semaphore_mem>>
      %dma_wait3A_895 = tpu.memref_squeeze %dma_wait3A_894 : memref<1x!tpu.dma_semaphore, #tpu.memory_space<semaphore_mem>> -> memref<!tpu.dma_semaphore, #tpu.memory_space<semaphore_mem>>
      %dma_wait3A_896 = arith.constant 0 : i32
      %dma_wait3A_897 = tpu.memref_slice %arg8[%select_n3A_809, %dma_wait3A_896] : memref<4x128xi32, #tpu.memory_space<vmem>> -> memref<1x128xi32, #tpu.memory_space<vmem>>
      %dma_wait3A_898 = tpu.memref_squeeze %dma_wait3A_897 : memref<1x128xi32, #tpu.memory_space<vmem>> -> memref<128xi32, #tpu.memory_space<vmem>>
      %dma_wait3A_899 = arith.constant 0 : i32
      %dma_wait3A_900 = tpu.memref_slice %arg3[%add3A, %add3A_777, %dma_wait3A_899] : memref<32x80x128xi32, #tpu.memory_space<hbm>> -> memref<1x1x128xi32, #tpu.memory_space<hbm>>
      %dma_wait3A_901 = tpu.memref_squeeze %dma_wait3A_900 : memref<1x1x128xi32, #tpu.memory_space<hbm>> -> memref<128xi32, #tpu.memory_space<hbm>>
      tpu.wait_dma2 semaphore(%dma_wait3A_895 : memref<!tpu.dma_semaphore, #tpu.memory_space<semaphore_mem>>) src(%dma_wait3A_901 : memref<128xi32, #tpu.memory_space<hbm>>) dst(%dma_wait3A_898 : memref<128xi32, #tpu.memory_space<vmem>>)
      %dma_wait3A_902 = arith.constant 0 : i32
      %dma_wait3A_903 = tpu.memref_slice %arg9[%select_n3A_809, %dma_wait3A_902] : memref<4x128xi32, #tpu.memory_space<vmem>> -> memref<1x128xi32, #tpu.memory_space<vmem>>
      %dma_wait3A_904 = tpu.memref_squeeze %dma_wait3A_903 : memref<1x128xi32, #tpu.memory_space<vmem>> -> memref<128xi32, #tpu.memory_space<vmem>>
      %dma_wait3A_905 = arith.constant 0 : i32
      %dma_wait3A_906 = tpu.memref_slice %arg4[%add3A, %add3A_777, %dma_wait3A_905] : memref<32x80x128xi32, #tpu.memory_space<hbm>> -> memref<1x1x128xi32, #tpu.memory_space<hbm>>
      %dma_wait3A_907 = tpu.memref_squeeze %dma_wait3A_906 : memref<1x1x128xi32, #tpu.memory_space<hbm>> -> memref<128xi32, #tpu.memory_space<hbm>>
      %dma_wait3A_908 = tpu.memref_slice %arg11[%select_n3A_809] : memref<4x!tpu.dma_semaphore, #tpu.memory_space<semaphore_mem>> -> memref<1x!tpu.dma_semaphore, #tpu.memory_space<semaphore_mem>>
      %dma_wait3A_909 = tpu.memref_squeeze %dma_wait3A_908 : memref<1x!tpu.dma_semaphore, #tpu.memory_space<semaphore_mem>> -> memref<!tpu.dma_semaphore, #tpu.memory_space<semaphore_mem>>
      %dma_wait3A_910 = arith.constant 0 : i32
      %dma_wait3A_911 = tpu.memref_slice %arg9[%select_n3A_809, %dma_wait3A_910] : memref<4x128xi32, #tpu.memory_space<vmem>> -> memref<1x128xi32, #tpu.memory_space<vmem>>
      %dma_wait3A_912 = tpu.memref_squeeze %dma_wait3A_911 : memref<1x128xi32, #tpu.memory_space<vmem>> -> memref<128xi32, #tpu.memory_space<vmem>>
      %dma_wait3A_913 = arith.constant 0 : i32
      %dma_wait3A_914 = tpu.memref_slice %arg4[%add3A, %add3A_777, %dma_wait3A_913] : memref<32x80x128xi32, #tpu.memory_space<hbm>> -> memref<1x1x128xi32, #tpu.memory_space<hbm>>
      %dma_wait3A_915 = tpu.memref_squeeze %dma_wait3A_914 : memref<1x1x128xi32, #tpu.memory_space<hbm>> -> memref<128xi32, #tpu.memory_space<hbm>>
      tpu.wait_dma2 semaphore(%dma_wait3A_909 : memref<!tpu.dma_semaphore, #tpu.memory_space<semaphore_mem>>) src(%dma_wait3A_915 : memref<128xi32, #tpu.memory_space<hbm>>) dst(%dma_wait3A_912 : memref<128xi32, #tpu.memory_space<vmem>>)
      %dma_start3A_916 = arith.constant 0 : i32
      %dma_start3A_917 = arith.constant 0 : i32
      %dma_start3A_918 = tpu.memref_slice %arg10[%select_n3A_793, %dma_start3A_916, %dma_start3A_917] : memref<2x128x128xf32, #tpu.memory_space<vmem>> -> memref<1x128x128xf32, #tpu.memory_space<vmem>>
      %dma_start3A_919 = tpu.memref_squeeze %dma_start3A_918 : memref<1x128x128xf32, #tpu.memory_space<vmem>> -> memref<128x128xf32, #tpu.memory_space<vmem>>
      %dma_start3A_920 = arith.constant 0 : i32
      %dma_start3A_921 = tpu.memref_slice %arg8[%select_n3A_809, %dma_start3A_920] : memref<4x128xi32, #tpu.memory_space<vmem>> -> memref<1x128xi32, #tpu.memory_space<vmem>>
      %dma_start3A_922 = tpu.memref_squeeze %dma_start3A_921 : memref<1x128xi32, #tpu.memory_space<vmem>> -> memref<128xi32, #tpu.memory_space<vmem>>
      %dma_start3A_923 = arith.constant 0 : i32
      %dma_start3A_924 = arith.constant 0 : i32
      %dma_start3A_925 = tpu.memref_slice %arg2[%dma_start3A_923, %dma_start3A_924] : memref<10000x128xf32, #tpu.memory_space<hbm>> -> memref<10000x128xf32, #tpu.memory_space<hbm>>
      %dma_start3A_926 = tpu.memref_slice %arg12[%select_n3A_793] : memref<2x!tpu.dma_semaphore, #tpu.memory_space<semaphore_mem>> -> memref<1x!tpu.dma_semaphore, #tpu.memory_space<semaphore_mem>>
      %dma_start3A_927 = tpu.memref_squeeze %dma_start3A_926 : memref<1x!tpu.dma_semaphore, #tpu.memory_space<semaphore_mem>> -> memref<!tpu.dma_semaphore, #tpu.memory_space<semaphore_mem>>
      tpu.enqueue_indirect_dma source(%dma_start3A_925 : memref<10000x128xf32, #tpu.memory_space<hbm>>) target(%dma_start3A_919 : memref<128x128xf32, #tpu.memory_space<vmem>>) offsets(%dma_start3A_922 : memref<128xi32, #tpu.memory_space<vmem>>) semaphore(%dma_start3A_927 : memref<!tpu.dma_semaphore, #tpu.memory_space<semaphore_mem>>)
      %add3A_928 = arith.constant 4 : i32
      %add3A_929 = arith.addi %select_n3A_809, %add3A_928 : i32
      %sub3A_930 = arith.constant 1 : i32
      %sub3A_931 = arith.subi %add3A_929, %sub3A_930 : i32
      %jit3A_932 = arith.constant 4 : i32
      %eq3A_933 = arith.constant 0 : i32
      %eq3A_934 = arith.cmpi eq, %jit3A_932, %eq3A_933 : i32
      %jit3A_935 = arith.constant 1 : i32
      %select_n3A_936 = arith.select %eq3A_934, %jit3A_935, %jit3A_932 : i32
      %rem3A_937 = arith.remsi %sub3A_931, %select_n3A_936 : i32
      %ne3A_938 = arith.constant 0 : i32
      %ne3A_939 = arith.cmpi ne, %rem3A_937, %ne3A_938 : i32
      %lt3A_940 = arith.constant 0 : i32
      %lt3A_941 = arith.cmpi slt, %rem3A_937, %lt3A_940 : i32
      %lt3A_942 = arith.constant 0 : i32
      %lt3A_943 = arith.cmpi slt, %select_n3A_936, %lt3A_942 : i32
      %ne3A_944 = arith.xori %lt3A_941, %lt3A_943 : i1
      %and3A_945 = arith.andi %ne3A_944, %ne3A_939 : i1
      %add3A_946 = arith.addi %rem3A_937, %select_n3A_936 : i32
      %select_n3A_947 = arith.select %and3A_945, %add3A_946, %rem3A_937 : i32
      %add3A_948 = arith.constant 2 : i32
      %add3A_949 = arith.addi %select_n3A_793, %add3A_948 : i32
      %sub3A_950 = arith.constant 1 : i32
      %sub3A_951 = arith.subi %add3A_949, %sub3A_950 : i32
      %jit3A_952 = arith.constant 2 : i32
      %eq3A_953 = arith.constant 0 : i32
      %eq3A_954 = arith.cmpi eq, %jit3A_952, %eq3A_953 : i32
      %jit3A_955 = arith.constant 1 : i32
      %select_n3A_956 = arith.select %eq3A_954, %jit3A_955, %jit3A_952 : i32
      %rem3A_957 = arith.remsi %sub3A_951, %select_n3A_956 : i32
      %ne3A_958 = arith.constant 0 : i32
      %ne3A_959 = arith.cmpi ne, %rem3A_957, %ne3A_958 : i32
      %lt3A_960 = arith.constant 0 : i32
      %lt3A_961 = arith.cmpi slt, %rem3A_957, %lt3A_960 : i32
      %lt3A_962 = arith.constant 0 : i32
      %lt3A_963 = arith.cmpi slt, %select_n3A_956, %lt3A_962 : i32
      %ne3A_964 = arith.xori %lt3A_961, %lt3A_963 : i1
      %and3A_965 = arith.andi %ne3A_964, %ne3A_959 : i1
      %add3A_966 = arith.addi %rem3A_957, %select_n3A_956 : i32
      %select_n3A_967 = arith.select %and3A_965, %add3A_966, %rem3A_957 : i32
      %dma_wait3A_968 = arith.constant 0 : i32
      %dma_wait3A_969 = arith.constant 0 : i32
      %dma_wait3A_970 = tpu.memref_slice %arg10[%select_n3A_967, %dma_wait3A_968, %dma_wait3A_969] : memref<2x128x128xf32, #tpu.memory_space<vmem>> -> memref<1x128x128xf32, #tpu.memory_space<vmem>>
      %dma_wait3A_971 = tpu.memref_squeeze %dma_wait3A_970 : memref<1x128x128xf32, #tpu.memory_space<vmem>> -> memref<128x128xf32, #tpu.memory_space<vmem>>
      %dma_wait3A_972 = arith.constant 0 : i32
      %dma_wait3A_973 = tpu.memref_slice %arg8[%select_n3A_947, %dma_wait3A_972] : memref<4x128xi32, #tpu.memory_space<vmem>> -> memref<1x128xi32, #tpu.memory_space<vmem>>
      %dma_wait3A_974 = tpu.memref_squeeze %dma_wait3A_973 : memref<1x128xi32, #tpu.memory_space<vmem>> -> memref<128xi32, #tpu.memory_space<vmem>>
      %dma_wait3A_975 = arith.constant 0 : i32
      %dma_wait3A_976 = arith.constant 0 : i32
      %dma_wait3A_977 = tpu.memref_slice %arg2[%dma_wait3A_975, %dma_wait3A_976] : memref<10000x128xf32, #tpu.memory_space<hbm>> -> memref<10000x128xf32, #tpu.memory_space<hbm>>
      %dma_wait3A_978 = tpu.memref_slice %arg12[%select_n3A_967] : memref<2x!tpu.dma_semaphore, #tpu.memory_space<semaphore_mem>> -> memref<1x!tpu.dma_semaphore, #tpu.memory_space<semaphore_mem>>
      %dma_wait3A_979 = tpu.memref_squeeze %dma_wait3A_978 : memref<1x!tpu.dma_semaphore, #tpu.memory_space<semaphore_mem>> -> memref<!tpu.dma_semaphore, #tpu.memory_space<semaphore_mem>>
      tpu.wait_indirect_dma semaphore(%dma_wait3A_979 : memref<!tpu.dma_semaphore, #tpu.memory_space<semaphore_mem>>) src(%dma_wait3A_977 : memref<10000x128xf32, #tpu.memory_space<hbm>>) dst(%dma_wait3A_971 : memref<128x128xf32, #tpu.memory_space<vmem>>)
      %add3A_980 = arith.constant 4 : i32
      %add3A_981 = arith.addi %select_n3A_809, %add3A_980 : i32
      %sub3A_982 = arith.constant 1 : i32
      %sub3A_983 = arith.subi %add3A_981, %sub3A_982 : i32
      %jit3A_984 = arith.constant 4 : i32
      %eq3A_985 = arith.constant 0 : i32
      %eq3A_986 = arith.cmpi eq, %jit3A_984, %eq3A_985 : i32
      %jit3A_987 = arith.constant 1 : i32
      %select_n3A_988 = arith.select %eq3A_986, %jit3A_987, %jit3A_984 : i32
      %rem3A_989 = arith.remsi %sub3A_983, %select_n3A_988 : i32
      %ne3A_990 = arith.constant 0 : i32
      %ne3A_991 = arith.cmpi ne, %rem3A_989, %ne3A_990 : i32
      %lt3A_992 = arith.constant 0 : i32
      %lt3A_993 = arith.cmpi slt, %rem3A_989, %lt3A_992 : i32
      %lt3A_994 = arith.constant 0 : i32
      %lt3A_995 = arith.cmpi slt, %select_n3A_988, %lt3A_994 : i32
      %ne3A_996 = arith.xori %lt3A_993, %lt3A_995 : i1
      %and3A_997 = arith.andi %ne3A_996, %ne3A_991 : i1
      %add3A_998 = arith.addi %rem3A_989, %select_n3A_988 : i32
      %select_n3A_999 = arith.select %and3A_997, %add3A_998, %rem3A_989 : i32
      %add3A_1000 = arith.constant 2 : i32
      %add3A_1001 = arith.addi %select_n3A_793, %add3A_1000 : i32
      %sub3A_1002 = arith.constant 1 : i32
      %sub3A_1003 = arith.subi %add3A_1001, %sub3A_1002 : i32
      %jit3A_1004 = arith.constant 2 : i32
      %eq3A_1005 = arith.constant 0 : i32
      %eq3A_1006 = arith.cmpi eq, %jit3A_1004, %eq3A_1005 : i32
      %jit3A_1007 = arith.constant 1 : i32
      %select_n3A_1008 = arith.select %eq3A_1006, %jit3A_1007, %jit3A_1004 : i32
      %rem3A_1009 = arith.remsi %sub3A_1003, %select_n3A_1008 : i32
      %ne3A_1010 = arith.constant 0 : i32
      %ne3A_1011 = arith.cmpi ne, %rem3A_1009, %ne3A_1010 : i32
      %lt3A_1012 = arith.constant 0 : i32
      %lt3A_1013 = arith.cmpi slt, %rem3A_1009, %lt3A_1012 : i32
      %lt3A_1014 = arith.constant 0 : i32
      %lt3A_1015 = arith.cmpi slt, %select_n3A_1008, %lt3A_1014 : i32
      %ne3A_1016 = arith.xori %lt3A_1013, %lt3A_1015 : i1
      %and3A_1017 = arith.andi %ne3A_1016, %ne3A_1011 : i1
      %add3A_1018 = arith.addi %rem3A_1009, %select_n3A_1008 : i32
      %select_n3A_1019 = arith.select %and3A_1017, %add3A_1018, %rem3A_1009 : i32
      %dma_start3A_1020 = arith.constant 0 : i32
      %dma_start3A_1021 = arith.constant 0 : i32
      %dma_start3A_1022 = tpu.memref_slice %arg10[%select_n3A_1019, %dma_start3A_1020, %dma_start3A_1021] : memref<2x128x128xf32, #tpu.memory_space<vmem>> -> memref<1x128x128xf32, #tpu.memory_space<vmem>>
      %dma_start3A_1023 = tpu.memref_squeeze %dma_start3A_1022 : memref<1x128x128xf32, #tpu.memory_space<vmem>> -> memref<128x128xf32, #tpu.memory_space<vmem>>
      %dma_start3A_1024 = arith.constant 0 : i32
      %dma_start3A_1025 = tpu.memref_slice %arg9[%select_n3A_999, %dma_start3A_1024] : memref<4x128xi32, #tpu.memory_space<vmem>> -> memref<1x128xi32, #tpu.memory_space<vmem>>
      %dma_start3A_1026 = tpu.memref_squeeze %dma_start3A_1025 : memref<1x128xi32, #tpu.memory_space<vmem>> -> memref<128xi32, #tpu.memory_space<vmem>>
      %dma_start3A_1027 = arith.constant 0 : i32
      %dma_start3A_1028 = arith.constant 0 : i32
      %dma_start3A_1029 = tpu.memref_slice %arg7[%dma_start3A_1027, %dma_start3A_1028] : memref<10240x128xf32, #tpu.memory_space<vmem_shared>> -> memref<10240x128xf32, #tpu.memory_space<vmem_shared>>
      %dma_start3A_1030 = tpu.memref_slice %arg13[%select_n3A_999] : memref<4x!tpu.dma_semaphore, #tpu.memory_space<semaphore_mem>> -> memref<1x!tpu.dma_semaphore, #tpu.memory_space<semaphore_mem>>
      %dma_start3A_1031 = tpu.memref_squeeze %dma_start3A_1030 : memref<1x!tpu.dma_semaphore, #tpu.memory_space<semaphore_mem>> -> memref<!tpu.dma_semaphore, #tpu.memory_space<semaphore_mem>>
      tpu.enqueue_indirect_dma source(%dma_start3A_1023 : memref<128x128xf32, #tpu.memory_space<vmem>>) target(%dma_start3A_1029 : memref<10240x128xf32, #tpu.memory_space<vmem_shared>>) offsets(%dma_start3A_1026 : memref<128xi32, #tpu.memory_space<vmem>>) semaphore(%dma_start3A_1031 : memref<!tpu.dma_semaphore, #tpu.memory_space<semaphore_mem>>) {add = true}
      %add3A_1032 = arith.constant 2 : i32
      %add3A_1033 = arith.addi %add3A_527, %add3A_1032 : i32
      %jit3A_1034 = arith.constant 2 : i32
      %eq3A_1035 = arith.constant 0 : i32
      %eq3A_1036 = arith.cmpi eq, %jit3A_1034, %eq3A_1035 : i32
      %jit3A_1037 = arith.constant 1 : i32
      %select_n3A_1038 = arith.select %eq3A_1036, %jit3A_1037, %jit3A_1034 : i32
      %rem3A_1039 = arith.remsi %add3A_1033, %select_n3A_1038 : i32
      %ne3A_1040 = arith.constant 0 : i32
      %ne3A_1041 = arith.cmpi ne, %rem3A_1039, %ne3A_1040 : i32
      %lt3A_1042 = arith.constant 0 : i32
      %lt3A_1043 = arith.cmpi slt, %rem3A_1039, %lt3A_1042 : i32
      %lt3A_1044 = arith.constant 0 : i32
      %lt3A_1045 = arith.cmpi slt, %select_n3A_1038, %lt3A_1044 : i32
      %ne3A_1046 = arith.xori %lt3A_1043, %lt3A_1045 : i1
      %and3A_1047 = arith.andi %ne3A_1046, %ne3A_1041 : i1
      %add3A_1048 = arith.addi %rem3A_1039, %select_n3A_1038 : i32
      %select_n3A_1049 = arith.select %and3A_1047, %add3A_1048, %rem3A_1039 : i32
      %jit3A_1050 = arith.constant 4 : i32
      %eq3A_1051 = arith.constant 0 : i32
      %eq3A_1052 = arith.cmpi eq, %jit3A_1050, %eq3A_1051 : i32
      %jit3A_1053 = arith.constant 1 : i32
      %select_n3A_1054 = arith.select %eq3A_1052, %jit3A_1053, %jit3A_1050 : i32
      %rem3A_1055 = arith.remsi %add3A_1033, %select_n3A_1054 : i32
      %ne3A_1056 = arith.constant 0 : i32
      %ne3A_1057 = arith.cmpi ne, %rem3A_1055, %ne3A_1056 : i32
      %lt3A_1058 = arith.constant 0 : i32
      %lt3A_1059 = arith.cmpi slt, %rem3A_1055, %lt3A_1058 : i32
      %lt3A_1060 = arith.constant 0 : i32
      %lt3A_1061 = arith.cmpi slt, %select_n3A_1054, %lt3A_1060 : i32
      %ne3A_1062 = arith.xori %lt3A_1059, %lt3A_1061 : i1
      %and3A_1063 = arith.andi %ne3A_1062, %ne3A_1057 : i1
      %add3A_1064 = arith.addi %rem3A_1055, %select_n3A_1054 : i32
      %select_n3A_1065 = arith.select %and3A_1063, %add3A_1064, %rem3A_1055 : i32
      %add3A_1066 = arith.constant 2 : i32
      %add3A_1067 = arith.addi %select_n3A_1065, %add3A_1066 : i32
      %jit3A_1068 = arith.constant 4 : i32
      %eq3A_1069 = arith.constant 0 : i32
      %eq3A_1070 = arith.cmpi eq, %jit3A_1068, %eq3A_1069 : i32
      %jit3A_1071 = arith.constant 1 : i32
      %select_n3A_1072 = arith.select %eq3A_1070, %jit3A_1071, %jit3A_1068 : i32
      %rem3A_1073 = arith.remsi %add3A_1067, %select_n3A_1072 : i32
      %ne3A_1074 = arith.constant 0 : i32
      %ne3A_1075 = arith.cmpi ne, %rem3A_1073, %ne3A_1074 : i32
      %lt3A_1076 = arith.constant 0 : i32
      %lt3A_1077 = arith.cmpi slt, %rem3A_1073, %lt3A_1076 : i32
      %lt3A_1078 = arith.constant 0 : i32
      %lt3A_1079 = arith.cmpi slt, %select_n3A_1072, %lt3A_1078 : i32
      %ne3A_1080 = arith.xori %lt3A_1077, %lt3A_1079 : i1
      %and3A_1081 = arith.andi %ne3A_1080, %ne3A_1075 : i1
      %add3A_1082 = arith.addi %rem3A_1073, %select_n3A_1072 : i32
      %select_n3A_1083 = arith.select %and3A_1081, %add3A_1082, %rem3A_1073 : i32
      %dma_wait3A_1084 = arith.constant 0 : i32
      %dma_wait3A_1085 = arith.constant 0 : i32
      %dma_wait3A_1086 = tpu.memref_slice %arg10[%select_n3A_1049, %dma_wait3A_1084, %dma_wait3A_1085] : memref<2x128x128xf32, #tpu.memory_space<vmem>> -> memref<1x128x128xf32, #tpu.memory_space<vmem>>
      %dma_wait3A_1087 = tpu.memref_squeeze %dma_wait3A_1086 : memref<1x128x128xf32, #tpu.memory_space<vmem>> -> memref<128x128xf32, #tpu.memory_space<vmem>>
      %dma_wait3A_1088 = arith.constant 0 : i32
      %dma_wait3A_1089 = tpu.memref_slice %arg9[%select_n3A_1083, %dma_wait3A_1088] : memref<4x128xi32, #tpu.memory_space<vmem>> -> memref<1x128xi32, #tpu.memory_space<vmem>>
      %dma_wait3A_1090 = tpu.memref_squeeze %dma_wait3A_1089 : memref<1x128xi32, #tpu.memory_space<vmem>> -> memref<128xi32, #tpu.memory_space<vmem>>
      %dma_wait3A_1091 = arith.constant 0 : i32
      %dma_wait3A_1092 = arith.constant 0 : i32
      %dma_wait3A_1093 = tpu.memref_slice %arg7[%dma_wait3A_1091, %dma_wait3A_1092] : memref<10240x128xf32, #tpu.memory_space<vmem_shared>> -> memref<10240x128xf32, #tpu.memory_space<vmem_shared>>
      %dma_wait3A_1094 = tpu.memref_slice %arg13[%select_n3A_1083] : memref<4x!tpu.dma_semaphore, #tpu.memory_space<semaphore_mem>> -> memref<1x!tpu.dma_semaphore, #tpu.memory_space<semaphore_mem>>
      %dma_wait3A_1095 = tpu.memref_squeeze %dma_wait3A_1094 : memref<1x!tpu.dma_semaphore, #tpu.memory_space<semaphore_mem>> -> memref<!tpu.dma_semaphore, #tpu.memory_space<semaphore_mem>>
      tpu.wait_indirect_dma semaphore(%dma_wait3A_1095 : memref<!tpu.dma_semaphore, #tpu.memory_space<semaphore_mem>>) src(%dma_wait3A_1087 : memref<128x128xf32, #tpu.memory_space<vmem>>) dst(%dma_wait3A_1093 : memref<10240x128xf32, #tpu.memory_space<vmem_shared>>)
      %add3A_1096 = arith.constant 2 : i32
      %add3A_1097 = arith.addi %add3A_1033, %add3A_1096 : i32
      %add3A_1098 = arith.constant 2 : i32
      %add3A_1099 = arith.addi %select_n3A_1065, %add3A_1098 : i32
      %jit3A_1100 = arith.constant 4 : i32
      %eq3A_1101 = arith.constant 0 : i32
      %eq3A_1102 = arith.cmpi eq, %jit3A_1100, %eq3A_1101 : i32
      %jit3A_1103 = arith.constant 1 : i32
      %select_n3A_1104 = arith.select %eq3A_1102, %jit3A_1103, %jit3A_1100 : i32
      %rem3A_1105 = arith.remsi %add3A_1099, %select_n3A_1104 : i32
      %ne3A_1106 = arith.constant 0 : i32
      %ne3A_1107 = arith.cmpi ne, %rem3A_1105, %ne3A_1106 : i32
      %lt3A_1108 = arith.constant 0 : i32
      %lt3A_1109 = arith.cmpi slt, %rem3A_1105, %lt3A_1108 : i32
      %lt3A_1110 = arith.constant 0 : i32
      %lt3A_1111 = arith.cmpi slt, %select_n3A_1104, %lt3A_1110 : i32
      %ne3A_1112 = arith.xori %lt3A_1109, %lt3A_1111 : i1
      %and3A_1113 = arith.andi %ne3A_1112, %ne3A_1107 : i1
      %add3A_1114 = arith.addi %rem3A_1105, %select_n3A_1104 : i32
      %select_n3A_1115 = arith.select %and3A_1113, %add3A_1114, %rem3A_1105 : i32
      %dma_start3A_1116 = arith.constant 0 : i32
      %dma_start3A_1117 = tpu.memref_slice %arg8[%select_n3A_1115, %dma_start3A_1116] : memref<4x128xi32, #tpu.memory_space<vmem>> -> memref<1x128xi32, #tpu.memory_space<vmem>>
      %dma_start3A_1118 = tpu.memref_squeeze %dma_start3A_1117 : memref<1x128xi32, #tpu.memory_space<vmem>> -> memref<128xi32, #tpu.memory_space<vmem>>
      %dma_start3A_1119 = arith.constant 0 : i32
      %dma_start3A_1120 = tpu.memref_slice %arg3[%add3A, %add3A_1097, %dma_start3A_1119] : memref<32x80x128xi32, #tpu.memory_space<hbm>> -> memref<1x1x128xi32, #tpu.memory_space<hbm>>
      %dma_start3A_1121 = tpu.memref_squeeze %dma_start3A_1120 : memref<1x1x128xi32, #tpu.memory_space<hbm>> -> memref<128xi32, #tpu.memory_space<hbm>>
      %dma_start3A_1122 = tpu.memref_slice %arg11[%select_n3A_1115] : memref<4x!tpu.dma_semaphore, #tpu.memory_space<semaphore_mem>> -> memref<1x!tpu.dma_semaphore, #tpu.memory_space<semaphore_mem>>
      %dma_start3A_1123 = tpu.memref_squeeze %dma_start3A_1122 : memref<1x!tpu.dma_semaphore, #tpu.memory_space<semaphore_mem>> -> memref<!tpu.dma_semaphore, #tpu.memory_space<semaphore_mem>>
      %dma_start3A_1124 = arith.constant 0 : i32
      %dma_start3A_1125 = tpu.memref_slice %arg8[%select_n3A_1115, %dma_start3A_1124] : memref<4x128xi32, #tpu.memory_space<vmem>> -> memref<1x128xi32, #tpu.memory_space<vmem>>
      %dma_start3A_1126 = tpu.memref_squeeze %dma_start3A_1125 : memref<1x128xi32, #tpu.memory_space<vmem>> -> memref<128xi32, #tpu.memory_space<vmem>>
      %dma_start3A_1127 = arith.constant 0 : i32
      %dma_start3A_1128 = tpu.memref_slice %arg3[%add3A, %add3A_1097, %dma_start3A_1127] : memref<32x80x128xi32, #tpu.memory_space<hbm>> -> memref<1x1x128xi32, #tpu.memory_space<hbm>>
      %dma_start3A_1129 = tpu.memref_squeeze %dma_start3A_1128 : memref<1x1x128xi32, #tpu.memory_space<hbm>> -> memref<128xi32, #tpu.memory_space<hbm>>
      tpu.enqueue_dma source(%dma_start3A_1129 : memref<128xi32, #tpu.memory_space<hbm>>) target(%dma_start3A_1126 : memref<128xi32, #tpu.memory_space<vmem>>) target_semaphore(%dma_start3A_1123 : memref<!tpu.dma_semaphore, #tpu.memory_space<semaphore_mem>>)
      %dma_start3A_1130 = arith.constant 0 : i32
      %dma_start3A_1131 = tpu.memref_slice %arg9[%select_n3A_1115, %dma_start3A_1130] : memref<4x128xi32, #tpu.memory_space<vmem>> -> memref<1x128xi32, #tpu.memory_space<vmem>>
      %dma_start3A_1132 = tpu.memref_squeeze %dma_start3A_1131 : memref<1x128xi32, #tpu.memory_space<vmem>> -> memref<128xi32, #tpu.memory_space<vmem>>
      %dma_start3A_1133 = arith.constant 0 : i32
      %dma_start3A_1134 = tpu.memref_slice %arg4[%add3A, %add3A_1097, %dma_start3A_1133] : memref<32x80x128xi32, #tpu.memory_space<hbm>> -> memref<1x1x128xi32, #tpu.memory_space<hbm>>
      %dma_start3A_1135 = tpu.memref_squeeze %dma_start3A_1134 : memref<1x1x128xi32, #tpu.memory_space<hbm>> -> memref<128xi32, #tpu.memory_space<hbm>>
      %dma_start3A_1136 = tpu.memref_slice %arg11[%select_n3A_1115] : memref<4x!tpu.dma_semaphore, #tpu.memory_space<semaphore_mem>> -> memref<1x!tpu.dma_semaphore, #tpu.memory_space<semaphore_mem>>
      %dma_start3A_1137 = tpu.memref_squeeze %dma_start3A_1136 : memref<1x!tpu.dma_semaphore, #tpu.memory_space<semaphore_mem>> -> memref<!tpu.dma_semaphore, #tpu.memory_space<semaphore_mem>>
      %dma_start3A_1138 = arith.constant 0 : i32
      %dma_start3A_1139 = tpu.memref_slice %arg9[%select_n3A_1115, %dma_start3A_1138] : memref<4x128xi32, #tpu.memory_space<vmem>> -> memref<1x128xi32, #tpu.memory_space<vmem>>
      %dma_start3A_1140 = tpu.memref_squeeze %dma_start3A_1139 : memref<1x128xi32, #tpu.memory_space<vmem>> -> memref<128xi32, #tpu.memory_space<vmem>>
      %dma_start3A_1141 = arith.constant 0 : i32
      %dma_start3A_1142 = tpu.memref_slice %arg4[%add3A, %add3A_1097, %dma_start3A_1141] : memref<32x80x128xi32, #tpu.memory_space<hbm>> -> memref<1x1x128xi32, #tpu.memory_space<hbm>>
      %dma_start3A_1143 = tpu.memref_squeeze %dma_start3A_1142 : memref<1x1x128xi32, #tpu.memory_space<hbm>> -> memref<128xi32, #tpu.memory_space<hbm>>
      tpu.enqueue_dma source(%dma_start3A_1143 : memref<128xi32, #tpu.memory_space<hbm>>) target(%dma_start3A_1140 : memref<128xi32, #tpu.memory_space<vmem>>) target_semaphore(%dma_start3A_1137 : memref<!tpu.dma_semaphore, #tpu.memory_space<semaphore_mem>>)
      %dma_wait3A_1144 = arith.constant 0 : i32
      %dma_wait3A_1145 = tpu.memref_slice %arg8[%select_n3A_1065, %dma_wait3A_1144] : memref<4x128xi32, #tpu.memory_space<vmem>> -> memref<1x128xi32, #tpu.memory_space<vmem>>
      %dma_wait3A_1146 = tpu.memref_squeeze %dma_wait3A_1145 : memref<1x128xi32, #tpu.memory_space<vmem>> -> memref<128xi32, #tpu.memory_space<vmem>>
      %dma_wait3A_1147 = arith.constant 0 : i32
      %dma_wait3A_1148 = tpu.memref_slice %arg3[%add3A, %add3A_1033, %dma_wait3A_1147] : memref<32x80x128xi32, #tpu.memory_space<hbm>> -> memref<1x1x128xi32, #tpu.memory_space<hbm>>
      %dma_wait3A_1149 = tpu.memref_squeeze %dma_wait3A_1148 : memref<1x1x128xi32, #tpu.memory_space<hbm>> -> memref<128xi32, #tpu.memory_space<hbm>>
      %dma_wait3A_1150 = tpu.memref_slice %arg11[%select_n3A_1065] : memref<4x!tpu.dma_semaphore, #tpu.memory_space<semaphore_mem>> -> memref<1x!tpu.dma_semaphore, #tpu.memory_space<semaphore_mem>>
      %dma_wait3A_1151 = tpu.memref_squeeze %dma_wait3A_1150 : memref<1x!tpu.dma_semaphore, #tpu.memory_space<semaphore_mem>> -> memref<!tpu.dma_semaphore, #tpu.memory_space<semaphore_mem>>
      %dma_wait3A_1152 = arith.constant 0 : i32
      %dma_wait3A_1153 = tpu.memref_slice %arg8[%select_n3A_1065, %dma_wait3A_1152] : memref<4x128xi32, #tpu.memory_space<vmem>> -> memref<1x128xi32, #tpu.memory_space<vmem>>
      %dma_wait3A_1154 = tpu.memref_squeeze %dma_wait3A_1153 : memref<1x128xi32, #tpu.memory_space<vmem>> -> memref<128xi32, #tpu.memory_space<vmem>>
      %dma_wait3A_1155 = arith.constant 0 : i32
      %dma_wait3A_1156 = tpu.memref_slice %arg3[%add3A, %add3A_1033, %dma_wait3A_1155] : memref<32x80x128xi32, #tpu.memory_space<hbm>> -> memref<1x1x128xi32, #tpu.memory_space<hbm>>
      %dma_wait3A_1157 = tpu.memref_squeeze %dma_wait3A_1156 : memref<1x1x128xi32, #tpu.memory_space<hbm>> -> memref<128xi32, #tpu.memory_space<hbm>>
      tpu.wait_dma2 semaphore(%dma_wait3A_1151 : memref<!tpu.dma_semaphore, #tpu.memory_space<semaphore_mem>>) src(%dma_wait3A_1157 : memref<128xi32, #tpu.memory_space<hbm>>) dst(%dma_wait3A_1154 : memref<128xi32, #tpu.memory_space<vmem>>)
      %dma_wait3A_1158 = arith.constant 0 : i32
      %dma_wait3A_1159 = tpu.memref_slice %arg9[%select_n3A_1065, %dma_wait3A_1158] : memref<4x128xi32, #tpu.memory_space<vmem>> -> memref<1x128xi32, #tpu.memory_space<vmem>>
      %dma_wait3A_1160 = tpu.memref_squeeze %dma_wait3A_1159 : memref<1x128xi32, #tpu.memory_space<vmem>> -> memref<128xi32, #tpu.memory_space<vmem>>
      %dma_wait3A_1161 = arith.constant 0 : i32
      %dma_wait3A_1162 = tpu.memref_slice %arg4[%add3A, %add3A_1033, %dma_wait3A_1161] : memref<32x80x128xi32, #tpu.memory_space<hbm>> -> memref<1x1x128xi32, #tpu.memory_space<hbm>>
      %dma_wait3A_1163 = tpu.memref_squeeze %dma_wait3A_1162 : memref<1x1x128xi32, #tpu.memory_space<hbm>> -> memref<128xi32, #tpu.memory_space<hbm>>
      %dma_wait3A_1164 = tpu.memref_slice %arg11[%select_n3A_1065] : memref<4x!tpu.dma_semaphore, #tpu.memory_space<semaphore_mem>> -> memref<1x!tpu.dma_semaphore, #tpu.memory_space<semaphore_mem>>
      %dma_wait3A_1165 = tpu.memref_squeeze %dma_wait3A_1164 : memref<1x!tpu.dma_semaphore, #tpu.memory_space<semaphore_mem>> -> memref<!tpu.dma_semaphore, #tpu.memory_space<semaphore_mem>>
      %dma_wait3A_1166 = arith.constant 0 : i32
      %dma_wait3A_1167 = tpu.memref_slice %arg9[%select_n3A_1065, %dma_wait3A_1166] : memref<4x128xi32, #tpu.memory_space<vmem>> -> memref<1x128xi32, #tpu.memory_space<vmem>>
      %dma_wait3A_1168 = tpu.memref_squeeze %dma_wait3A_1167 : memref<1x128xi32, #tpu.memory_space<vmem>> -> memref<128xi32, #tpu.memory_space<vmem>>
      %dma_wait3A_1169 = arith.constant 0 : i32
      %dma_wait3A_1170 = tpu.memref_slice %arg4[%add3A, %add3A_1033, %dma_wait3A_1169] : memref<32x80x128xi32, #tpu.memory_space<hbm>> -> memref<1x1x128xi32, #tpu.memory_space<hbm>>
      %dma_wait3A_1171 = tpu.memref_squeeze %dma_wait3A_1170 : memref<1x1x128xi32, #tpu.memory_space<hbm>> -> memref<128xi32, #tpu.memory_space<hbm>>
      tpu.wait_dma2 semaphore(%dma_wait3A_1165 : memref<!tpu.dma_semaphore, #tpu.memory_space<semaphore_mem>>) src(%dma_wait3A_1171 : memref<128xi32, #tpu.memory_space<hbm>>) dst(%dma_wait3A_1168 : memref<128xi32, #tpu.memory_space<vmem>>)
      %dma_start3A_1172 = arith.constant 0 : i32
      %dma_start3A_1173 = arith.constant 0 : i32
      %dma_start3A_1174 = tpu.memref_slice %arg10[%select_n3A_1049, %dma_start3A_1172, %dma_start3A_1173] : memref<2x128x128xf32, #tpu.memory_space<vmem>> -> memref<1x128x128xf32, #tpu.memory_space<vmem>>
      %dma_start3A_1175 = tpu.memref_squeeze %dma_start3A_1174 : memref<1x128x128xf32, #tpu.memory_space<vmem>> -> memref<128x128xf32, #tpu.memory_space<vmem>>
      %dma_start3A_1176 = arith.constant 0 : i32
      %dma_start3A_1177 = tpu.memref_slice %arg8[%select_n3A_1065, %dma_start3A_1176] : memref<4x128xi32, #tpu.memory_space<vmem>> -> memref<1x128xi32, #tpu.memory_space<vmem>>
      %dma_start3A_1178 = tpu.memref_squeeze %dma_start3A_1177 : memref<1x128xi32, #tpu.memory_space<vmem>> -> memref<128xi32, #tpu.memory_space<vmem>>
      %dma_start3A_1179 = arith.constant 0 : i32
      %dma_start3A_1180 = arith.constant 0 : i32
      %dma_start3A_1181 = tpu.memref_slice %arg2[%dma_start3A_1179, %dma_start3A_1180] : memref<10000x128xf32, #tpu.memory_space<hbm>> -> memref<10000x128xf32, #tpu.memory_space<hbm>>
      %dma_start3A_1182 = tpu.memref_slice %arg12[%select_n3A_1049] : memref<2x!tpu.dma_semaphore, #tpu.memory_space<semaphore_mem>> -> memref<1x!tpu.dma_semaphore, #tpu.memory_space<semaphore_mem>>
      %dma_start3A_1183 = tpu.memref_squeeze %dma_start3A_1182 : memref<1x!tpu.dma_semaphore, #tpu.memory_space<semaphore_mem>> -> memref<!tpu.dma_semaphore, #tpu.memory_space<semaphore_mem>>
      tpu.enqueue_indirect_dma source(%dma_start3A_1181 : memref<10000x128xf32, #tpu.memory_space<hbm>>) target(%dma_start3A_1175 : memref<128x128xf32, #tpu.memory_space<vmem>>) offsets(%dma_start3A_1178 : memref<128xi32, #tpu.memory_space<vmem>>) semaphore(%dma_start3A_1183 : memref<!tpu.dma_semaphore, #tpu.memory_space<semaphore_mem>>)
      %add3A_1184 = arith.constant 4 : i32
      %add3A_1185 = arith.addi %select_n3A_1065, %add3A_1184 : i32
      %sub3A_1186 = arith.constant 1 : i32
      %sub3A_1187 = arith.subi %add3A_1185, %sub3A_1186 : i32
      %jit3A_1188 = arith.constant 4 : i32
      %eq3A_1189 = arith.constant 0 : i32
      %eq3A_1190 = arith.cmpi eq, %jit3A_1188, %eq3A_1189 : i32
      %jit3A_1191 = arith.constant 1 : i32
      %select_n3A_1192 = arith.select %eq3A_1190, %jit3A_1191, %jit3A_1188 : i32
      %rem3A_1193 = arith.remsi %sub3A_1187, %select_n3A_1192 : i32
      %ne3A_1194 = arith.constant 0 : i32
      %ne3A_1195 = arith.cmpi ne, %rem3A_1193, %ne3A_1194 : i32
      %lt3A_1196 = arith.constant 0 : i32
      %lt3A_1197 = arith.cmpi slt, %rem3A_1193, %lt3A_1196 : i32
      %lt3A_1198 = arith.constant 0 : i32
      %lt3A_1199 = arith.cmpi slt, %select_n3A_1192, %lt3A_1198 : i32
      %ne3A_1200 = arith.xori %lt3A_1197, %lt3A_1199 : i1
      %and3A_1201 = arith.andi %ne3A_1200, %ne3A_1195 : i1
      %add3A_1202 = arith.addi %rem3A_1193, %select_n3A_1192 : i32
      %select_n3A_1203 = arith.select %and3A_1201, %add3A_1202, %rem3A_1193 : i32
      %add3A_1204 = arith.constant 2 : i32
      %add3A_1205 = arith.addi %select_n3A_1049, %add3A_1204 : i32
      %sub3A_1206 = arith.constant 1 : i32
      %sub3A_1207 = arith.subi %add3A_1205, %sub3A_1206 : i32
      %jit3A_1208 = arith.constant 2 : i32
      %eq3A_1209 = arith.constant 0 : i32
      %eq3A_1210 = arith.cmpi eq, %jit3A_1208, %eq3A_1209 : i32
      %jit3A_1211 = arith.constant 1 : i32
      %select_n3A_1212 = arith.select %eq3A_1210, %jit3A_1211, %jit3A_1208 : i32
      %rem3A_1213 = arith.remsi %sub3A_1207, %select_n3A_1212 : i32
      %ne3A_1214 = arith.constant 0 : i32
      %ne3A_1215 = arith.cmpi ne, %rem3A_1213, %ne3A_1214 : i32
      %lt3A_1216 = arith.constant 0 : i32
      %lt3A_1217 = arith.cmpi slt, %rem3A_1213, %lt3A_1216 : i32
      %lt3A_1218 = arith.constant 0 : i32
      %lt3A_1219 = arith.cmpi slt, %select_n3A_1212, %lt3A_1218 : i32
      %ne3A_1220 = arith.xori %lt3A_1217, %lt3A_1219 : i1
      %and3A_1221 = arith.andi %ne3A_1220, %ne3A_1215 : i1
      %add3A_1222 = arith.addi %rem3A_1213, %select_n3A_1212 : i32
      %select_n3A_1223 = arith.select %and3A_1221, %add3A_1222, %rem3A_1213 : i32
      %dma_wait3A_1224 = arith.constant 0 : i32
      %dma_wait3A_1225 = arith.constant 0 : i32
      %dma_wait3A_1226 = tpu.memref_slice %arg10[%select_n3A_1223, %dma_wait3A_1224, %dma_wait3A_1225] : memref<2x128x128xf32, #tpu.memory_space<vmem>> -> memref<1x128x128xf32, #tpu.memory_space<vmem>>
      %dma_wait3A_1227 = tpu.memref_squeeze %dma_wait3A_1226 : memref<1x128x128xf32, #tpu.memory_space<vmem>> -> memref<128x128xf32, #tpu.memory_space<vmem>>
      %dma_wait3A_1228 = arith.constant 0 : i32
      %dma_wait3A_1229 = tpu.memref_slice %arg8[%select_n3A_1203, %dma_wait3A_1228] : memref<4x128xi32, #tpu.memory_space<vmem>> -> memref<1x128xi32, #tpu.memory_space<vmem>>
      %dma_wait3A_1230 = tpu.memref_squeeze %dma_wait3A_1229 : memref<1x128xi32, #tpu.memory_space<vmem>> -> memref<128xi32, #tpu.memory_space<vmem>>
      %dma_wait3A_1231 = arith.constant 0 : i32
      %dma_wait3A_1232 = arith.constant 0 : i32
      %dma_wait3A_1233 = tpu.memref_slice %arg2[%dma_wait3A_1231, %dma_wait3A_1232] : memref<10000x128xf32, #tpu.memory_space<hbm>> -> memref<10000x128xf32, #tpu.memory_space<hbm>>
      %dma_wait3A_1234 = tpu.memref_slice %arg12[%select_n3A_1223] : memref<2x!tpu.dma_semaphore, #tpu.memory_space<semaphore_mem>> -> memref<1x!tpu.dma_semaphore, #tpu.memory_space<semaphore_mem>>
      %dma_wait3A_1235 = tpu.memref_squeeze %dma_wait3A_1234 : memref<1x!tpu.dma_semaphore, #tpu.memory_space<semaphore_mem>> -> memref<!tpu.dma_semaphore, #tpu.memory_space<semaphore_mem>>
      tpu.wait_indirect_dma semaphore(%dma_wait3A_1235 : memref<!tpu.dma_semaphore, #tpu.memory_space<semaphore_mem>>) src(%dma_wait3A_1233 : memref<10000x128xf32, #tpu.memory_space<hbm>>) dst(%dma_wait3A_1227 : memref<128x128xf32, #tpu.memory_space<vmem>>)
      %add3A_1236 = arith.constant 4 : i32
      %add3A_1237 = arith.addi %select_n3A_1065, %add3A_1236 : i32
      %sub3A_1238 = arith.constant 1 : i32
      %sub3A_1239 = arith.subi %add3A_1237, %sub3A_1238 : i32
      %jit3A_1240 = arith.constant 4 : i32
      %eq3A_1241 = arith.constant 0 : i32
      %eq3A_1242 = arith.cmpi eq, %jit3A_1240, %eq3A_1241 : i32
      %jit3A_1243 = arith.constant 1 : i32
      %select_n3A_1244 = arith.select %eq3A_1242, %jit3A_1243, %jit3A_1240 : i32
      %rem3A_1245 = arith.remsi %sub3A_1239, %select_n3A_1244 : i32
      %ne3A_1246 = arith.constant 0 : i32
      %ne3A_1247 = arith.cmpi ne, %rem3A_1245, %ne3A_1246 : i32
      %lt3A_1248 = arith.constant 0 : i32
      %lt3A_1249 = arith.cmpi slt, %rem3A_1245, %lt3A_1248 : i32
      %lt3A_1250 = arith.constant 0 : i32
      %lt3A_1251 = arith.cmpi slt, %select_n3A_1244, %lt3A_1250 : i32
      %ne3A_1252 = arith.xori %lt3A_1249, %lt3A_1251 : i1
      %and3A_1253 = arith.andi %ne3A_1252, %ne3A_1247 : i1
      %add3A_1254 = arith.addi %rem3A_1245, %select_n3A_1244 : i32
      %select_n3A_1255 = arith.select %and3A_1253, %add3A_1254, %rem3A_1245 : i32
      %add3A_1256 = arith.constant 2 : i32
      %add3A_1257 = arith.addi %select_n3A_1049, %add3A_1256 : i32
      %sub3A_1258 = arith.constant 1 : i32
      %sub3A_1259 = arith.subi %add3A_1257, %sub3A_1258 : i32
      %jit3A_1260 = arith.constant 2 : i32
      %eq3A_1261 = arith.constant 0 : i32
      %eq3A_1262 = arith.cmpi eq, %jit3A_1260, %eq3A_1261 : i32
      %jit3A_1263 = arith.constant 1 : i32
      %select_n3A_1264 = arith.select %eq3A_1262, %jit3A_1263, %jit3A_1260 : i32
      %rem3A_1265 = arith.remsi %sub3A_1259, %select_n3A_1264 : i32
      %ne3A_1266 = arith.constant 0 : i32
      %ne3A_1267 = arith.cmpi ne, %rem3A_1265, %ne3A_1266 : i32
      %lt3A_1268 = arith.constant 0 : i32
      %lt3A_1269 = arith.cmpi slt, %rem3A_1265, %lt3A_1268 : i32
      %lt3A_1270 = arith.constant 0 : i32
      %lt3A_1271 = arith.cmpi slt, %select_n3A_1264, %lt3A_1270 : i32
      %ne3A_1272 = arith.xori %lt3A_1269, %lt3A_1271 : i1
      %and3A_1273 = arith.andi %ne3A_1272, %ne3A_1267 : i1
      %add3A_1274 = arith.addi %rem3A_1265, %select_n3A_1264 : i32
      %select_n3A_1275 = arith.select %and3A_1273, %add3A_1274, %rem3A_1265 : i32
      %dma_start3A_1276 = arith.constant 0 : i32
      %dma_start3A_1277 = arith.constant 0 : i32
      %dma_start3A_1278 = tpu.memref_slice %arg10[%select_n3A_1275, %dma_start3A_1276, %dma_start3A_1277] : memref<2x128x128xf32, #tpu.memory_space<vmem>> -> memref<1x128x128xf32, #tpu.memory_space<vmem>>
      %dma_start3A_1279 = tpu.memref_squeeze %dma_start3A_1278 : memref<1x128x128xf32, #tpu.memory_space<vmem>> -> memref<128x128xf32, #tpu.memory_space<vmem>>
      %dma_start3A_1280 = arith.constant 0 : i32
      %dma_start3A_1281 = tpu.memref_slice %arg9[%select_n3A_1255, %dma_start3A_1280] : memref<4x128xi32, #tpu.memory_space<vmem>> -> memref<1x128xi32, #tpu.memory_space<vmem>>
      %dma_start3A_1282 = tpu.memref_squeeze %dma_start3A_1281 : memref<1x128xi32, #tpu.memory_space<vmem>> -> memref<128xi32, #tpu.memory_space<vmem>>
      %dma_start3A_1283 = arith.constant 0 : i32
      %dma_start3A_1284 = arith.constant 0 : i32
      %dma_start3A_1285 = tpu.memref_slice %arg7[%dma_start3A_1283, %dma_start3A_1284] : memref<10240x128xf32, #tpu.memory_space<vmem_shared>> -> memref<10240x128xf32, #tpu.memory_space<vmem_shared>>
      %dma_start3A_1286 = tpu.memref_slice %arg13[%select_n3A_1255] : memref<4x!tpu.dma_semaphore, #tpu.memory_space<semaphore_mem>> -> memref<1x!tpu.dma_semaphore, #tpu.memory_space<semaphore_mem>>
      %dma_start3A_1287 = tpu.memref_squeeze %dma_start3A_1286 : memref<1x!tpu.dma_semaphore, #tpu.memory_space<semaphore_mem>> -> memref<!tpu.dma_semaphore, #tpu.memory_space<semaphore_mem>>
      tpu.enqueue_indirect_dma source(%dma_start3A_1279 : memref<128x128xf32, #tpu.memory_space<vmem>>) target(%dma_start3A_1285 : memref<10240x128xf32, #tpu.memory_space<vmem_shared>>) offsets(%dma_start3A_1282 : memref<128xi32, #tpu.memory_space<vmem>>) semaphore(%dma_start3A_1287 : memref<!tpu.dma_semaphore, #tpu.memory_space<semaphore_mem>>) {add = true}
      %add3A_1288 = arith.constant 3 : i32
      %add3A_1289 = arith.addi %add3A_527, %add3A_1288 : i32
      %jit3A_1290 = arith.constant 2 : i32
      %eq3A_1291 = arith.constant 0 : i32
      %eq3A_1292 = arith.cmpi eq, %jit3A_1290, %eq3A_1291 : i32
      %jit3A_1293 = arith.constant 1 : i32
      %select_n3A_1294 = arith.select %eq3A_1292, %jit3A_1293, %jit3A_1290 : i32
      %rem3A_1295 = arith.remsi %add3A_1289, %select_n3A_1294 : i32
      %ne3A_1296 = arith.constant 0 : i32
      %ne3A_1297 = arith.cmpi ne, %rem3A_1295, %ne3A_1296 : i32
      %lt3A_1298 = arith.constant 0 : i32
      %lt3A_1299 = arith.cmpi slt, %rem3A_1295, %lt3A_1298 : i32
      %lt3A_1300 = arith.constant 0 : i32
      %lt3A_1301 = arith.cmpi slt, %select_n3A_1294, %lt3A_1300 : i32
      %ne3A_1302 = arith.xori %lt3A_1299, %lt3A_1301 : i1
      %and3A_1303 = arith.andi %ne3A_1302, %ne3A_1297 : i1
      %add3A_1304 = arith.addi %rem3A_1295, %select_n3A_1294 : i32
      %select_n3A_1305 = arith.select %and3A_1303, %add3A_1304, %rem3A_1295 : i32
      %jit3A_1306 = arith.constant 4 : i32
      %eq3A_1307 = arith.constant 0 : i32
      %eq3A_1308 = arith.cmpi eq, %jit3A_1306, %eq3A_1307 : i32
      %jit3A_1309 = arith.constant 1 : i32
      %select_n3A_1310 = arith.select %eq3A_1308, %jit3A_1309, %jit3A_1306 : i32
      %rem3A_1311 = arith.remsi %add3A_1289, %select_n3A_1310 : i32
      %ne3A_1312 = arith.constant 0 : i32
      %ne3A_1313 = arith.cmpi ne, %rem3A_1311, %ne3A_1312 : i32
      %lt3A_1314 = arith.constant 0 : i32
      %lt3A_1315 = arith.cmpi slt, %rem3A_1311, %lt3A_1314 : i32
      %lt3A_1316 = arith.constant 0 : i32
      %lt3A_1317 = arith.cmpi slt, %select_n3A_1310, %lt3A_1316 : i32
      %ne3A_1318 = arith.xori %lt3A_1315, %lt3A_1317 : i1
      %and3A_1319 = arith.andi %ne3A_1318, %ne3A_1313 : i1
      %add3A_1320 = arith.addi %rem3A_1311, %select_n3A_1310 : i32
      %select_n3A_1321 = arith.select %and3A_1319, %add3A_1320, %rem3A_1311 : i32
      %add3A_1322 = arith.constant 2 : i32
      %add3A_1323 = arith.addi %select_n3A_1321, %add3A_1322 : i32
      %jit3A_1324 = arith.constant 4 : i32
      %eq3A_1325 = arith.constant 0 : i32
      %eq3A_1326 = arith.cmpi eq, %jit3A_1324, %eq3A_1325 : i32
      %jit3A_1327 = arith.constant 1 : i32
      %select_n3A_1328 = arith.select %eq3A_1326, %jit3A_1327, %jit3A_1324 : i32
      %rem3A_1329 = arith.remsi %add3A_1323, %select_n3A_1328 : i32
      %ne3A_1330 = arith.constant 0 : i32
      %ne3A_1331 = arith.cmpi ne, %rem3A_1329, %ne3A_1330 : i32
      %lt3A_1332 = arith.constant 0 : i32
      %lt3A_1333 = arith.cmpi slt, %rem3A_1329, %lt3A_1332 : i32
      %lt3A_1334 = arith.constant 0 : i32
      %lt3A_1335 = arith.cmpi slt, %select_n3A_1328, %lt3A_1334 : i32
      %ne3A_1336 = arith.xori %lt3A_1333, %lt3A_1335 : i1
      %and3A_1337 = arith.andi %ne3A_1336, %ne3A_1331 : i1
      %add3A_1338 = arith.addi %rem3A_1329, %select_n3A_1328 : i32
      %select_n3A_1339 = arith.select %and3A_1337, %add3A_1338, %rem3A_1329 : i32
      %dma_wait3A_1340 = arith.constant 0 : i32
      %dma_wait3A_1341 = arith.constant 0 : i32
      %dma_wait3A_1342 = tpu.memref_slice %arg10[%select_n3A_1305, %dma_wait3A_1340, %dma_wait3A_1341] : memref<2x128x128xf32, #tpu.memory_space<vmem>> -> memref<1x128x128xf32, #tpu.memory_space<vmem>>
      %dma_wait3A_1343 = tpu.memref_squeeze %dma_wait3A_1342 : memref<1x128x128xf32, #tpu.memory_space<vmem>> -> memref<128x128xf32, #tpu.memory_space<vmem>>
      %dma_wait3A_1344 = arith.constant 0 : i32
      %dma_wait3A_1345 = tpu.memref_slice %arg9[%select_n3A_1339, %dma_wait3A_1344] : memref<4x128xi32, #tpu.memory_space<vmem>> -> memref<1x128xi32, #tpu.memory_space<vmem>>
      %dma_wait3A_1346 = tpu.memref_squeeze %dma_wait3A_1345 : memref<1x128xi32, #tpu.memory_space<vmem>> -> memref<128xi32, #tpu.memory_space<vmem>>
      %dma_wait3A_1347 = arith.constant 0 : i32
      %dma_wait3A_1348 = arith.constant 0 : i32
      %dma_wait3A_1349 = tpu.memref_slice %arg7[%dma_wait3A_1347, %dma_wait3A_1348] : memref<10240x128xf32, #tpu.memory_space<vmem_shared>> -> memref<10240x128xf32, #tpu.memory_space<vmem_shared>>
      %dma_wait3A_1350 = tpu.memref_slice %arg13[%select_n3A_1339] : memref<4x!tpu.dma_semaphore, #tpu.memory_space<semaphore_mem>> -> memref<1x!tpu.dma_semaphore, #tpu.memory_space<semaphore_mem>>
      %dma_wait3A_1351 = tpu.memref_squeeze %dma_wait3A_1350 : memref<1x!tpu.dma_semaphore, #tpu.memory_space<semaphore_mem>> -> memref<!tpu.dma_semaphore, #tpu.memory_space<semaphore_mem>>
      tpu.wait_indirect_dma semaphore(%dma_wait3A_1351 : memref<!tpu.dma_semaphore, #tpu.memory_space<semaphore_mem>>) src(%dma_wait3A_1343 : memref<128x128xf32, #tpu.memory_space<vmem>>) dst(%dma_wait3A_1349 : memref<10240x128xf32, #tpu.memory_space<vmem_shared>>)
      %add3A_1352 = arith.constant 2 : i32
      %add3A_1353 = arith.addi %add3A_1289, %add3A_1352 : i32
      %add3A_1354 = arith.constant 2 : i32
      %add3A_1355 = arith.addi %select_n3A_1321, %add3A_1354 : i32
      %jit3A_1356 = arith.constant 4 : i32
      %eq3A_1357 = arith.constant 0 : i32
      %eq3A_1358 = arith.cmpi eq, %jit3A_1356, %eq3A_1357 : i32
      %jit3A_1359 = arith.constant 1 : i32
      %select_n3A_1360 = arith.select %eq3A_1358, %jit3A_1359, %jit3A_1356 : i32
      %rem3A_1361 = arith.remsi %add3A_1355, %select_n3A_1360 : i32
      %ne3A_1362 = arith.constant 0 : i32
      %ne3A_1363 = arith.cmpi ne, %rem3A_1361, %ne3A_1362 : i32
      %lt3A_1364 = arith.constant 0 : i32
      %lt3A_1365 = arith.cmpi slt, %rem3A_1361, %lt3A_1364 : i32
      %lt3A_1366 = arith.constant 0 : i32
      %lt3A_1367 = arith.cmpi slt, %select_n3A_1360, %lt3A_1366 : i32
      %ne3A_1368 = arith.xori %lt3A_1365, %lt3A_1367 : i1
      %and3A_1369 = arith.andi %ne3A_1368, %ne3A_1363 : i1
      %add3A_1370 = arith.addi %rem3A_1361, %select_n3A_1360 : i32
      %select_n3A_1371 = arith.select %and3A_1369, %add3A_1370, %rem3A_1361 : i32
      %dma_start3A_1372 = arith.constant 0 : i32
      %dma_start3A_1373 = tpu.memref_slice %arg8[%select_n3A_1371, %dma_start3A_1372] : memref<4x128xi32, #tpu.memory_space<vmem>> -> memref<1x128xi32, #tpu.memory_space<vmem>>
      %dma_start3A_1374 = tpu.memref_squeeze %dma_start3A_1373 : memref<1x128xi32, #tpu.memory_space<vmem>> -> memref<128xi32, #tpu.memory_space<vmem>>
      %dma_start3A_1375 = arith.constant 0 : i32
      %dma_start3A_1376 = tpu.memref_slice %arg3[%add3A, %add3A_1353, %dma_start3A_1375] : memref<32x80x128xi32, #tpu.memory_space<hbm>> -> memref<1x1x128xi32, #tpu.memory_space<hbm>>
      %dma_start3A_1377 = tpu.memref_squeeze %dma_start3A_1376 : memref<1x1x128xi32, #tpu.memory_space<hbm>> -> memref<128xi32, #tpu.memory_space<hbm>>
      %dma_start3A_1378 = tpu.memref_slice %arg11[%select_n3A_1371] : memref<4x!tpu.dma_semaphore, #tpu.memory_space<semaphore_mem>> -> memref<1x!tpu.dma_semaphore, #tpu.memory_space<semaphore_mem>>
      %dma_start3A_1379 = tpu.memref_squeeze %dma_start3A_1378 : memref<1x!tpu.dma_semaphore, #tpu.memory_space<semaphore_mem>> -> memref<!tpu.dma_semaphore, #tpu.memory_space<semaphore_mem>>
      %dma_start3A_1380 = arith.constant 0 : i32
      %dma_start3A_1381 = tpu.memref_slice %arg8[%select_n3A_1371, %dma_start3A_1380] : memref<4x128xi32, #tpu.memory_space<vmem>> -> memref<1x128xi32, #tpu.memory_space<vmem>>
      %dma_start3A_1382 = tpu.memref_squeeze %dma_start3A_1381 : memref<1x128xi32, #tpu.memory_space<vmem>> -> memref<128xi32, #tpu.memory_space<vmem>>
      %dma_start3A_1383 = arith.constant 0 : i32
      %dma_start3A_1384 = tpu.memref_slice %arg3[%add3A, %add3A_1353, %dma_start3A_1383] : memref<32x80x128xi32, #tpu.memory_space<hbm>> -> memref<1x1x128xi32, #tpu.memory_space<hbm>>
      %dma_start3A_1385 = tpu.memref_squeeze %dma_start3A_1384 : memref<1x1x128xi32, #tpu.memory_space<hbm>> -> memref<128xi32, #tpu.memory_space<hbm>>
      tpu.enqueue_dma source(%dma_start3A_1385 : memref<128xi32, #tpu.memory_space<hbm>>) target(%dma_start3A_1382 : memref<128xi32, #tpu.memory_space<vmem>>) target_semaphore(%dma_start3A_1379 : memref<!tpu.dma_semaphore, #tpu.memory_space<semaphore_mem>>)
      %dma_start3A_1386 = arith.constant 0 : i32
      %dma_start3A_1387 = tpu.memref_slice %arg9[%select_n3A_1371, %dma_start3A_1386] : memref<4x128xi32, #tpu.memory_space<vmem>> -> memref<1x128xi32, #tpu.memory_space<vmem>>
      %dma_start3A_1388 = tpu.memref_squeeze %dma_start3A_1387 : memref<1x128xi32, #tpu.memory_space<vmem>> -> memref<128xi32, #tpu.memory_space<vmem>>
      %dma_start3A_1389 = arith.constant 0 : i32
      %dma_start3A_1390 = tpu.memref_slice %arg4[%add3A, %add3A_1353, %dma_start3A_1389] : memref<32x80x128xi32, #tpu.memory_space<hbm>> -> memref<1x1x128xi32, #tpu.memory_space<hbm>>
      %dma_start3A_1391 = tpu.memref_squeeze %dma_start3A_1390 : memref<1x1x128xi32, #tpu.memory_space<hbm>> -> memref<128xi32, #tpu.memory_space<hbm>>
      %dma_start3A_1392 = tpu.memref_slice %arg11[%select_n3A_1371] : memref<4x!tpu.dma_semaphore, #tpu.memory_space<semaphore_mem>> -> memref<1x!tpu.dma_semaphore, #tpu.memory_space<semaphore_mem>>
      %dma_start3A_1393 = tpu.memref_squeeze %dma_start3A_1392 : memref<1x!tpu.dma_semaphore, #tpu.memory_space<semaphore_mem>> -> memref<!tpu.dma_semaphore, #tpu.memory_space<semaphore_mem>>
      %dma_start3A_1394 = arith.constant 0 : i32
      %dma_start3A_1395 = tpu.memref_slice %arg9[%select_n3A_1371, %dma_start3A_1394] : memref<4x128xi32, #tpu.memory_space<vmem>> -> memref<1x128xi32, #tpu.memory_space<vmem>>
      %dma_start3A_1396 = tpu.memref_squeeze %dma_start3A_1395 : memref<1x128xi32, #tpu.memory_space<vmem>> -> memref<128xi32, #tpu.memory_space<vmem>>
      %dma_start3A_1397 = arith.constant 0 : i32
      %dma_start3A_1398 = tpu.memref_slice %arg4[%add3A, %add3A_1353, %dma_start3A_1397] : memref<32x80x128xi32, #tpu.memory_space<hbm>> -> memref<1x1x128xi32, #tpu.memory_space<hbm>>
      %dma_start3A_1399 = tpu.memref_squeeze %dma_start3A_1398 : memref<1x1x128xi32, #tpu.memory_space<hbm>> -> memref<128xi32, #tpu.memory_space<hbm>>
      tpu.enqueue_dma source(%dma_start3A_1399 : memref<128xi32, #tpu.memory_space<hbm>>) target(%dma_start3A_1396 : memref<128xi32, #tpu.memory_space<vmem>>) target_semaphore(%dma_start3A_1393 : memref<!tpu.dma_semaphore, #tpu.memory_space<semaphore_mem>>)
      %dma_wait3A_1400 = arith.constant 0 : i32
      %dma_wait3A_1401 = tpu.memref_slice %arg8[%select_n3A_1321, %dma_wait3A_1400] : memref<4x128xi32, #tpu.memory_space<vmem>> -> memref<1x128xi32, #tpu.memory_space<vmem>>
      %dma_wait3A_1402 = tpu.memref_squeeze %dma_wait3A_1401 : memref<1x128xi32, #tpu.memory_space<vmem>> -> memref<128xi32, #tpu.memory_space<vmem>>
      %dma_wait3A_1403 = arith.constant 0 : i32
      %dma_wait3A_1404 = tpu.memref_slice %arg3[%add3A, %add3A_1289, %dma_wait3A_1403] : memref<32x80x128xi32, #tpu.memory_space<hbm>> -> memref<1x1x128xi32, #tpu.memory_space<hbm>>
      %dma_wait3A_1405 = tpu.memref_squeeze %dma_wait3A_1404 : memref<1x1x128xi32, #tpu.memory_space<hbm>> -> memref<128xi32, #tpu.memory_space<hbm>>
      %dma_wait3A_1406 = tpu.memref_slice %arg11[%select_n3A_1321] : memref<4x!tpu.dma_semaphore, #tpu.memory_space<semaphore_mem>> -> memref<1x!tpu.dma_semaphore, #tpu.memory_space<semaphore_mem>>
      %dma_wait3A_1407 = tpu.memref_squeeze %dma_wait3A_1406 : memref<1x!tpu.dma_semaphore, #tpu.memory_space<semaphore_mem>> -> memref<!tpu.dma_semaphore, #tpu.memory_space<semaphore_mem>>
      %dma_wait3A_1408 = arith.constant 0 : i32
      %dma_wait3A_1409 = tpu.memref_slice %arg8[%select_n3A_1321, %dma_wait3A_1408] : memref<4x128xi32, #tpu.memory_space<vmem>> -> memref<1x128xi32, #tpu.memory_space<vmem>>
      %dma_wait3A_1410 = tpu.memref_squeeze %dma_wait3A_1409 : memref<1x128xi32, #tpu.memory_space<vmem>> -> memref<128xi32, #tpu.memory_space<vmem>>
      %dma_wait3A_1411 = arith.constant 0 : i32
      %dma_wait3A_1412 = tpu.memref_slice %arg3[%add3A, %add3A_1289, %dma_wait3A_1411] : memref<32x80x128xi32, #tpu.memory_space<hbm>> -> memref<1x1x128xi32, #tpu.memory_space<hbm>>
      %dma_wait3A_1413 = tpu.memref_squeeze %dma_wait3A_1412 : memref<1x1x128xi32, #tpu.memory_space<hbm>> -> memref<128xi32, #tpu.memory_space<hbm>>
      tpu.wait_dma2 semaphore(%dma_wait3A_1407 : memref<!tpu.dma_semaphore, #tpu.memory_space<semaphore_mem>>) src(%dma_wait3A_1413 : memref<128xi32, #tpu.memory_space<hbm>>) dst(%dma_wait3A_1410 : memref<128xi32, #tpu.memory_space<vmem>>)
      %dma_wait3A_1414 = arith.constant 0 : i32
      %dma_wait3A_1415 = tpu.memref_slice %arg9[%select_n3A_1321, %dma_wait3A_1414] : memref<4x128xi32, #tpu.memory_space<vmem>> -> memref<1x128xi32, #tpu.memory_space<vmem>>
      %dma_wait3A_1416 = tpu.memref_squeeze %dma_wait3A_1415 : memref<1x128xi32, #tpu.memory_space<vmem>> -> memref<128xi32, #tpu.memory_space<vmem>>
      %dma_wait3A_1417 = arith.constant 0 : i32
      %dma_wait3A_1418 = tpu.memref_slice %arg4[%add3A, %add3A_1289, %dma_wait3A_1417] : memref<32x80x128xi32, #tpu.memory_space<hbm>> -> memref<1x1x128xi32, #tpu.memory_space<hbm>>
      %dma_wait3A_1419 = tpu.memref_squeeze %dma_wait3A_1418 : memref<1x1x128xi32, #tpu.memory_space<hbm>> -> memref<128xi32, #tpu.memory_space<hbm>>
      %dma_wait3A_1420 = tpu.memref_slice %arg11[%select_n3A_1321] : memref<4x!tpu.dma_semaphore, #tpu.memory_space<semaphore_mem>> -> memref<1x!tpu.dma_semaphore, #tpu.memory_space<semaphore_mem>>
      %dma_wait3A_1421 = tpu.memref_squeeze %dma_wait3A_1420 : memref<1x!tpu.dma_semaphore, #tpu.memory_space<semaphore_mem>> -> memref<!tpu.dma_semaphore, #tpu.memory_space<semaphore_mem>>
      %dma_wait3A_1422 = arith.constant 0 : i32
      %dma_wait3A_1423 = tpu.memref_slice %arg9[%select_n3A_1321, %dma_wait3A_1422] : memref<4x128xi32, #tpu.memory_space<vmem>> -> memref<1x128xi32, #tpu.memory_space<vmem>>
      %dma_wait3A_1424 = tpu.memref_squeeze %dma_wait3A_1423 : memref<1x128xi32, #tpu.memory_space<vmem>> -> memref<128xi32, #tpu.memory_space<vmem>>
      %dma_wait3A_1425 = arith.constant 0 : i32
      %dma_wait3A_1426 = tpu.memref_slice %arg4[%add3A, %add3A_1289, %dma_wait3A_1425] : memref<32x80x128xi32, #tpu.memory_space<hbm>> -> memref<1x1x128xi32, #tpu.memory_space<hbm>>
      %dma_wait3A_1427 = tpu.memref_squeeze %dma_wait3A_1426 : memref<1x1x128xi32, #tpu.memory_space<hbm>> -> memref<128xi32, #tpu.memory_space<hbm>>
      tpu.wait_dma2 semaphore(%dma_wait3A_1421 : memref<!tpu.dma_semaphore, #tpu.memory_space<semaphore_mem>>) src(%dma_wait3A_1427 : memref<128xi32, #tpu.memory_space<hbm>>) dst(%dma_wait3A_1424 : memref<128xi32, #tpu.memory_space<vmem>>)
      %dma_start3A_1428 = arith.constant 0 : i32
      %dma_start3A_1429 = arith.constant 0 : i32
      %dma_start3A_1430 = tpu.memref_slice %arg10[%select_n3A_1305, %dma_start3A_1428, %dma_start3A_1429] : memref<2x128x128xf32, #tpu.memory_space<vmem>> -> memref<1x128x128xf32, #tpu.memory_space<vmem>>
      %dma_start3A_1431 = tpu.memref_squeeze %dma_start3A_1430 : memref<1x128x128xf32, #tpu.memory_space<vmem>> -> memref<128x128xf32, #tpu.memory_space<vmem>>
      %dma_start3A_1432 = arith.constant 0 : i32
      %dma_start3A_1433 = tpu.memref_slice %arg8[%select_n3A_1321, %dma_start3A_1432] : memref<4x128xi32, #tpu.memory_space<vmem>> -> memref<1x128xi32, #tpu.memory_space<vmem>>
      %dma_start3A_1434 = tpu.memref_squeeze %dma_start3A_1433 : memref<1x128xi32, #tpu.memory_space<vmem>> -> memref<128xi32, #tpu.memory_space<vmem>>
      %dma_start3A_1435 = arith.constant 0 : i32
      %dma_start3A_1436 = arith.constant 0 : i32
      %dma_start3A_1437 = tpu.memref_slice %arg2[%dma_start3A_1435, %dma_start3A_1436] : memref<10000x128xf32, #tpu.memory_space<hbm>> -> memref<10000x128xf32, #tpu.memory_space<hbm>>
      %dma_start3A_1438 = tpu.memref_slice %arg12[%select_n3A_1305] : memref<2x!tpu.dma_semaphore, #tpu.memory_space<semaphore_mem>> -> memref<1x!tpu.dma_semaphore, #tpu.memory_space<semaphore_mem>>
      %dma_start3A_1439 = tpu.memref_squeeze %dma_start3A_1438 : memref<1x!tpu.dma_semaphore, #tpu.memory_space<semaphore_mem>> -> memref<!tpu.dma_semaphore, #tpu.memory_space<semaphore_mem>>
      tpu.enqueue_indirect_dma source(%dma_start3A_1437 : memref<10000x128xf32, #tpu.memory_space<hbm>>) target(%dma_start3A_1431 : memref<128x128xf32, #tpu.memory_space<vmem>>) offsets(%dma_start3A_1434 : memref<128xi32, #tpu.memory_space<vmem>>) semaphore(%dma_start3A_1439 : memref<!tpu.dma_semaphore, #tpu.memory_space<semaphore_mem>>)
      %add3A_1440 = arith.constant 4 : i32
      %add3A_1441 = arith.addi %select_n3A_1321, %add3A_1440 : i32
      %sub3A_1442 = arith.constant 1 : i32
      %sub3A_1443 = arith.subi %add3A_1441, %sub3A_1442 : i32
      %jit3A_1444 = arith.constant 4 : i32
      %eq3A_1445 = arith.constant 0 : i32
      %eq3A_1446 = arith.cmpi eq, %jit3A_1444, %eq3A_1445 : i32
      %jit3A_1447 = arith.constant 1 : i32
      %select_n3A_1448 = arith.select %eq3A_1446, %jit3A_1447, %jit3A_1444 : i32
      %rem3A_1449 = arith.remsi %sub3A_1443, %select_n3A_1448 : i32
      %ne3A_1450 = arith.constant 0 : i32
      %ne3A_1451 = arith.cmpi ne, %rem3A_1449, %ne3A_1450 : i32
      %lt3A_1452 = arith.constant 0 : i32
      %lt3A_1453 = arith.cmpi slt, %rem3A_1449, %lt3A_1452 : i32
      %lt3A_1454 = arith.constant 0 : i32
      %lt3A_1455 = arith.cmpi slt, %select_n3A_1448, %lt3A_1454 : i32
      %ne3A_1456 = arith.xori %lt3A_1453, %lt3A_1455 : i1
      %and3A_1457 = arith.andi %ne3A_1456, %ne3A_1451 : i1
      %add3A_1458 = arith.addi %rem3A_1449, %select_n3A_1448 : i32
      %select_n3A_1459 = arith.select %and3A_1457, %add3A_1458, %rem3A_1449 : i32
      %add3A_1460 = arith.constant 2 : i32
      %add3A_1461 = arith.addi %select_n3A_1305, %add3A_1460 : i32
      %sub3A_1462 = arith.constant 1 : i32
      %sub3A_1463 = arith.subi %add3A_1461, %sub3A_1462 : i32
      %jit3A_1464 = arith.constant 2 : i32
      %eq3A_1465 = arith.constant 0 : i32
      %eq3A_1466 = arith.cmpi eq, %jit3A_1464, %eq3A_1465 : i32
      %jit3A_1467 = arith.constant 1 : i32
      %select_n3A_1468 = arith.select %eq3A_1466, %jit3A_1467, %jit3A_1464 : i32
      %rem3A_1469 = arith.remsi %sub3A_1463, %select_n3A_1468 : i32
      %ne3A_1470 = arith.constant 0 : i32
      %ne3A_1471 = arith.cmpi ne, %rem3A_1469, %ne3A_1470 : i32
      %lt3A_1472 = arith.constant 0 : i32
      %lt3A_1473 = arith.cmpi slt, %rem3A_1469, %lt3A_1472 : i32
      %lt3A_1474 = arith.constant 0 : i32
      %lt3A_1475 = arith.cmpi slt, %select_n3A_1468, %lt3A_1474 : i32
      %ne3A_1476 = arith.xori %lt3A_1473, %lt3A_1475 : i1
      %and3A_1477 = arith.andi %ne3A_1476, %ne3A_1471 : i1
      %add3A_1478 = arith.addi %rem3A_1469, %select_n3A_1468 : i32
      %select_n3A_1479 = arith.select %and3A_1477, %add3A_1478, %rem3A_1469 : i32
      %dma_wait3A_1480 = arith.constant 0 : i32
      %dma_wait3A_1481 = arith.constant 0 : i32
      %dma_wait3A_1482 = tpu.memref_slice %arg10[%select_n3A_1479, %dma_wait3A_1480, %dma_wait3A_1481] : memref<2x128x128xf32, #tpu.memory_space<vmem>> -> memref<1x128x128xf32, #tpu.memory_space<vmem>>
      %dma_wait3A_1483 = tpu.memref_squeeze %dma_wait3A_1482 : memref<1x128x128xf32, #tpu.memory_space<vmem>> -> memref<128x128xf32, #tpu.memory_space<vmem>>
      %dma_wait3A_1484 = arith.constant 0 : i32
      %dma_wait3A_1485 = tpu.memref_slice %arg8[%select_n3A_1459, %dma_wait3A_1484] : memref<4x128xi32, #tpu.memory_space<vmem>> -> memref<1x128xi32, #tpu.memory_space<vmem>>
      %dma_wait3A_1486 = tpu.memref_squeeze %dma_wait3A_1485 : memref<1x128xi32, #tpu.memory_space<vmem>> -> memref<128xi32, #tpu.memory_space<vmem>>
      %dma_wait3A_1487 = arith.constant 0 : i32
      %dma_wait3A_1488 = arith.constant 0 : i32
      %dma_wait3A_1489 = tpu.memref_slice %arg2[%dma_wait3A_1487, %dma_wait3A_1488] : memref<10000x128xf32, #tpu.memory_space<hbm>> -> memref<10000x128xf32, #tpu.memory_space<hbm>>
      %dma_wait3A_1490 = tpu.memref_slice %arg12[%select_n3A_1479] : memref<2x!tpu.dma_semaphore, #tpu.memory_space<semaphore_mem>> -> memref<1x!tpu.dma_semaphore, #tpu.memory_space<semaphore_mem>>
      %dma_wait3A_1491 = tpu.memref_squeeze %dma_wait3A_1490 : memref<1x!tpu.dma_semaphore, #tpu.memory_space<semaphore_mem>> -> memref<!tpu.dma_semaphore, #tpu.memory_space<semaphore_mem>>
      tpu.wait_indirect_dma semaphore(%dma_wait3A_1491 : memref<!tpu.dma_semaphore, #tpu.memory_space<semaphore_mem>>) src(%dma_wait3A_1489 : memref<10000x128xf32, #tpu.memory_space<hbm>>) dst(%dma_wait3A_1483 : memref<128x128xf32, #tpu.memory_space<vmem>>)
      %add3A_1492 = arith.constant 4 : i32
      %add3A_1493 = arith.addi %select_n3A_1321, %add3A_1492 : i32
      %sub3A_1494 = arith.constant 1 : i32
      %sub3A_1495 = arith.subi %add3A_1493, %sub3A_1494 : i32
      %jit3A_1496 = arith.constant 4 : i32
      %eq3A_1497 = arith.constant 0 : i32
      %eq3A_1498 = arith.cmpi eq, %jit3A_1496, %eq3A_1497 : i32
      %jit3A_1499 = arith.constant 1 : i32
      %select_n3A_1500 = arith.select %eq3A_1498, %jit3A_1499, %jit3A_1496 : i32
      %rem3A_1501 = arith.remsi %sub3A_1495, %select_n3A_1500 : i32
      %ne3A_1502 = arith.constant 0 : i32
      %ne3A_1503 = arith.cmpi ne, %rem3A_1501, %ne3A_1502 : i32
      %lt3A_1504 = arith.constant 0 : i32
      %lt3A_1505 = arith.cmpi slt, %rem3A_1501, %lt3A_1504 : i32
      %lt3A_1506 = arith.constant 0 : i32
      %lt3A_1507 = arith.cmpi slt, %select_n3A_1500, %lt3A_1506 : i32
      %ne3A_1508 = arith.xori %lt3A_1505, %lt3A_1507 : i1
      %and3A_1509 = arith.andi %ne3A_1508, %ne3A_1503 : i1
      %add3A_1510 = arith.addi %rem3A_1501, %select_n3A_1500 : i32
      %select_n3A_1511 = arith.select %and3A_1509, %add3A_1510, %rem3A_1501 : i32
      %add3A_1512 = arith.constant 2 : i32
      %add3A_1513 = arith.addi %select_n3A_1305, %add3A_1512 : i32
      %sub3A_1514 = arith.constant 1 : i32
      %sub3A_1515 = arith.subi %add3A_1513, %sub3A_1514 : i32
      %jit3A_1516 = arith.constant 2 : i32
      %eq3A_1517 = arith.constant 0 : i32
      %eq3A_1518 = arith.cmpi eq, %jit3A_1516, %eq3A_1517 : i32
      %jit3A_1519 = arith.constant 1 : i32
      %select_n3A_1520 = arith.select %eq3A_1518, %jit3A_1519, %jit3A_1516 : i32
      %rem3A_1521 = arith.remsi %sub3A_1515, %select_n3A_1520 : i32
      %ne3A_1522 = arith.constant 0 : i32
      %ne3A_1523 = arith.cmpi ne, %rem3A_1521, %ne3A_1522 : i32
      %lt3A_1524 = arith.constant 0 : i32
      %lt3A_1525 = arith.cmpi slt, %rem3A_1521, %lt3A_1524 : i32
      %lt3A_1526 = arith.constant 0 : i32
      %lt3A_1527 = arith.cmpi slt, %select_n3A_1520, %lt3A_1526 : i32
      %ne3A_1528 = arith.xori %lt3A_1525, %lt3A_1527 : i1
      %and3A_1529 = arith.andi %ne3A_1528, %ne3A_1523 : i1
      %add3A_1530 = arith.addi %rem3A_1521, %select_n3A_1520 : i32
      %select_n3A_1531 = arith.select %and3A_1529, %add3A_1530, %rem3A_1521 : i32
      %dma_start3A_1532 = arith.constant 0 : i32
      %dma_start3A_1533 = arith.constant 0 : i32
      %dma_start3A_1534 = tpu.memref_slice %arg10[%select_n3A_1531, %dma_start3A_1532, %dma_start3A_1533] : memref<2x128x128xf32, #tpu.memory_space<vmem>> -> memref<1x128x128xf32, #tpu.memory_space<vmem>>
      %dma_start3A_1535 = tpu.memref_squeeze %dma_start3A_1534 : memref<1x128x128xf32, #tpu.memory_space<vmem>> -> memref<128x128xf32, #tpu.memory_space<vmem>>
      %dma_start3A_1536 = arith.constant 0 : i32
      %dma_start3A_1537 = tpu.memref_slice %arg9[%select_n3A_1511, %dma_start3A_1536] : memref<4x128xi32, #tpu.memory_space<vmem>> -> memref<1x128xi32, #tpu.memory_space<vmem>>
      %dma_start3A_1538 = tpu.memref_squeeze %dma_start3A_1537 : memref<1x128xi32, #tpu.memory_space<vmem>> -> memref<128xi32, #tpu.memory_space<vmem>>
      %dma_start3A_1539 = arith.constant 0 : i32
      %dma_start3A_1540 = arith.constant 0 : i32
      %dma_start3A_1541 = tpu.memref_slice %arg7[%dma_start3A_1539, %dma_start3A_1540] : memref<10240x128xf32, #tpu.memory_space<vmem_shared>> -> memref<10240x128xf32, #tpu.memory_space<vmem_shared>>
      %dma_start3A_1542 = tpu.memref_slice %arg13[%select_n3A_1511] : memref<4x!tpu.dma_semaphore, #tpu.memory_space<semaphore_mem>> -> memref<1x!tpu.dma_semaphore, #tpu.memory_space<semaphore_mem>>
      %dma_start3A_1543 = tpu.memref_squeeze %dma_start3A_1542 : memref<1x!tpu.dma_semaphore, #tpu.memory_space<semaphore_mem>> -> memref<!tpu.dma_semaphore, #tpu.memory_space<semaphore_mem>>
      tpu.enqueue_indirect_dma source(%dma_start3A_1535 : memref<128x128xf32, #tpu.memory_space<vmem>>) target(%dma_start3A_1541 : memref<10240x128xf32, #tpu.memory_space<vmem_shared>>) offsets(%dma_start3A_1538 : memref<128xi32, #tpu.memory_space<vmem>>) semaphore(%dma_start3A_1543 : memref<!tpu.dma_semaphore, #tpu.memory_space<semaphore_mem>>) {add = true}
    }
    %scan3A_269 = arith.constant 19 : i32
    %dma_wait3A_270 = arith.constant 0 : i32
    %dma_wait3A_271 = arith.constant 0 : i32
    %dma_wait3A_272 = arith.constant 0 : i32
    %dma_wait3A_273 = arith.constant 0 : i32
    %dma_wait3A_274 = arith.constant 0 : i32
    %dma_wait3A_275 = tpu.memref_slice %arg10[%dma_wait3A_270, %dma_wait3A_273, %dma_wait3A_274] : memref<2x128x128xf32, #tpu.memory_space<vmem>> -> memref<1x128x128xf32, #tpu.memory_space<vmem>>
    %dma_wait3A_276 = tpu.memref_squeeze %dma_wait3A_275 : memref<1x128x128xf32, #tpu.memory_space<vmem>> -> memref<128x128xf32, #tpu.memory_space<vmem>>
    %dma_wait3A_277 = arith.constant 0 : i32
    %dma_wait3A_278 = tpu.memref_slice %arg9[%dma_wait3A_271, %dma_wait3A_277] : memref<4x128xi32, #tpu.memory_space<vmem>> -> memref<1x128xi32, #tpu.memory_space<vmem>>
    %dma_wait3A_279 = tpu.memref_squeeze %dma_wait3A_278 : memref<1x128xi32, #tpu.memory_space<vmem>> -> memref<128xi32, #tpu.memory_space<vmem>>
    %dma_wait3A_280 = arith.constant 0 : i32
    %dma_wait3A_281 = arith.constant 0 : i32
    %dma_wait3A_282 = tpu.memref_slice %arg7[%dma_wait3A_280, %dma_wait3A_281] : memref<10240x128xf32, #tpu.memory_space<vmem_shared>> -> memref<10240x128xf32, #tpu.memory_space<vmem_shared>>
    %dma_wait3A_283 = tpu.memref_slice %arg13[%dma_wait3A_272] : memref<4x!tpu.dma_semaphore, #tpu.memory_space<semaphore_mem>> -> memref<1x!tpu.dma_semaphore, #tpu.memory_space<semaphore_mem>>
    %dma_wait3A_284 = tpu.memref_squeeze %dma_wait3A_283 : memref<1x!tpu.dma_semaphore, #tpu.memory_space<semaphore_mem>> -> memref<!tpu.dma_semaphore, #tpu.memory_space<semaphore_mem>>
    tpu.wait_indirect_dma semaphore(%dma_wait3A_284 : memref<!tpu.dma_semaphore, #tpu.memory_space<semaphore_mem>>) src(%dma_wait3A_276 : memref<128x128xf32, #tpu.memory_space<vmem>>) dst(%dma_wait3A_282 : memref<10240x128xf32, #tpu.memory_space<vmem_shared>>)
    %dma_wait3A_285 = arith.constant 78 : i32
    %dma_wait3A_286 = arith.constant 2 : i32
    %dma_wait3A_287 = arith.constant 2 : i32
    %dma_wait3A_288 = arith.constant 0 : i32
    %dma_wait3A_289 = tpu.memref_slice %arg8[%dma_wait3A_286, %dma_wait3A_288] : memref<4x128xi32, #tpu.memory_space<vmem>> -> memref<1x128xi32, #tpu.memory_space<vmem>>
    %dma_wait3A_290 = tpu.memref_squeeze %dma_wait3A_289 : memref<1x128xi32, #tpu.memory_space<vmem>> -> memref<128xi32, #tpu.memory_space<vmem>>
    %dma_wait3A_291 = arith.constant 0 : i32
    %dma_wait3A_292 = tpu.memref_slice %arg3[%add3A, %dma_wait3A_285, %dma_wait3A_291] : memref<32x80x128xi32, #tpu.memory_space<hbm>> -> memref<1x1x128xi32, #tpu.memory_space<hbm>>
    %dma_wait3A_293 = tpu.memref_squeeze %dma_wait3A_292 : memref<1x1x128xi32, #tpu.memory_space<hbm>> -> memref<128xi32, #tpu.memory_space<hbm>>
    %dma_wait3A_294 = tpu.memref_slice %arg11[%dma_wait3A_287] : memref<4x!tpu.dma_semaphore, #tpu.memory_space<semaphore_mem>> -> memref<1x!tpu.dma_semaphore, #tpu.memory_space<semaphore_mem>>
    %dma_wait3A_295 = tpu.memref_squeeze %dma_wait3A_294 : memref<1x!tpu.dma_semaphore, #tpu.memory_space<semaphore_mem>> -> memref<!tpu.dma_semaphore, #tpu.memory_space<semaphore_mem>>
    %dma_wait3A_296 = arith.constant 0 : i32
    %dma_wait3A_297 = tpu.memref_slice %arg8[%dma_wait3A_286, %dma_wait3A_296] : memref<4x128xi32, #tpu.memory_space<vmem>> -> memref<1x128xi32, #tpu.memory_space<vmem>>
    %dma_wait3A_298 = tpu.memref_squeeze %dma_wait3A_297 : memref<1x128xi32, #tpu.memory_space<vmem>> -> memref<128xi32, #tpu.memory_space<vmem>>
    %dma_wait3A_299 = arith.constant 0 : i32
    %dma_wait3A_300 = tpu.memref_slice %arg3[%add3A, %dma_wait3A_285, %dma_wait3A_299] : memref<32x80x128xi32, #tpu.memory_space<hbm>> -> memref<1x1x128xi32, #tpu.memory_space<hbm>>
    %dma_wait3A_301 = tpu.memref_squeeze %dma_wait3A_300 : memref<1x1x128xi32, #tpu.memory_space<hbm>> -> memref<128xi32, #tpu.memory_space<hbm>>
    tpu.wait_dma2 semaphore(%dma_wait3A_295 : memref<!tpu.dma_semaphore, #tpu.memory_space<semaphore_mem>>) src(%dma_wait3A_301 : memref<128xi32, #tpu.memory_space<hbm>>) dst(%dma_wait3A_298 : memref<128xi32, #tpu.memory_space<vmem>>)
    %dma_wait3A_302 = arith.constant 78 : i32
    %dma_wait3A_303 = arith.constant 2 : i32
    %dma_wait3A_304 = arith.constant 2 : i32
    %dma_wait3A_305 = arith.constant 0 : i32
    %dma_wait3A_306 = tpu.memref_slice %arg9[%dma_wait3A_303, %dma_wait3A_305] : memref<4x128xi32, #tpu.memory_space<vmem>> -> memref<1x128xi32, #tpu.memory_space<vmem>>
    %dma_wait3A_307 = tpu.memref_squeeze %dma_wait3A_306 : memref<1x128xi32, #tpu.memory_space<vmem>> -> memref<128xi32, #tpu.memory_space<vmem>>
    %dma_wait3A_308 = arith.constant 0 : i32
    %dma_wait3A_309 = tpu.memref_slice %arg4[%add3A, %dma_wait3A_302, %dma_wait3A_308] : memref<32x80x128xi32, #tpu.memory_space<hbm>> -> memref<1x1x128xi32, #tpu.memory_space<hbm>>
    %dma_wait3A_310 = tpu.memref_squeeze %dma_wait3A_309 : memref<1x1x128xi32, #tpu.memory_space<hbm>> -> memref<128xi32, #tpu.memory_space<hbm>>
    %dma_wait3A_311 = tpu.memref_slice %arg11[%dma_wait3A_304] : memref<4x!tpu.dma_semaphore, #tpu.memory_space<semaphore_mem>> -> memref<1x!tpu.dma_semaphore, #tpu.memory_space<semaphore_mem>>
    %dma_wait3A_312 = tpu.memref_squeeze %dma_wait3A_311 : memref<1x!tpu.dma_semaphore, #tpu.memory_space<semaphore_mem>> -> memref<!tpu.dma_semaphore, #tpu.memory_space<semaphore_mem>>
    %dma_wait3A_313 = arith.constant 0 : i32
    %dma_wait3A_314 = tpu.memref_slice %arg9[%dma_wait3A_303, %dma_wait3A_313] : memref<4x128xi32, #tpu.memory_space<vmem>> -> memref<1x128xi32, #tpu.memory_space<vmem>>
    %dma_wait3A_315 = tpu.memref_squeeze %dma_wait3A_314 : memref<1x128xi32, #tpu.memory_space<vmem>> -> memref<128xi32, #tpu.memory_space<vmem>>
    %dma_wait3A_316 = arith.constant 0 : i32
    %dma_wait3A_317 = tpu.memref_slice %arg4[%add3A, %dma_wait3A_302, %dma_wait3A_316] : memref<32x80x128xi32, #tpu.memory_space<hbm>> -> memref<1x1x128xi32, #tpu.memory_space<hbm>>
    %dma_wait3A_318 = tpu.memref_squeeze %dma_wait3A_317 : memref<1x1x128xi32, #tpu.memory_space<hbm>> -> memref<128xi32, #tpu.memory_space<hbm>>
    tpu.wait_dma2 semaphore(%dma_wait3A_312 : memref<!tpu.dma_semaphore, #tpu.memory_space<semaphore_mem>>) src(%dma_wait3A_318 : memref<128xi32, #tpu.memory_space<hbm>>) dst(%dma_wait3A_315 : memref<128xi32, #tpu.memory_space<vmem>>)
    %dma_start3A_319 = arith.constant 2 : i32
    %dma_start3A_320 = arith.constant 0 : i32
    %dma_start3A_321 = arith.constant 0 : i32
    %dma_start3A_322 = arith.constant 0 : i32
    %dma_start3A_323 = arith.constant 0 : i32
    %dma_start3A_324 = tpu.memref_slice %arg10[%dma_start3A_320, %dma_start3A_322, %dma_start3A_323] : memref<2x128x128xf32, #tpu.memory_space<vmem>> -> memref<1x128x128xf32, #tpu.memory_space<vmem>>
    %dma_start3A_325 = tpu.memref_squeeze %dma_start3A_324 : memref<1x128x128xf32, #tpu.memory_space<vmem>> -> memref<128x128xf32, #tpu.memory_space<vmem>>
    %dma_start3A_326 = arith.constant 0 : i32
    %dma_start3A_327 = tpu.memref_slice %arg8[%dma_start3A_319, %dma_start3A_326] : memref<4x128xi32, #tpu.memory_space<vmem>> -> memref<1x128xi32, #tpu.memory_space<vmem>>
    %dma_start3A_328 = tpu.memref_squeeze %dma_start3A_327 : memref<1x128xi32, #tpu.memory_space<vmem>> -> memref<128xi32, #tpu.memory_space<vmem>>
    %dma_start3A_329 = arith.constant 0 : i32
    %dma_start3A_330 = arith.constant 0 : i32
    %dma_start3A_331 = tpu.memref_slice %arg2[%dma_start3A_329, %dma_start3A_330] : memref<10000x128xf32, #tpu.memory_space<hbm>> -> memref<10000x128xf32, #tpu.memory_space<hbm>>
    %dma_start3A_332 = tpu.memref_slice %arg12[%dma_start3A_321] : memref<2x!tpu.dma_semaphore, #tpu.memory_space<semaphore_mem>> -> memref<1x!tpu.dma_semaphore, #tpu.memory_space<semaphore_mem>>
    %dma_start3A_333 = tpu.memref_squeeze %dma_start3A_332 : memref<1x!tpu.dma_semaphore, #tpu.memory_space<semaphore_mem>> -> memref<!tpu.dma_semaphore, #tpu.memory_space<semaphore_mem>>
    tpu.enqueue_indirect_dma source(%dma_start3A_331 : memref<10000x128xf32, #tpu.memory_space<hbm>>) target(%dma_start3A_325 : memref<128x128xf32, #tpu.memory_space<vmem>>) offsets(%dma_start3A_328 : memref<128xi32, #tpu.memory_space<vmem>>) semaphore(%dma_start3A_333 : memref<!tpu.dma_semaphore, #tpu.memory_space<semaphore_mem>>)
    %dma_wait3A_334 = arith.constant 1 : i32
    %dma_wait3A_335 = arith.constant 1 : i32
    %dma_wait3A_336 = arith.constant 1 : i32
    %dma_wait3A_337 = arith.constant 0 : i32
    %dma_wait3A_338 = arith.constant 0 : i32
    %dma_wait3A_339 = tpu.memref_slice %arg10[%dma_wait3A_335, %dma_wait3A_337, %dma_wait3A_338] : memref<2x128x128xf32, #tpu.memory_space<vmem>> -> memref<1x128x128xf32, #tpu.memory_space<vmem>>
    %dma_wait3A_340 = tpu.memref_squeeze %dma_wait3A_339 : memref<1x128x128xf32, #tpu.memory_space<vmem>> -> memref<128x128xf32, #tpu.memory_space<vmem>>
    %dma_wait3A_341 = arith.constant 0 : i32
    %dma_wait3A_342 = tpu.memref_slice %arg8[%dma_wait3A_334, %dma_wait3A_341] : memref<4x128xi32, #tpu.memory_space<vmem>> -> memref<1x128xi32, #tpu.memory_space<vmem>>
    %dma_wait3A_343 = tpu.memref_squeeze %dma_wait3A_342 : memref<1x128xi32, #tpu.memory_space<vmem>> -> memref<128xi32, #tpu.memory_space<vmem>>
    %dma_wait3A_344 = arith.constant 0 : i32
    %dma_wait3A_345 = arith.constant 0 : i32
    %dma_wait3A_346 = tpu.memref_slice %arg2[%dma_wait3A_344, %dma_wait3A_345] : memref<10000x128xf32, #tpu.memory_space<hbm>> -> memref<10000x128xf32, #tpu.memory_space<hbm>>
    %dma_wait3A_347 = tpu.memref_slice %arg12[%dma_wait3A_336] : memref<2x!tpu.dma_semaphore, #tpu.memory_space<semaphore_mem>> -> memref<1x!tpu.dma_semaphore, #tpu.memory_space<semaphore_mem>>
    %dma_wait3A_348 = tpu.memref_squeeze %dma_wait3A_347 : memref<1x!tpu.dma_semaphore, #tpu.memory_space<semaphore_mem>> -> memref<!tpu.dma_semaphore, #tpu.memory_space<semaphore_mem>>
    tpu.wait_indirect_dma semaphore(%dma_wait3A_348 : memref<!tpu.dma_semaphore, #tpu.memory_space<semaphore_mem>>) src(%dma_wait3A_346 : memref<10000x128xf32, #tpu.memory_space<hbm>>) dst(%dma_wait3A_340 : memref<128x128xf32, #tpu.memory_space<vmem>>)
    %dma_start3A_349 = arith.constant 1 : i32
    %dma_start3A_350 = arith.constant 1 : i32
    %dma_start3A_351 = arith.constant 1 : i32
    %dma_start3A_352 = arith.constant 0 : i32
    %dma_start3A_353 = arith.constant 0 : i32
    %dma_start3A_354 = tpu.memref_slice %arg10[%dma_start3A_349, %dma_start3A_352, %dma_start3A_353] : memref<2x128x128xf32, #tpu.memory_space<vmem>> -> memref<1x128x128xf32, #tpu.memory_space<vmem>>
    %dma_start3A_355 = tpu.memref_squeeze %dma_start3A_354 : memref<1x128x128xf32, #tpu.memory_space<vmem>> -> memref<128x128xf32, #tpu.memory_space<vmem>>
    %dma_start3A_356 = arith.constant 0 : i32
    %dma_start3A_357 = tpu.memref_slice %arg9[%dma_start3A_350, %dma_start3A_356] : memref<4x128xi32, #tpu.memory_space<vmem>> -> memref<1x128xi32, #tpu.memory_space<vmem>>
    %dma_start3A_358 = tpu.memref_squeeze %dma_start3A_357 : memref<1x128xi32, #tpu.memory_space<vmem>> -> memref<128xi32, #tpu.memory_space<vmem>>
    %dma_start3A_359 = arith.constant 0 : i32
    %dma_start3A_360 = arith.constant 0 : i32
    %dma_start3A_361 = tpu.memref_slice %arg7[%dma_start3A_359, %dma_start3A_360] : memref<10240x128xf32, #tpu.memory_space<vmem_shared>> -> memref<10240x128xf32, #tpu.memory_space<vmem_shared>>
    %dma_start3A_362 = tpu.memref_slice %arg13[%dma_start3A_351] : memref<4x!tpu.dma_semaphore, #tpu.memory_space<semaphore_mem>> -> memref<1x!tpu.dma_semaphore, #tpu.memory_space<semaphore_mem>>
    %dma_start3A_363 = tpu.memref_squeeze %dma_start3A_362 : memref<1x!tpu.dma_semaphore, #tpu.memory_space<semaphore_mem>> -> memref<!tpu.dma_semaphore, #tpu.memory_space<semaphore_mem>>
    tpu.enqueue_indirect_dma source(%dma_start3A_355 : memref<128x128xf32, #tpu.memory_space<vmem>>) target(%dma_start3A_361 : memref<10240x128xf32, #tpu.memory_space<vmem_shared>>) offsets(%dma_start3A_358 : memref<128xi32, #tpu.memory_space<vmem>>) semaphore(%dma_start3A_363 : memref<!tpu.dma_semaphore, #tpu.memory_space<semaphore_mem>>) {add = true}
    %dma_wait3A_364 = arith.constant 1 : i32
    %dma_wait3A_365 = arith.constant 1 : i32
    %dma_wait3A_366 = arith.constant 1 : i32
    %dma_wait3A_367 = arith.constant 0 : i32
    %dma_wait3A_368 = arith.constant 0 : i32
    %dma_wait3A_369 = tpu.memref_slice %arg10[%dma_wait3A_364, %dma_wait3A_367, %dma_wait3A_368] : memref<2x128x128xf32, #tpu.memory_space<vmem>> -> memref<1x128x128xf32, #tpu.memory_space<vmem>>
    %dma_wait3A_370 = tpu.memref_squeeze %dma_wait3A_369 : memref<1x128x128xf32, #tpu.memory_space<vmem>> -> memref<128x128xf32, #tpu.memory_space<vmem>>
    %dma_wait3A_371 = arith.constant 0 : i32
    %dma_wait3A_372 = tpu.memref_slice %arg9[%dma_wait3A_365, %dma_wait3A_371] : memref<4x128xi32, #tpu.memory_space<vmem>> -> memref<1x128xi32, #tpu.memory_space<vmem>>
    %dma_wait3A_373 = tpu.memref_squeeze %dma_wait3A_372 : memref<1x128xi32, #tpu.memory_space<vmem>> -> memref<128xi32, #tpu.memory_space<vmem>>
    %dma_wait3A_374 = arith.constant 0 : i32
    %dma_wait3A_375 = arith.constant 0 : i32
    %dma_wait3A_376 = tpu.memref_slice %arg7[%dma_wait3A_374, %dma_wait3A_375] : memref<10240x128xf32, #tpu.memory_space<vmem_shared>> -> memref<10240x128xf32, #tpu.memory_space<vmem_shared>>
    %dma_wait3A_377 = tpu.memref_slice %arg13[%dma_wait3A_366] : memref<4x!tpu.dma_semaphore, #tpu.memory_space<semaphore_mem>> -> memref<1x!tpu.dma_semaphore, #tpu.memory_space<semaphore_mem>>
    %dma_wait3A_378 = tpu.memref_squeeze %dma_wait3A_377 : memref<1x!tpu.dma_semaphore, #tpu.memory_space<semaphore_mem>> -> memref<!tpu.dma_semaphore, #tpu.memory_space<semaphore_mem>>
    tpu.wait_indirect_dma semaphore(%dma_wait3A_378 : memref<!tpu.dma_semaphore, #tpu.memory_space<semaphore_mem>>) src(%dma_wait3A_370 : memref<128x128xf32, #tpu.memory_space<vmem>>) dst(%dma_wait3A_376 : memref<10240x128xf32, #tpu.memory_space<vmem_shared>>)
    %dma_wait3A_379 = arith.constant 79 : i32
    %dma_wait3A_380 = arith.constant 3 : i32
    %dma_wait3A_381 = arith.constant 3 : i32
    %dma_wait3A_382 = arith.constant 0 : i32
    %dma_wait3A_383 = tpu.memref_slice %arg8[%dma_wait3A_380, %dma_wait3A_382] : memref<4x128xi32, #tpu.memory_space<vmem>> -> memref<1x128xi32, #tpu.memory_space<vmem>>
    %dma_wait3A_384 = tpu.memref_squeeze %dma_wait3A_383 : memref<1x128xi32, #tpu.memory_space<vmem>> -> memref<128xi32, #tpu.memory_space<vmem>>
    %dma_wait3A_385 = arith.constant 0 : i32
    %dma_wait3A_386 = tpu.memref_slice %arg3[%add3A, %dma_wait3A_379, %dma_wait3A_385] : memref<32x80x128xi32, #tpu.memory_space<hbm>> -> memref<1x1x128xi32, #tpu.memory_space<hbm>>
    %dma_wait3A_387 = tpu.memref_squeeze %dma_wait3A_386 : memref<1x1x128xi32, #tpu.memory_space<hbm>> -> memref<128xi32, #tpu.memory_space<hbm>>
    %dma_wait3A_388 = tpu.memref_slice %arg11[%dma_wait3A_381] : memref<4x!tpu.dma_semaphore, #tpu.memory_space<semaphore_mem>> -> memref<1x!tpu.dma_semaphore, #tpu.memory_space<semaphore_mem>>
    %dma_wait3A_389 = tpu.memref_squeeze %dma_wait3A_388 : memref<1x!tpu.dma_semaphore, #tpu.memory_space<semaphore_mem>> -> memref<!tpu.dma_semaphore, #tpu.memory_space<semaphore_mem>>
    %dma_wait3A_390 = arith.constant 0 : i32
    %dma_wait3A_391 = tpu.memref_slice %arg8[%dma_wait3A_380, %dma_wait3A_390] : memref<4x128xi32, #tpu.memory_space<vmem>> -> memref<1x128xi32, #tpu.memory_space<vmem>>
    %dma_wait3A_392 = tpu.memref_squeeze %dma_wait3A_391 : memref<1x128xi32, #tpu.memory_space<vmem>> -> memref<128xi32, #tpu.memory_space<vmem>>
    %dma_wait3A_393 = arith.constant 0 : i32
    %dma_wait3A_394 = tpu.memref_slice %arg3[%add3A, %dma_wait3A_379, %dma_wait3A_393] : memref<32x80x128xi32, #tpu.memory_space<hbm>> -> memref<1x1x128xi32, #tpu.memory_space<hbm>>
    %dma_wait3A_395 = tpu.memref_squeeze %dma_wait3A_394 : memref<1x1x128xi32, #tpu.memory_space<hbm>> -> memref<128xi32, #tpu.memory_space<hbm>>
    tpu.wait_dma2 semaphore(%dma_wait3A_389 : memref<!tpu.dma_semaphore, #tpu.memory_space<semaphore_mem>>) src(%dma_wait3A_395 : memref<128xi32, #tpu.memory_space<hbm>>) dst(%dma_wait3A_392 : memref<128xi32, #tpu.memory_space<vmem>>)
    %dma_wait3A_396 = arith.constant 79 : i32
    %dma_wait3A_397 = arith.constant 3 : i32
    %dma_wait3A_398 = arith.constant 3 : i32
    %dma_wait3A_399 = arith.constant 0 : i32
    %dma_wait3A_400 = tpu.memref_slice %arg9[%dma_wait3A_397, %dma_wait3A_399] : memref<4x128xi32, #tpu.memory_space<vmem>> -> memref<1x128xi32, #tpu.memory_space<vmem>>
    %dma_wait3A_401 = tpu.memref_squeeze %dma_wait3A_400 : memref<1x128xi32, #tpu.memory_space<vmem>> -> memref<128xi32, #tpu.memory_space<vmem>>
    %dma_wait3A_402 = arith.constant 0 : i32
    %dma_wait3A_403 = tpu.memref_slice %arg4[%add3A, %dma_wait3A_396, %dma_wait3A_402] : memref<32x80x128xi32, #tpu.memory_space<hbm>> -> memref<1x1x128xi32, #tpu.memory_space<hbm>>
    %dma_wait3A_404 = tpu.memref_squeeze %dma_wait3A_403 : memref<1x1x128xi32, #tpu.memory_space<hbm>> -> memref<128xi32, #tpu.memory_space<hbm>>
    %dma_wait3A_405 = tpu.memref_slice %arg11[%dma_wait3A_398] : memref<4x!tpu.dma_semaphore, #tpu.memory_space<semaphore_mem>> -> memref<1x!tpu.dma_semaphore, #tpu.memory_space<semaphore_mem>>
    %dma_wait3A_406 = tpu.memref_squeeze %dma_wait3A_405 : memref<1x!tpu.dma_semaphore, #tpu.memory_space<semaphore_mem>> -> memref<!tpu.dma_semaphore, #tpu.memory_space<semaphore_mem>>
    %dma_wait3A_407 = arith.constant 0 : i32
    %dma_wait3A_408 = tpu.memref_slice %arg9[%dma_wait3A_397, %dma_wait3A_407] : memref<4x128xi32, #tpu.memory_space<vmem>> -> memref<1x128xi32, #tpu.memory_space<vmem>>
    %dma_wait3A_409 = tpu.memref_squeeze %dma_wait3A_408 : memref<1x128xi32, #tpu.memory_space<vmem>> -> memref<128xi32, #tpu.memory_space<vmem>>
    %dma_wait3A_410 = arith.constant 0 : i32
    %dma_wait3A_411 = tpu.memref_slice %arg4[%add3A, %dma_wait3A_396, %dma_wait3A_410] : memref<32x80x128xi32, #tpu.memory_space<hbm>> -> memref<1x1x128xi32, #tpu.memory_space<hbm>>
    %dma_wait3A_412 = tpu.memref_squeeze %dma_wait3A_411 : memref<1x1x128xi32, #tpu.memory_space<hbm>> -> memref<128xi32, #tpu.memory_space<hbm>>
    tpu.wait_dma2 semaphore(%dma_wait3A_406 : memref<!tpu.dma_semaphore, #tpu.memory_space<semaphore_mem>>) src(%dma_wait3A_412 : memref<128xi32, #tpu.memory_space<hbm>>) dst(%dma_wait3A_409 : memref<128xi32, #tpu.memory_space<vmem>>)
    %dma_start3A_413 = arith.constant 3 : i32
    %dma_start3A_414 = arith.constant 1 : i32
    %dma_start3A_415 = arith.constant 1 : i32
    %dma_start3A_416 = arith.constant 0 : i32
    %dma_start3A_417 = arith.constant 0 : i32
    %dma_start3A_418 = tpu.memref_slice %arg10[%dma_start3A_414, %dma_start3A_416, %dma_start3A_417] : memref<2x128x128xf32, #tpu.memory_space<vmem>> -> memref<1x128x128xf32, #tpu.memory_space<vmem>>
    %dma_start3A_419 = tpu.memref_squeeze %dma_start3A_418 : memref<1x128x128xf32, #tpu.memory_space<vmem>> -> memref<128x128xf32, #tpu.memory_space<vmem>>
    %dma_start3A_420 = arith.constant 0 : i32
    %dma_start3A_421 = tpu.memref_slice %arg8[%dma_start3A_413, %dma_start3A_420] : memref<4x128xi32, #tpu.memory_space<vmem>> -> memref<1x128xi32, #tpu.memory_space<vmem>>
    %dma_start3A_422 = tpu.memref_squeeze %dma_start3A_421 : memref<1x128xi32, #tpu.memory_space<vmem>> -> memref<128xi32, #tpu.memory_space<vmem>>
    %dma_start3A_423 = arith.constant 0 : i32
    %dma_start3A_424 = arith.constant 0 : i32
    %dma_start3A_425 = tpu.memref_slice %arg2[%dma_start3A_423, %dma_start3A_424] : memref<10000x128xf32, #tpu.memory_space<hbm>> -> memref<10000x128xf32, #tpu.memory_space<hbm>>
    %dma_start3A_426 = tpu.memref_slice %arg12[%dma_start3A_415] : memref<2x!tpu.dma_semaphore, #tpu.memory_space<semaphore_mem>> -> memref<1x!tpu.dma_semaphore, #tpu.memory_space<semaphore_mem>>
    %dma_start3A_427 = tpu.memref_squeeze %dma_start3A_426 : memref<1x!tpu.dma_semaphore, #tpu.memory_space<semaphore_mem>> -> memref<!tpu.dma_semaphore, #tpu.memory_space<semaphore_mem>>
    tpu.enqueue_indirect_dma source(%dma_start3A_425 : memref<10000x128xf32, #tpu.memory_space<hbm>>) target(%dma_start3A_419 : memref<128x128xf32, #tpu.memory_space<vmem>>) offsets(%dma_start3A_422 : memref<128xi32, #tpu.memory_space<vmem>>) semaphore(%dma_start3A_427 : memref<!tpu.dma_semaphore, #tpu.memory_space<semaphore_mem>>)
    %dma_wait3A_428 = arith.constant 2 : i32
    %dma_wait3A_429 = arith.constant 0 : i32
    %dma_wait3A_430 = arith.constant 0 : i32
    %dma_wait3A_431 = arith.constant 0 : i32
    %dma_wait3A_432 = arith.constant 0 : i32
    %dma_wait3A_433 = tpu.memref_slice %arg10[%dma_wait3A_429, %dma_wait3A_431, %dma_wait3A_432] : memref<2x128x128xf32, #tpu.memory_space<vmem>> -> memref<1x128x128xf32, #tpu.memory_space<vmem>>
    %dma_wait3A_434 = tpu.memref_squeeze %dma_wait3A_433 : memref<1x128x128xf32, #tpu.memory_space<vmem>> -> memref<128x128xf32, #tpu.memory_space<vmem>>
    %dma_wait3A_435 = arith.constant 0 : i32
    %dma_wait3A_436 = tpu.memref_slice %arg8[%dma_wait3A_428, %dma_wait3A_435] : memref<4x128xi32, #tpu.memory_space<vmem>> -> memref<1x128xi32, #tpu.memory_space<vmem>>
    %dma_wait3A_437 = tpu.memref_squeeze %dma_wait3A_436 : memref<1x128xi32, #tpu.memory_space<vmem>> -> memref<128xi32, #tpu.memory_space<vmem>>
    %dma_wait3A_438 = arith.constant 0 : i32
    %dma_wait3A_439 = arith.constant 0 : i32
    %dma_wait3A_440 = tpu.memref_slice %arg2[%dma_wait3A_438, %dma_wait3A_439] : memref<10000x128xf32, #tpu.memory_space<hbm>> -> memref<10000x128xf32, #tpu.memory_space<hbm>>
    %dma_wait3A_441 = tpu.memref_slice %arg12[%dma_wait3A_430] : memref<2x!tpu.dma_semaphore, #tpu.memory_space<semaphore_mem>> -> memref<1x!tpu.dma_semaphore, #tpu.memory_space<semaphore_mem>>
    %dma_wait3A_442 = tpu.memref_squeeze %dma_wait3A_441 : memref<1x!tpu.dma_semaphore, #tpu.memory_space<semaphore_mem>> -> memref<!tpu.dma_semaphore, #tpu.memory_space<semaphore_mem>>
    tpu.wait_indirect_dma semaphore(%dma_wait3A_442 : memref<!tpu.dma_semaphore, #tpu.memory_space<semaphore_mem>>) src(%dma_wait3A_440 : memref<10000x128xf32, #tpu.memory_space<hbm>>) dst(%dma_wait3A_434 : memref<128x128xf32, #tpu.memory_space<vmem>>)
    %dma_start3A_443 = arith.constant 0 : i32
    %dma_start3A_444 = arith.constant 2 : i32
    %dma_start3A_445 = arith.constant 2 : i32
    %dma_start3A_446 = arith.constant 0 : i32
    %dma_start3A_447 = arith.constant 0 : i32
    %dma_start3A_448 = tpu.memref_slice %arg10[%dma_start3A_443, %dma_start3A_446, %dma_start3A_447] : memref<2x128x128xf32, #tpu.memory_space<vmem>> -> memref<1x128x128xf32, #tpu.memory_space<vmem>>
    %dma_start3A_449 = tpu.memref_squeeze %dma_start3A_448 : memref<1x128x128xf32, #tpu.memory_space<vmem>> -> memref<128x128xf32, #tpu.memory_space<vmem>>
    %dma_start3A_450 = arith.constant 0 : i32
    %dma_start3A_451 = tpu.memref_slice %arg9[%dma_start3A_444, %dma_start3A_450] : memref<4x128xi32, #tpu.memory_space<vmem>> -> memref<1x128xi32, #tpu.memory_space<vmem>>
    %dma_start3A_452 = tpu.memref_squeeze %dma_start3A_451 : memref<1x128xi32, #tpu.memory_space<vmem>> -> memref<128xi32, #tpu.memory_space<vmem>>
    %dma_start3A_453 = arith.constant 0 : i32
    %dma_start3A_454 = arith.constant 0 : i32
    %dma_start3A_455 = tpu.memref_slice %arg7[%dma_start3A_453, %dma_start3A_454] : memref<10240x128xf32, #tpu.memory_space<vmem_shared>> -> memref<10240x128xf32, #tpu.memory_space<vmem_shared>>
    %dma_start3A_456 = tpu.memref_slice %arg13[%dma_start3A_445] : memref<4x!tpu.dma_semaphore, #tpu.memory_space<semaphore_mem>> -> memref<1x!tpu.dma_semaphore, #tpu.memory_space<semaphore_mem>>
    %dma_start3A_457 = tpu.memref_squeeze %dma_start3A_456 : memref<1x!tpu.dma_semaphore, #tpu.memory_space<semaphore_mem>> -> memref<!tpu.dma_semaphore, #tpu.memory_space<semaphore_mem>>
    tpu.enqueue_indirect_dma source(%dma_start3A_449 : memref<128x128xf32, #tpu.memory_space<vmem>>) target(%dma_start3A_455 : memref<10240x128xf32, #tpu.memory_space<vmem_shared>>) offsets(%dma_start3A_452 : memref<128xi32, #tpu.memory_space<vmem>>) semaphore(%dma_start3A_457 : memref<!tpu.dma_semaphore, #tpu.memory_space<semaphore_mem>>) {add = true}
    %dma_wait3A_458 = arith.constant 3 : i32
    %dma_wait3A_459 = arith.constant 1 : i32
    %dma_wait3A_460 = arith.constant 1 : i32
    %dma_wait3A_461 = arith.constant 0 : i32
    %dma_wait3A_462 = arith.constant 0 : i32
    %dma_wait3A_463 = tpu.memref_slice %arg10[%dma_wait3A_459, %dma_wait3A_461, %dma_wait3A_462] : memref<2x128x128xf32, #tpu.memory_space<vmem>> -> memref<1x128x128xf32, #tpu.memory_space<vmem>>
    %dma_wait3A_464 = tpu.memref_squeeze %dma_wait3A_463 : memref<1x128x128xf32, #tpu.memory_space<vmem>> -> memref<128x128xf32, #tpu.memory_space<vmem>>
    %dma_wait3A_465 = arith.constant 0 : i32
    %dma_wait3A_466 = tpu.memref_slice %arg8[%dma_wait3A_458, %dma_wait3A_465] : memref<4x128xi32, #tpu.memory_space<vmem>> -> memref<1x128xi32, #tpu.memory_space<vmem>>
    %dma_wait3A_467 = tpu.memref_squeeze %dma_wait3A_466 : memref<1x128xi32, #tpu.memory_space<vmem>> -> memref<128xi32, #tpu.memory_space<vmem>>
    %dma_wait3A_468 = arith.constant 0 : i32
    %dma_wait3A_469 = arith.constant 0 : i32
    %dma_wait3A_470 = tpu.memref_slice %arg2[%dma_wait3A_468, %dma_wait3A_469] : memref<10000x128xf32, #tpu.memory_space<hbm>> -> memref<10000x128xf32, #tpu.memory_space<hbm>>
    %dma_wait3A_471 = tpu.memref_slice %arg12[%dma_wait3A_460] : memref<2x!tpu.dma_semaphore, #tpu.memory_space<semaphore_mem>> -> memref<1x!tpu.dma_semaphore, #tpu.memory_space<semaphore_mem>>
    %dma_wait3A_472 = tpu.memref_squeeze %dma_wait3A_471 : memref<1x!tpu.dma_semaphore, #tpu.memory_space<semaphore_mem>> -> memref<!tpu.dma_semaphore, #tpu.memory_space<semaphore_mem>>
    tpu.wait_indirect_dma semaphore(%dma_wait3A_472 : memref<!tpu.dma_semaphore, #tpu.memory_space<semaphore_mem>>) src(%dma_wait3A_470 : memref<10000x128xf32, #tpu.memory_space<hbm>>) dst(%dma_wait3A_464 : memref<128x128xf32, #tpu.memory_space<vmem>>)
    %dma_start3A_473 = arith.constant 1 : i32
    %dma_start3A_474 = arith.constant 3 : i32
    %dma_start3A_475 = arith.constant 3 : i32
    %dma_start3A_476 = arith.constant 0 : i32
    %dma_start3A_477 = arith.constant 0 : i32
    %dma_start3A_478 = tpu.memref_slice %arg10[%dma_start3A_473, %dma_start3A_476, %dma_start3A_477] : memref<2x128x128xf32, #tpu.memory_space<vmem>> -> memref<1x128x128xf32, #tpu.memory_space<vmem>>
    %dma_start3A_479 = tpu.memref_squeeze %dma_start3A_478 : memref<1x128x128xf32, #tpu.memory_space<vmem>> -> memref<128x128xf32, #tpu.memory_space<vmem>>
    %dma_start3A_480 = arith.constant 0 : i32
    %dma_start3A_481 = tpu.memref_slice %arg9[%dma_start3A_474, %dma_start3A_480] : memref<4x128xi32, #tpu.memory_space<vmem>> -> memref<1x128xi32, #tpu.memory_space<vmem>>
    %dma_start3A_482 = tpu.memref_squeeze %dma_start3A_481 : memref<1x128xi32, #tpu.memory_space<vmem>> -> memref<128xi32, #tpu.memory_space<vmem>>
    %dma_start3A_483 = arith.constant 0 : i32
    %dma_start3A_484 = arith.constant 0 : i32
    %dma_start3A_485 = tpu.memref_slice %arg7[%dma_start3A_483, %dma_start3A_484] : memref<10240x128xf32, #tpu.memory_space<vmem_shared>> -> memref<10240x128xf32, #tpu.memory_space<vmem_shared>>
    %dma_start3A_486 = tpu.memref_slice %arg13[%dma_start3A_475] : memref<4x!tpu.dma_semaphore, #tpu.memory_space<semaphore_mem>> -> memref<1x!tpu.dma_semaphore, #tpu.memory_space<semaphore_mem>>
    %dma_start3A_487 = tpu.memref_squeeze %dma_start3A_486 : memref<1x!tpu.dma_semaphore, #tpu.memory_space<semaphore_mem>> -> memref<!tpu.dma_semaphore, #tpu.memory_space<semaphore_mem>>
    tpu.enqueue_indirect_dma source(%dma_start3A_479 : memref<128x128xf32, #tpu.memory_space<vmem>>) target(%dma_start3A_485 : memref<10240x128xf32, #tpu.memory_space<vmem_shared>>) offsets(%dma_start3A_482 : memref<128xi32, #tpu.memory_space<vmem>>) semaphore(%dma_start3A_487 : memref<!tpu.dma_semaphore, #tpu.memory_space<semaphore_mem>>) {add = true}
    %dma_wait3A_488 = arith.constant 0 : i32
    %dma_wait3A_489 = arith.constant 2 : i32
    %dma_wait3A_490 = arith.constant 2 : i32
    %dma_wait3A_491 = arith.constant 0 : i32
    %dma_wait3A_492 = arith.constant 0 : i32
    %dma_wait3A_493 = tpu.memref_slice %arg10[%dma_wait3A_488, %dma_wait3A_491, %dma_wait3A_492] : memref<2x128x128xf32, #tpu.memory_space<vmem>> -> memref<1x128x128xf32, #tpu.memory_space<vmem>>
    %dma_wait3A_494 = tpu.memref_squeeze %dma_wait3A_493 : memref<1x128x128xf32, #tpu.memory_space<vmem>> -> memref<128x128xf32, #tpu.memory_space<vmem>>
    %dma_wait3A_495 = arith.constant 0 : i32
    %dma_wait3A_496 = tpu.memref_slice %arg9[%dma_wait3A_489, %dma_wait3A_495] : memref<4x128xi32, #tpu.memory_space<vmem>> -> memref<1x128xi32, #tpu.memory_space<vmem>>
    %dma_wait3A_497 = tpu.memref_squeeze %dma_wait3A_496 : memref<1x128xi32, #tpu.memory_space<vmem>> -> memref<128xi32, #tpu.memory_space<vmem>>
    %dma_wait3A_498 = arith.constant 0 : i32
    %dma_wait3A_499 = arith.constant 0 : i32
    %dma_wait3A_500 = tpu.memref_slice %arg7[%dma_wait3A_498, %dma_wait3A_499] : memref<10240x128xf32, #tpu.memory_space<vmem_shared>> -> memref<10240x128xf32, #tpu.memory_space<vmem_shared>>
    %dma_wait3A_501 = tpu.memref_slice %arg13[%dma_wait3A_490] : memref<4x!tpu.dma_semaphore, #tpu.memory_space<semaphore_mem>> -> memref<1x!tpu.dma_semaphore, #tpu.memory_space<semaphore_mem>>
    %dma_wait3A_502 = tpu.memref_squeeze %dma_wait3A_501 : memref<1x!tpu.dma_semaphore, #tpu.memory_space<semaphore_mem>> -> memref<!tpu.dma_semaphore, #tpu.memory_space<semaphore_mem>>
    tpu.wait_indirect_dma semaphore(%dma_wait3A_502 : memref<!tpu.dma_semaphore, #tpu.memory_space<semaphore_mem>>) src(%dma_wait3A_494 : memref<128x128xf32, #tpu.memory_space<vmem>>) dst(%dma_wait3A_500 : memref<10240x128xf32, #tpu.memory_space<vmem_shared>>)
    %dma_wait3A_503 = arith.constant 1 : i32
    %dma_wait3A_504 = arith.constant 3 : i32
    %dma_wait3A_505 = arith.constant 3 : i32
    %dma_wait3A_506 = arith.constant 0 : i32
    %dma_wait3A_507 = arith.constant 0 : i32
    %dma_wait3A_508 = tpu.memref_slice %arg10[%dma_wait3A_503, %dma_wait3A_506, %dma_wait3A_507] : memref<2x128x128xf32, #tpu.memory_space<vmem>> -> memref<1x128x128xf32, #tpu.memory_space<vmem>>
    %dma_wait3A_509 = tpu.memref_squeeze %dma_wait3A_508 : memref<1x128x128xf32, #tpu.memory_space<vmem>> -> memref<128x128xf32, #tpu.memory_space<vmem>>
    %dma_wait3A_510 = arith.constant 0 : i32
    %dma_wait3A_511 = tpu.memref_slice %arg9[%dma_wait3A_504, %dma_wait3A_510] : memref<4x128xi32, #tpu.memory_space<vmem>> -> memref<1x128xi32, #tpu.memory_space<vmem>>
    %dma_wait3A_512 = tpu.memref_squeeze %dma_wait3A_511 : memref<1x128xi32, #tpu.memory_space<vmem>> -> memref<128xi32, #tpu.memory_space<vmem>>
    %dma_wait3A_513 = arith.constant 0 : i32
    %dma_wait3A_514 = arith.constant 0 : i32
    %dma_wait3A_515 = tpu.memref_slice %arg7[%dma_wait3A_513, %dma_wait3A_514] : memref<10240x128xf32, #tpu.memory_space<vmem_shared>> -> memref<10240x128xf32, #tpu.memory_space<vmem_shared>>
    %dma_wait3A_516 = tpu.memref_slice %arg13[%dma_wait3A_505] : memref<4x!tpu.dma_semaphore, #tpu.memory_space<semaphore_mem>> -> memref<1x!tpu.dma_semaphore, #tpu.memory_space<semaphore_mem>>
    %dma_wait3A_517 = tpu.memref_squeeze %dma_wait3A_516 : memref<1x!tpu.dma_semaphore, #tpu.memory_space<semaphore_mem>> -> memref<!tpu.dma_semaphore, #tpu.memory_space<semaphore_mem>>
    tpu.wait_indirect_dma semaphore(%dma_wait3A_517 : memref<!tpu.dma_semaphore, #tpu.memory_space<semaphore_mem>>) src(%dma_wait3A_509 : memref<128x128xf32, #tpu.memory_space<vmem>>) dst(%dma_wait3A_515 : memref<10240x128xf32, #tpu.memory_space<vmem_shared>>)
    %barrier3A_518 = arith.constant 0 : index
    tpu.barrier barrier_id(%barrier3A_518)
    %mul3A_519 = arith.constant 640 : i32
    %mul3A_520 = arith.muli %arg1, %mul3A_519 : i32
    %mul3A_521 = arith.constant 640 : i32
    %mul3A_522 = arith.muli %arg1, %mul3A_521 : i32
    "tpu.region"() ({
      %run_scoped3A = tpu.sem_alloc : memref<!tpu.dma_semaphore, #tpu.memory_space<semaphore_mem>>
      %dma_start3A_523 = arith.constant 0 : i32
      %dma_start3A_524 = arith.constant 0 : i32
      %dma_start3A_525 = tpu.memref_slice %arg6[%arg0, %dma_start3A_523, %dma_start3A_524] : memref<2x10240x128xf32, #tpu.memory_space<hbm>> -> memref<1x10240x128xf32, #tpu.memory_space<hbm>>
      %dma_start3A_526 = tpu.memref_squeeze %dma_start3A_525 : memref<1x10240x128xf32, #tpu.memory_space<hbm>> -> memref<10240x128xf32, #tpu.memory_space<hbm>>
      %dma_start3A_527 = arith.constant 0 : i32
      %dma_start3A_528 = tpu.memref_slice %dma_start3A_526[%mul3A_522, %dma_start3A_527] : memref<10240x128xf32, #tpu.memory_space<hbm>> -> memref<640x128xf32, #tpu.memory_space<hbm>>
      %dma_start3A_529 = arith.constant 0 : i32
      %dma_start3A_530 = tpu.memref_slice %arg7[%mul3A_520, %dma_start3A_529] : memref<10240x128xf32, #tpu.memory_space<vmem_shared>> -> memref<640x128xf32, #tpu.memory_space<vmem_shared>>
      tpu.enqueue_dma source(%dma_start3A_530 : memref<640x128xf32, #tpu.memory_space<vmem_shared>>) target(%dma_start3A_528 : memref<640x128xf32, #tpu.memory_space<hbm>>) target_semaphore(%run_scoped3A : memref<!tpu.dma_semaphore, #tpu.memory_space<semaphore_mem>>)
      %dma_wait3A_531 = arith.constant 0 : i32
      %dma_wait3A_532 = arith.constant 0 : i32
      %dma_wait3A_533 = tpu.memref_slice %arg6[%arg0, %dma_wait3A_531, %dma_wait3A_532] : memref<2x10240x128xf32, #tpu.memory_space<hbm>> -> memref<1x10240x128xf32, #tpu.memory_space<hbm>>
      %dma_wait3A_534 = tpu.memref_squeeze %dma_wait3A_533 : memref<1x10240x128xf32, #tpu.memory_space<hbm>> -> memref<10240x128xf32, #tpu.memory_space<hbm>>
      %dma_wait3A_535 = arith.constant 0 : i32
      %dma_wait3A_536 = tpu.memref_slice %dma_wait3A_534[%mul3A_522, %dma_wait3A_535] : memref<10240x128xf32, #tpu.memory_space<hbm>> -> memref<640x128xf32, #tpu.memory_space<hbm>>
      %dma_wait3A_537 = arith.constant 0 : i32
      %dma_wait3A_538 = tpu.memref_slice %arg7[%mul3A_520, %dma_wait3A_537] : memref<10240x128xf32, #tpu.memory_space<vmem_shared>> -> memref<640x128xf32, #tpu.memory_space<vmem_shared>>
      tpu.wait_dma2 semaphore(%run_scoped3A : memref<!tpu.dma_semaphore, #tpu.memory_space<semaphore_mem>>) src(%dma_wait3A_538 : memref<640x128xf32, #tpu.memory_space<vmem_shared>>) dst(%dma_wait3A_536 : memref<640x128xf32, #tpu.memory_space<hbm>>)
      tpu.yield
    }) : () -> ()
    return
  }
}

#map = affine_map<(d0, d1) -> (0)>
#map1 = affine_map<(d0, d1) -> (0, 0, 0)>
module attributes {stable_mosaic.version = 14 : i64} {
  func.func @deg_kernel(%arg0: i32, %arg1: i32, %arg2: memref<320000xi32, #tpu.memory_space<hbm>>, %arg3: memref<32x1x10240xf32, #tpu.memory_space<hbm>>, %arg4: memref<10000xi32, #tpu.memory_space<vmem>>, %arg5: memref<10240xf32, #tpu.memory_space<vmem>>) attributes {dimension_semantics = [#tpu.dimension_semantics<core_parallel>, #tpu.dimension_semantics<subcore_parallel>], iteration_bounds = array<i64: 2, 16>, scalar_prefetch = 0 : i64, scratch_operands = 2 : i64, tpu.core_type = #tpu.core_type<sc_vector_subcore>, window_params = [{transform_indices = #map}, {transform_indices = #map1}]} {
    %mul3A = arith.constant 2 : i32
    %mul3A_0 = arith.muli %arg1, %mul3A : i32
    %add3A = arith.addi %mul3A_0, %arg0 : i32
    %mul3A_1 = arith.constant 10000 : i32
    %mul3A_2 = arith.muli %add3A, %mul3A_1 : i32
    "tpu.region"() ({
      %run_scoped3A_17 = tpu.sem_alloc : memref<!tpu.dma_semaphore, #tpu.memory_space<semaphore_mem>>
      %dma_start3A = tpu.memref_slice %arg2[%mul3A_2] : memref<320000xi32, #tpu.memory_space<hbm>> -> memref<10000xi32, #tpu.memory_space<hbm>>
      %dma_start3A_18 = tpu.memref_slice %arg2[%mul3A_2] : memref<320000xi32, #tpu.memory_space<hbm>> -> memref<10000xi32, #tpu.memory_space<hbm>>
      tpu.enqueue_dma source(%dma_start3A_18 : memref<10000xi32, #tpu.memory_space<hbm>>) target(%arg4 : memref<10000xi32, #tpu.memory_space<vmem>>) target_semaphore(%run_scoped3A_17 : memref<!tpu.dma_semaphore, #tpu.memory_space<semaphore_mem>>)
      %dma_wait3A = tpu.memref_slice %arg2[%mul3A_2] : memref<320000xi32, #tpu.memory_space<hbm>> -> memref<10000xi32, #tpu.memory_space<hbm>>
      %dma_wait3A_19 = tpu.memref_slice %arg2[%mul3A_2] : memref<320000xi32, #tpu.memory_space<hbm>> -> memref<10000xi32, #tpu.memory_space<hbm>>
      tpu.wait_dma2 semaphore(%run_scoped3A_17 : memref<!tpu.dma_semaphore, #tpu.memory_space<semaphore_mem>>) src(%dma_wait3A_19 : memref<10000xi32, #tpu.memory_space<hbm>>) dst(%arg4 : memref<10000xi32, #tpu.memory_space<vmem>>)
      tpu.yield
    }) : () -> ()
    %broadcast_in_dim3A = arith.constant 0.000000e+00 : f32
    %broadcast_in_dim3A_3 = vector.broadcast %broadcast_in_dim3A : f32 to vector<16xf32>
    %broadcast_in_dim3A_4 = arith.constant 1.000000e+00 : f32
    %broadcast_in_dim3A_5 = vector.broadcast %broadcast_in_dim3A_4 : f32 to vector<16xf32>
    %scan3A = arith.constant 0 : i32
    %scan3A_6 = arith.constant 0 : i32
    %scan3A_7 = arith.constant 80 : i32
    %scan3A_8 = arith.addi %scan3A_6, %scan3A_7 : i32
    %scan3A_9 = arith.constant 1 : i32
    scf.for %scan3A_17 = %scan3A_6 to %scan3A_8 step %scan3A_9  : i32 {
      %mul3A_18 = arith.constant 8 : i32
      %mul3A_19 = arith.muli %scan3A_17, %mul3A_18 : i32
      %add3A_20 = arith.constant 0 : i32
      %add3A_21 = arith.addi %mul3A_19, %add3A_20 : i32
      %mul3A_22 = arith.constant 16 : i32
      %mul3A_23 = arith.muli %add3A_21, %mul3A_22 : i32
      %swap3A = arith.index_cast %mul3A_23 : i32 to index
      %swap3A_24 = tpu.vector_load %arg5[%swap3A] {strides = array<i32>} : memref<10240xf32, #tpu.memory_space<vmem>>, vector<16xf32>,
      tpu.vector_store %arg5[%swap3A], %broadcast_in_dim3A_3 {strides = array<i32>} : memref<10240xf32, #tpu.memory_space<vmem>>, vector<16xf32>,
      %mul3A_25 = arith.constant 8 : i32
      %mul3A_26 = arith.muli %scan3A_17, %mul3A_25 : i32
      %add3A_27 = arith.constant 1 : i32
      %add3A_28 = arith.addi %mul3A_26, %add3A_27 : i32
      %mul3A_29 = arith.constant 16 : i32
      %mul3A_30 = arith.muli %add3A_28, %mul3A_29 : i32
      %swap3A_31 = arith.index_cast %mul3A_30 : i32 to index
      %swap3A_32 = tpu.vector_load %arg5[%swap3A_31] {strides = array<i32>} : memref<10240xf32, #tpu.memory_space<vmem>>, vector<16xf32>,
      tpu.vector_store %arg5[%swap3A_31], %broadcast_in_dim3A_3 {strides = array<i32>} : memref<10240xf32, #tpu.memory_space<vmem>>, vector<16xf32>,
      %mul3A_33 = arith.constant 8 : i32
      %mul3A_34 = arith.muli %scan3A_17, %mul3A_33 : i32
      %add3A_35 = arith.constant 2 : i32
      %add3A_36 = arith.addi %mul3A_34, %add3A_35 : i32
      %mul3A_37 = arith.constant 16 : i32
      %mul3A_38 = arith.muli %add3A_36, %mul3A_37 : i32
      %swap3A_39 = arith.index_cast %mul3A_38 : i32 to index
      %swap3A_40 = tpu.vector_load %arg5[%swap3A_39] {strides = array<i32>} : memref<10240xf32, #tpu.memory_space<vmem>>, vector<16xf32>,
      tpu.vector_store %arg5[%swap3A_39], %broadcast_in_dim3A_3 {strides = array<i32>} : memref<10240xf32, #tpu.memory_space<vmem>>, vector<16xf32>,
      %mul3A_41 = arith.constant 8 : i32
      %mul3A_42 = arith.muli %scan3A_17, %mul3A_41 : i32
      %add3A_43 = arith.constant 3 : i32
      %add3A_44 = arith.addi %mul3A_42, %add3A_43 : i32
      %mul3A_45 = arith.constant 16 : i32
      %mul3A_46 = arith.muli %add3A_44, %mul3A_45 : i32
      %swap3A_47 = arith.index_cast %mul3A_46 : i32 to index
      %swap3A_48 = tpu.vector_load %arg5[%swap3A_47] {strides = array<i32>} : memref<10240xf32, #tpu.memory_space<vmem>>, vector<16xf32>,
      tpu.vector_store %arg5[%swap3A_47], %broadcast_in_dim3A_3 {strides = array<i32>} : memref<10240xf32, #tpu.memory_space<vmem>>, vector<16xf32>,
      %mul3A_49 = arith.constant 8 : i32
      %mul3A_50 = arith.muli %scan3A_17, %mul3A_49 : i32
      %add3A_51 = arith.constant 4 : i32
      %add3A_52 = arith.addi %mul3A_50, %add3A_51 : i32
      %mul3A_53 = arith.constant 16 : i32
      %mul3A_54 = arith.muli %add3A_52, %mul3A_53 : i32
      %swap3A_55 = arith.index_cast %mul3A_54 : i32 to index
      %swap3A_56 = tpu.vector_load %arg5[%swap3A_55] {strides = array<i32>} : memref<10240xf32, #tpu.memory_space<vmem>>, vector<16xf32>,
      tpu.vector_store %arg5[%swap3A_55], %broadcast_in_dim3A_3 {strides = array<i32>} : memref<10240xf32, #tpu.memory_space<vmem>>, vector<16xf32>,
      %mul3A_57 = arith.constant 8 : i32
      %mul3A_58 = arith.muli %scan3A_17, %mul3A_57 : i32
      %add3A_59 = arith.constant 5 : i32
      %add3A_60 = arith.addi %mul3A_58, %add3A_59 : i32
      %mul3A_61 = arith.constant 16 : i32
      %mul3A_62 = arith.muli %add3A_60, %mul3A_61 : i32
      %swap3A_63 = arith.index_cast %mul3A_62 : i32 to index
      %swap3A_64 = tpu.vector_load %arg5[%swap3A_63] {strides = array<i32>} : memref<10240xf32, #tpu.memory_space<vmem>>, vector<16xf32>,
      tpu.vector_store %arg5[%swap3A_63], %broadcast_in_dim3A_3 {strides = array<i32>} : memref<10240xf32, #tpu.memory_space<vmem>>, vector<16xf32>,
      %mul3A_65 = arith.constant 8 : i32
      %mul3A_66 = arith.muli %scan3A_17, %mul3A_65 : i32
      %add3A_67 = arith.constant 6 : i32
      %add3A_68 = arith.addi %mul3A_66, %add3A_67 : i32
      %mul3A_69 = arith.constant 16 : i32
      %mul3A_70 = arith.muli %add3A_68, %mul3A_69 : i32
      %swap3A_71 = arith.index_cast %mul3A_70 : i32 to index
      %swap3A_72 = tpu.vector_load %arg5[%swap3A_71] {strides = array<i32>} : memref<10240xf32, #tpu.memory_space<vmem>>, vector<16xf32>,
      tpu.vector_store %arg5[%swap3A_71], %broadcast_in_dim3A_3 {strides = array<i32>} : memref<10240xf32, #tpu.memory_space<vmem>>, vector<16xf32>,
      %mul3A_73 = arith.constant 8 : i32
      %mul3A_74 = arith.muli %scan3A_17, %mul3A_73 : i32
      %add3A_75 = arith.constant 7 : i32
      %add3A_76 = arith.addi %mul3A_74, %add3A_75 : i32
      %mul3A_77 = arith.constant 16 : i32
      %mul3A_78 = arith.muli %add3A_76, %mul3A_77 : i32
      %swap3A_79 = arith.index_cast %mul3A_78 : i32 to index
      %swap3A_80 = tpu.vector_load %arg5[%swap3A_79] {strides = array<i32>} : memref<10240xf32, #tpu.memory_space<vmem>>, vector<16xf32>,
      tpu.vector_store %arg5[%swap3A_79], %broadcast_in_dim3A_3 {strides = array<i32>} : memref<10240xf32, #tpu.memory_space<vmem>>, vector<16xf32>,
    }
    %scan3A_10 = arith.constant 80 : i32
    %scan3A_11 = arith.constant 0 : i32
    %scan3A_12 = arith.constant 0 : i32
    %scan3A_13 = arith.constant 125 : i32
    %scan3A_14 = arith.addi %scan3A_12, %scan3A_13 : i32
    %scan3A_15 = arith.constant 1 : i32
    scf.for %scan3A_17 = %scan3A_12 to %scan3A_14 step %scan3A_15  : i32 {
      %mul3A_18 = arith.constant 5 : i32
      %mul3A_19 = arith.muli %scan3A_17, %mul3A_18 : i32
      %add3A_20 = arith.constant 0 : i32
      %add3A_21 = arith.addi %mul3A_19, %add3A_20 : i32
      %mul3A_22 = arith.constant 16 : i32
      %mul3A_23 = arith.muli %add3A_21, %mul3A_22 : i32
      %get3A = arith.index_cast %mul3A_23 : i32 to index
      %get3A_24 = tpu.vector_load %arg4[%get3A] {strides = array<i32>} : memref<10000xi32, #tpu.memory_space<vmem>>, vector<16xi32>,
      tpu.vector_store_idx %arg5[%get3A_24], %broadcast_in_dim3A_5 {add = true} : memref<10240xf32, #tpu.memory_space<vmem>>[vector<16xi32>], vector<16xf32>,
      %mul3A_25 = arith.constant 5 : i32
      %mul3A_26 = arith.muli %scan3A_17, %mul3A_25 : i32
      %add3A_27 = arith.constant 1 : i32
      %add3A_28 = arith.addi %mul3A_26, %add3A_27 : i32
      %mul3A_29 = arith.constant 16 : i32
      %mul3A_30 = arith.muli %add3A_28, %mul3A_29 : i32
      %get3A_31 = arith.index_cast %mul3A_30 : i32 to index
      %get3A_32 = tpu.vector_load %arg4[%get3A_31] {strides = array<i32>} : memref<10000xi32, #tpu.memory_space<vmem>>, vector<16xi32>,
      tpu.vector_store_idx %arg5[%get3A_32], %broadcast_in_dim3A_5 {add = true} : memref<10240xf32, #tpu.memory_space<vmem>>[vector<16xi32>], vector<16xf32>,
      %mul3A_33 = arith.constant 5 : i32
      %mul3A_34 = arith.muli %scan3A_17, %mul3A_33 : i32
      %add3A_35 = arith.constant 2 : i32
      %add3A_36 = arith.addi %mul3A_34, %add3A_35 : i32
      %mul3A_37 = arith.constant 16 : i32
      %mul3A_38 = arith.muli %add3A_36, %mul3A_37 : i32
      %get3A_39 = arith.index_cast %mul3A_38 : i32 to index
      %get3A_40 = tpu.vector_load %arg4[%get3A_39] {strides = array<i32>} : memref<10000xi32, #tpu.memory_space<vmem>>, vector<16xi32>,
      tpu.vector_store_idx %arg5[%get3A_40], %broadcast_in_dim3A_5 {add = true} : memref<10240xf32, #tpu.memory_space<vmem>>[vector<16xi32>], vector<16xf32>,
      %mul3A_41 = arith.constant 5 : i32
      %mul3A_42 = arith.muli %scan3A_17, %mul3A_41 : i32
      %add3A_43 = arith.constant 3 : i32
      %add3A_44 = arith.addi %mul3A_42, %add3A_43 : i32
      %mul3A_45 = arith.constant 16 : i32
      %mul3A_46 = arith.muli %add3A_44, %mul3A_45 : i32
      %get3A_47 = arith.index_cast %mul3A_46 : i32 to index
      %get3A_48 = tpu.vector_load %arg4[%get3A_47] {strides = array<i32>} : memref<10000xi32, #tpu.memory_space<vmem>>, vector<16xi32>,
      tpu.vector_store_idx %arg5[%get3A_48], %broadcast_in_dim3A_5 {add = true} : memref<10240xf32, #tpu.memory_space<vmem>>[vector<16xi32>], vector<16xf32>,
      %mul3A_49 = arith.constant 5 : i32
      %mul3A_50 = arith.muli %scan3A_17, %mul3A_49 : i32
      %add3A_51 = arith.constant 4 : i32
      %add3A_52 = arith.addi %mul3A_50, %add3A_51 : i32
      %mul3A_53 = arith.constant 16 : i32
      %mul3A_54 = arith.muli %add3A_52, %mul3A_53 : i32
      %get3A_55 = arith.index_cast %mul3A_54 : i32 to index
      %get3A_56 = tpu.vector_load %arg4[%get3A_55] {strides = array<i32>} : memref<10000xi32, #tpu.memory_space<vmem>>, vector<16xi32>,
      tpu.vector_store_idx %arg5[%get3A_56], %broadcast_in_dim3A_5 {add = true} : memref<10240xf32, #tpu.memory_space<vmem>>[vector<16xi32>], vector<16xf32>,
    }
    %scan3A_16 = arith.constant 125 : i32
    %run_scoped3A = arith.constant 0 : i32
    "tpu.region"() ({
      %run_scoped3A_17 = tpu.sem_alloc : memref<!tpu.dma_semaphore, #tpu.memory_space<semaphore_mem>>
      %dma_start3A = arith.constant 0 : i32
      %dma_start3A_18 = tpu.memref_slice %arg3[%add3A, %run_scoped3A, %dma_start3A] : memref<32x1x10240xf32, #tpu.memory_space<hbm>> -> memref<1x1x10240xf32, #tpu.memory_space<hbm>>
      %dma_start3A_19 = tpu.memref_squeeze %dma_start3A_18 : memref<1x1x10240xf32, #tpu.memory_space<hbm>> -> memref<10240xf32, #tpu.memory_space<hbm>>
      %dma_start3A_20 = arith.constant 0 : i32
      %dma_start3A_21 = tpu.memref_slice %arg3[%add3A, %run_scoped3A, %dma_start3A_20] : memref<32x1x10240xf32, #tpu.memory_space<hbm>> -> memref<1x1x10240xf32, #tpu.memory_space<hbm>>
      %dma_start3A_22 = tpu.memref_squeeze %dma_start3A_21 : memref<1x1x10240xf32, #tpu.memory_space<hbm>> -> memref<10240xf32, #tpu.memory_space<hbm>>
      tpu.enqueue_dma source(%arg5 : memref<10240xf32, #tpu.memory_space<vmem>>) target(%dma_start3A_22 : memref<10240xf32, #tpu.memory_space<hbm>>) target_semaphore(%run_scoped3A_17 : memref<!tpu.dma_semaphore, #tpu.memory_space<semaphore_mem>>)
      %dma_wait3A = arith.constant 0 : i32
      %dma_wait3A_23 = tpu.memref_slice %arg3[%add3A, %run_scoped3A, %dma_wait3A] : memref<32x1x10240xf32, #tpu.memory_space<hbm>> -> memref<1x1x10240xf32, #tpu.memory_space<hbm>>
      %dma_wait3A_24 = tpu.memref_squeeze %dma_wait3A_23 : memref<1x1x10240xf32, #tpu.memory_space<hbm>> -> memref<10240xf32, #tpu.memory_space<hbm>>
      %dma_wait3A_25 = arith.constant 0 : i32
      %dma_wait3A_26 = tpu.memref_slice %arg3[%add3A, %run_scoped3A, %dma_wait3A_25] : memref<32x1x10240xf32, #tpu.memory_space<hbm>> -> memref<1x1x10240xf32, #tpu.memory_space<hbm>>
      %dma_wait3A_27 = tpu.memref_squeeze %dma_wait3A_26 : memref<1x1x10240xf32, #tpu.memory_space<hbm>> -> memref<10240xf32, #tpu.memory_space<hbm>>
      tpu.wait_dma2 semaphore(%run_scoped3A_17 : memref<!tpu.dma_semaphore, #tpu.memory_space<semaphore_mem>>) src(%arg5 : memref<10240xf32, #tpu.memory_space<vmem>>) dst(%dma_wait3A_27 : memref<10240xf32, #tpu.memory_space<hbm>>)
      tpu.yield
    }) : () -> ()
    return
  }
}

#map = affine_map<(d0, d1) -> (0, 0)>
#map1 = affine_map<(d0, d1) -> (0, 0, 0)>
module attributes {stable_mosaic.version = 14 : i64} {
  func.func @prop_kernel(%arg0: i32, %arg1: i32, %arg2: memref<10000x128xf32, #tpu.memory_space<hbm>>, %arg3: memref<32x80x128xi32, #tpu.memory_space<hbm>>, %arg4: memref<32x80x128xi32, #tpu.memory_space<hbm>>, %arg5: memref<640x128xf32, #tpu.memory_space<hbm>>, %arg6: memref<2x10240x128xf32, #tpu.memory_space<hbm>>, %arg7: memref<10240x128xf32, #tpu.memory_space<vmem_shared>>, %arg8: memref<4x128xi32, #tpu.memory_space<vmem>>, %arg9: memref<4x128xi32, #tpu.memory_space<vmem>>, %arg10: memref<2x128x128xf32, #tpu.memory_space<vmem>>, %arg11: memref<4x!tpu.dma_semaphore, #tpu.memory_space<semaphore_mem>>, %arg12: memref<2x!tpu.dma_semaphore, #tpu.memory_space<semaphore_mem>>, %arg13: memref<4x!tpu.dma_semaphore, #tpu.memory_space<semaphore_mem>>) attributes {dimension_semantics = [#tpu.dimension_semantics<core_parallel>, #tpu.dimension_semantics<subcore_parallel>], iteration_bounds = array<i64: 2, 16>, scalar_prefetch = 0 : i64, scratch_operands = 7 : i64, tpu.core_type = #tpu.core_type<sc_vector_subcore>, window_params = [{transform_indices = #map}, {transform_indices = #map1}, {transform_indices = #map1}, {transform_indices = #map}, {transform_indices = #map1}]} {
    %mul3A = arith.constant 2 : i32
    %mul3A_0 = arith.muli %arg1, %mul3A : i32
    %add3A = arith.addi %mul3A_0, %arg0 : i32
    %dma_start3A = arith.constant 0 : i32
    %dma_start3A_1 = arith.constant 0 : i32
    %dma_start3A_2 = arith.constant 0 : i32
    %dma_start3A_3 = arith.constant 0 : i32
    %dma_start3A_4 = tpu.memref_slice %arg8[%dma_start3A_1, %dma_start3A_3] : memref<4x128xi32, #tpu.memory_space<vmem>> -> memref<1x128xi32, #tpu.memory_space<vmem>>
    %dma_start3A_5 = tpu.memref_squeeze %dma_start3A_4 : memref<1x128xi32, #tpu.memory_space<vmem>> -> memref<128xi32, #tpu.memory_space<vmem>>
    %dma_start3A_6 = arith.constant 0 : i32
    %dma_start3A_7 = tpu.memref_slice %arg3[%add3A, %dma_start3A, %dma_start3A_6] : memref<32x80x128xi32, #tpu.memory_space<hbm>> -> memref<1x1x128xi32, #tpu.memory_space<hbm>>
    %dma_start3A_8 = tpu.memref_squeeze %dma_start3A_7 : memref<1x1x128xi32, #tpu.memory_space<hbm>> -> memref<128xi32, #tpu.memory_space<hbm>>
    %dma_start3A_9 = tpu.memref_slice %arg11[%dma_start3A_2] : memref<4x!tpu.dma_semaphore, #tpu.memory_space<semaphore_mem>> -> memref<1x!tpu.dma_semaphore, #tpu.memory_space<semaphore_mem>>
    %dma_start3A_10 = tpu.memref_squeeze %dma_start3A_9 : memref<1x!tpu.dma_semaphore, #tpu.memory_space<semaphore_mem>> -> memref<!tpu.dma_semaphore, #tpu.memory_space<semaphore_mem>>
    %dma_start3A_11 = arith.constant 0 : i32
    %dma_start3A_12 = tpu.memref_slice %arg8[%dma_start3A_1, %dma_start3A_11] : memref<4x128xi32, #tpu.memory_space<vmem>> -> memref<1x128xi32, #tpu.memory_space<vmem>>
    %dma_start3A_13 = tpu.memref_squeeze %dma_start3A_12 : memref<1x128xi32, #tpu.memory_space<vmem>> -> memref<128xi32, #tpu.memory_space<vmem>>
    %dma_start3A_14 = arith.constant 0 : i32
    %dma_start3A_15 = tpu.memref_slice %arg3[%add3A, %dma_start3A, %dma_start3A_14] : memref<32x80x128xi32, #tpu.memory_space<hbm>> -> memref<1x1x128xi32, #tpu.memory_space<hbm>>
    %dma_start3A_16 = tpu.memref_squeeze %dma_start3A_15 : memref<1x1x128xi32, #tpu.memory_space<hbm>> -> memref<128xi32, #tpu.memory_space<hbm>>
    tpu.enqueue_dma source(%dma_start3A_16 : memref<128xi32, #tpu.memory_space<hbm>>) target(%dma_start3A_13 : memref<128xi32, #tpu.memory_space<vmem>>) target_semaphore(%dma_start3A_10 : memref<!tpu.dma_semaphore, #tpu.memory_space<semaphore_mem>>)
    %dma_start3A_17 = arith.constant 0 : i32
    %dma_start3A_18 = arith.constant 0 : i32
    %dma_start3A_19 = arith.constant 0 : i32
    %dma_start3A_20 = arith.constant 0 : i32
    %dma_start3A_21 = tpu.memref_slice %arg9[%dma_start3A_18, %dma_start3A_20] : memref<4x128xi32, #tpu.memory_space<vmem>> -> memref<1x128xi32, #tpu.memory_space<vmem>>
    %dma_start3A_22 = tpu.memref_squeeze %dma_start3A_21 : memref<1x128xi32, #tpu.memory_space<vmem>> -> memref<128xi32, #tpu.memory_space<vmem>>
    %dma_start3A_23 = arith.constant 0 : i32
    %dma_start3A_24 = tpu.memref_slice %arg4[%add3A, %dma_start3A_17, %dma_start3A_23] : memref<32x80x128xi32, #tpu.memory_space<hbm>> -> memref<1x1x128xi32, #tpu.memory_space<hbm>>
    %dma_start3A_25 = tpu.memref_squeeze %dma_start3A_24 : memref<1x1x128xi32, #tpu.memory_space<hbm>> -> memref<128xi32, #tpu.memory_space<hbm>>
    %dma_start3A_26 = tpu.memref_slice %arg11[%dma_start3A_19] : memref<4x!tpu.dma_semaphore, #tpu.memory_space<semaphore_mem>> -> memref<1x!tpu.dma_semaphore, #tpu.memory_space<semaphore_mem>>
    %dma_start3A_27 = tpu.memref_squeeze %dma_start3A_26 : memref<1x!tpu.dma_semaphore, #tpu.memory_space<semaphore_mem>> -> memref<!tpu.dma_semaphore, #tpu.memory_space<semaphore_mem>>
    %dma_start3A_28 = arith.constant 0 : i32
    %dma_start3A_29 = tpu.memref_slice %arg9[%dma_start3A_18, %dma_start3A_28] : memref<4x128xi32, #tpu.memory_space<vmem>> -> memref<1x128xi32, #tpu.memory_space<vmem>>
    %dma_start3A_30 = tpu.memref_squeeze %dma_start3A_29 : memref<1x128xi32, #tpu.memory_space<vmem>> -> memref<128xi32, #tpu.memory_space<vmem>>
    %dma_start3A_31 = arith.constant 0 : i32
    %dma_start3A_32 = tpu.memref_slice %arg4[%add3A, %dma_start3A_17, %dma_start3A_31] : memref<32x80x128xi32, #tpu.memory_space<hbm>> -> memref<1x1x128xi32, #tpu.memory_space<hbm>>
    %dma_start3A_33 = tpu.memref_squeeze %dma_start3A_32 : memref<1x1x128xi32, #tpu.memory_space<hbm>> -> memref<128xi32, #tpu.memory_space<hbm>>
    tpu.enqueue_dma source(%dma_start3A_33 : memref<128xi32, #tpu.memory_space<hbm>>) target(%dma_start3A_30 : memref<128xi32, #tpu.memory_space<vmem>>) target_semaphore(%dma_start3A_27 : memref<!tpu.dma_semaphore, #tpu.memory_space<semaphore_mem>>)
    %dma_start3A_34 = arith.constant 1 : i32
    %dma_start3A_35 = arith.constant 1 : i32
    %dma_start3A_36 = arith.constant 1 : i32
    %dma_start3A_37 = arith.constant 0 : i32
    %dma_start3A_38 = tpu.memref_slice %arg8[%dma_start3A_35, %dma_start3A_37] : memref<4x128xi32, #tpu.memory_space<vmem>> -> memref<1x128xi32, #tpu.memory_space<vmem>>
    %dma_start3A_39 = tpu.memref_squeeze %dma_start3A_38 : memref<1x128xi32, #tpu.memory_space<vmem>> -> memref<128xi32, #tpu.memory_space<vmem>>
    %dma_start3A_40 = arith.constant 0 : i32
    %dma_start3A_41 = tpu.memref_slice %arg3[%add3A, %dma_start3A_34, %dma_start3A_40] : memref<32x80x128xi32, #tpu.memory_space<hbm>> -> memref<1x1x128xi32, #tpu.memory_space<hbm>>
    %dma_start3A_42 = tpu.memref_squeeze %dma_start3A_41 : memref<1x1x128xi32, #tpu.memory_space<hbm>> -> memref<128xi32, #tpu.memory_space<hbm>>
    %dma_start3A_43 = tpu.memref_slice %arg11[%dma_start3A_36] : memref<4x!tpu.dma_semaphore, #tpu.memory_space<semaphore_mem>> -> memref<1x!tpu.dma_semaphore, #tpu.memory_space<semaphore_mem>>
    %dma_start3A_44 = tpu.memref_squeeze %dma_start3A_43 : memref<1x!tpu.dma_semaphore, #tpu.memory_space<semaphore_mem>> -> memref<!tpu.dma_semaphore, #tpu.memory_space<semaphore_mem>>
    %dma_start3A_45 = arith.constant 0 : i32
    %dma_start3A_46 = tpu.memref_slice %arg8[%dma_start3A_35, %dma_start3A_45] : memref<4x128xi32, #tpu.memory_space<vmem>> -> memref<1x128xi32, #tpu.memory_space<vmem>>
    %dma_start3A_47 = tpu.memref_squeeze %dma_start3A_46 : memref<1x128xi32, #tpu.memory_space<vmem>> -> memref<128xi32, #tpu.memory_space<vmem>>
    %dma_start3A_48 = arith.constant 0 : i32
    %dma_start3A_49 = tpu.memref_slice %arg3[%add3A, %dma_start3A_34, %dma_start3A_48] : memref<32x80x128xi32, #tpu.memory_space<hbm>> -> memref<1x1x128xi32, #tpu.memory_space<hbm>>
    %dma_start3A_50 = tpu.memref_squeeze %dma_start3A_49 : memref<1x1x128xi32, #tpu.memory_space<hbm>> -> memref<128xi32, #tpu.memory_space<hbm>>
    tpu.enqueue_dma source(%dma_start3A_50 : memref<128xi32, #tpu.memory_space<hbm>>) target(%dma_start3A_47 : memref<128xi32, #tpu.memory_space<vmem>>) target_semaphore(%dma_start3A_44 : memref<!tpu.dma_semaphore, #tpu.memory_space<semaphore_mem>>)
    %dma_start3A_51 = arith.constant 1 : i32
    %dma_start3A_52 = arith.constant 1 : i32
    %dma_start3A_53 = arith.constant 1 : i32
    %dma_start3A_54 = arith.constant 0 : i32
    %dma_start3A_55 = tpu.memref_slice %arg9[%dma_start3A_52, %dma_start3A_54] : memref<4x128xi32, #tpu.memory_space<vmem>> -> memref<1x128xi32, #tpu.memory_space<vmem>>
    %dma_start3A_56 = tpu.memref_squeeze %dma_start3A_55 : memref<1x128xi32, #tpu.memory_space<vmem>> -> memref<128xi32, #tpu.memory_space<vmem>>
    %dma_start3A_57 = arith.constant 0 : i32
    %dma_start3A_58 = tpu.memref_slice %arg4[%add3A, %dma_start3A_51, %dma_start3A_57] : memref<32x80x128xi32, #tpu.memory_space<hbm>> -> memref<1x1x128xi32, #tpu.memory_space<hbm>>
    %dma_start3A_59 = tpu.memref_squeeze %dma_start3A_58 : memref<1x1x128xi32, #tpu.memory_space<hbm>> -> memref<128xi32, #tpu.memory_space<hbm>>
    %dma_start3A_60 = tpu.memref_slice %arg11[%dma_start3A_53] : memref<4x!tpu.dma_semaphore, #tpu.memory_space<semaphore_mem>> -> memref<1x!tpu.dma_semaphore, #tpu.memory_space<semaphore_mem>>
    %dma_start3A_61 = tpu.memref_squeeze %dma_start3A_60 : memref<1x!tpu.dma_semaphore, #tpu.memory_space<semaphore_mem>> -> memref<!tpu.dma_semaphore, #tpu.memory_space<semaphore_mem>>
    %dma_start3A_62 = arith.constant 0 : i32
    %dma_start3A_63 = tpu.memref_slice %arg9[%dma_start3A_52, %dma_start3A_62] : memref<4x128xi32, #tpu.memory_space<vmem>> -> memref<1x128xi32, #tpu.memory_space<vmem>>
    %dma_start3A_64 = tpu.memref_squeeze %dma_start3A_63 : memref<1x128xi32, #tpu.memory_space<vmem>> -> memref<128xi32, #tpu.memory_space<vmem>>
    %dma_start3A_65 = arith.constant 0 : i32
    %dma_start3A_66 = tpu.memref_slice %arg4[%add3A, %dma_start3A_51, %dma_start3A_65] : memref<32x80x128xi32, #tpu.memory_space<hbm>> -> memref<1x1x128xi32, #tpu.memory_space<hbm>>
    %dma_start3A_67 = tpu.memref_squeeze %dma_start3A_66 : memref<1x1x128xi32, #tpu.memory_space<hbm>> -> memref<128xi32, #tpu.memory_space<hbm>>
    tpu.enqueue_dma source(%dma_start3A_67 : memref<128xi32, #tpu.memory_space<hbm>>) target(%dma_start3A_64 : memref<128xi32, #tpu.memory_space<vmem>>) target_semaphore(%dma_start3A_61 : memref<!tpu.dma_semaphore, #tpu.memory_space<semaphore_mem>>)
    %dma_start3A_68 = arith.constant 2 : i32
    %dma_start3A_69 = arith.constant 2 : i32
    %dma_start3A_70 = arith.constant 2 : i32
    %dma_start3A_71 = arith.constant 0 : i32
    %dma_start3A_72 = tpu.memref_slice %arg8[%dma_start3A_69, %dma_start3A_71] : memref<4x128xi32, #tpu.memory_space<vmem>> -> memref<1x128xi32, #tpu.memory_space<vmem>>
    %dma_start3A_73 = tpu.memref_squeeze %dma_start3A_72 : memref<1x128xi32, #tpu.memory_space<vmem>> -> memref<128xi32, #tpu.memory_space<vmem>>
    %dma_start3A_74 = arith.constant 0 : i32
    %dma_start3A_75 = tpu.memref_slice %arg3[%add3A, %dma_start3A_68, %dma_start3A_74] : memref<32x80x128xi32, #tpu.memory_space<hbm>> -> memref<1x1x128xi32, #tpu.memory_space<hbm>>
    %dma_start3A_76 = tpu.memref_squeeze %dma_start3A_75 : memref<1x1x128xi32, #tpu.memory_space<hbm>> -> memref<128xi32, #tpu.memory_space<hbm>>
    %dma_start3A_77 = tpu.memref_slice %arg11[%dma_start3A_70] : memref<4x!tpu.dma_semaphore, #tpu.memory_space<semaphore_mem>> -> memref<1x!tpu.dma_semaphore, #tpu.memory_space<semaphore_mem>>
    %dma_start3A_78 = tpu.memref_squeeze %dma_start3A_77 : memref<1x!tpu.dma_semaphore, #tpu.memory_space<semaphore_mem>> -> memref<!tpu.dma_semaphore, #tpu.memory_space<semaphore_mem>>
    %dma_start3A_79 = arith.constant 0 : i32
    %dma_start3A_80 = tpu.memref_slice %arg8[%dma_start3A_69, %dma_start3A_79] : memref<4x128xi32, #tpu.memory_space<vmem>> -> memref<1x128xi32, #tpu.memory_space<vmem>>
    %dma_start3A_81 = tpu.memref_squeeze %dma_start3A_80 : memref<1x128xi32, #tpu.memory_space<vmem>> -> memref<128xi32, #tpu.memory_space<vmem>>
    %dma_start3A_82 = arith.constant 0 : i32
    %dma_start3A_83 = tpu.memref_slice %arg3[%add3A, %dma_start3A_68, %dma_start3A_82] : memref<32x80x128xi32, #tpu.memory_space<hbm>> -> memref<1x1x128xi32, #tpu.memory_space<hbm>>
    %dma_start3A_84 = tpu.memref_squeeze %dma_start3A_83 : memref<1x1x128xi32, #tpu.memory_space<hbm>> -> memref<128xi32, #tpu.memory_space<hbm>>
    tpu.enqueue_dma source(%dma_start3A_84 : memref<128xi32, #tpu.memory_space<hbm>>) target(%dma_start3A_81 : memref<128xi32, #tpu.memory_space<vmem>>) target_semaphore(%dma_start3A_78 : memref<!tpu.dma_semaphore, #tpu.memory_space<semaphore_mem>>)
    %dma_start3A_85 = arith.constant 2 : i32
    %dma_start3A_86 = arith.constant 2 : i32
    %dma_start3A_87 = arith.constant 2 : i32
    %dma_start3A_88 = arith.constant 0 : i32
    %dma_start3A_89 = tpu.memref_slice %arg9[%dma_start3A_86, %dma_start3A_88] : memref<4x128xi32, #tpu.memory_space<vmem>> -> memref<1x128xi32, #tpu.memory_space<vmem>>
    %dma_start3A_90 = tpu.memref_squeeze %dma_start3A_89 : memref<1x128xi32, #tpu.memory_space<vmem>> -> memref<128xi32, #tpu.memory_space<vmem>>
    %dma_start3A_91 = arith.constant 0 : i32
    %dma_start3A_92 = tpu.memref_slice %arg4[%add3A, %dma_start3A_85, %dma_start3A_91] : memref<32x80x128xi32, #tpu.memory_space<hbm>> -> memref<1x1x128xi32, #tpu.memory_space<hbm>>
    %dma_start3A_93 = tpu.memref_squeeze %dma_start3A_92 : memref<1x1x128xi32, #tpu.memory_space<hbm>> -> memref<128xi32, #tpu.memory_space<hbm>>
    %dma_start3A_94 = tpu.memref_slice %arg11[%dma_start3A_87] : memref<4x!tpu.dma_semaphore, #tpu.memory_space<semaphore_mem>> -> memref<1x!tpu.dma_semaphore, #tpu.memory_space<semaphore_mem>>
    %dma_start3A_95 = tpu.memref_squeeze %dma_start3A_94 : memref<1x!tpu.dma_semaphore, #tpu.memory_space<semaphore_mem>> -> memref<!tpu.dma_semaphore, #tpu.memory_space<semaphore_mem>>
    %dma_start3A_96 = arith.constant 0 : i32
    %dma_start3A_97 = tpu.memref_slice %arg9[%dma_start3A_86, %dma_start3A_96] : memref<4x128xi32, #tpu.memory_space<vmem>> -> memref<1x128xi32, #tpu.memory_space<vmem>>
    %dma_start3A_98 = tpu.memref_squeeze %dma_start3A_97 : memref<1x128xi32, #tpu.memory_space<vmem>> -> memref<128xi32, #tpu.memory_space<vmem>>
    %dma_start3A_99 = arith.constant 0 : i32
    %dma_start3A_100 = tpu.memref_slice %arg4[%add3A, %dma_start3A_85, %dma_start3A_99] : memref<32x80x128xi32, #tpu.memory_space<hbm>> -> memref<1x1x128xi32, #tpu.memory_space<hbm>>
    %dma_start3A_101 = tpu.memref_squeeze %dma_start3A_100 : memref<1x1x128xi32, #tpu.memory_space<hbm>> -> memref<128xi32, #tpu.memory_space<hbm>>
    tpu.enqueue_dma source(%dma_start3A_101 : memref<128xi32, #tpu.memory_space<hbm>>) target(%dma_start3A_98 : memref<128xi32, #tpu.memory_space<vmem>>) target_semaphore(%dma_start3A_95 : memref<!tpu.dma_semaphore, #tpu.memory_space<semaphore_mem>>)
    %dma_start3A_102 = arith.constant 3 : i32
    %dma_start3A_103 = arith.constant 3 : i32
    %dma_start3A_104 = arith.constant 3 : i32
    %dma_start3A_105 = arith.constant 0 : i32
    %dma_start3A_106 = tpu.memref_slice %arg8[%dma_start3A_103, %dma_start3A_105] : memref<4x128xi32, #tpu.memory_space<vmem>> -> memref<1x128xi32, #tpu.memory_space<vmem>>
    %dma_start3A_107 = tpu.memref_squeeze %dma_start3A_106 : memref<1x128xi32, #tpu.memory_space<vmem>> -> memref<128xi32, #tpu.memory_space<vmem>>
    %dma_start3A_108 = arith.constant 0 : i32
    %dma_start3A_109 = tpu.memref_slice %arg3[%add3A, %dma_start3A_102, %dma_start3A_108] : memref<32x80x128xi32, #tpu.memory_space<hbm>> -> memref<1x1x128xi32, #tpu.memory_space<hbm>>
    %dma_start3A_110 = tpu.memref_squeeze %dma_start3A_109 : memref<1x1x128xi32, #tpu.memory_space<hbm>> -> memref<128xi32, #tpu.memory_space<hbm>>
    %dma_start3A_111 = tpu.memref_slice %arg11[%dma_start3A_104] : memref<4x!tpu.dma_semaphore, #tpu.memory_space<semaphore_mem>> -> memref<1x!tpu.dma_semaphore, #tpu.memory_space<semaphore_mem>>
    %dma_start3A_112 = tpu.memref_squeeze %dma_start3A_111 : memref<1x!tpu.dma_semaphore, #tpu.memory_space<semaphore_mem>> -> memref<!tpu.dma_semaphore, #tpu.memory_space<semaphore_mem>>
    %dma_start3A_113 = arith.constant 0 : i32
    %dma_start3A_114 = tpu.memref_slice %arg8[%dma_start3A_103, %dma_start3A_113] : memref<4x128xi32, #tpu.memory_space<vmem>> -> memref<1x128xi32, #tpu.memory_space<vmem>>
    %dma_start3A_115 = tpu.memref_squeeze %dma_start3A_114 : memref<1x128xi32, #tpu.memory_space<vmem>> -> memref<128xi32, #tpu.memory_space<vmem>>
    %dma_start3A_116 = arith.constant 0 : i32
    %dma_start3A_117 = tpu.memref_slice %arg3[%add3A, %dma_start3A_102, %dma_start3A_116] : memref<32x80x128xi32, #tpu.memory_space<hbm>> -> memref<1x1x128xi32, #tpu.memory_space<hbm>>
    %dma_start3A_118 = tpu.memref_squeeze %dma_start3A_117 : memref<1x1x128xi32, #tpu.memory_space<hbm>> -> memref<128xi32, #tpu.memory_space<hbm>>
    tpu.enqueue_dma source(%dma_start3A_118 : memref<128xi32, #tpu.memory_space<hbm>>) target(%dma_start3A_115 : memref<128xi32, #tpu.memory_space<vmem>>) target_semaphore(%dma_start3A_112 : memref<!tpu.dma_semaphore, #tpu.memory_space<semaphore_mem>>)
    %dma_start3A_119 = arith.constant 3 : i32
    %dma_start3A_120 = arith.constant 3 : i32
    %dma_start3A_121 = arith.constant 3 : i32
    %dma_start3A_122 = arith.constant 0 : i32
    %dma_start3A_123 = tpu.memref_slice %arg9[%dma_start3A_120, %dma_start3A_122] : memref<4x128xi32, #tpu.memory_space<vmem>> -> memref<1x128xi32, #tpu.memory_space<vmem>>
    %dma_start3A_124 = tpu.memref_squeeze %dma_start3A_123 : memref<1x128xi32, #tpu.memory_space<vmem>> -> memref<128xi32, #tpu.memory_space<vmem>>
    %dma_start3A_125 = arith.constant 0 : i32
    %dma_start3A_126 = tpu.memref_slice %arg4[%add3A, %dma_start3A_119, %dma_start3A_125] : memref<32x80x128xi32, #tpu.memory_space<hbm>> -> memref<1x1x128xi32, #tpu.memory_space<hbm>>
    %dma_start3A_127 = tpu.memref_squeeze %dma_start3A_126 : memref<1x1x128xi32, #tpu.memory_space<hbm>> -> memref<128xi32, #tpu.memory_space<hbm>>
    %dma_start3A_128 = tpu.memref_slice %arg11[%dma_start3A_121] : memref<4x!tpu.dma_semaphore, #tpu.memory_space<semaphore_mem>> -> memref<1x!tpu.dma_semaphore, #tpu.memory_space<semaphore_mem>>
    %dma_start3A_129 = tpu.memref_squeeze %dma_start3A_128 : memref<1x!tpu.dma_semaphore, #tpu.memory_space<semaphore_mem>> -> memref<!tpu.dma_semaphore, #tpu.memory_space<semaphore_mem>>
    %dma_start3A_130 = arith.constant 0 : i32
    %dma_start3A_131 = tpu.memref_slice %arg9[%dma_start3A_120, %dma_start3A_130] : memref<4x128xi32, #tpu.memory_space<vmem>> -> memref<1x128xi32, #tpu.memory_space<vmem>>
    %dma_start3A_132 = tpu.memref_squeeze %dma_start3A_131 : memref<1x128xi32, #tpu.memory_space<vmem>> -> memref<128xi32, #tpu.memory_space<vmem>>
    %dma_start3A_133 = arith.constant 0 : i32
    %dma_start3A_134 = tpu.memref_slice %arg4[%add3A, %dma_start3A_119, %dma_start3A_133] : memref<32x80x128xi32, #tpu.memory_space<hbm>> -> memref<1x1x128xi32, #tpu.memory_space<hbm>>
    %dma_start3A_135 = tpu.memref_squeeze %dma_start3A_134 : memref<1x1x128xi32, #tpu.memory_space<hbm>> -> memref<128xi32, #tpu.memory_space<hbm>>
    tpu.enqueue_dma source(%dma_start3A_135 : memref<128xi32, #tpu.memory_space<hbm>>) target(%dma_start3A_132 : memref<128xi32, #tpu.memory_space<vmem>>) target_semaphore(%dma_start3A_129 : memref<!tpu.dma_semaphore, #tpu.memory_space<semaphore_mem>>)
    %mul3A_136 = arith.constant 640 : i32
    %mul3A_137 = arith.muli %arg1, %mul3A_136 : i32
    "tpu.region"() ({
      %run_scoped3A = tpu.sem_alloc : memref<!tpu.dma_semaphore, #tpu.memory_space<semaphore_mem>>
      %dma_start3A_523 = arith.constant 0 : i32
      %dma_start3A_524 = tpu.memref_slice %arg7[%mul3A_137, %dma_start3A_523] : memref<10240x128xf32, #tpu.memory_space<vmem_shared>> -> memref<640x128xf32, #tpu.memory_space<vmem_shared>>
      tpu.enqueue_dma source(%arg5 : memref<640x128xf32, #tpu.memory_space<hbm>>) target(%dma_start3A_524 : memref<640x128xf32, #tpu.memory_space<vmem_shared>>) target_semaphore(%run_scoped3A : memref<!tpu.dma_semaphore, #tpu.memory_space<semaphore_mem>>)
      %dma_wait3A_525 = arith.constant 0 : i32
      %dma_wait3A_526 = tpu.memref_slice %arg7[%mul3A_137, %dma_wait3A_525] : memref<10240x128xf32, #tpu.memory_space<vmem_shared>> -> memref<640x128xf32, #tpu.memory_space<vmem_shared>>
      tpu.wait_dma2 semaphore(%run_scoped3A : memref<!tpu.dma_semaphore, #tpu.memory_space<semaphore_mem>>) src(%arg5 : memref<640x128xf32, #tpu.memory_space<hbm>>) dst(%dma_wait3A_526 : memref<640x128xf32, #tpu.memory_space<vmem_shared>>)
      tpu.yield
    }) : () -> ()
    %dma_wait3A = arith.constant 0 : i32
    %dma_wait3A_138 = arith.constant 0 : i32
    %dma_wait3A_139 = arith.constant 0 : i32
    %dma_wait3A_140 = arith.constant 0 : i32
    %dma_wait3A_141 = tpu.memref_slice %arg8[%dma_wait3A_138, %dma_wait3A_140] : memref<4x128xi32, #tpu.memory_space<vmem>> -> memref<1x128xi32, #tpu.memory_space<vmem>>
    %dma_wait3A_142 = tpu.memref_squeeze %dma_wait3A_141 : memref<1x128xi32, #tpu.memory_space<vmem>> -> memref<128xi32, #tpu.memory_space<vmem>>
    %dma_wait3A_143 = arith.constant 0 : i32
    %dma_wait3A_144 = tpu.memref_slice %arg3[%add3A, %dma_wait3A, %dma_wait3A_143] : memref<32x80x128xi32, #tpu.memory_space<hbm>> -> memref<1x1x128xi32, #tpu.memory_space<hbm>>
    %dma_wait3A_145 = tpu.memref_squeeze %dma_wait3A_144 : memref<1x1x128xi32, #tpu.memory_space<hbm>> -> memref<128xi32, #tpu.memory_space<hbm>>
    %dma_wait3A_146 = tpu.memref_slice %arg11[%dma_wait3A_139] : memref<4x!tpu.dma_semaphore, #tpu.memory_space<semaphore_mem>> -> memref<1x!tpu.dma_semaphore, #tpu.memory_space<semaphore_mem>>
    %dma_wait3A_147 = tpu.memref_squeeze %dma_wait3A_146 : memref<1x!tpu.dma_semaphore, #tpu.memory_space<semaphore_mem>> -> memref<!tpu.dma_semaphore, #tpu.memory_space<semaphore_mem>>
    %dma_wait3A_148 = arith.constant 0 : i32
    %dma_wait3A_149 = tpu.memref_slice %arg8[%dma_wait3A_138, %dma_wait3A_148] : memref<4x128xi32, #tpu.memory_space<vmem>> -> memref<1x128xi32, #tpu.memory_space<vmem>>
    %dma_wait3A_150 = tpu.memref_squeeze %dma_wait3A_149 : memref<1x128xi32, #tpu.memory_space<vmem>> -> memref<128xi32, #tpu.memory_space<vmem>>
    %dma_wait3A_151 = arith.constant 0 : i32
    %dma_wait3A_152 = tpu.memref_slice %arg3[%add3A, %dma_wait3A, %dma_wait3A_151] : memref<32x80x128xi32, #tpu.memory_space<hbm>> -> memref<1x1x128xi32, #tpu.memory_space<hbm>>
    %dma_wait3A_153 = tpu.memref_squeeze %dma_wait3A_152 : memref<1x1x128xi32, #tpu.memory_space<hbm>> -> memref<128xi32, #tpu.memory_space<hbm>>
    tpu.wait_dma2 semaphore(%dma_wait3A_147 : memref<!tpu.dma_semaphore, #tpu.memory_space<semaphore_mem>>) src(%dma_wait3A_153 : memref<128xi32, #tpu.memory_space<hbm>>) dst(%dma_wait3A_150 : memref<128xi32, #tpu.memory_space<vmem>>)
    %dma_wait3A_154 = arith.constant 0 : i32
    %dma_wait3A_155 = arith.constant 0 : i32
    %dma_wait3A_156 = arith.constant 0 : i32
    %dma_wait3A_157 = arith.constant 0 : i32
    %dma_wait3A_158 = tpu.memref_slice %arg9[%dma_wait3A_155, %dma_wait3A_157] : memref<4x128xi32, #tpu.memory_space<vmem>> -> memref<1x128xi32, #tpu.memory_space<vmem>>
    %dma_wait3A_159 = tpu.memref_squeeze %dma_wait3A_158 : memref<1x128xi32, #tpu.memory_space<vmem>> -> memref<128xi32, #tpu.memory_space<vmem>>
    %dma_wait3A_160 = arith.constant 0 : i32
    %dma_wait3A_161 = tpu.memref_slice %arg4[%add3A, %dma_wait3A_154, %dma_wait3A_160] : memref<32x80x128xi32, #tpu.memory_space<hbm>> -> memref<1x1x128xi32, #tpu.memory_space<hbm>>
    %dma_wait3A_162 = tpu.memref_squeeze %dma_wait3A_161 : memref<1x1x128xi32, #tpu.memory_space<hbm>> -> memref<128xi32, #tpu.memory_space<hbm>>
    %dma_wait3A_163 = tpu.memref_slice %arg11[%dma_wait3A_156] : memref<4x!tpu.dma_semaphore, #tpu.memory_space<semaphore_mem>> -> memref<1x!tpu.dma_semaphore, #tpu.memory_space<semaphore_mem>>
    %dma_wait3A_164 = tpu.memref_squeeze %dma_wait3A_163 : memref<1x!tpu.dma_semaphore, #tpu.memory_space<semaphore_mem>> -> memref<!tpu.dma_semaphore, #tpu.memory_space<semaphore_mem>>
    %dma_wait3A_165 = arith.constant 0 : i32
    %dma_wait3A_166 = tpu.memref_slice %arg9[%dma_wait3A_155, %dma_wait3A_165] : memref<4x128xi32, #tpu.memory_space<vmem>> -> memref<1x128xi32, #tpu.memory_space<vmem>>
    %dma_wait3A_167 = tpu.memref_squeeze %dma_wait3A_166 : memref<1x128xi32, #tpu.memory_space<vmem>> -> memref<128xi32, #tpu.memory_space<vmem>>
    %dma_wait3A_168 = arith.constant 0 : i32
    %dma_wait3A_169 = tpu.memref_slice %arg4[%add3A, %dma_wait3A_154, %dma_wait3A_168] : memref<32x80x128xi32, #tpu.memory_space<hbm>> -> memref<1x1x128xi32, #tpu.memory_space<hbm>>
    %dma_wait3A_170 = tpu.memref_squeeze %dma_wait3A_169 : memref<1x1x128xi32, #tpu.memory_space<hbm>> -> memref<128xi32, #tpu.memory_space<hbm>>
    tpu.wait_dma2 semaphore(%dma_wait3A_164 : memref<!tpu.dma_semaphore, #tpu.memory_space<semaphore_mem>>) src(%dma_wait3A_170 : memref<128xi32, #tpu.memory_space<hbm>>) dst(%dma_wait3A_167 : memref<128xi32, #tpu.memory_space<vmem>>)
    %dma_start3A_171 = arith.constant 0 : i32
    %dma_start3A_172 = arith.constant 0 : i32
    %dma_start3A_173 = arith.constant 0 : i32
    %dma_start3A_174 = arith.constant 0 : i32
    %dma_start3A_175 = arith.constant 0 : i32
    %dma_start3A_176 = tpu.memref_slice %arg10[%dma_start3A_172, %dma_start3A_174, %dma_start3A_175] : memref<2x128x128xf32, #tpu.memory_space<vmem>> -> memref<1x128x128xf32, #tpu.memory_space<vmem>>
    %dma_start3A_177 = tpu.memref_squeeze %dma_start3A_176 : memref<1x128x128xf32, #tpu.memory_space<vmem>> -> memref<128x128xf32, #tpu.memory_space<vmem>>
    %dma_start3A_178 = arith.constant 0 : i32
    %dma_start3A_179 = tpu.memref_slice %arg8[%dma_start3A_171, %dma_start3A_178] : memref<4x128xi32, #tpu.memory_space<vmem>> -> memref<1x128xi32, #tpu.memory_space<vmem>>
    %dma_start3A_180 = tpu.memref_squeeze %dma_start3A_179 : memref<1x128xi32, #tpu.memory_space<vmem>> -> memref<128xi32, #tpu.memory_space<vmem>>
    %dma_start3A_181 = arith.constant 0 : i32
    %dma_start3A_182 = arith.constant 0 : i32
    %dma_start3A_183 = tpu.memref_slice %arg2[%dma_start3A_181, %dma_start3A_182] : memref<10000x128xf32, #tpu.memory_space<hbm>> -> memref<10000x128xf32, #tpu.memory_space<hbm>>
    %dma_start3A_184 = tpu.memref_slice %arg12[%dma_start3A_173] : memref<2x!tpu.dma_semaphore, #tpu.memory_space<semaphore_mem>> -> memref<1x!tpu.dma_semaphore, #tpu.memory_space<semaphore_mem>>
    %dma_start3A_185 = tpu.memref_squeeze %dma_start3A_184 : memref<1x!tpu.dma_semaphore, #tpu.memory_space<semaphore_mem>> -> memref<!tpu.dma_semaphore, #tpu.memory_space<semaphore_mem>>
    tpu.enqueue_indirect_dma source(%dma_start3A_183 : memref<10000x128xf32, #tpu.memory_space<hbm>>) target(%dma_start3A_177 : memref<128x128xf32, #tpu.memory_space<vmem>>) offsets(%dma_start3A_180 : memref<128xi32, #tpu.memory_space<vmem>>) semaphore(%dma_start3A_185 : memref<!tpu.dma_semaphore, #tpu.memory_space<semaphore_mem>>)
    %dma_wait3A_186 = arith.constant 1 : i32
    %dma_wait3A_187 = arith.constant 1 : i32
    %dma_wait3A_188 = arith.constant 1 : i32
    %dma_wait3A_189 = arith.constant 0 : i32
    %dma_wait3A_190 = tpu.memref_slice %arg8[%dma_wait3A_187, %dma_wait3A_189] : memref<4x128xi32, #tpu.memory_space<vmem>> -> memref<1x128xi32, #tpu.memory_space<vmem>>
    %dma_wait3A_191 = tpu.memref_squeeze %dma_wait3A_190 : memref<1x128xi32, #tpu.memory_space<vmem>> -> memref<128xi32, #tpu.memory_space<vmem>>
    %dma_wait3A_192 = arith.constant 0 : i32
    %dma_wait3A_193 = tpu.memref_slice %arg3[%add3A, %dma_wait3A_186, %dma_wait3A_192] : memref<32x80x128xi32, #tpu.memory_space<hbm>> -> memref<1x1x128xi32, #tpu.memory_space<hbm>>
    %dma_wait3A_194 = tpu.memref_squeeze %dma_wait3A_193 : memref<1x1x128xi32, #tpu.memory_space<hbm>> -> memref<128xi32, #tpu.memory_space<hbm>>
    %dma_wait3A_195 = tpu.memref_slice %arg11[%dma_wait3A_188] : memref<4x!tpu.dma_semaphore, #tpu.memory_space<semaphore_mem>> -> memref<1x!tpu.dma_semaphore, #tpu.memory_space<semaphore_mem>>
    %dma_wait3A_196 = tpu.memref_squeeze %dma_wait3A_195 : memref<1x!tpu.dma_semaphore, #tpu.memory_space<semaphore_mem>> -> memref<!tpu.dma_semaphore, #tpu.memory_space<semaphore_mem>>
    %dma_wait3A_197 = arith.constant 0 : i32
    %dma_wait3A_198 = tpu.memref_slice %arg8[%dma_wait3A_187, %dma_wait3A_197] : memref<4x128xi32, #tpu.memory_space<vmem>> -> memref<1x128xi32, #tpu.memory_space<vmem>>
    %dma_wait3A_199 = tpu.memref_squeeze %dma_wait3A_198 : memref<1x128xi32, #tpu.memory_space<vmem>> -> memref<128xi32, #tpu.memory_space<vmem>>
    %dma_wait3A_200 = arith.constant 0 : i32
    %dma_wait3A_201 = tpu.memref_slice %arg3[%add3A, %dma_wait3A_186, %dma_wait3A_200] : memref<32x80x128xi32, #tpu.memory_space<hbm>> -> memref<1x1x128xi32, #tpu.memory_space<hbm>>
    %dma_wait3A_202 = tpu.memref_squeeze %dma_wait3A_201 : memref<1x1x128xi32, #tpu.memory_space<hbm>> -> memref<128xi32, #tpu.memory_space<hbm>>
    tpu.wait_dma2 semaphore(%dma_wait3A_196 : memref<!tpu.dma_semaphore, #tpu.memory_space<semaphore_mem>>) src(%dma_wait3A_202 : memref<128xi32, #tpu.memory_space<hbm>>) dst(%dma_wait3A_199 : memref<128xi32, #tpu.memory_space<vmem>>)
    %dma_wait3A_203 = arith.constant 1 : i32
    %dma_wait3A_204 = arith.constant 1 : i32
    %dma_wait3A_205 = arith.constant 1 : i32
    %dma_wait3A_206 = arith.constant 0 : i32
    %dma_wait3A_207 = tpu.memref_slice %arg9[%dma_wait3A_204, %dma_wait3A_206] : memref<4x128xi32, #tpu.memory_space<vmem>> -> memref<1x128xi32, #tpu.memory_space<vmem>>
    %dma_wait3A_208 = tpu.memref_squeeze %dma_wait3A_207 : memref<1x128xi32, #tpu.memory_space<vmem>> -> memref<128xi32, #tpu.memory_space<vmem>>
    %dma_wait3A_209 = arith.constant 0 : i32
    %dma_wait3A_210 = tpu.memref_slice %arg4[%add3A, %dma_wait3A_203, %dma_wait3A_209] : memref<32x80x128xi32, #tpu.memory_space<hbm>> -> memref<1x1x128xi32, #tpu.memory_space<hbm>>
    %dma_wait3A_211 = tpu.memref_squeeze %dma_wait3A_210 : memref<1x1x128xi32, #tpu.memory_space<hbm>> -> memref<128xi32, #tpu.memory_space<hbm>>
    %dma_wait3A_212 = tpu.memref_slice %arg11[%dma_wait3A_205] : memref<4x!tpu.dma_semaphore, #tpu.memory_space<semaphore_mem>> -> memref<1x!tpu.dma_semaphore, #tpu.memory_space<semaphore_mem>>
    %dma_wait3A_213 = tpu.memref_squeeze %dma_wait3A_212 : memref<1x!tpu.dma_semaphore, #tpu.memory_space<semaphore_mem>> -> memref<!tpu.dma_semaphore, #tpu.memory_space<semaphore_mem>>
    %dma_wait3A_214 = arith.constant 0 : i32
    %dma_wait3A_215 = tpu.memref_slice %arg9[%dma_wait3A_204, %dma_wait3A_214] : memref<4x128xi32, #tpu.memory_space<vmem>> -> memref<1x128xi32, #tpu.memory_space<vmem>>
    %dma_wait3A_216 = tpu.memref_squeeze %dma_wait3A_215 : memref<1x128xi32, #tpu.memory_space<vmem>> -> memref<128xi32, #tpu.memory_space<vmem>>
    %dma_wait3A_217 = arith.constant 0 : i32
    %dma_wait3A_218 = tpu.memref_slice %arg4[%add3A, %dma_wait3A_203, %dma_wait3A_217] : memref<32x80x128xi32, #tpu.memory_space<hbm>> -> memref<1x1x128xi32, #tpu.memory_space<hbm>>
    %dma_wait3A_219 = tpu.memref_squeeze %dma_wait3A_218 : memref<1x1x128xi32, #tpu.memory_space<hbm>> -> memref<128xi32, #tpu.memory_space<hbm>>
    tpu.wait_dma2 semaphore(%dma_wait3A_213 : memref<!tpu.dma_semaphore, #tpu.memory_space<semaphore_mem>>) src(%dma_wait3A_219 : memref<128xi32, #tpu.memory_space<hbm>>) dst(%dma_wait3A_216 : memref<128xi32, #tpu.memory_space<vmem>>)
    %dma_start3A_220 = arith.constant 1 : i32
    %dma_start3A_221 = arith.constant 1 : i32
    %dma_start3A_222 = arith.constant 1 : i32
    %dma_start3A_223 = arith.constant 0 : i32
    %dma_start3A_224 = arith.constant 0 : i32
    %dma_start3A_225 = tpu.memref_slice %arg10[%dma_start3A_221, %dma_start3A_223, %dma_start3A_224] : memref<2x128x128xf32, #tpu.memory_space<vmem>> -> memref<1x128x128xf32, #tpu.memory_space<vmem>>
    %dma_start3A_226 = tpu.memref_squeeze %dma_start3A_225 : memref<1x128x128xf32, #tpu.memory_space<vmem>> -> memref<128x128xf32, #tpu.memory_space<vmem>>
    %dma_start3A_227 = arith.constant 0 : i32
    %dma_start3A_228 = tpu.memref_slice %arg8[%dma_start3A_220, %dma_start3A_227] : memref<4x128xi32, #tpu.memory_space<vmem>> -> memref<1x128xi32, #tpu.memory_space<vmem>>
    %dma_start3A_229 = tpu.memref_squeeze %dma_start3A_228 : memref<1x128xi32, #tpu.memory_space<vmem>> -> memref<128xi32, #tpu.memory_space<vmem>>
    %dma_start3A_230 = arith.constant 0 : i32
    %dma_start3A_231 = arith.constant 0 : i32
    %dma_start3A_232 = tpu.memref_slice %arg2[%dma_start3A_230, %dma_start3A_231] : memref<10000x128xf32, #tpu.memory_space<hbm>> -> memref<10000x128xf32, #tpu.memory_space<hbm>>
    %dma_start3A_233 = tpu.memref_slice %arg12[%dma_start3A_222] : memref<2x!tpu.dma_semaphore, #tpu.memory_space<semaphore_mem>> -> memref<1x!tpu.dma_semaphore, #tpu.memory_space<semaphore_mem>>
    %dma_start3A_234 = tpu.memref_squeeze %dma_start3A_233 : memref<1x!tpu.dma_semaphore, #tpu.memory_space<semaphore_mem>> -> memref<!tpu.dma_semaphore, #tpu.memory_space<semaphore_mem>>
    tpu.enqueue_indirect_dma source(%dma_start3A_232 : memref<10000x128xf32, #tpu.memory_space<hbm>>) target(%dma_start3A_226 : memref<128x128xf32, #tpu.memory_space<vmem>>) offsets(%dma_start3A_229 : memref<128xi32, #tpu.memory_space<vmem>>) semaphore(%dma_start3A_234 : memref<!tpu.dma_semaphore, #tpu.memory_space<semaphore_mem>>)
    %barrier3A = arith.constant 0 : index
    tpu.barrier barrier_id(%barrier3A)
    %dma_wait3A_235 = arith.constant 0 : i32
    %dma_wait3A_236 = arith.constant 0 : i32
    %dma_wait3A_237 = arith.constant 0 : i32
    %dma_wait3A_238 = arith.constant 0 : i32
    %dma_wait3A_239 = arith.constant 0 : i32
    %dma_wait3A_240 = tpu.memref_slice %arg10[%dma_wait3A_236, %dma_wait3A_238, %dma_wait3A_239] : memref<2x128x128xf32, #tpu.memory_space<vmem>> -> memref<1x128x128xf32, #tpu.memory_space<vmem>>
    %dma_wait3A_241 = tpu.memref_squeeze %dma_wait3A_240 : memref<1x128x128xf32, #tpu.memory_space<vmem>> -> memref<128x128xf32, #tpu.memory_space<vmem>>
    %dma_wait3A_242 = arith.constant 0 : i32
    %dma_wait3A_243 = tpu.memref_slice %arg8[%dma_wait3A_235, %dma_wait3A_242] : memref<4x128xi32, #tpu.memory_space<vmem>> -> memref<1x128xi32, #tpu.memory_space<vmem>>
    %dma_wait3A_244 = tpu.memref_squeeze %dma_wait3A_243 : memref<1x128xi32, #tpu.memory_space<vmem>> -> memref<128xi32, #tpu.memory_space<vmem>>
    %dma_wait3A_245 = arith.constant 0 : i32
    %dma_wait3A_246 = arith.constant 0 : i32
    %dma_wait3A_247 = tpu.memref_slice %arg2[%dma_wait3A_245, %dma_wait3A_246] : memref<10000x128xf32, #tpu.memory_space<hbm>> -> memref<10000x128xf32, #tpu.memory_space<hbm>>
    %dma_wait3A_248 = tpu.memref_slice %arg12[%dma_wait3A_237] : memref<2x!tpu.dma_semaphore, #tpu.memory_space<semaphore_mem>> -> memref<1x!tpu.dma_semaphore, #tpu.memory_space<semaphore_mem>>
    %dma_wait3A_249 = tpu.memref_squeeze %dma_wait3A_248 : memref<1x!tpu.dma_semaphore, #tpu.memory_space<semaphore_mem>> -> memref<!tpu.dma_semaphore, #tpu.memory_space<semaphore_mem>>
    tpu.wait_indirect_dma semaphore(%dma_wait3A_249 : memref<!tpu.dma_semaphore, #tpu.memory_space<semaphore_mem>>) src(%dma_wait3A_247 : memref<10000x128xf32, #tpu.memory_space<hbm>>) dst(%dma_wait3A_241 : memref<128x128xf32, #tpu.memory_space<vmem>>)
    %dma_start3A_250 = arith.constant 0 : i32
    %dma_start3A_251 = arith.constant 0 : i32
    %dma_start3A_252 = arith.constant 0 : i32
    %dma_start3A_253 = arith.constant 0 : i32
    %dma_start3A_254 = arith.constant 0 : i32
    %dma_start3A_255 = tpu.memref_slice %arg10[%dma_start3A_250, %dma_start3A_253, %dma_start3A_254] : memref<2x128x128xf32, #tpu.memory_space<vmem>> -> memref<1x128x128xf32, #tpu.memory_space<vmem>>
    %dma_start3A_256 = tpu.memref_squeeze %dma_start3A_255 : memref<1x128x128xf32, #tpu.memory_space<vmem>> -> memref<128x128xf32, #tpu.memory_space<vmem>>
    %dma_start3A_257 = arith.constant 0 : i32
    %dma_start3A_258 = tpu.memref_slice %arg9[%dma_start3A_251, %dma_start3A_257] : memref<4x128xi32, #tpu.memory_space<vmem>> -> memref<1x128xi32, #tpu.memory_space<vmem>>
    %dma_start3A_259 = tpu.memref_squeeze %dma_start3A_258 : memref<1x128xi32, #tpu.memory_space<vmem>> -> memref<128xi32, #tpu.memory_space<vmem>>
    %dma_start3A_260 = arith.constant 0 : i32
    %dma_start3A_261 = arith.constant 0 : i32
    %dma_start3A_262 = tpu.memref_slice %arg7[%dma_start3A_260, %dma_start3A_261] : memref<10240x128xf32, #tpu.memory_space<vmem_shared>> -> memref<10240x128xf32, #tpu.memory_space<vmem_shared>>
    %dma_start3A_263 = tpu.memref_slice %arg13[%dma_start3A_252] : memref<4x!tpu.dma_semaphore, #tpu.memory_space<semaphore_mem>> -> memref<1x!tpu.dma_semaphore, #tpu.memory_space<semaphore_mem>>
    %dma_start3A_264 = tpu.memref_squeeze %dma_start3A_263 : memref<1x!tpu.dma_semaphore, #tpu.memory_space<semaphore_mem>> -> memref<!tpu.dma_semaphore, #tpu.memory_space<semaphore_mem>>
    tpu.enqueue_indirect_dma source(%dma_start3A_256 : memref<128x128xf32, #tpu.memory_space<vmem>>) target(%dma_start3A_262 : memref<10240x128xf32, #tpu.memory_space<vmem_shared>>) offsets(%dma_start3A_259 : memref<128xi32, #tpu.memory_space<vmem>>) semaphore(%dma_start3A_264 : memref<!tpu.dma_semaphore, #tpu.memory_space<semaphore_mem>>) {add = true}
    %scan3A = arith.constant 0 : i32
    %scan3A_265 = arith.constant 0 : i32
    %scan3A_266 = arith.constant 19 : i32
    %scan3A_267 = arith.addi %scan3A_265, %scan3A_266 : i32
    %scan3A_268 = arith.constant 1 : i32
    scf.for %scan3A_523 = %scan3A_265 to %scan3A_267 step %scan3A_268  : i32 {
      %mul3A_524 = arith.constant 4 : i32
      %mul3A_525 = arith.muli %scan3A_523, %mul3A_524 : i32
      %add3A_526 = arith.constant 2 : i32
      %add3A_527 = arith.addi %add3A_526, %mul3A_525 : i32
      %add3A_528 = arith.constant 0 : i32
      %add3A_529 = arith.addi %add3A_527, %add3A_528 : i32
      %jit3A = arith.constant 2 : i32
      %eq3A = arith.constant 0 : i32
      %eq3A_530 = arith.cmpi eq, %jit3A, %eq3A : i32
      %jit3A_531 = arith.constant 1 : i32
      %select_n3A = arith.select %eq3A_530, %jit3A_531, %jit3A : i32
      %rem3A = arith.remsi %add3A_529, %select_n3A : i32
      %ne3A = arith.constant 0 : i32
      %ne3A_532 = arith.cmpi ne, %rem3A, %ne3A : i32
      %lt3A = arith.constant 0 : i32
      %lt3A_533 = arith.cmpi slt, %rem3A, %lt3A : i32
      %lt3A_534 = arith.constant 0 : i32
      %lt3A_535 = arith.cmpi slt, %select_n3A, %lt3A_534 : i32
      %ne3A_536 = arith.xori %lt3A_533, %lt3A_535 : i1
      %and3A = arith.andi %ne3A_536, %ne3A_532 : i1
      %add3A_537 = arith.addi %rem3A, %select_n3A : i32
      %select_n3A_538 = arith.select %and3A, %add3A_537, %rem3A : i32
      %jit3A_539 = arith.constant 4 : i32
      %eq3A_540 = arith.constant 0 : i32
      %eq3A_541 = arith.cmpi eq, %jit3A_539, %eq3A_540 : i32
      %jit3A_542 = arith.constant 1 : i32
      %select_n3A_543 = arith.select %eq3A_541, %jit3A_542, %jit3A_539 : i32
      %rem3A_544 = arith.remsi %add3A_529, %select_n3A_543 : i32
      %ne3A_545 = arith.constant 0 : i32
      %ne3A_546 = arith.cmpi ne, %rem3A_544, %ne3A_545 : i32
      %lt3A_547 = arith.constant 0 : i32
      %lt3A_548 = arith.cmpi slt, %rem3A_544, %lt3A_547 : i32
      %lt3A_549 = arith.constant 0 : i32
      %lt3A_550 = arith.cmpi slt, %select_n3A_543, %lt3A_549 : i32
      %ne3A_551 = arith.xori %lt3A_548, %lt3A_550 : i1
      %and3A_552 = arith.andi %ne3A_551, %ne3A_546 : i1
      %add3A_553 = arith.addi %rem3A_544, %select_n3A_543 : i32
      %select_n3A_554 = arith.select %and3A_552, %add3A_553, %rem3A_544 : i32
      %add3A_555 = arith.constant 2 : i32
      %add3A_556 = arith.addi %select_n3A_554, %add3A_555 : i32
      %jit3A_557 = arith.constant 4 : i32
      %eq3A_558 = arith.constant 0 : i32
      %eq3A_559 = arith.cmpi eq, %jit3A_557, %eq3A_558 : i32
      %jit3A_560 = arith.constant 1 : i32
      %select_n3A_561 = arith.select %eq3A_559, %jit3A_560, %jit3A_557 : i32
      %rem3A_562 = arith.remsi %add3A_556, %select_n3A_561 : i32
      %ne3A_563 = arith.constant 0 : i32
      %ne3A_564 = arith.cmpi ne, %rem3A_562, %ne3A_563 : i32
      %lt3A_565 = arith.constant 0 : i32
      %lt3A_566 = arith.cmpi slt, %rem3A_562, %lt3A_565 : i32
      %lt3A_567 = arith.constant 0 : i32
      %lt3A_568 = arith.cmpi slt, %select_n3A_561, %lt3A_567 : i32
      %ne3A_569 = arith.xori %lt3A_566, %lt3A_568 : i1
      %and3A_570 = arith.andi %ne3A_569, %ne3A_564 : i1
      %add3A_571 = arith.addi %rem3A_562, %select_n3A_561 : i32
      %select_n3A_572 = arith.select %and3A_570, %add3A_571, %rem3A_562 : i32
      %dma_wait3A_573 = arith.constant 0 : i32
      %dma_wait3A_574 = arith.constant 0 : i32
      %dma_wait3A_575 = tpu.memref_slice %arg10[%select_n3A_538, %dma_wait3A_573, %dma_wait3A_574] : memref<2x128x128xf32, #tpu.memory_space<vmem>> -> memref<1x128x128xf32, #tpu.memory_space<vmem>>
      %dma_wait3A_576 = tpu.memref_squeeze %dma_wait3A_575 : memref<1x128x128xf32, #tpu.memory_space<vmem>> -> memref<128x128xf32, #tpu.memory_space<vmem>>
      %dma_wait3A_577 = arith.constant 0 : i32
      %dma_wait3A_578 = tpu.memref_slice %arg9[%select_n3A_572, %dma_wait3A_577] : memref<4x128xi32, #tpu.memory_space<vmem>> -> memref<1x128xi32, #tpu.memory_space<vmem>>
      %dma_wait3A_579 = tpu.memref_squeeze %dma_wait3A_578 : memref<1x128xi32, #tpu.memory_space<vmem>> -> memref<128xi32, #tpu.memory_space<vmem>>
      %dma_wait3A_580 = arith.constant 0 : i32
      %dma_wait3A_581 = arith.constant 0 : i32
      %dma_wait3A_582 = tpu.memref_slice %arg7[%dma_wait3A_580, %dma_wait3A_581] : memref<10240x128xf32, #tpu.memory_space<vmem_shared>> -> memref<10240x128xf32, #tpu.memory_space<vmem_shared>>
      %dma_wait3A_583 = tpu.memref_slice %arg13[%select_n3A_572] : memref<4x!tpu.dma_semaphore, #tpu.memory_space<semaphore_mem>> -> memref<1x!tpu.dma_semaphore, #tpu.memory_space<semaphore_mem>>
      %dma_wait3A_584 = tpu.memref_squeeze %dma_wait3A_583 : memref<1x!tpu.dma_semaphore, #tpu.memory_space<semaphore_mem>> -> memref<!tpu.dma_semaphore, #tpu.memory_space<semaphore_mem>>
      tpu.wait_indirect_dma semaphore(%dma_wait3A_584 : memref<!tpu.dma_semaphore, #tpu.memory_space<semaphore_mem>>) src(%dma_wait3A_576 : memref<128x128xf32, #tpu.memory_space<vmem>>) dst(%dma_wait3A_582 : memref<10240x128xf32, #tpu.memory_space<vmem_shared>>)
      %add3A_585 = arith.constant 2 : i32
      %add3A_586 = arith.addi %add3A_529, %add3A_585 : i32
      %add3A_587 = arith.constant 2 : i32
      %add3A_588 = arith.addi %select_n3A_554, %add3A_587 : i32
      %jit3A_589 = arith.constant 4 : i32
      %eq3A_590 = arith.constant 0 : i32
      %eq3A_591 = arith.cmpi eq, %jit3A_589, %eq3A_590 : i32
      %jit3A_592 = arith.constant 1 : i32
      %select_n3A_593 = arith.select %eq3A_591, %jit3A_592, %jit3A_589 : i32
      %rem3A_594 = arith.remsi %add3A_588, %select_n3A_593 : i32
      %ne3A_595 = arith.constant 0 : i32
      %ne3A_596 = arith.cmpi ne, %rem3A_594, %ne3A_595 : i32
      %lt3A_597 = arith.constant 0 : i32
      %lt3A_598 = arith.cmpi slt, %rem3A_594, %lt3A_597 : i32
      %lt3A_599 = arith.constant 0 : i32
      %lt3A_600 = arith.cmpi slt, %select_n3A_593, %lt3A_599 : i32
      %ne3A_601 = arith.xori %lt3A_598, %lt3A_600 : i1
      %and3A_602 = arith.andi %ne3A_601, %ne3A_596 : i1
      %add3A_603 = arith.addi %rem3A_594, %select_n3A_593 : i32
      %select_n3A_604 = arith.select %and3A_602, %add3A_603, %rem3A_594 : i32
      %dma_start3A_605 = arith.constant 0 : i32
      %dma_start3A_606 = tpu.memref_slice %arg8[%select_n3A_604, %dma_start3A_605] : memref<4x128xi32, #tpu.memory_space<vmem>> -> memref<1x128xi32, #tpu.memory_space<vmem>>
      %dma_start3A_607 = tpu.memref_squeeze %dma_start3A_606 : memref<1x128xi32, #tpu.memory_space<vmem>> -> memref<128xi32, #tpu.memory_space<vmem>>
      %dma_start3A_608 = arith.constant 0 : i32
      %dma_start3A_609 = tpu.memref_slice %arg3[%add3A, %add3A_586, %dma_start3A_608] : memref<32x80x128xi32, #tpu.memory_space<hbm>> -> memref<1x1x128xi32, #tpu.memory_space<hbm>>
      %dma_start3A_610 = tpu.memref_squeeze %dma_start3A_609 : memref<1x1x128xi32, #tpu.memory_space<hbm>> -> memref<128xi32, #tpu.memory_space<hbm>>
      %dma_start3A_611 = tpu.memref_slice %arg11[%select_n3A_604] : memref<4x!tpu.dma_semaphore, #tpu.memory_space<semaphore_mem>> -> memref<1x!tpu.dma_semaphore, #tpu.memory_space<semaphore_mem>>
      %dma_start3A_612 = tpu.memref_squeeze %dma_start3A_611 : memref<1x!tpu.dma_semaphore, #tpu.memory_space<semaphore_mem>> -> memref<!tpu.dma_semaphore, #tpu.memory_space<semaphore_mem>>
      %dma_start3A_613 = arith.constant 0 : i32
      %dma_start3A_614 = tpu.memref_slice %arg8[%select_n3A_604, %dma_start3A_613] : memref<4x128xi32, #tpu.memory_space<vmem>> -> memref<1x128xi32, #tpu.memory_space<vmem>>
      %dma_start3A_615 = tpu.memref_squeeze %dma_start3A_614 : memref<1x128xi32, #tpu.memory_space<vmem>> -> memref<128xi32, #tpu.memory_space<vmem>>
      %dma_start3A_616 = arith.constant 0 : i32
      %dma_start3A_617 = tpu.memref_slice %arg3[%add3A, %add3A_586, %dma_start3A_616] : memref<32x80x128xi32, #tpu.memory_space<hbm>> -> memref<1x1x128xi32, #tpu.memory_space<hbm>>
      %dma_start3A_618 = tpu.memref_squeeze %dma_start3A_617 : memref<1x1x128xi32, #tpu.memory_space<hbm>> -> memref<128xi32, #tpu.memory_space<hbm>>
      tpu.enqueue_dma source(%dma_start3A_618 : memref<128xi32, #tpu.memory_space<hbm>>) target(%dma_start3A_615 : memref<128xi32, #tpu.memory_space<vmem>>) target_semaphore(%dma_start3A_612 : memref<!tpu.dma_semaphore, #tpu.memory_space<semaphore_mem>>)
      %dma_start3A_619 = arith.constant 0 : i32
      %dma_start3A_620 = tpu.memref_slice %arg9[%select_n3A_604, %dma_start3A_619] : memref<4x128xi32, #tpu.memory_space<vmem>> -> memref<1x128xi32, #tpu.memory_space<vmem>>
      %dma_start3A_621 = tpu.memref_squeeze %dma_start3A_620 : memref<1x128xi32, #tpu.memory_space<vmem>> -> memref<128xi32, #tpu.memory_space<vmem>>
      %dma_start3A_622 = arith.constant 0 : i32
      %dma_start3A_623 = tpu.memref_slice %arg4[%add3A, %add3A_586, %dma_start3A_622] : memref<32x80x128xi32, #tpu.memory_space<hbm>> -> memref<1x1x128xi32, #tpu.memory_space<hbm>>
      %dma_start3A_624 = tpu.memref_squeeze %dma_start3A_623 : memref<1x1x128xi32, #tpu.memory_space<hbm>> -> memref<128xi32, #tpu.memory_space<hbm>>
      %dma_start3A_625 = tpu.memref_slice %arg11[%select_n3A_604] : memref<4x!tpu.dma_semaphore, #tpu.memory_space<semaphore_mem>> -> memref<1x!tpu.dma_semaphore, #tpu.memory_space<semaphore_mem>>
      %dma_start3A_626 = tpu.memref_squeeze %dma_start3A_625 : memref<1x!tpu.dma_semaphore, #tpu.memory_space<semaphore_mem>> -> memref<!tpu.dma_semaphore, #tpu.memory_space<semaphore_mem>>
      %dma_start3A_627 = arith.constant 0 : i32
      %dma_start3A_628 = tpu.memref_slice %arg9[%select_n3A_604, %dma_start3A_627] : memref<4x128xi32, #tpu.memory_space<vmem>> -> memref<1x128xi32, #tpu.memory_space<vmem>>
      %dma_start3A_629 = tpu.memref_squeeze %dma_start3A_628 : memref<1x128xi32, #tpu.memory_space<vmem>> -> memref<128xi32, #tpu.memory_space<vmem>>
      %dma_start3A_630 = arith.constant 0 : i32
      %dma_start3A_631 = tpu.memref_slice %arg4[%add3A, %add3A_586, %dma_start3A_630] : memref<32x80x128xi32, #tpu.memory_space<hbm>> -> memref<1x1x128xi32, #tpu.memory_space<hbm>>
      %dma_start3A_632 = tpu.memref_squeeze %dma_start3A_631 : memref<1x1x128xi32, #tpu.memory_space<hbm>> -> memref<128xi32, #tpu.memory_space<hbm>>
      tpu.enqueue_dma source(%dma_start3A_632 : memref<128xi32, #tpu.memory_space<hbm>>) target(%dma_start3A_629 : memref<128xi32, #tpu.memory_space<vmem>>) target_semaphore(%dma_start3A_626 : memref<!tpu.dma_semaphore, #tpu.memory_space<semaphore_mem>>)
      %dma_wait3A_633 = arith.constant 0 : i32
      %dma_wait3A_634 = tpu.memref_slice %arg8[%select_n3A_554, %dma_wait3A_633] : memref<4x128xi32, #tpu.memory_space<vmem>> -> memref<1x128xi32, #tpu.memory_space<vmem>>
      %dma_wait3A_635 = tpu.memref_squeeze %dma_wait3A_634 : memref<1x128xi32, #tpu.memory_space<vmem>> -> memref<128xi32, #tpu.memory_space<vmem>>
      %dma_wait3A_636 = arith.constant 0 : i32
      %dma_wait3A_637 = tpu.memref_slice %arg3[%add3A, %add3A_529, %dma_wait3A_636] : memref<32x80x128xi32, #tpu.memory_space<hbm>> -> memref<1x1x128xi32, #tpu.memory_space<hbm>>
      %dma_wait3A_638 = tpu.memref_squeeze %dma_wait3A_637 : memref<1x1x128xi32, #tpu.memory_space<hbm>> -> memref<128xi32, #tpu.memory_space<hbm>>
      %dma_wait3A_639 = tpu.memref_slice %arg11[%select_n3A_554] : memref<4x!tpu.dma_semaphore, #tpu.memory_space<semaphore_mem>> -> memref<1x!tpu.dma_semaphore, #tpu.memory_space<semaphore_mem>>
      %dma_wait3A_640 = tpu.memref_squeeze %dma_wait3A_639 : memref<1x!tpu.dma_semaphore, #tpu.memory_space<semaphore_mem>> -> memref<!tpu.dma_semaphore, #tpu.memory_space<semaphore_mem>>
      %dma_wait3A_641 = arith.constant 0 : i32
      %dma_wait3A_642 = tpu.memref_slice %arg8[%select_n3A_554, %dma_wait3A_641] : memref<4x128xi32, #tpu.memory_space<vmem>> -> memref<1x128xi32, #tpu.memory_space<vmem>>
      %dma_wait3A_643 = tpu.memref_squeeze %dma_wait3A_642 : memref<1x128xi32, #tpu.memory_space<vmem>> -> memref<128xi32, #tpu.memory_space<vmem>>
      %dma_wait3A_644 = arith.constant 0 : i32
      %dma_wait3A_645 = tpu.memref_slice %arg3[%add3A, %add3A_529, %dma_wait3A_644] : memref<32x80x128xi32, #tpu.memory_space<hbm>> -> memref<1x1x128xi32, #tpu.memory_space<hbm>>
      %dma_wait3A_646 = tpu.memref_squeeze %dma_wait3A_645 : memref<1x1x128xi32, #tpu.memory_space<hbm>> -> memref<128xi32, #tpu.memory_space<hbm>>
      tpu.wait_dma2 semaphore(%dma_wait3A_640 : memref<!tpu.dma_semaphore, #tpu.memory_space<semaphore_mem>>) src(%dma_wait3A_646 : memref<128xi32, #tpu.memory_space<hbm>>) dst(%dma_wait3A_643 : memref<128xi32, #tpu.memory_space<vmem>>)
      %dma_wait3A_647 = arith.constant 0 : i32
      %dma_wait3A_648 = tpu.memref_slice %arg9[%select_n3A_554, %dma_wait3A_647] : memref<4x128xi32, #tpu.memory_space<vmem>> -> memref<1x128xi32, #tpu.memory_space<vmem>>
      %dma_wait3A_649 = tpu.memref_squeeze %dma_wait3A_648 : memref<1x128xi32, #tpu.memory_space<vmem>> -> memref<128xi32, #tpu.memory_space<vmem>>
      %dma_wait3A_650 = arith.constant 0 : i32
      %dma_wait3A_651 = tpu.memref_slice %arg4[%add3A, %add3A_529, %dma_wait3A_650] : memref<32x80x128xi32, #tpu.memory_space<hbm>> -> memref<1x1x128xi32, #tpu.memory_space<hbm>>
      %dma_wait3A_652 = tpu.memref_squeeze %dma_wait3A_651 : memref<1x1x128xi32, #tpu.memory_space<hbm>> -> memref<128xi32, #tpu.memory_space<hbm>>
      %dma_wait3A_653 = tpu.memref_slice %arg11[%select_n3A_554] : memref<4x!tpu.dma_semaphore, #tpu.memory_space<semaphore_mem>> -> memref<1x!tpu.dma_semaphore, #tpu.memory_space<semaphore_mem>>
      %dma_wait3A_654 = tpu.memref_squeeze %dma_wait3A_653 : memref<1x!tpu.dma_semaphore, #tpu.memory_space<semaphore_mem>> -> memref<!tpu.dma_semaphore, #tpu.memory_space<semaphore_mem>>
      %dma_wait3A_655 = arith.constant 0 : i32
      %dma_wait3A_656 = tpu.memref_slice %arg9[%select_n3A_554, %dma_wait3A_655] : memref<4x128xi32, #tpu.memory_space<vmem>> -> memref<1x128xi32, #tpu.memory_space<vmem>>
      %dma_wait3A_657 = tpu.memref_squeeze %dma_wait3A_656 : memref<1x128xi32, #tpu.memory_space<vmem>> -> memref<128xi32, #tpu.memory_space<vmem>>
      %dma_wait3A_658 = arith.constant 0 : i32
      %dma_wait3A_659 = tpu.memref_slice %arg4[%add3A, %add3A_529, %dma_wait3A_658] : memref<32x80x128xi32, #tpu.memory_space<hbm>> -> memref<1x1x128xi32, #tpu.memory_space<hbm>>
      %dma_wait3A_660 = tpu.memref_squeeze %dma_wait3A_659 : memref<1x1x128xi32, #tpu.memory_space<hbm>> -> memref<128xi32, #tpu.memory_space<hbm>>
      tpu.wait_dma2 semaphore(%dma_wait3A_654 : memref<!tpu.dma_semaphore, #tpu.memory_space<semaphore_mem>>) src(%dma_wait3A_660 : memref<128xi32, #tpu.memory_space<hbm>>) dst(%dma_wait3A_657 : memref<128xi32, #tpu.memory_space<vmem>>)
      %dma_start3A_661 = arith.constant 0 : i32
      %dma_start3A_662 = arith.constant 0 : i32
      %dma_start3A_663 = tpu.memref_slice %arg10[%select_n3A_538, %dma_start3A_661, %dma_start3A_662] : memref<2x128x128xf32, #tpu.memory_space<vmem>> -> memref<1x128x128xf32, #tpu.memory_space<vmem>>
      %dma_start3A_664 = tpu.memref_squeeze %dma_start3A_663 : memref<1x128x128xf32, #tpu.memory_space<vmem>> -> memref<128x128xf32, #tpu.memory_space<vmem>>
      %dma_start3A_665 = arith.constant 0 : i32
      %dma_start3A_666 = tpu.memref_slice %arg8[%select_n3A_554, %dma_start3A_665] : memref<4x128xi32, #tpu.memory_space<vmem>> -> memref<1x128xi32, #tpu.memory_space<vmem>>
      %dma_start3A_667 = tpu.memref_squeeze %dma_start3A_666 : memref<1x128xi32, #tpu.memory_space<vmem>> -> memref<128xi32, #tpu.memory_space<vmem>>
      %dma_start3A_668 = arith.constant 0 : i32
      %dma_start3A_669 = arith.constant 0 : i32
      %dma_start3A_670 = tpu.memref_slice %arg2[%dma_start3A_668, %dma_start3A_669] : memref<10000x128xf32, #tpu.memory_space<hbm>> -> memref<10000x128xf32, #tpu.memory_space<hbm>>
      %dma_start3A_671 = tpu.memref_slice %arg12[%select_n3A_538] : memref<2x!tpu.dma_semaphore, #tpu.memory_space<semaphore_mem>> -> memref<1x!tpu.dma_semaphore, #tpu.memory_space<semaphore_mem>>
      %dma_start3A_672 = tpu.memref_squeeze %dma_start3A_671 : memref<1x!tpu.dma_semaphore, #tpu.memory_space<semaphore_mem>> -> memref<!tpu.dma_semaphore, #tpu.memory_space<semaphore_mem>>
      tpu.enqueue_indirect_dma source(%dma_start3A_670 : memref<10000x128xf32, #tpu.memory_space<hbm>>) target(%dma_start3A_664 : memref<128x128xf32, #tpu.memory_space<vmem>>) offsets(%dma_start3A_667 : memref<128xi32, #tpu.memory_space<vmem>>) semaphore(%dma_start3A_672 : memref<!tpu.dma_semaphore, #tpu.memory_space<semaphore_mem>>)
      %add3A_673 = arith.constant 4 : i32
      %add3A_674 = arith.addi %select_n3A_554, %add3A_673 : i32
      %sub3A = arith.constant 1 : i32
      %sub3A_675 = arith.subi %add3A_674, %sub3A : i32
      %jit3A_676 = arith.constant 4 : i32
      %eq3A_677 = arith.constant 0 : i32
      %eq3A_678 = arith.cmpi eq, %jit3A_676, %eq3A_677 : i32
      %jit3A_679 = arith.constant 1 : i32
      %select_n3A_680 = arith.select %eq3A_678, %jit3A_679, %jit3A_676 : i32
      %rem3A_681 = arith.remsi %sub3A_675, %select_n3A_680 : i32
      %ne3A_682 = arith.constant 0 : i32
      %ne3A_683 = arith.cmpi ne, %rem3A_681, %ne3A_682 : i32
      %lt3A_684 = arith.constant 0 : i32
      %lt3A_685 = arith.cmpi slt, %rem3A_681, %lt3A_684 : i32
      %lt3A_686 = arith.constant 0 : i32
      %lt3A_687 = arith.cmpi slt, %select_n3A_680, %lt3A_686 : i32
      %ne3A_688 = arith.xori %lt3A_685, %lt3A_687 : i1
      %and3A_689 = arith.andi %ne3A_688, %ne3A_683 : i1
      %add3A_690 = arith.addi %rem3A_681, %select_n3A_680 : i32
      %select_n3A_691 = arith.select %and3A_689, %add3A_690, %rem3A_681 : i32
      %add3A_692 = arith.constant 2 : i32
      %add3A_693 = arith.addi %select_n3A_538, %add3A_692 : i32
      %sub3A_694 = arith.constant 1 : i32
      %sub3A_695 = arith.subi %add3A_693, %sub3A_694 : i32
      %jit3A_696 = arith.constant 2 : i32
      %eq3A_697 = arith.constant 0 : i32
      %eq3A_698 = arith.cmpi eq, %jit3A_696, %eq3A_697 : i32
      %jit3A_699 = arith.constant 1 : i32
      %select_n3A_700 = arith.select %eq3A_698, %jit3A_699, %jit3A_696 : i32
      %rem3A_701 = arith.remsi %sub3A_695, %select_n3A_700 : i32
      %ne3A_702 = arith.constant 0 : i32
      %ne3A_703 = arith.cmpi ne, %rem3A_701, %ne3A_702 : i32
      %lt3A_704 = arith.constant 0 : i32
      %lt3A_705 = arith.cmpi slt, %rem3A_701, %lt3A_704 : i32
      %lt3A_706 = arith.constant 0 : i32
      %lt3A_707 = arith.cmpi slt, %select_n3A_700, %lt3A_706 : i32
      %ne3A_708 = arith.xori %lt3A_705, %lt3A_707 : i1
      %and3A_709 = arith.andi %ne3A_708, %ne3A_703 : i1
      %add3A_710 = arith.addi %rem3A_701, %select_n3A_700 : i32
      %select_n3A_711 = arith.select %and3A_709, %add3A_710, %rem3A_701 : i32
      %dma_wait3A_712 = arith.constant 0 : i32
      %dma_wait3A_713 = arith.constant 0 : i32
      %dma_wait3A_714 = tpu.memref_slice %arg10[%select_n3A_711, %dma_wait3A_712, %dma_wait3A_713] : memref<2x128x128xf32, #tpu.memory_space<vmem>> -> memref<1x128x128xf32, #tpu.memory_space<vmem>>
      %dma_wait3A_715 = tpu.memref_squeeze %dma_wait3A_714 : memref<1x128x128xf32, #tpu.memory_space<vmem>> -> memref<128x128xf32, #tpu.memory_space<vmem>>
      %dma_wait3A_716 = arith.constant 0 : i32
      %dma_wait3A_717 = tpu.memref_slice %arg8[%select_n3A_691, %dma_wait3A_716] : memref<4x128xi32, #tpu.memory_space<vmem>> -> memref<1x128xi32, #tpu.memory_space<vmem>>
      %dma_wait3A_718 = tpu.memref_squeeze %dma_wait3A_717 : memref<1x128xi32, #tpu.memory_space<vmem>> -> memref<128xi32, #tpu.memory_space<vmem>>
      %dma_wait3A_719 = arith.constant 0 : i32
      %dma_wait3A_720 = arith.constant 0 : i32
      %dma_wait3A_721 = tpu.memref_slice %arg2[%dma_wait3A_719, %dma_wait3A_720] : memref<10000x128xf32, #tpu.memory_space<hbm>> -> memref<10000x128xf32, #tpu.memory_space<hbm>>
      %dma_wait3A_722 = tpu.memref_slice %arg12[%select_n3A_711] : memref<2x!tpu.dma_semaphore, #tpu.memory_space<semaphore_mem>> -> memref<1x!tpu.dma_semaphore, #tpu.memory_space<semaphore_mem>>
      %dma_wait3A_723 = tpu.memref_squeeze %dma_wait3A_722 : memref<1x!tpu.dma_semaphore, #tpu.memory_space<semaphore_mem>> -> memref<!tpu.dma_semaphore, #tpu.memory_space<semaphore_mem>>
      tpu.wait_indirect_dma semaphore(%dma_wait3A_723 : memref<!tpu.dma_semaphore, #tpu.memory_space<semaphore_mem>>) src(%dma_wait3A_721 : memref<10000x128xf32, #tpu.memory_space<hbm>>) dst(%dma_wait3A_715 : memref<128x128xf32, #tpu.memory_space<vmem>>)
      %add3A_724 = arith.constant 4 : i32
      %add3A_725 = arith.addi %select_n3A_554, %add3A_724 : i32
      %sub3A_726 = arith.constant 1 : i32
      %sub3A_727 = arith.subi %add3A_725, %sub3A_726 : i32
      %jit3A_728 = arith.constant 4 : i32
      %eq3A_729 = arith.constant 0 : i32
      %eq3A_730 = arith.cmpi eq, %jit3A_728, %eq3A_729 : i32
      %jit3A_731 = arith.constant 1 : i32
      %select_n3A_732 = arith.select %eq3A_730, %jit3A_731, %jit3A_728 : i32
      %rem3A_733 = arith.remsi %sub3A_727, %select_n3A_732 : i32
      %ne3A_734 = arith.constant 0 : i32
      %ne3A_735 = arith.cmpi ne, %rem3A_733, %ne3A_734 : i32
      %lt3A_736 = arith.constant 0 : i32
      %lt3A_737 = arith.cmpi slt, %rem3A_733, %lt3A_736 : i32
      %lt3A_738 = arith.constant 0 : i32
      %lt3A_739 = arith.cmpi slt, %select_n3A_732, %lt3A_738 : i32
      %ne3A_740 = arith.xori %lt3A_737, %lt3A_739 : i1
      %and3A_741 = arith.andi %ne3A_740, %ne3A_735 : i1
      %add3A_742 = arith.addi %rem3A_733, %select_n3A_732 : i32
      %select_n3A_743 = arith.select %and3A_741, %add3A_742, %rem3A_733 : i32
      %add3A_744 = arith.constant 2 : i32
      %add3A_745 = arith.addi %select_n3A_538, %add3A_744 : i32
      %sub3A_746 = arith.constant 1 : i32
      %sub3A_747 = arith.subi %add3A_745, %sub3A_746 : i32
      %jit3A_748 = arith.constant 2 : i32
      %eq3A_749 = arith.constant 0 : i32
      %eq3A_750 = arith.cmpi eq, %jit3A_748, %eq3A_749 : i32
      %jit3A_751 = arith.constant 1 : i32
      %select_n3A_752 = arith.select %eq3A_750, %jit3A_751, %jit3A_748 : i32
      %rem3A_753 = arith.remsi %sub3A_747, %select_n3A_752 : i32
      %ne3A_754 = arith.constant 0 : i32
      %ne3A_755 = arith.cmpi ne, %rem3A_753, %ne3A_754 : i32
      %lt3A_756 = arith.constant 0 : i32
      %lt3A_757 = arith.cmpi slt, %rem3A_753, %lt3A_756 : i32
      %lt3A_758 = arith.constant 0 : i32
      %lt3A_759 = arith.cmpi slt, %select_n3A_752, %lt3A_758 : i32
      %ne3A_760 = arith.xori %lt3A_757, %lt3A_759 : i1
      %and3A_761 = arith.andi %ne3A_760, %ne3A_755 : i1
      %add3A_762 = arith.addi %rem3A_753, %select_n3A_752 : i32
      %select_n3A_763 = arith.select %and3A_761, %add3A_762, %rem3A_753 : i32
      %dma_start3A_764 = arith.constant 0 : i32
      %dma_start3A_765 = arith.constant 0 : i32
      %dma_start3A_766 = tpu.memref_slice %arg10[%select_n3A_763, %dma_start3A_764, %dma_start3A_765] : memref<2x128x128xf32, #tpu.memory_space<vmem>> -> memref<1x128x128xf32, #tpu.memory_space<vmem>>
      %dma_start3A_767 = tpu.memref_squeeze %dma_start3A_766 : memref<1x128x128xf32, #tpu.memory_space<vmem>> -> memref<128x128xf32, #tpu.memory_space<vmem>>
      %dma_start3A_768 = arith.constant 0 : i32
      %dma_start3A_769 = tpu.memref_slice %arg9[%select_n3A_743, %dma_start3A_768] : memref<4x128xi32, #tpu.memory_space<vmem>> -> memref<1x128xi32, #tpu.memory_space<vmem>>
      %dma_start3A_770 = tpu.memref_squeeze %dma_start3A_769 : memref<1x128xi32, #tpu.memory_space<vmem>> -> memref<128xi32, #tpu.memory_space<vmem>>
      %dma_start3A_771 = arith.constant 0 : i32
      %dma_start3A_772 = arith.constant 0 : i32
      %dma_start3A_773 = tpu.memref_slice %arg7[%dma_start3A_771, %dma_start3A_772] : memref<10240x128xf32, #tpu.memory_space<vmem_shared>> -> memref<10240x128xf32, #tpu.memory_space<vmem_shared>>
      %dma_start3A_774 = tpu.memref_slice %arg13[%select_n3A_743] : memref<4x!tpu.dma_semaphore, #tpu.memory_space<semaphore_mem>> -> memref<1x!tpu.dma_semaphore, #tpu.memory_space<semaphore_mem>>
      %dma_start3A_775 = tpu.memref_squeeze %dma_start3A_774 : memref<1x!tpu.dma_semaphore, #tpu.memory_space<semaphore_mem>> -> memref<!tpu.dma_semaphore, #tpu.memory_space<semaphore_mem>>
      tpu.enqueue_indirect_dma source(%dma_start3A_767 : memref<128x128xf32, #tpu.memory_space<vmem>>) target(%dma_start3A_773 : memref<10240x128xf32, #tpu.memory_space<vmem_shared>>) offsets(%dma_start3A_770 : memref<128xi32, #tpu.memory_space<vmem>>) semaphore(%dma_start3A_775 : memref<!tpu.dma_semaphore, #tpu.memory_space<semaphore_mem>>) {add = true}
      %add3A_776 = arith.constant 1 : i32
      %add3A_777 = arith.addi %add3A_527, %add3A_776 : i32
      %jit3A_778 = arith.constant 2 : i32
      %eq3A_779 = arith.constant 0 : i32
      %eq3A_780 = arith.cmpi eq, %jit3A_778, %eq3A_779 : i32
      %jit3A_781 = arith.constant 1 : i32
      %select_n3A_782 = arith.select %eq3A_780, %jit3A_781, %jit3A_778 : i32
      %rem3A_783 = arith.remsi %add3A_777, %select_n3A_782 : i32
      %ne3A_784 = arith.constant 0 : i32
      %ne3A_785 = arith.cmpi ne, %rem3A_783, %ne3A_784 : i32
      %lt3A_786 = arith.constant 0 : i32
      %lt3A_787 = arith.cmpi slt, %rem3A_783, %lt3A_786 : i32
      %lt3A_788 = arith.constant 0 : i32
      %lt3A_789 = arith.cmpi slt, %select_n3A_782, %lt3A_788 : i32
      %ne3A_790 = arith.xori %lt3A_787, %lt3A_789 : i1
      %and3A_791 = arith.andi %ne3A_790, %ne3A_785 : i1
      %add3A_792 = arith.addi %rem3A_783, %select_n3A_782 : i32
      %select_n3A_793 = arith.select %and3A_791, %add3A_792, %rem3A_783 : i32
      %jit3A_794 = arith.constant 4 : i32
      %eq3A_795 = arith.constant 0 : i32
      %eq3A_796 = arith.cmpi eq, %jit3A_794, %eq3A_795 : i32
      %jit3A_797 = arith.constant 1 : i32
      %select_n3A_798 = arith.select %eq3A_796, %jit3A_797, %jit3A_794 : i32
      %rem3A_799 = arith.remsi %add3A_777, %select_n3A_798 : i32
      %ne3A_800 = arith.constant 0 : i32
      %ne3A_801 = arith.cmpi ne, %rem3A_799, %ne3A_800 : i32
      %lt3A_802 = arith.constant 0 : i32
      %lt3A_803 = arith.cmpi slt, %rem3A_799, %lt3A_802 : i32
      %lt3A_804 = arith.constant 0 : i32
      %lt3A_805 = arith.cmpi slt, %select_n3A_798, %lt3A_804 : i32
      %ne3A_806 = arith.xori %lt3A_803, %lt3A_805 : i1
      %and3A_807 = arith.andi %ne3A_806, %ne3A_801 : i1
      %add3A_808 = arith.addi %rem3A_799, %select_n3A_798 : i32
      %select_n3A_809 = arith.select %and3A_807, %add3A_808, %rem3A_799 : i32
      %add3A_810 = arith.constant 2 : i32
      %add3A_811 = arith.addi %select_n3A_809, %add3A_810 : i32
      %jit3A_812 = arith.constant 4 : i32
      %eq3A_813 = arith.constant 0 : i32
      %eq3A_814 = arith.cmpi eq, %jit3A_812, %eq3A_813 : i32
      %jit3A_815 = arith.constant 1 : i32
      %select_n3A_816 = arith.select %eq3A_814, %jit3A_815, %jit3A_812 : i32
      %rem3A_817 = arith.remsi %add3A_811, %select_n3A_816 : i32
      %ne3A_818 = arith.constant 0 : i32
      %ne3A_819 = arith.cmpi ne, %rem3A_817, %ne3A_818 : i32
      %lt3A_820 = arith.constant 0 : i32
      %lt3A_821 = arith.cmpi slt, %rem3A_817, %lt3A_820 : i32
      %lt3A_822 = arith.constant 0 : i32
      %lt3A_823 = arith.cmpi slt, %select_n3A_816, %lt3A_822 : i32
      %ne3A_824 = arith.xori %lt3A_821, %lt3A_823 : i1
      %and3A_825 = arith.andi %ne3A_824, %ne3A_819 : i1
      %add3A_826 = arith.addi %rem3A_817, %select_n3A_816 : i32
      %select_n3A_827 = arith.select %and3A_825, %add3A_826, %rem3A_817 : i32
      %dma_wait3A_828 = arith.constant 0 : i32
      %dma_wait3A_829 = arith.constant 0 : i32
      %dma_wait3A_830 = tpu.memref_slice %arg10[%select_n3A_793, %dma_wait3A_828, %dma_wait3A_829] : memref<2x128x128xf32, #tpu.memory_space<vmem>> -> memref<1x128x128xf32, #tpu.memory_space<vmem>>
      %dma_wait3A_831 = tpu.memref_squeeze %dma_wait3A_830 : memref<1x128x128xf32, #tpu.memory_space<vmem>> -> memref<128x128xf32, #tpu.memory_space<vmem>>
      %dma_wait3A_832 = arith.constant 0 : i32
      %dma_wait3A_833 = tpu.memref_slice %arg9[%select_n3A_827, %dma_wait3A_832] : memref<4x128xi32, #tpu.memory_space<vmem>> -> memref<1x128xi32, #tpu.memory_space<vmem>>
      %dma_wait3A_834 = tpu.memref_squeeze %dma_wait3A_833 : memref<1x128xi32, #tpu.memory_space<vmem>> -> memref<128xi32, #tpu.memory_space<vmem>>
      %dma_wait3A_835 = arith.constant 0 : i32
      %dma_wait3A_836 = arith.constant 0 : i32
      %dma_wait3A_837 = tpu.memref_slice %arg7[%dma_wait3A_835, %dma_wait3A_836] : memref<10240x128xf32, #tpu.memory_space<vmem_shared>> -> memref<10240x128xf32, #tpu.memory_space<vmem_shared>>
      %dma_wait3A_838 = tpu.memref_slice %arg13[%select_n3A_827] : memref<4x!tpu.dma_semaphore, #tpu.memory_space<semaphore_mem>> -> memref<1x!tpu.dma_semaphore, #tpu.memory_space<semaphore_mem>>
      %dma_wait3A_839 = tpu.memref_squeeze %dma_wait3A_838 : memref<1x!tpu.dma_semaphore, #tpu.memory_space<semaphore_mem>> -> memref<!tpu.dma_semaphore, #tpu.memory_space<semaphore_mem>>
      tpu.wait_indirect_dma semaphore(%dma_wait3A_839 : memref<!tpu.dma_semaphore, #tpu.memory_space<semaphore_mem>>) src(%dma_wait3A_831 : memref<128x128xf32, #tpu.memory_space<vmem>>) dst(%dma_wait3A_837 : memref<10240x128xf32, #tpu.memory_space<vmem_shared>>)
      %add3A_840 = arith.constant 2 : i32
      %add3A_841 = arith.addi %add3A_777, %add3A_840 : i32
      %add3A_842 = arith.constant 2 : i32
      %add3A_843 = arith.addi %select_n3A_809, %add3A_842 : i32
      %jit3A_844 = arith.constant 4 : i32
      %eq3A_845 = arith.constant 0 : i32
      %eq3A_846 = arith.cmpi eq, %jit3A_844, %eq3A_845 : i32
      %jit3A_847 = arith.constant 1 : i32
      %select_n3A_848 = arith.select %eq3A_846, %jit3A_847, %jit3A_844 : i32
      %rem3A_849 = arith.remsi %add3A_843, %select_n3A_848 : i32
      %ne3A_850 = arith.constant 0 : i32
      %ne3A_851 = arith.cmpi ne, %rem3A_849, %ne3A_850 : i32
      %lt3A_852 = arith.constant 0 : i32
      %lt3A_853 = arith.cmpi slt, %rem3A_849, %lt3A_852 : i32
      %lt3A_854 = arith.constant 0 : i32
      %lt3A_855 = arith.cmpi slt, %select_n3A_848, %lt3A_854 : i32
      %ne3A_856 = arith.xori %lt3A_853, %lt3A_855 : i1
      %and3A_857 = arith.andi %ne3A_856, %ne3A_851 : i1
      %add3A_858 = arith.addi %rem3A_849, %select_n3A_848 : i32
      %select_n3A_859 = arith.select %and3A_857, %add3A_858, %rem3A_849 : i32
      %dma_start3A_860 = arith.constant 0 : i32
      %dma_start3A_861 = tpu.memref_slice %arg8[%select_n3A_859, %dma_start3A_860] : memref<4x128xi32, #tpu.memory_space<vmem>> -> memref<1x128xi32, #tpu.memory_space<vmem>>
      %dma_start3A_862 = tpu.memref_squeeze %dma_start3A_861 : memref<1x128xi32, #tpu.memory_space<vmem>> -> memref<128xi32, #tpu.memory_space<vmem>>
      %dma_start3A_863 = arith.constant 0 : i32
      %dma_start3A_864 = tpu.memref_slice %arg3[%add3A, %add3A_841, %dma_start3A_863] : memref<32x80x128xi32, #tpu.memory_space<hbm>> -> memref<1x1x128xi32, #tpu.memory_space<hbm>>
      %dma_start3A_865 = tpu.memref_squeeze %dma_start3A_864 : memref<1x1x128xi32, #tpu.memory_space<hbm>> -> memref<128xi32, #tpu.memory_space<hbm>>
      %dma_start3A_866 = tpu.memref_slice %arg11[%select_n3A_859] : memref<4x!tpu.dma_semaphore, #tpu.memory_space<semaphore_mem>> -> memref<1x!tpu.dma_semaphore, #tpu.memory_space<semaphore_mem>>
      %dma_start3A_867 = tpu.memref_squeeze %dma_start3A_866 : memref<1x!tpu.dma_semaphore, #tpu.memory_space<semaphore_mem>> -> memref<!tpu.dma_semaphore, #tpu.memory_space<semaphore_mem>>
      %dma_start3A_868 = arith.constant 0 : i32
      %dma_start3A_869 = tpu.memref_slice %arg8[%select_n3A_859, %dma_start3A_868] : memref<4x128xi32, #tpu.memory_space<vmem>> -> memref<1x128xi32, #tpu.memory_space<vmem>>
      %dma_start3A_870 = tpu.memref_squeeze %dma_start3A_869 : memref<1x128xi32, #tpu.memory_space<vmem>> -> memref<128xi32, #tpu.memory_space<vmem>>
      %dma_start3A_871 = arith.constant 0 : i32
      %dma_start3A_872 = tpu.memref_slice %arg3[%add3A, %add3A_841, %dma_start3A_871] : memref<32x80x128xi32, #tpu.memory_space<hbm>> -> memref<1x1x128xi32, #tpu.memory_space<hbm>>
      %dma_start3A_873 = tpu.memref_squeeze %dma_start3A_872 : memref<1x1x128xi32, #tpu.memory_space<hbm>> -> memref<128xi32, #tpu.memory_space<hbm>>
      tpu.enqueue_dma source(%dma_start3A_873 : memref<128xi32, #tpu.memory_space<hbm>>) target(%dma_start3A_870 : memref<128xi32, #tpu.memory_space<vmem>>) target_semaphore(%dma_start3A_867 : memref<!tpu.dma_semaphore, #tpu.memory_space<semaphore_mem>>)
      %dma_start3A_874 = arith.constant 0 : i32
      %dma_start3A_875 = tpu.memref_slice %arg9[%select_n3A_859, %dma_start3A_874] : memref<4x128xi32, #tpu.memory_space<vmem>> -> memref<1x128xi32, #tpu.memory_space<vmem>>
      %dma_start3A_876 = tpu.memref_squeeze %dma_start3A_875 : memref<1x128xi32, #tpu.memory_space<vmem>> -> memref<128xi32, #tpu.memory_space<vmem>>
      %dma_start3A_877 = arith.constant 0 : i32
      %dma_start3A_878 = tpu.memref_slice %arg4[%add3A, %add3A_841, %dma_start3A_877] : memref<32x80x128xi32, #tpu.memory_space<hbm>> -> memref<1x1x128xi32, #tpu.memory_space<hbm>>
      %dma_start3A_879 = tpu.memref_squeeze %dma_start3A_878 : memref<1x1x128xi32, #tpu.memory_space<hbm>> -> memref<128xi32, #tpu.memory_space<hbm>>
      %dma_start3A_880 = tpu.memref_slice %arg11[%select_n3A_859] : memref<4x!tpu.dma_semaphore, #tpu.memory_space<semaphore_mem>> -> memref<1x!tpu.dma_semaphore, #tpu.memory_space<semaphore_mem>>
      %dma_start3A_881 = tpu.memref_squeeze %dma_start3A_880 : memref<1x!tpu.dma_semaphore, #tpu.memory_space<semaphore_mem>> -> memref<!tpu.dma_semaphore, #tpu.memory_space<semaphore_mem>>
      %dma_start3A_882 = arith.constant 0 : i32
      %dma_start3A_883 = tpu.memref_slice %arg9[%select_n3A_859, %dma_start3A_882] : memref<4x128xi32, #tpu.memory_space<vmem>> -> memref<1x128xi32, #tpu.memory_space<vmem>>
      %dma_start3A_884 = tpu.memref_squeeze %dma_start3A_883 : memref<1x128xi32, #tpu.memory_space<vmem>> -> memref<128xi32, #tpu.memory_space<vmem>>
      %dma_start3A_885 = arith.constant 0 : i32
      %dma_start3A_886 = tpu.memref_slice %arg4[%add3A, %add3A_841, %dma_start3A_885] : memref<32x80x128xi32, #tpu.memory_space<hbm>> -> memref<1x1x128xi32, #tpu.memory_space<hbm>>
      %dma_start3A_887 = tpu.memref_squeeze %dma_start3A_886 : memref<1x1x128xi32, #tpu.memory_space<hbm>> -> memref<128xi32, #tpu.memory_space<hbm>>
      tpu.enqueue_dma source(%dma_start3A_887 : memref<128xi32, #tpu.memory_space<hbm>>) target(%dma_start3A_884 : memref<128xi32, #tpu.memory_space<vmem>>) target_semaphore(%dma_start3A_881 : memref<!tpu.dma_semaphore, #tpu.memory_space<semaphore_mem>>)
      %dma_wait3A_888 = arith.constant 0 : i32
      %dma_wait3A_889 = tpu.memref_slice %arg8[%select_n3A_809, %dma_wait3A_888] : memref<4x128xi32, #tpu.memory_space<vmem>> -> memref<1x128xi32, #tpu.memory_space<vmem>>
      %dma_wait3A_890 = tpu.memref_squeeze %dma_wait3A_889 : memref<1x128xi32, #tpu.memory_space<vmem>> -> memref<128xi32, #tpu.memory_space<vmem>>
      %dma_wait3A_891 = arith.constant 0 : i32
      %dma_wait3A_892 = tpu.memref_slice %arg3[%add3A, %add3A_777, %dma_wait3A_891] : memref<32x80x128xi32, #tpu.memory_space<hbm>> -> memref<1x1x128xi32, #tpu.memory_space<hbm>>
      %dma_wait3A_893 = tpu.memref_squeeze %dma_wait3A_892 : memref<1x1x128xi32, #tpu.memory_space<hbm>> -> memref<128xi32, #tpu.memory_space<hbm>>
      %dma_wait3A_894 = tpu.memref_slice %arg11[%select_n3A_809] : memref<4x!tpu.dma_semaphore, #tpu.memory_space<semaphore_mem>> -> memref<1x!tpu.dma_semaphore, #tpu.memory_space<semaphore_mem>>
      %dma_wait3A_895 = tpu.memref_squeeze %dma_wait3A_894 : memref<1x!tpu.dma_semaphore, #tpu.memory_space<semaphore_mem>> -> memref<!tpu.dma_semaphore, #tpu.memory_space<semaphore_mem>>
      %dma_wait3A_896 = arith.constant 0 : i32
      %dma_wait3A_897 = tpu.memref_slice %arg8[%select_n3A_809, %dma_wait3A_896] : memref<4x128xi32, #tpu.memory_space<vmem>> -> memref<1x128xi32, #tpu.memory_space<vmem>>
      %dma_wait3A_898 = tpu.memref_squeeze %dma_wait3A_897 : memref<1x128xi32, #tpu.memory_space<vmem>> -> memref<128xi32, #tpu.memory_space<vmem>>
      %dma_wait3A_899 = arith.constant 0 : i32
      %dma_wait3A_900 = tpu.memref_slice %arg3[%add3A, %add3A_777, %dma_wait3A_899] : memref<32x80x128xi32, #tpu.memory_space<hbm>> -> memref<1x1x128xi32, #tpu.memory_space<hbm>>
      %dma_wait3A_901 = tpu.memref_squeeze %dma_wait3A_900 : memref<1x1x128xi32, #tpu.memory_space<hbm>> -> memref<128xi32, #tpu.memory_space<hbm>>
      tpu.wait_dma2 semaphore(%dma_wait3A_895 : memref<!tpu.dma_semaphore, #tpu.memory_space<semaphore_mem>>) src(%dma_wait3A_901 : memref<128xi32, #tpu.memory_space<hbm>>) dst(%dma_wait3A_898 : memref<128xi32, #tpu.memory_space<vmem>>)
      %dma_wait3A_902 = arith.constant 0 : i32
      %dma_wait3A_903 = tpu.memref_slice %arg9[%select_n3A_809, %dma_wait3A_902] : memref<4x128xi32, #tpu.memory_space<vmem>> -> memref<1x128xi32, #tpu.memory_space<vmem>>
      %dma_wait3A_904 = tpu.memref_squeeze %dma_wait3A_903 : memref<1x128xi32, #tpu.memory_space<vmem>> -> memref<128xi32, #tpu.memory_space<vmem>>
      %dma_wait3A_905 = arith.constant 0 : i32
      %dma_wait3A_906 = tpu.memref_slice %arg4[%add3A, %add3A_777, %dma_wait3A_905] : memref<32x80x128xi32, #tpu.memory_space<hbm>> -> memref<1x1x128xi32, #tpu.memory_space<hbm>>
      %dma_wait3A_907 = tpu.memref_squeeze %dma_wait3A_906 : memref<1x1x128xi32, #tpu.memory_space<hbm>> -> memref<128xi32, #tpu.memory_space<hbm>>
      %dma_wait3A_908 = tpu.memref_slice %arg11[%select_n3A_809] : memref<4x!tpu.dma_semaphore, #tpu.memory_space<semaphore_mem>> -> memref<1x!tpu.dma_semaphore, #tpu.memory_space<semaphore_mem>>
      %dma_wait3A_909 = tpu.memref_squeeze %dma_wait3A_908 : memref<1x!tpu.dma_semaphore, #tpu.memory_space<semaphore_mem>> -> memref<!tpu.dma_semaphore, #tpu.memory_space<semaphore_mem>>
      %dma_wait3A_910 = arith.constant 0 : i32
      %dma_wait3A_911 = tpu.memref_slice %arg9[%select_n3A_809, %dma_wait3A_910] : memref<4x128xi32, #tpu.memory_space<vmem>> -> memref<1x128xi32, #tpu.memory_space<vmem>>
      %dma_wait3A_912 = tpu.memref_squeeze %dma_wait3A_911 : memref<1x128xi32, #tpu.memory_space<vmem>> -> memref<128xi32, #tpu.memory_space<vmem>>
      %dma_wait3A_913 = arith.constant 0 : i32
      %dma_wait3A_914 = tpu.memref_slice %arg4[%add3A, %add3A_777, %dma_wait3A_913] : memref<32x80x128xi32, #tpu.memory_space<hbm>> -> memref<1x1x128xi32, #tpu.memory_space<hbm>>
      %dma_wait3A_915 = tpu.memref_squeeze %dma_wait3A_914 : memref<1x1x128xi32, #tpu.memory_space<hbm>> -> memref<128xi32, #tpu.memory_space<hbm>>
      tpu.wait_dma2 semaphore(%dma_wait3A_909 : memref<!tpu.dma_semaphore, #tpu.memory_space<semaphore_mem>>) src(%dma_wait3A_915 : memref<128xi32, #tpu.memory_space<hbm>>) dst(%dma_wait3A_912 : memref<128xi32, #tpu.memory_space<vmem>>)
      %dma_start3A_916 = arith.constant 0 : i32
      %dma_start3A_917 = arith.constant 0 : i32
      %dma_start3A_918 = tpu.memref_slice %arg10[%select_n3A_793, %dma_start3A_916, %dma_start3A_917] : memref<2x128x128xf32, #tpu.memory_space<vmem>> -> memref<1x128x128xf32, #tpu.memory_space<vmem>>
      %dma_start3A_919 = tpu.memref_squeeze %dma_start3A_918 : memref<1x128x128xf32, #tpu.memory_space<vmem>> -> memref<128x128xf32, #tpu.memory_space<vmem>>
      %dma_start3A_920 = arith.constant 0 : i32
      %dma_start3A_921 = tpu.memref_slice %arg8[%select_n3A_809, %dma_start3A_920] : memref<4x128xi32, #tpu.memory_space<vmem>> -> memref<1x128xi32, #tpu.memory_space<vmem>>
      %dma_start3A_922 = tpu.memref_squeeze %dma_start3A_921 : memref<1x128xi32, #tpu.memory_space<vmem>> -> memref<128xi32, #tpu.memory_space<vmem>>
      %dma_start3A_923 = arith.constant 0 : i32
      %dma_start3A_924 = arith.constant 0 : i32
      %dma_start3A_925 = tpu.memref_slice %arg2[%dma_start3A_923, %dma_start3A_924] : memref<10000x128xf32, #tpu.memory_space<hbm>> -> memref<10000x128xf32, #tpu.memory_space<hbm>>
      %dma_start3A_926 = tpu.memref_slice %arg12[%select_n3A_793] : memref<2x!tpu.dma_semaphore, #tpu.memory_space<semaphore_mem>> -> memref<1x!tpu.dma_semaphore, #tpu.memory_space<semaphore_mem>>
      %dma_start3A_927 = tpu.memref_squeeze %dma_start3A_926 : memref<1x!tpu.dma_semaphore, #tpu.memory_space<semaphore_mem>> -> memref<!tpu.dma_semaphore, #tpu.memory_space<semaphore_mem>>
      tpu.enqueue_indirect_dma source(%dma_start3A_925 : memref<10000x128xf32, #tpu.memory_space<hbm>>) target(%dma_start3A_919 : memref<128x128xf32, #tpu.memory_space<vmem>>) offsets(%dma_start3A_922 : memref<128xi32, #tpu.memory_space<vmem>>) semaphore(%dma_start3A_927 : memref<!tpu.dma_semaphore, #tpu.memory_space<semaphore_mem>>)
      %add3A_928 = arith.constant 4 : i32
      %add3A_929 = arith.addi %select_n3A_809, %add3A_928 : i32
      %sub3A_930 = arith.constant 1 : i32
      %sub3A_931 = arith.subi %add3A_929, %sub3A_930 : i32
      %jit3A_932 = arith.constant 4 : i32
      %eq3A_933 = arith.constant 0 : i32
      %eq3A_934 = arith.cmpi eq, %jit3A_932, %eq3A_933 : i32
      %jit3A_935 = arith.constant 1 : i32
      %select_n3A_936 = arith.select %eq3A_934, %jit3A_935, %jit3A_932 : i32
      %rem3A_937 = arith.remsi %sub3A_931, %select_n3A_936 : i32
      %ne3A_938 = arith.constant 0 : i32
      %ne3A_939 = arith.cmpi ne, %rem3A_937, %ne3A_938 : i32
      %lt3A_940 = arith.constant 0 : i32
      %lt3A_941 = arith.cmpi slt, %rem3A_937, %lt3A_940 : i32
      %lt3A_942 = arith.constant 0 : i32
      %lt3A_943 = arith.cmpi slt, %select_n3A_936, %lt3A_942 : i32
      %ne3A_944 = arith.xori %lt3A_941, %lt3A_943 : i1
      %and3A_945 = arith.andi %ne3A_944, %ne3A_939 : i1
      %add3A_946 = arith.addi %rem3A_937, %select_n3A_936 : i32
      %select_n3A_947 = arith.select %and3A_945, %add3A_946, %rem3A_937 : i32
      %add3A_948 = arith.constant 2 : i32
      %add3A_949 = arith.addi %select_n3A_793, %add3A_948 : i32
      %sub3A_950 = arith.constant 1 : i32
      %sub3A_951 = arith.subi %add3A_949, %sub3A_950 : i32
      %jit3A_952 = arith.constant 2 : i32
      %eq3A_953 = arith.constant 0 : i32
      %eq3A_954 = arith.cmpi eq, %jit3A_952, %eq3A_953 : i32
      %jit3A_955 = arith.constant 1 : i32
      %select_n3A_956 = arith.select %eq3A_954, %jit3A_955, %jit3A_952 : i32
      %rem3A_957 = arith.remsi %sub3A_951, %select_n3A_956 : i32
      %ne3A_958 = arith.constant 0 : i32
      %ne3A_959 = arith.cmpi ne, %rem3A_957, %ne3A_958 : i32
      %lt3A_960 = arith.constant 0 : i32
      %lt3A_961 = arith.cmpi slt, %rem3A_957, %lt3A_960 : i32
      %lt3A_962 = arith.constant 0 : i32
      %lt3A_963 = arith.cmpi slt, %select_n3A_956, %lt3A_962 : i32
      %ne3A_964 = arith.xori %lt3A_961, %lt3A_963 : i1
      %and3A_965 = arith.andi %ne3A_964, %ne3A_959 : i1
      %add3A_966 = arith.addi %rem3A_957, %select_n3A_956 : i32
      %select_n3A_967 = arith.select %and3A_965, %add3A_966, %rem3A_957 : i32
      %dma_wait3A_968 = arith.constant 0 : i32
      %dma_wait3A_969 = arith.constant 0 : i32
      %dma_wait3A_970 = tpu.memref_slice %arg10[%select_n3A_967, %dma_wait3A_968, %dma_wait3A_969] : memref<2x128x128xf32, #tpu.memory_space<vmem>> -> memref<1x128x128xf32, #tpu.memory_space<vmem>>
      %dma_wait3A_971 = tpu.memref_squeeze %dma_wait3A_970 : memref<1x128x128xf32, #tpu.memory_space<vmem>> -> memref<128x128xf32, #tpu.memory_space<vmem>>
      %dma_wait3A_972 = arith.constant 0 : i32
      %dma_wait3A_973 = tpu.memref_slice %arg8[%select_n3A_947, %dma_wait3A_972] : memref<4x128xi32, #tpu.memory_space<vmem>> -> memref<1x128xi32, #tpu.memory_space<vmem>>
      %dma_wait3A_974 = tpu.memref_squeeze %dma_wait3A_973 : memref<1x128xi32, #tpu.memory_space<vmem>> -> memref<128xi32, #tpu.memory_space<vmem>>
      %dma_wait3A_975 = arith.constant 0 : i32
      %dma_wait3A_976 = arith.constant 0 : i32
      %dma_wait3A_977 = tpu.memref_slice %arg2[%dma_wait3A_975, %dma_wait3A_976] : memref<10000x128xf32, #tpu.memory_space<hbm>> -> memref<10000x128xf32, #tpu.memory_space<hbm>>
      %dma_wait3A_978 = tpu.memref_slice %arg12[%select_n3A_967] : memref<2x!tpu.dma_semaphore, #tpu.memory_space<semaphore_mem>> -> memref<1x!tpu.dma_semaphore, #tpu.memory_space<semaphore_mem>>
      %dma_wait3A_979 = tpu.memref_squeeze %dma_wait3A_978 : memref<1x!tpu.dma_semaphore, #tpu.memory_space<semaphore_mem>> -> memref<!tpu.dma_semaphore, #tpu.memory_space<semaphore_mem>>
      tpu.wait_indirect_dma semaphore(%dma_wait3A_979 : memref<!tpu.dma_semaphore, #tpu.memory_space<semaphore_mem>>) src(%dma_wait3A_977 : memref<10000x128xf32, #tpu.memory_space<hbm>>) dst(%dma_wait3A_971 : memref<128x128xf32, #tpu.memory_space<vmem>>)
      %add3A_980 = arith.constant 4 : i32
      %add3A_981 = arith.addi %select_n3A_809, %add3A_980 : i32
      %sub3A_982 = arith.constant 1 : i32
      %sub3A_983 = arith.subi %add3A_981, %sub3A_982 : i32
      %jit3A_984 = arith.constant 4 : i32
      %eq3A_985 = arith.constant 0 : i32
      %eq3A_986 = arith.cmpi eq, %jit3A_984, %eq3A_985 : i32
      %jit3A_987 = arith.constant 1 : i32
      %select_n3A_988 = arith.select %eq3A_986, %jit3A_987, %jit3A_984 : i32
      %rem3A_989 = arith.remsi %sub3A_983, %select_n3A_988 : i32
      %ne3A_990 = arith.constant 0 : i32
      %ne3A_991 = arith.cmpi ne, %rem3A_989, %ne3A_990 : i32
      %lt3A_992 = arith.constant 0 : i32
      %lt3A_993 = arith.cmpi slt, %rem3A_989, %lt3A_992 : i32
      %lt3A_994 = arith.constant 0 : i32
      %lt3A_995 = arith.cmpi slt, %select_n3A_988, %lt3A_994 : i32
      %ne3A_996 = arith.xori %lt3A_993, %lt3A_995 : i1
      %and3A_997 = arith.andi %ne3A_996, %ne3A_991 : i1
      %add3A_998 = arith.addi %rem3A_989, %select_n3A_988 : i32
      %select_n3A_999 = arith.select %and3A_997, %add3A_998, %rem3A_989 : i32
      %add3A_1000 = arith.constant 2 : i32
      %add3A_1001 = arith.addi %select_n3A_793, %add3A_1000 : i32
      %sub3A_1002 = arith.constant 1 : i32
      %sub3A_1003 = arith.subi %add3A_1001, %sub3A_1002 : i32
      %jit3A_1004 = arith.constant 2 : i32
      %eq3A_1005 = arith.constant 0 : i32
      %eq3A_1006 = arith.cmpi eq, %jit3A_1004, %eq3A_1005 : i32
      %jit3A_1007 = arith.constant 1 : i32
      %select_n3A_1008 = arith.select %eq3A_1006, %jit3A_1007, %jit3A_1004 : i32
      %rem3A_1009 = arith.remsi %sub3A_1003, %select_n3A_1008 : i32
      %ne3A_1010 = arith.constant 0 : i32
      %ne3A_1011 = arith.cmpi ne, %rem3A_1009, %ne3A_1010 : i32
      %lt3A_1012 = arith.constant 0 : i32
      %lt3A_1013 = arith.cmpi slt, %rem3A_1009, %lt3A_1012 : i32
      %lt3A_1014 = arith.constant 0 : i32
      %lt3A_1015 = arith.cmpi slt, %select_n3A_1008, %lt3A_1014 : i32
      %ne3A_1016 = arith.xori %lt3A_1013, %lt3A_1015 : i1
      %and3A_1017 = arith.andi %ne3A_1016, %ne3A_1011 : i1
      %add3A_1018 = arith.addi %rem3A_1009, %select_n3A_1008 : i32
      %select_n3A_1019 = arith.select %and3A_1017, %add3A_1018, %rem3A_1009 : i32
      %dma_start3A_1020 = arith.constant 0 : i32
      %dma_start3A_1021 = arith.constant 0 : i32
      %dma_start3A_1022 = tpu.memref_slice %arg10[%select_n3A_1019, %dma_start3A_1020, %dma_start3A_1021] : memref<2x128x128xf32, #tpu.memory_space<vmem>> -> memref<1x128x128xf32, #tpu.memory_space<vmem>>
      %dma_start3A_1023 = tpu.memref_squeeze %dma_start3A_1022 : memref<1x128x128xf32, #tpu.memory_space<vmem>> -> memref<128x128xf32, #tpu.memory_space<vmem>>
      %dma_start3A_1024 = arith.constant 0 : i32
      %dma_start3A_1025 = tpu.memref_slice %arg9[%select_n3A_999, %dma_start3A_1024] : memref<4x128xi32, #tpu.memory_space<vmem>> -> memref<1x128xi32, #tpu.memory_space<vmem>>
      %dma_start3A_1026 = tpu.memref_squeeze %dma_start3A_1025 : memref<1x128xi32, #tpu.memory_space<vmem>> -> memref<128xi32, #tpu.memory_space<vmem>>
      %dma_start3A_1027 = arith.constant 0 : i32
      %dma_start3A_1028 = arith.constant 0 : i32
      %dma_start3A_1029 = tpu.memref_slice %arg7[%dma_start3A_1027, %dma_start3A_1028] : memref<10240x128xf32, #tpu.memory_space<vmem_shared>> -> memref<10240x128xf32, #tpu.memory_space<vmem_shared>>
      %dma_start3A_1030 = tpu.memref_slice %arg13[%select_n3A_999] : memref<4x!tpu.dma_semaphore, #tpu.memory_space<semaphore_mem>> -> memref<1x!tpu.dma_semaphore, #tpu.memory_space<semaphore_mem>>
      %dma_start3A_1031 = tpu.memref_squeeze %dma_start3A_1030 : memref<1x!tpu.dma_semaphore, #tpu.memory_space<semaphore_mem>> -> memref<!tpu.dma_semaphore, #tpu.memory_space<semaphore_mem>>
      tpu.enqueue_indirect_dma source(%dma_start3A_1023 : memref<128x128xf32, #tpu.memory_space<vmem>>) target(%dma_start3A_1029 : memref<10240x128xf32, #tpu.memory_space<vmem_shared>>) offsets(%dma_start3A_1026 : memref<128xi32, #tpu.memory_space<vmem>>) semaphore(%dma_start3A_1031 : memref<!tpu.dma_semaphore, #tpu.memory_space<semaphore_mem>>) {add = true}
      %add3A_1032 = arith.constant 2 : i32
      %add3A_1033 = arith.addi %add3A_527, %add3A_1032 : i32
      %jit3A_1034 = arith.constant 2 : i32
      %eq3A_1035 = arith.constant 0 : i32
      %eq3A_1036 = arith.cmpi eq, %jit3A_1034, %eq3A_1035 : i32
      %jit3A_1037 = arith.constant 1 : i32
      %select_n3A_1038 = arith.select %eq3A_1036, %jit3A_1037, %jit3A_1034 : i32
      %rem3A_1039 = arith.remsi %add3A_1033, %select_n3A_1038 : i32
      %ne3A_1040 = arith.constant 0 : i32
      %ne3A_1041 = arith.cmpi ne, %rem3A_1039, %ne3A_1040 : i32
      %lt3A_1042 = arith.constant 0 : i32
      %lt3A_1043 = arith.cmpi slt, %rem3A_1039, %lt3A_1042 : i32
      %lt3A_1044 = arith.constant 0 : i32
      %lt3A_1045 = arith.cmpi slt, %select_n3A_1038, %lt3A_1044 : i32
      %ne3A_1046 = arith.xori %lt3A_1043, %lt3A_1045 : i1
      %and3A_1047 = arith.andi %ne3A_1046, %ne3A_1041 : i1
      %add3A_1048 = arith.addi %rem3A_1039, %select_n3A_1038 : i32
      %select_n3A_1049 = arith.select %and3A_1047, %add3A_1048, %rem3A_1039 : i32
      %jit3A_1050 = arith.constant 4 : i32
      %eq3A_1051 = arith.constant 0 : i32
      %eq3A_1052 = arith.cmpi eq, %jit3A_1050, %eq3A_1051 : i32
      %jit3A_1053 = arith.constant 1 : i32
      %select_n3A_1054 = arith.select %eq3A_1052, %jit3A_1053, %jit3A_1050 : i32
      %rem3A_1055 = arith.remsi %add3A_1033, %select_n3A_1054 : i32
      %ne3A_1056 = arith.constant 0 : i32
      %ne3A_1057 = arith.cmpi ne, %rem3A_1055, %ne3A_1056 : i32
      %lt3A_1058 = arith.constant 0 : i32
      %lt3A_1059 = arith.cmpi slt, %rem3A_1055, %lt3A_1058 : i32
      %lt3A_1060 = arith.constant 0 : i32
      %lt3A_1061 = arith.cmpi slt, %select_n3A_1054, %lt3A_1060 : i32
      %ne3A_1062 = arith.xori %lt3A_1059, %lt3A_1061 : i1
      %and3A_1063 = arith.andi %ne3A_1062, %ne3A_1057 : i1
      %add3A_1064 = arith.addi %rem3A_1055, %select_n3A_1054 : i32
      %select_n3A_1065 = arith.select %and3A_1063, %add3A_1064, %rem3A_1055 : i32
      %add3A_1066 = arith.constant 2 : i32
      %add3A_1067 = arith.addi %select_n3A_1065, %add3A_1066 : i32
      %jit3A_1068 = arith.constant 4 : i32
      %eq3A_1069 = arith.constant 0 : i32
      %eq3A_1070 = arith.cmpi eq, %jit3A_1068, %eq3A_1069 : i32
      %jit3A_1071 = arith.constant 1 : i32
      %select_n3A_1072 = arith.select %eq3A_1070, %jit3A_1071, %jit3A_1068 : i32
      %rem3A_1073 = arith.remsi %add3A_1067, %select_n3A_1072 : i32
      %ne3A_1074 = arith.constant 0 : i32
      %ne3A_1075 = arith.cmpi ne, %rem3A_1073, %ne3A_1074 : i32
      %lt3A_1076 = arith.constant 0 : i32
      %lt3A_1077 = arith.cmpi slt, %rem3A_1073, %lt3A_1076 : i32
      %lt3A_1078 = arith.constant 0 : i32
      %lt3A_1079 = arith.cmpi slt, %select_n3A_1072, %lt3A_1078 : i32
      %ne3A_1080 = arith.xori %lt3A_1077, %lt3A_1079 : i1
      %and3A_1081 = arith.andi %ne3A_1080, %ne3A_1075 : i1
      %add3A_1082 = arith.addi %rem3A_1073, %select_n3A_1072 : i32
      %select_n3A_1083 = arith.select %and3A_1081, %add3A_1082, %rem3A_1073 : i32
      %dma_wait3A_1084 = arith.constant 0 : i32
      %dma_wait3A_1085 = arith.constant 0 : i32
      %dma_wait3A_1086 = tpu.memref_slice %arg10[%select_n3A_1049, %dma_wait3A_1084, %dma_wait3A_1085] : memref<2x128x128xf32, #tpu.memory_space<vmem>> -> memref<1x128x128xf32, #tpu.memory_space<vmem>>
      %dma_wait3A_1087 = tpu.memref_squeeze %dma_wait3A_1086 : memref<1x128x128xf32, #tpu.memory_space<vmem>> -> memref<128x128xf32, #tpu.memory_space<vmem>>
      %dma_wait3A_1088 = arith.constant 0 : i32
      %dma_wait3A_1089 = tpu.memref_slice %arg9[%select_n3A_1083, %dma_wait3A_1088] : memref<4x128xi32, #tpu.memory_space<vmem>> -> memref<1x128xi32, #tpu.memory_space<vmem>>
      %dma_wait3A_1090 = tpu.memref_squeeze %dma_wait3A_1089 : memref<1x128xi32, #tpu.memory_space<vmem>> -> memref<128xi32, #tpu.memory_space<vmem>>
      %dma_wait3A_1091 = arith.constant 0 : i32
      %dma_wait3A_1092 = arith.constant 0 : i32
      %dma_wait3A_1093 = tpu.memref_slice %arg7[%dma_wait3A_1091, %dma_wait3A_1092] : memref<10240x128xf32, #tpu.memory_space<vmem_shared>> -> memref<10240x128xf32, #tpu.memory_space<vmem_shared>>
      %dma_wait3A_1094 = tpu.memref_slice %arg13[%select_n3A_1083] : memref<4x!tpu.dma_semaphore, #tpu.memory_space<semaphore_mem>> -> memref<1x!tpu.dma_semaphore, #tpu.memory_space<semaphore_mem>>
      %dma_wait3A_1095 = tpu.memref_squeeze %dma_wait3A_1094 : memref<1x!tpu.dma_semaphore, #tpu.memory_space<semaphore_mem>> -> memref<!tpu.dma_semaphore, #tpu.memory_space<semaphore_mem>>
      tpu.wait_indirect_dma semaphore(%dma_wait3A_1095 : memref<!tpu.dma_semaphore, #tpu.memory_space<semaphore_mem>>) src(%dma_wait3A_1087 : memref<128x128xf32, #tpu.memory_space<vmem>>) dst(%dma_wait3A_1093 : memref<10240x128xf32, #tpu.memory_space<vmem_shared>>)
      %add3A_1096 = arith.constant 2 : i32
      %add3A_1097 = arith.addi %add3A_1033, %add3A_1096 : i32
      %add3A_1098 = arith.constant 2 : i32
      %add3A_1099 = arith.addi %select_n3A_1065, %add3A_1098 : i32
      %jit3A_1100 = arith.constant 4 : i32
      %eq3A_1101 = arith.constant 0 : i32
      %eq3A_1102 = arith.cmpi eq, %jit3A_1100, %eq3A_1101 : i32
      %jit3A_1103 = arith.constant 1 : i32
      %select_n3A_1104 = arith.select %eq3A_1102, %jit3A_1103, %jit3A_1100 : i32
      %rem3A_1105 = arith.remsi %add3A_1099, %select_n3A_1104 : i32
      %ne3A_1106 = arith.constant 0 : i32
      %ne3A_1107 = arith.cmpi ne, %rem3A_1105, %ne3A_1106 : i32
      %lt3A_1108 = arith.constant 0 : i32
      %lt3A_1109 = arith.cmpi slt, %rem3A_1105, %lt3A_1108 : i32
      %lt3A_1110 = arith.constant 0 : i32
      %lt3A_1111 = arith.cmpi slt, %select_n3A_1104, %lt3A_1110 : i32
      %ne3A_1112 = arith.xori %lt3A_1109, %lt3A_1111 : i1
      %and3A_1113 = arith.andi %ne3A_1112, %ne3A_1107 : i1
      %add3A_1114 = arith.addi %rem3A_1105, %select_n3A_1104 : i32
      %select_n3A_1115 = arith.select %and3A_1113, %add3A_1114, %rem3A_1105 : i32
      %dma_start3A_1116 = arith.constant 0 : i32
      %dma_start3A_1117 = tpu.memref_slice %arg8[%select_n3A_1115, %dma_start3A_1116] : memref<4x128xi32, #tpu.memory_space<vmem>> -> memref<1x128xi32, #tpu.memory_space<vmem>>
      %dma_start3A_1118 = tpu.memref_squeeze %dma_start3A_1117 : memref<1x128xi32, #tpu.memory_space<vmem>> -> memref<128xi32, #tpu.memory_space<vmem>>
      %dma_start3A_1119 = arith.constant 0 : i32
      %dma_start3A_1120 = tpu.memref_slice %arg3[%add3A, %add3A_1097, %dma_start3A_1119] : memref<32x80x128xi32, #tpu.memory_space<hbm>> -> memref<1x1x128xi32, #tpu.memory_space<hbm>>
      %dma_start3A_1121 = tpu.memref_squeeze %dma_start3A_1120 : memref<1x1x128xi32, #tpu.memory_space<hbm>> -> memref<128xi32, #tpu.memory_space<hbm>>
      %dma_start3A_1122 = tpu.memref_slice %arg11[%select_n3A_1115] : memref<4x!tpu.dma_semaphore, #tpu.memory_space<semaphore_mem>> -> memref<1x!tpu.dma_semaphore, #tpu.memory_space<semaphore_mem>>
      %dma_start3A_1123 = tpu.memref_squeeze %dma_start3A_1122 : memref<1x!tpu.dma_semaphore, #tpu.memory_space<semaphore_mem>> -> memref<!tpu.dma_semaphore, #tpu.memory_space<semaphore_mem>>
      %dma_start3A_1124 = arith.constant 0 : i32
      %dma_start3A_1125 = tpu.memref_slice %arg8[%select_n3A_1115, %dma_start3A_1124] : memref<4x128xi32, #tpu.memory_space<vmem>> -> memref<1x128xi32, #tpu.memory_space<vmem>>
      %dma_start3A_1126 = tpu.memref_squeeze %dma_start3A_1125 : memref<1x128xi32, #tpu.memory_space<vmem>> -> memref<128xi32, #tpu.memory_space<vmem>>
      %dma_start3A_1127 = arith.constant 0 : i32
      %dma_start3A_1128 = tpu.memref_slice %arg3[%add3A, %add3A_1097, %dma_start3A_1127] : memref<32x80x128xi32, #tpu.memory_space<hbm>> -> memref<1x1x128xi32, #tpu.memory_space<hbm>>
      %dma_start3A_1129 = tpu.memref_squeeze %dma_start3A_1128 : memref<1x1x128xi32, #tpu.memory_space<hbm>> -> memref<128xi32, #tpu.memory_space<hbm>>
      tpu.enqueue_dma source(%dma_start3A_1129 : memref<128xi32, #tpu.memory_space<hbm>>) target(%dma_start3A_1126 : memref<128xi32, #tpu.memory_space<vmem>>) target_semaphore(%dma_start3A_1123 : memref<!tpu.dma_semaphore, #tpu.memory_space<semaphore_mem>>)
      %dma_start3A_1130 = arith.constant 0 : i32
      %dma_start3A_1131 = tpu.memref_slice %arg9[%select_n3A_1115, %dma_start3A_1130] : memref<4x128xi32, #tpu.memory_space<vmem>> -> memref<1x128xi32, #tpu.memory_space<vmem>>
      %dma_start3A_1132 = tpu.memref_squeeze %dma_start3A_1131 : memref<1x128xi32, #tpu.memory_space<vmem>> -> memref<128xi32, #tpu.memory_space<vmem>>
      %dma_start3A_1133 = arith.constant 0 : i32
      %dma_start3A_1134 = tpu.memref_slice %arg4[%add3A, %add3A_1097, %dma_start3A_1133] : memref<32x80x128xi32, #tpu.memory_space<hbm>> -> memref<1x1x128xi32, #tpu.memory_space<hbm>>
      %dma_start3A_1135 = tpu.memref_squeeze %dma_start3A_1134 : memref<1x1x128xi32, #tpu.memory_space<hbm>> -> memref<128xi32, #tpu.memory_space<hbm>>
      %dma_start3A_1136 = tpu.memref_slice %arg11[%select_n3A_1115] : memref<4x!tpu.dma_semaphore, #tpu.memory_space<semaphore_mem>> -> memref<1x!tpu.dma_semaphore, #tpu.memory_space<semaphore_mem>>
      %dma_start3A_1137 = tpu.memref_squeeze %dma_start3A_1136 : memref<1x!tpu.dma_semaphore, #tpu.memory_space<semaphore_mem>> -> memref<!tpu.dma_semaphore, #tpu.memory_space<semaphore_mem>>
      %dma_start3A_1138 = arith.constant 0 : i32
      %dma_start3A_1139 = tpu.memref_slice %arg9[%select_n3A_1115, %dma_start3A_1138] : memref<4x128xi32, #tpu.memory_space<vmem>> -> memref<1x128xi32, #tpu.memory_space<vmem>>
      %dma_start3A_1140 = tpu.memref_squeeze %dma_start3A_1139 : memref<1x128xi32, #tpu.memory_space<vmem>> -> memref<128xi32, #tpu.memory_space<vmem>>
      %dma_start3A_1141 = arith.constant 0 : i32
      %dma_start3A_1142 = tpu.memref_slice %arg4[%add3A, %add3A_1097, %dma_start3A_1141] : memref<32x80x128xi32, #tpu.memory_space<hbm>> -> memref<1x1x128xi32, #tpu.memory_space<hbm>>
      %dma_start3A_1143 = tpu.memref_squeeze %dma_start3A_1142 : memref<1x1x128xi32, #tpu.memory_space<hbm>> -> memref<128xi32, #tpu.memory_space<hbm>>
      tpu.enqueue_dma source(%dma_start3A_1143 : memref<128xi32, #tpu.memory_space<hbm>>) target(%dma_start3A_1140 : memref<128xi32, #tpu.memory_space<vmem>>) target_semaphore(%dma_start3A_1137 : memref<!tpu.dma_semaphore, #tpu.memory_space<semaphore_mem>>)
      %dma_wait3A_1144 = arith.constant 0 : i32
      %dma_wait3A_1145 = tpu.memref_slice %arg8[%select_n3A_1065, %dma_wait3A_1144] : memref<4x128xi32, #tpu.memory_space<vmem>> -> memref<1x128xi32, #tpu.memory_space<vmem>>
      %dma_wait3A_1146 = tpu.memref_squeeze %dma_wait3A_1145 : memref<1x128xi32, #tpu.memory_space<vmem>> -> memref<128xi32, #tpu.memory_space<vmem>>
      %dma_wait3A_1147 = arith.constant 0 : i32
      %dma_wait3A_1148 = tpu.memref_slice %arg3[%add3A, %add3A_1033, %dma_wait3A_1147] : memref<32x80x128xi32, #tpu.memory_space<hbm>> -> memref<1x1x128xi32, #tpu.memory_space<hbm>>
      %dma_wait3A_1149 = tpu.memref_squeeze %dma_wait3A_1148 : memref<1x1x128xi32, #tpu.memory_space<hbm>> -> memref<128xi32, #tpu.memory_space<hbm>>
      %dma_wait3A_1150 = tpu.memref_slice %arg11[%select_n3A_1065] : memref<4x!tpu.dma_semaphore, #tpu.memory_space<semaphore_mem>> -> memref<1x!tpu.dma_semaphore, #tpu.memory_space<semaphore_mem>>
      %dma_wait3A_1151 = tpu.memref_squeeze %dma_wait3A_1150 : memref<1x!tpu.dma_semaphore, #tpu.memory_space<semaphore_mem>> -> memref<!tpu.dma_semaphore, #tpu.memory_space<semaphore_mem>>
      %dma_wait3A_1152 = arith.constant 0 : i32
      %dma_wait3A_1153 = tpu.memref_slice %arg8[%select_n3A_1065, %dma_wait3A_1152] : memref<4x128xi32, #tpu.memory_space<vmem>> -> memref<1x128xi32, #tpu.memory_space<vmem>>
      %dma_wait3A_1154 = tpu.memref_squeeze %dma_wait3A_1153 : memref<1x128xi32, #tpu.memory_space<vmem>> -> memref<128xi32, #tpu.memory_space<vmem>>
      %dma_wait3A_1155 = arith.constant 0 : i32
      %dma_wait3A_1156 = tpu.memref_slice %arg3[%add3A, %add3A_1033, %dma_wait3A_1155] : memref<32x80x128xi32, #tpu.memory_space<hbm>> -> memref<1x1x128xi32, #tpu.memory_space<hbm>>
      %dma_wait3A_1157 = tpu.memref_squeeze %dma_wait3A_1156 : memref<1x1x128xi32, #tpu.memory_space<hbm>> -> memref<128xi32, #tpu.memory_space<hbm>>
      tpu.wait_dma2 semaphore(%dma_wait3A_1151 : memref<!tpu.dma_semaphore, #tpu.memory_space<semaphore_mem>>) src(%dma_wait3A_1157 : memref<128xi32, #tpu.memory_space<hbm>>) dst(%dma_wait3A_1154 : memref<128xi32, #tpu.memory_space<vmem>>)
      %dma_wait3A_1158 = arith.constant 0 : i32
      %dma_wait3A_1159 = tpu.memref_slice %arg9[%select_n3A_1065, %dma_wait3A_1158] : memref<4x128xi32, #tpu.memory_space<vmem>> -> memref<1x128xi32, #tpu.memory_space<vmem>>
      %dma_wait3A_1160 = tpu.memref_squeeze %dma_wait3A_1159 : memref<1x128xi32, #tpu.memory_space<vmem>> -> memref<128xi32, #tpu.memory_space<vmem>>
      %dma_wait3A_1161 = arith.constant 0 : i32
      %dma_wait3A_1162 = tpu.memref_slice %arg4[%add3A, %add3A_1033, %dma_wait3A_1161] : memref<32x80x128xi32, #tpu.memory_space<hbm>> -> memref<1x1x128xi32, #tpu.memory_space<hbm>>
      %dma_wait3A_1163 = tpu.memref_squeeze %dma_wait3A_1162 : memref<1x1x128xi32, #tpu.memory_space<hbm>> -> memref<128xi32, #tpu.memory_space<hbm>>
      %dma_wait3A_1164 = tpu.memref_slice %arg11[%select_n3A_1065] : memref<4x!tpu.dma_semaphore, #tpu.memory_space<semaphore_mem>> -> memref<1x!tpu.dma_semaphore, #tpu.memory_space<semaphore_mem>>
      %dma_wait3A_1165 = tpu.memref_squeeze %dma_wait3A_1164 : memref<1x!tpu.dma_semaphore, #tpu.memory_space<semaphore_mem>> -> memref<!tpu.dma_semaphore, #tpu.memory_space<semaphore_mem>>
      %dma_wait3A_1166 = arith.constant 0 : i32
      %dma_wait3A_1167 = tpu.memref_slice %arg9[%select_n3A_1065, %dma_wait3A_1166] : memref<4x128xi32, #tpu.memory_space<vmem>> -> memref<1x128xi32, #tpu.memory_space<vmem>>
      %dma_wait3A_1168 = tpu.memref_squeeze %dma_wait3A_1167 : memref<1x128xi32, #tpu.memory_space<vmem>> -> memref<128xi32, #tpu.memory_space<vmem>>
      %dma_wait3A_1169 = arith.constant 0 : i32
      %dma_wait3A_1170 = tpu.memref_slice %arg4[%add3A, %add3A_1033, %dma_wait3A_1169] : memref<32x80x128xi32, #tpu.memory_space<hbm>> -> memref<1x1x128xi32, #tpu.memory_space<hbm>>
      %dma_wait3A_1171 = tpu.memref_squeeze %dma_wait3A_1170 : memref<1x1x128xi32, #tpu.memory_space<hbm>> -> memref<128xi32, #tpu.memory_space<hbm>>
      tpu.wait_dma2 semaphore(%dma_wait3A_1165 : memref<!tpu.dma_semaphore, #tpu.memory_space<semaphore_mem>>) src(%dma_wait3A_1171 : memref<128xi32, #tpu.memory_space<hbm>>) dst(%dma_wait3A_1168 : memref<128xi32, #tpu.memory_space<vmem>>)
      %dma_start3A_1172 = arith.constant 0 : i32
      %dma_start3A_1173 = arith.constant 0 : i32
      %dma_start3A_1174 = tpu.memref_slice %arg10[%select_n3A_1049, %dma_start3A_1172, %dma_start3A_1173] : memref<2x128x128xf32, #tpu.memory_space<vmem>> -> memref<1x128x128xf32, #tpu.memory_space<vmem>>
      %dma_start3A_1175 = tpu.memref_squeeze %dma_start3A_1174 : memref<1x128x128xf32, #tpu.memory_space<vmem>> -> memref<128x128xf32, #tpu.memory_space<vmem>>
      %dma_start3A_1176 = arith.constant 0 : i32
      %dma_start3A_1177 = tpu.memref_slice %arg8[%select_n3A_1065, %dma_start3A_1176] : memref<4x128xi32, #tpu.memory_space<vmem>> -> memref<1x128xi32, #tpu.memory_space<vmem>>
      %dma_start3A_1178 = tpu.memref_squeeze %dma_start3A_1177 : memref<1x128xi32, #tpu.memory_space<vmem>> -> memref<128xi32, #tpu.memory_space<vmem>>
      %dma_start3A_1179 = arith.constant 0 : i32
      %dma_start3A_1180 = arith.constant 0 : i32
      %dma_start3A_1181 = tpu.memref_slice %arg2[%dma_start3A_1179, %dma_start3A_1180] : memref<10000x128xf32, #tpu.memory_space<hbm>> -> memref<10000x128xf32, #tpu.memory_space<hbm>>
      %dma_start3A_1182 = tpu.memref_slice %arg12[%select_n3A_1049] : memref<2x!tpu.dma_semaphore, #tpu.memory_space<semaphore_mem>> -> memref<1x!tpu.dma_semaphore, #tpu.memory_space<semaphore_mem>>
      %dma_start3A_1183 = tpu.memref_squeeze %dma_start3A_1182 : memref<1x!tpu.dma_semaphore, #tpu.memory_space<semaphore_mem>> -> memref<!tpu.dma_semaphore, #tpu.memory_space<semaphore_mem>>
      tpu.enqueue_indirect_dma source(%dma_start3A_1181 : memref<10000x128xf32, #tpu.memory_space<hbm>>) target(%dma_start3A_1175 : memref<128x128xf32, #tpu.memory_space<vmem>>) offsets(%dma_start3A_1178 : memref<128xi32, #tpu.memory_space<vmem>>) semaphore(%dma_start3A_1183 : memref<!tpu.dma_semaphore, #tpu.memory_space<semaphore_mem>>)
      %add3A_1184 = arith.constant 4 : i32
      %add3A_1185 = arith.addi %select_n3A_1065, %add3A_1184 : i32
      %sub3A_1186 = arith.constant 1 : i32
      %sub3A_1187 = arith.subi %add3A_1185, %sub3A_1186 : i32
      %jit3A_1188 = arith.constant 4 : i32
      %eq3A_1189 = arith.constant 0 : i32
      %eq3A_1190 = arith.cmpi eq, %jit3A_1188, %eq3A_1189 : i32
      %jit3A_1191 = arith.constant 1 : i32
      %select_n3A_1192 = arith.select %eq3A_1190, %jit3A_1191, %jit3A_1188 : i32
      %rem3A_1193 = arith.remsi %sub3A_1187, %select_n3A_1192 : i32
      %ne3A_1194 = arith.constant 0 : i32
      %ne3A_1195 = arith.cmpi ne, %rem3A_1193, %ne3A_1194 : i32
      %lt3A_1196 = arith.constant 0 : i32
      %lt3A_1197 = arith.cmpi slt, %rem3A_1193, %lt3A_1196 : i32
      %lt3A_1198 = arith.constant 0 : i32
      %lt3A_1199 = arith.cmpi slt, %select_n3A_1192, %lt3A_1198 : i32
      %ne3A_1200 = arith.xori %lt3A_1197, %lt3A_1199 : i1
      %and3A_1201 = arith.andi %ne3A_1200, %ne3A_1195 : i1
      %add3A_1202 = arith.addi %rem3A_1193, %select_n3A_1192 : i32
      %select_n3A_1203 = arith.select %and3A_1201, %add3A_1202, %rem3A_1193 : i32
      %add3A_1204 = arith.constant 2 : i32
      %add3A_1205 = arith.addi %select_n3A_1049, %add3A_1204 : i32
      %sub3A_1206 = arith.constant 1 : i32
      %sub3A_1207 = arith.subi %add3A_1205, %sub3A_1206 : i32
      %jit3A_1208 = arith.constant 2 : i32
      %eq3A_1209 = arith.constant 0 : i32
      %eq3A_1210 = arith.cmpi eq, %jit3A_1208, %eq3A_1209 : i32
      %jit3A_1211 = arith.constant 1 : i32
      %select_n3A_1212 = arith.select %eq3A_1210, %jit3A_1211, %jit3A_1208 : i32
      %rem3A_1213 = arith.remsi %sub3A_1207, %select_n3A_1212 : i32
      %ne3A_1214 = arith.constant 0 : i32
      %ne3A_1215 = arith.cmpi ne, %rem3A_1213, %ne3A_1214 : i32
      %lt3A_1216 = arith.constant 0 : i32
      %lt3A_1217 = arith.cmpi slt, %rem3A_1213, %lt3A_1216 : i32
      %lt3A_1218 = arith.constant 0 : i32
      %lt3A_1219 = arith.cmpi slt, %select_n3A_1212, %lt3A_1218 : i32
      %ne3A_1220 = arith.xori %lt3A_1217, %lt3A_1219 : i1
      %and3A_1221 = arith.andi %ne3A_1220, %ne3A_1215 : i1
      %add3A_1222 = arith.addi %rem3A_1213, %select_n3A_1212 : i32
      %select_n3A_1223 = arith.select %and3A_1221, %add3A_1222, %rem3A_1213 : i32
      %dma_wait3A_1224 = arith.constant 0 : i32
      %dma_wait3A_1225 = arith.constant 0 : i32
      %dma_wait3A_1226 = tpu.memref_slice %arg10[%select_n3A_1223, %dma_wait3A_1224, %dma_wait3A_1225] : memref<2x128x128xf32, #tpu.memory_space<vmem>> -> memref<1x128x128xf32, #tpu.memory_space<vmem>>
      %dma_wait3A_1227 = tpu.memref_squeeze %dma_wait3A_1226 : memref<1x128x128xf32, #tpu.memory_space<vmem>> -> memref<128x128xf32, #tpu.memory_space<vmem>>
      %dma_wait3A_1228 = arith.constant 0 : i32
      %dma_wait3A_1229 = tpu.memref_slice %arg8[%select_n3A_1203, %dma_wait3A_1228] : memref<4x128xi32, #tpu.memory_space<vmem>> -> memref<1x128xi32, #tpu.memory_space<vmem>>
      %dma_wait3A_1230 = tpu.memref_squeeze %dma_wait3A_1229 : memref<1x128xi32, #tpu.memory_space<vmem>> -> memref<128xi32, #tpu.memory_space<vmem>>
      %dma_wait3A_1231 = arith.constant 0 : i32
      %dma_wait3A_1232 = arith.constant 0 : i32
      %dma_wait3A_1233 = tpu.memref_slice %arg2[%dma_wait3A_1231, %dma_wait3A_1232] : memref<10000x128xf32, #tpu.memory_space<hbm>> -> memref<10000x128xf32, #tpu.memory_space<hbm>>
      %dma_wait3A_1234 = tpu.memref_slice %arg12[%select_n3A_1223] : memref<2x!tpu.dma_semaphore, #tpu.memory_space<semaphore_mem>> -> memref<1x!tpu.dma_semaphore, #tpu.memory_space<semaphore_mem>>
      %dma_wait3A_1235 = tpu.memref_squeeze %dma_wait3A_1234 : memref<1x!tpu.dma_semaphore, #tpu.memory_space<semaphore_mem>> -> memref<!tpu.dma_semaphore, #tpu.memory_space<semaphore_mem>>
      tpu.wait_indirect_dma semaphore(%dma_wait3A_1235 : memref<!tpu.dma_semaphore, #tpu.memory_space<semaphore_mem>>) src(%dma_wait3A_1233 : memref<10000x128xf32, #tpu.memory_space<hbm>>) dst(%dma_wait3A_1227 : memref<128x128xf32, #tpu.memory_space<vmem>>)
      %add3A_1236 = arith.constant 4 : i32
      %add3A_1237 = arith.addi %select_n3A_1065, %add3A_1236 : i32
      %sub3A_1238 = arith.constant 1 : i32
      %sub3A_1239 = arith.subi %add3A_1237, %sub3A_1238 : i32
      %jit3A_1240 = arith.constant 4 : i32
      %eq3A_1241 = arith.constant 0 : i32
      %eq3A_1242 = arith.cmpi eq, %jit3A_1240, %eq3A_1241 : i32
      %jit3A_1243 = arith.constant 1 : i32
      %select_n3A_1244 = arith.select %eq3A_1242, %jit3A_1243, %jit3A_1240 : i32
      %rem3A_1245 = arith.remsi %sub3A_1239, %select_n3A_1244 : i32
      %ne3A_1246 = arith.constant 0 : i32
      %ne3A_1247 = arith.cmpi ne, %rem3A_1245, %ne3A_1246 : i32
      %lt3A_1248 = arith.constant 0 : i32
      %lt3A_1249 = arith.cmpi slt, %rem3A_1245, %lt3A_1248 : i32
      %lt3A_1250 = arith.constant 0 : i32
      %lt3A_1251 = arith.cmpi slt, %select_n3A_1244, %lt3A_1250 : i32
      %ne3A_1252 = arith.xori %lt3A_1249, %lt3A_1251 : i1
      %and3A_1253 = arith.andi %ne3A_1252, %ne3A_1247 : i1
      %add3A_1254 = arith.addi %rem3A_1245, %select_n3A_1244 : i32
      %select_n3A_1255 = arith.select %and3A_1253, %add3A_1254, %rem3A_1245 : i32
      %add3A_1256 = arith.constant 2 : i32
      %add3A_1257 = arith.addi %select_n3A_1049, %add3A_1256 : i32
      %sub3A_1258 = arith.constant 1 : i32
      %sub3A_1259 = arith.subi %add3A_1257, %sub3A_1258 : i32
      %jit3A_1260 = arith.constant 2 : i32
      %eq3A_1261 = arith.constant 0 : i32
      %eq3A_1262 = arith.cmpi eq, %jit3A_1260, %eq3A_1261 : i32
      %jit3A_1263 = arith.constant 1 : i32
      %select_n3A_1264 = arith.select %eq3A_1262, %jit3A_1263, %jit3A_1260 : i32
      %rem3A_1265 = arith.remsi %sub3A_1259, %select_n3A_1264 : i32
      %ne3A_1266 = arith.constant 0 : i32
      %ne3A_1267 = arith.cmpi ne, %rem3A_1265, %ne3A_1266 : i32
      %lt3A_1268 = arith.constant 0 : i32
      %lt3A_1269 = arith.cmpi slt, %rem3A_1265, %lt3A_1268 : i32
      %lt3A_1270 = arith.constant 0 : i32
      %lt3A_1271 = arith.cmpi slt, %select_n3A_1264, %lt3A_1270 : i32
      %ne3A_1272 = arith.xori %lt3A_1269, %lt3A_1271 : i1
      %and3A_1273 = arith.andi %ne3A_1272, %ne3A_1267 : i1
      %add3A_1274 = arith.addi %rem3A_1265, %select_n3A_1264 : i32
      %select_n3A_1275 = arith.select %and3A_1273, %add3A_1274, %rem3A_1265 : i32
      %dma_start3A_1276 = arith.constant 0 : i32
      %dma_start3A_1277 = arith.constant 0 : i32
      %dma_start3A_1278 = tpu.memref_slice %arg10[%select_n3A_1275, %dma_start3A_1276, %dma_start3A_1277] : memref<2x128x128xf32, #tpu.memory_space<vmem>> -> memref<1x128x128xf32, #tpu.memory_space<vmem>>
      %dma_start3A_1279 = tpu.memref_squeeze %dma_start3A_1278 : memref<1x128x128xf32, #tpu.memory_space<vmem>> -> memref<128x128xf32, #tpu.memory_space<vmem>>
      %dma_start3A_1280 = arith.constant 0 : i32
      %dma_start3A_1281 = tpu.memref_slice %arg9[%select_n3A_1255, %dma_start3A_1280] : memref<4x128xi32, #tpu.memory_space<vmem>> -> memref<1x128xi32, #tpu.memory_space<vmem>>
      %dma_start3A_1282 = tpu.memref_squeeze %dma_start3A_1281 : memref<1x128xi32, #tpu.memory_space<vmem>> -> memref<128xi32, #tpu.memory_space<vmem>>
      %dma_start3A_1283 = arith.constant 0 : i32
      %dma_start3A_1284 = arith.constant 0 : i32
      %dma_start3A_1285 = tpu.memref_slice %arg7[%dma_start3A_1283, %dma_start3A_1284] : memref<10240x128xf32, #tpu.memory_space<vmem_shared>> -> memref<10240x128xf32, #tpu.memory_space<vmem_shared>>
      %dma_start3A_1286 = tpu.memref_slice %arg13[%select_n3A_1255] : memref<4x!tpu.dma_semaphore, #tpu.memory_space<semaphore_mem>> -> memref<1x!tpu.dma_semaphore, #tpu.memory_space<semaphore_mem>>
      %dma_start3A_1287 = tpu.memref_squeeze %dma_start3A_1286 : memref<1x!tpu.dma_semaphore, #tpu.memory_space<semaphore_mem>> -> memref<!tpu.dma_semaphore, #tpu.memory_space<semaphore_mem>>
      tpu.enqueue_indirect_dma source(%dma_start3A_1279 : memref<128x128xf32, #tpu.memory_space<vmem>>) target(%dma_start3A_1285 : memref<10240x128xf32, #tpu.memory_space<vmem_shared>>) offsets(%dma_start3A_1282 : memref<128xi32, #tpu.memory_space<vmem>>) semaphore(%dma_start3A_1287 : memref<!tpu.dma_semaphore, #tpu.memory_space<semaphore_mem>>) {add = true}
      %add3A_1288 = arith.constant 3 : i32
      %add3A_1289 = arith.addi %add3A_527, %add3A_1288 : i32
      %jit3A_1290 = arith.constant 2 : i32
      %eq3A_1291 = arith.constant 0 : i32
      %eq3A_1292 = arith.cmpi eq, %jit3A_1290, %eq3A_1291 : i32
      %jit3A_1293 = arith.constant 1 : i32
      %select_n3A_1294 = arith.select %eq3A_1292, %jit3A_1293, %jit3A_1290 : i32
      %rem3A_1295 = arith.remsi %add3A_1289, %select_n3A_1294 : i32
      %ne3A_1296 = arith.constant 0 : i32
      %ne3A_1297 = arith.cmpi ne, %rem3A_1295, %ne3A_1296 : i32
      %lt3A_1298 = arith.constant 0 : i32
      %lt3A_1299 = arith.cmpi slt, %rem3A_1295, %lt3A_1298 : i32
      %lt3A_1300 = arith.constant 0 : i32
      %lt3A_1301 = arith.cmpi slt, %select_n3A_1294, %lt3A_1300 : i32
      %ne3A_1302 = arith.xori %lt3A_1299, %lt3A_1301 : i1
      %and3A_1303 = arith.andi %ne3A_1302, %ne3A_1297 : i1
      %add3A_1304 = arith.addi %rem3A_1295, %select_n3A_1294 : i32
      %select_n3A_1305 = arith.select %and3A_1303, %add3A_1304, %rem3A_1295 : i32
      %jit3A_1306 = arith.constant 4 : i32
      %eq3A_1307 = arith.constant 0 : i32
      %eq3A_1308 = arith.cmpi eq, %jit3A_1306, %eq3A_1307 : i32
      %jit3A_1309 = arith.constant 1 : i32
      %select_n3A_1310 = arith.select %eq3A_1308, %jit3A_1309, %jit3A_1306 : i32
      %rem3A_1311 = arith.remsi %add3A_1289, %select_n3A_1310 : i32
      %ne3A_1312 = arith.constant 0 : i32
      %ne3A_1313 = arith.cmpi ne, %rem3A_1311, %ne3A_1312 : i32
      %lt3A_1314 = arith.constant 0 : i32
      %lt3A_1315 = arith.cmpi slt, %rem3A_1311, %lt3A_1314 : i32
      %lt3A_1316 = arith.constant 0 : i32
      %lt3A_1317 = arith.cmpi slt, %select_n3A_1310, %lt3A_1316 : i32
      %ne3A_1318 = arith.xori %lt3A_1315, %lt3A_1317 : i1
      %and3A_1319 = arith.andi %ne3A_1318, %ne3A_1313 : i1
      %add3A_1320 = arith.addi %rem3A_1311, %select_n3A_1310 : i32
      %select_n3A_1321 = arith.select %and3A_1319, %add3A_1320, %rem3A_1311 : i32
      %add3A_1322 = arith.constant 2 : i32
      %add3A_1323 = arith.addi %select_n3A_1321, %add3A_1322 : i32
      %jit3A_1324 = arith.constant 4 : i32
      %eq3A_1325 = arith.constant 0 : i32
      %eq3A_1326 = arith.cmpi eq, %jit3A_1324, %eq3A_1325 : i32
      %jit3A_1327 = arith.constant 1 : i32
      %select_n3A_1328 = arith.select %eq3A_1326, %jit3A_1327, %jit3A_1324 : i32
      %rem3A_1329 = arith.remsi %add3A_1323, %select_n3A_1328 : i32
      %ne3A_1330 = arith.constant 0 : i32
      %ne3A_1331 = arith.cmpi ne, %rem3A_1329, %ne3A_1330 : i32
      %lt3A_1332 = arith.constant 0 : i32
      %lt3A_1333 = arith.cmpi slt, %rem3A_1329, %lt3A_1332 : i32
      %lt3A_1334 = arith.constant 0 : i32
      %lt3A_1335 = arith.cmpi slt, %select_n3A_1328, %lt3A_1334 : i32
      %ne3A_1336 = arith.xori %lt3A_1333, %lt3A_1335 : i1
      %and3A_1337 = arith.andi %ne3A_1336, %ne3A_1331 : i1
      %add3A_1338 = arith.addi %rem3A_1329, %select_n3A_1328 : i32
      %select_n3A_1339 = arith.select %and3A_1337, %add3A_1338, %rem3A_1329 : i32
      %dma_wait3A_1340 = arith.constant 0 : i32
      %dma_wait3A_1341 = arith.constant 0 : i32
      %dma_wait3A_1342 = tpu.memref_slice %arg10[%select_n3A_1305, %dma_wait3A_1340, %dma_wait3A_1341] : memref<2x128x128xf32, #tpu.memory_space<vmem>> -> memref<1x128x128xf32, #tpu.memory_space<vmem>>
      %dma_wait3A_1343 = tpu.memref_squeeze %dma_wait3A_1342 : memref<1x128x128xf32, #tpu.memory_space<vmem>> -> memref<128x128xf32, #tpu.memory_space<vmem>>
      %dma_wait3A_1344 = arith.constant 0 : i32
      %dma_wait3A_1345 = tpu.memref_slice %arg9[%select_n3A_1339, %dma_wait3A_1344] : memref<4x128xi32, #tpu.memory_space<vmem>> -> memref<1x128xi32, #tpu.memory_space<vmem>>
      %dma_wait3A_1346 = tpu.memref_squeeze %dma_wait3A_1345 : memref<1x128xi32, #tpu.memory_space<vmem>> -> memref<128xi32, #tpu.memory_space<vmem>>
      %dma_wait3A_1347 = arith.constant 0 : i32
      %dma_wait3A_1348 = arith.constant 0 : i32
      %dma_wait3A_1349 = tpu.memref_slice %arg7[%dma_wait3A_1347, %dma_wait3A_1348] : memref<10240x128xf32, #tpu.memory_space<vmem_shared>> -> memref<10240x128xf32, #tpu.memory_space<vmem_shared>>
      %dma_wait3A_1350 = tpu.memref_slice %arg13[%select_n3A_1339] : memref<4x!tpu.dma_semaphore, #tpu.memory_space<semaphore_mem>> -> memref<1x!tpu.dma_semaphore, #tpu.memory_space<semaphore_mem>>
      %dma_wait3A_1351 = tpu.memref_squeeze %dma_wait3A_1350 : memref<1x!tpu.dma_semaphore, #tpu.memory_space<semaphore_mem>> -> memref<!tpu.dma_semaphore, #tpu.memory_space<semaphore_mem>>
      tpu.wait_indirect_dma semaphore(%dma_wait3A_1351 : memref<!tpu.dma_semaphore, #tpu.memory_space<semaphore_mem>>) src(%dma_wait3A_1343 : memref<128x128xf32, #tpu.memory_space<vmem>>) dst(%dma_wait3A_1349 : memref<10240x128xf32, #tpu.memory_space<vmem_shared>>)
      %add3A_1352 = arith.constant 2 : i32
      %add3A_1353 = arith.addi %add3A_1289, %add3A_1352 : i32
      %add3A_1354 = arith.constant 2 : i32
      %add3A_1355 = arith.addi %select_n3A_1321, %add3A_1354 : i32
      %jit3A_1356 = arith.constant 4 : i32
      %eq3A_1357 = arith.constant 0 : i32
      %eq3A_1358 = arith.cmpi eq, %jit3A_1356, %eq3A_1357 : i32
      %jit3A_1359 = arith.constant 1 : i32
      %select_n3A_1360 = arith.select %eq3A_1358, %jit3A_1359, %jit3A_1356 : i32
      %rem3A_1361 = arith.remsi %add3A_1355, %select_n3A_1360 : i32
      %ne3A_1362 = arith.constant 0 : i32
      %ne3A_1363 = arith.cmpi ne, %rem3A_1361, %ne3A_1362 : i32
      %lt3A_1364 = arith.constant 0 : i32
      %lt3A_1365 = arith.cmpi slt, %rem3A_1361, %lt3A_1364 : i32
      %lt3A_1366 = arith.constant 0 : i32
      %lt3A_1367 = arith.cmpi slt, %select_n3A_1360, %lt3A_1366 : i32
      %ne3A_1368 = arith.xori %lt3A_1365, %lt3A_1367 : i1
      %and3A_1369 = arith.andi %ne3A_1368, %ne3A_1363 : i1
      %add3A_1370 = arith.addi %rem3A_1361, %select_n3A_1360 : i32
      %select_n3A_1371 = arith.select %and3A_1369, %add3A_1370, %rem3A_1361 : i32
      %dma_start3A_1372 = arith.constant 0 : i32
      %dma_start3A_1373 = tpu.memref_slice %arg8[%select_n3A_1371, %dma_start3A_1372] : memref<4x128xi32, #tpu.memory_space<vmem>> -> memref<1x128xi32, #tpu.memory_space<vmem>>
      %dma_start3A_1374 = tpu.memref_squeeze %dma_start3A_1373 : memref<1x128xi32, #tpu.memory_space<vmem>> -> memref<128xi32, #tpu.memory_space<vmem>>
      %dma_start3A_1375 = arith.constant 0 : i32
      %dma_start3A_1376 = tpu.memref_slice %arg3[%add3A, %add3A_1353, %dma_start3A_1375] : memref<32x80x128xi32, #tpu.memory_space<hbm>> -> memref<1x1x128xi32, #tpu.memory_space<hbm>>
      %dma_start3A_1377 = tpu.memref_squeeze %dma_start3A_1376 : memref<1x1x128xi32, #tpu.memory_space<hbm>> -> memref<128xi32, #tpu.memory_space<hbm>>
      %dma_start3A_1378 = tpu.memref_slice %arg11[%select_n3A_1371] : memref<4x!tpu.dma_semaphore, #tpu.memory_space<semaphore_mem>> -> memref<1x!tpu.dma_semaphore, #tpu.memory_space<semaphore_mem>>
      %dma_start3A_1379 = tpu.memref_squeeze %dma_start3A_1378 : memref<1x!tpu.dma_semaphore, #tpu.memory_space<semaphore_mem>> -> memref<!tpu.dma_semaphore, #tpu.memory_space<semaphore_mem>>
      %dma_start3A_1380 = arith.constant 0 : i32
      %dma_start3A_1381 = tpu.memref_slice %arg8[%select_n3A_1371, %dma_start3A_1380] : memref<4x128xi32, #tpu.memory_space<vmem>> -> memref<1x128xi32, #tpu.memory_space<vmem>>
      %dma_start3A_1382 = tpu.memref_squeeze %dma_start3A_1381 : memref<1x128xi32, #tpu.memory_space<vmem>> -> memref<128xi32, #tpu.memory_space<vmem>>
      %dma_start3A_1383 = arith.constant 0 : i32
      %dma_start3A_1384 = tpu.memref_slice %arg3[%add3A, %add3A_1353, %dma_start3A_1383] : memref<32x80x128xi32, #tpu.memory_space<hbm>> -> memref<1x1x128xi32, #tpu.memory_space<hbm>>
      %dma_start3A_1385 = tpu.memref_squeeze %dma_start3A_1384 : memref<1x1x128xi32, #tpu.memory_space<hbm>> -> memref<128xi32, #tpu.memory_space<hbm>>
      tpu.enqueue_dma source(%dma_start3A_1385 : memref<128xi32, #tpu.memory_space<hbm>>) target(%dma_start3A_1382 : memref<128xi32, #tpu.memory_space<vmem>>) target_semaphore(%dma_start3A_1379 : memref<!tpu.dma_semaphore, #tpu.memory_space<semaphore_mem>>)
      %dma_start3A_1386 = arith.constant 0 : i32
      %dma_start3A_1387 = tpu.memref_slice %arg9[%select_n3A_1371, %dma_start3A_1386] : memref<4x128xi32, #tpu.memory_space<vmem>> -> memref<1x128xi32, #tpu.memory_space<vmem>>
      %dma_start3A_1388 = tpu.memref_squeeze %dma_start3A_1387 : memref<1x128xi32, #tpu.memory_space<vmem>> -> memref<128xi32, #tpu.memory_space<vmem>>
      %dma_start3A_1389 = arith.constant 0 : i32
      %dma_start3A_1390 = tpu.memref_slice %arg4[%add3A, %add3A_1353, %dma_start3A_1389] : memref<32x80x128xi32, #tpu.memory_space<hbm>> -> memref<1x1x128xi32, #tpu.memory_space<hbm>>
      %dma_start3A_1391 = tpu.memref_squeeze %dma_start3A_1390 : memref<1x1x128xi32, #tpu.memory_space<hbm>> -> memref<128xi32, #tpu.memory_space<hbm>>
      %dma_start3A_1392 = tpu.memref_slice %arg11[%select_n3A_1371] : memref<4x!tpu.dma_semaphore, #tpu.memory_space<semaphore_mem>> -> memref<1x!tpu.dma_semaphore, #tpu.memory_space<semaphore_mem>>
      %dma_start3A_1393 = tpu.memref_squeeze %dma_start3A_1392 : memref<1x!tpu.dma_semaphore, #tpu.memory_space<semaphore_mem>> -> memref<!tpu.dma_semaphore, #tpu.memory_space<semaphore_mem>>
      %dma_start3A_1394 = arith.constant 0 : i32
      %dma_start3A_1395 = tpu.memref_slice %arg9[%select_n3A_1371, %dma_start3A_1394] : memref<4x128xi32, #tpu.memory_space<vmem>> -> memref<1x128xi32, #tpu.memory_space<vmem>>
      %dma_start3A_1396 = tpu.memref_squeeze %dma_start3A_1395 : memref<1x128xi32, #tpu.memory_space<vmem>> -> memref<128xi32, #tpu.memory_space<vmem>>
      %dma_start3A_1397 = arith.constant 0 : i32
      %dma_start3A_1398 = tpu.memref_slice %arg4[%add3A, %add3A_1353, %dma_start3A_1397] : memref<32x80x128xi32, #tpu.memory_space<hbm>> -> memref<1x1x128xi32, #tpu.memory_space<hbm>>
      %dma_start3A_1399 = tpu.memref_squeeze %dma_start3A_1398 : memref<1x1x128xi32, #tpu.memory_space<hbm>> -> memref<128xi32, #tpu.memory_space<hbm>>
      tpu.enqueue_dma source(%dma_start3A_1399 : memref<128xi32, #tpu.memory_space<hbm>>) target(%dma_start3A_1396 : memref<128xi32, #tpu.memory_space<vmem>>) target_semaphore(%dma_start3A_1393 : memref<!tpu.dma_semaphore, #tpu.memory_space<semaphore_mem>>)
      %dma_wait3A_1400 = arith.constant 0 : i32
      %dma_wait3A_1401 = tpu.memref_slice %arg8[%select_n3A_1321, %dma_wait3A_1400] : memref<4x128xi32, #tpu.memory_space<vmem>> -> memref<1x128xi32, #tpu.memory_space<vmem>>
      %dma_wait3A_1402 = tpu.memref_squeeze %dma_wait3A_1401 : memref<1x128xi32, #tpu.memory_space<vmem>> -> memref<128xi32, #tpu.memory_space<vmem>>
      %dma_wait3A_1403 = arith.constant 0 : i32
      %dma_wait3A_1404 = tpu.memref_slice %arg3[%add3A, %add3A_1289, %dma_wait3A_1403] : memref<32x80x128xi32, #tpu.memory_space<hbm>> -> memref<1x1x128xi32, #tpu.memory_space<hbm>>
      %dma_wait3A_1405 = tpu.memref_squeeze %dma_wait3A_1404 : memref<1x1x128xi32, #tpu.memory_space<hbm>> -> memref<128xi32, #tpu.memory_space<hbm>>
      %dma_wait3A_1406 = tpu.memref_slice %arg11[%select_n3A_1321] : memref<4x!tpu.dma_semaphore, #tpu.memory_space<semaphore_mem>> -> memref<1x!tpu.dma_semaphore, #tpu.memory_space<semaphore_mem>>
      %dma_wait3A_1407 = tpu.memref_squeeze %dma_wait3A_1406 : memref<1x!tpu.dma_semaphore, #tpu.memory_space<semaphore_mem>> -> memref<!tpu.dma_semaphore, #tpu.memory_space<semaphore_mem>>
      %dma_wait3A_1408 = arith.constant 0 : i32
      %dma_wait3A_1409 = tpu.memref_slice %arg8[%select_n3A_1321, %dma_wait3A_1408] : memref<4x128xi32, #tpu.memory_space<vmem>> -> memref<1x128xi32, #tpu.memory_space<vmem>>
      %dma_wait3A_1410 = tpu.memref_squeeze %dma_wait3A_1409 : memref<1x128xi32, #tpu.memory_space<vmem>> -> memref<128xi32, #tpu.memory_space<vmem>>
      %dma_wait3A_1411 = arith.constant 0 : i32
      %dma_wait3A_1412 = tpu.memref_slice %arg3[%add3A, %add3A_1289, %dma_wait3A_1411] : memref<32x80x128xi32, #tpu.memory_space<hbm>> -> memref<1x1x128xi32, #tpu.memory_space<hbm>>
      %dma_wait3A_1413 = tpu.memref_squeeze %dma_wait3A_1412 : memref<1x1x128xi32, #tpu.memory_space<hbm>> -> memref<128xi32, #tpu.memory_space<hbm>>
      tpu.wait_dma2 semaphore(%dma_wait3A_1407 : memref<!tpu.dma_semaphore, #tpu.memory_space<semaphore_mem>>) src(%dma_wait3A_1413 : memref<128xi32, #tpu.memory_space<hbm>>) dst(%dma_wait3A_1410 : memref<128xi32, #tpu.memory_space<vmem>>)
      %dma_wait3A_1414 = arith.constant 0 : i32
      %dma_wait3A_1415 = tpu.memref_slice %arg9[%select_n3A_1321, %dma_wait3A_1414] : memref<4x128xi32, #tpu.memory_space<vmem>> -> memref<1x128xi32, #tpu.memory_space<vmem>>
      %dma_wait3A_1416 = tpu.memref_squeeze %dma_wait3A_1415 : memref<1x128xi32, #tpu.memory_space<vmem>> -> memref<128xi32, #tpu.memory_space<vmem>>
      %dma_wait3A_1417 = arith.constant 0 : i32
      %dma_wait3A_1418 = tpu.memref_slice %arg4[%add3A, %add3A_1289, %dma_wait3A_1417] : memref<32x80x128xi32, #tpu.memory_space<hbm>> -> memref<1x1x128xi32, #tpu.memory_space<hbm>>
      %dma_wait3A_1419 = tpu.memref_squeeze %dma_wait3A_1418 : memref<1x1x128xi32, #tpu.memory_space<hbm>> -> memref<128xi32, #tpu.memory_space<hbm>>
      %dma_wait3A_1420 = tpu.memref_slice %arg11[%select_n3A_1321] : memref<4x!tpu.dma_semaphore, #tpu.memory_space<semaphore_mem>> -> memref<1x!tpu.dma_semaphore, #tpu.memory_space<semaphore_mem>>
      %dma_wait3A_1421 = tpu.memref_squeeze %dma_wait3A_1420 : memref<1x!tpu.dma_semaphore, #tpu.memory_space<semaphore_mem>> -> memref<!tpu.dma_semaphore, #tpu.memory_space<semaphore_mem>>
      %dma_wait3A_1422 = arith.constant 0 : i32
      %dma_wait3A_1423 = tpu.memref_slice %arg9[%select_n3A_1321, %dma_wait3A_1422] : memref<4x128xi32, #tpu.memory_space<vmem>> -> memref<1x128xi32, #tpu.memory_space<vmem>>
      %dma_wait3A_1424 = tpu.memref_squeeze %dma_wait3A_1423 : memref<1x128xi32, #tpu.memory_space<vmem>> -> memref<128xi32, #tpu.memory_space<vmem>>
      %dma_wait3A_1425 = arith.constant 0 : i32
      %dma_wait3A_1426 = tpu.memref_slice %arg4[%add3A, %add3A_1289, %dma_wait3A_1425] : memref<32x80x128xi32, #tpu.memory_space<hbm>> -> memref<1x1x128xi32, #tpu.memory_space<hbm>>
      %dma_wait3A_1427 = tpu.memref_squeeze %dma_wait3A_1426 : memref<1x1x128xi32, #tpu.memory_space<hbm>> -> memref<128xi32, #tpu.memory_space<hbm>>
      tpu.wait_dma2 semaphore(%dma_wait3A_1421 : memref<!tpu.dma_semaphore, #tpu.memory_space<semaphore_mem>>) src(%dma_wait3A_1427 : memref<128xi32, #tpu.memory_space<hbm>>) dst(%dma_wait3A_1424 : memref<128xi32, #tpu.memory_space<vmem>>)
      %dma_start3A_1428 = arith.constant 0 : i32
      %dma_start3A_1429 = arith.constant 0 : i32
      %dma_start3A_1430 = tpu.memref_slice %arg10[%select_n3A_1305, %dma_start3A_1428, %dma_start3A_1429] : memref<2x128x128xf32, #tpu.memory_space<vmem>> -> memref<1x128x128xf32, #tpu.memory_space<vmem>>
      %dma_start3A_1431 = tpu.memref_squeeze %dma_start3A_1430 : memref<1x128x128xf32, #tpu.memory_space<vmem>> -> memref<128x128xf32, #tpu.memory_space<vmem>>
      %dma_start3A_1432 = arith.constant 0 : i32
      %dma_start3A_1433 = tpu.memref_slice %arg8[%select_n3A_1321, %dma_start3A_1432] : memref<4x128xi32, #tpu.memory_space<vmem>> -> memref<1x128xi32, #tpu.memory_space<vmem>>
      %dma_start3A_1434 = tpu.memref_squeeze %dma_start3A_1433 : memref<1x128xi32, #tpu.memory_space<vmem>> -> memref<128xi32, #tpu.memory_space<vmem>>
      %dma_start3A_1435 = arith.constant 0 : i32
      %dma_start3A_1436 = arith.constant 0 : i32
      %dma_start3A_1437 = tpu.memref_slice %arg2[%dma_start3A_1435, %dma_start3A_1436] : memref<10000x128xf32, #tpu.memory_space<hbm>> -> memref<10000x128xf32, #tpu.memory_space<hbm>>
      %dma_start3A_1438 = tpu.memref_slice %arg12[%select_n3A_1305] : memref<2x!tpu.dma_semaphore, #tpu.memory_space<semaphore_mem>> -> memref<1x!tpu.dma_semaphore, #tpu.memory_space<semaphore_mem>>
      %dma_start3A_1439 = tpu.memref_squeeze %dma_start3A_1438 : memref<1x!tpu.dma_semaphore, #tpu.memory_space<semaphore_mem>> -> memref<!tpu.dma_semaphore, #tpu.memory_space<semaphore_mem>>
      tpu.enqueue_indirect_dma source(%dma_start3A_1437 : memref<10000x128xf32, #tpu.memory_space<hbm>>) target(%dma_start3A_1431 : memref<128x128xf32, #tpu.memory_space<vmem>>) offsets(%dma_start3A_1434 : memref<128xi32, #tpu.memory_space<vmem>>) semaphore(%dma_start3A_1439 : memref<!tpu.dma_semaphore, #tpu.memory_space<semaphore_mem>>)
      %add3A_1440 = arith.constant 4 : i32
      %add3A_1441 = arith.addi %select_n3A_1321, %add3A_1440 : i32
      %sub3A_1442 = arith.constant 1 : i32
      %sub3A_1443 = arith.subi %add3A_1441, %sub3A_1442 : i32
      %jit3A_1444 = arith.constant 4 : i32
      %eq3A_1445 = arith.constant 0 : i32
      %eq3A_1446 = arith.cmpi eq, %jit3A_1444, %eq3A_1445 : i32
      %jit3A_1447 = arith.constant 1 : i32
      %select_n3A_1448 = arith.select %eq3A_1446, %jit3A_1447, %jit3A_1444 : i32
      %rem3A_1449 = arith.remsi %sub3A_1443, %select_n3A_1448 : i32
      %ne3A_1450 = arith.constant 0 : i32
      %ne3A_1451 = arith.cmpi ne, %rem3A_1449, %ne3A_1450 : i32
      %lt3A_1452 = arith.constant 0 : i32
      %lt3A_1453 = arith.cmpi slt, %rem3A_1449, %lt3A_1452 : i32
      %lt3A_1454 = arith.constant 0 : i32
      %lt3A_1455 = arith.cmpi slt, %select_n3A_1448, %lt3A_1454 : i32
      %ne3A_1456 = arith.xori %lt3A_1453, %lt3A_1455 : i1
      %and3A_1457 = arith.andi %ne3A_1456, %ne3A_1451 : i1
      %add3A_1458 = arith.addi %rem3A_1449, %select_n3A_1448 : i32
      %select_n3A_1459 = arith.select %and3A_1457, %add3A_1458, %rem3A_1449 : i32
      %add3A_1460 = arith.constant 2 : i32
      %add3A_1461 = arith.addi %select_n3A_1305, %add3A_1460 : i32
      %sub3A_1462 = arith.constant 1 : i32
      %sub3A_1463 = arith.subi %add3A_1461, %sub3A_1462 : i32
      %jit3A_1464 = arith.constant 2 : i32
      %eq3A_1465 = arith.constant 0 : i32
      %eq3A_1466 = arith.cmpi eq, %jit3A_1464, %eq3A_1465 : i32
      %jit3A_1467 = arith.constant 1 : i32
      %select_n3A_1468 = arith.select %eq3A_1466, %jit3A_1467, %jit3A_1464 : i32
      %rem3A_1469 = arith.remsi %sub3A_1463, %select_n3A_1468 : i32
      %ne3A_1470 = arith.constant 0 : i32
      %ne3A_1471 = arith.cmpi ne, %rem3A_1469, %ne3A_1470 : i32
      %lt3A_1472 = arith.constant 0 : i32
      %lt3A_1473 = arith.cmpi slt, %rem3A_1469, %lt3A_1472 : i32
      %lt3A_1474 = arith.constant 0 : i32
      %lt3A_1475 = arith.cmpi slt, %select_n3A_1468, %lt3A_1474 : i32
      %ne3A_1476 = arith.xori %lt3A_1473, %lt3A_1475 : i1
      %and3A_1477 = arith.andi %ne3A_1476, %ne3A_1471 : i1
      %add3A_1478 = arith.addi %rem3A_1469, %select_n3A_1468 : i32
      %select_n3A_1479 = arith.select %and3A_1477, %add3A_1478, %rem3A_1469 : i32
      %dma_wait3A_1480 = arith.constant 0 : i32
      %dma_wait3A_1481 = arith.constant 0 : i32
      %dma_wait3A_1482 = tpu.memref_slice %arg10[%select_n3A_1479, %dma_wait3A_1480, %dma_wait3A_1481] : memref<2x128x128xf32, #tpu.memory_space<vmem>> -> memref<1x128x128xf32, #tpu.memory_space<vmem>>
      %dma_wait3A_1483 = tpu.memref_squeeze %dma_wait3A_1482 : memref<1x128x128xf32, #tpu.memory_space<vmem>> -> memref<128x128xf32, #tpu.memory_space<vmem>>
      %dma_wait3A_1484 = arith.constant 0 : i32
      %dma_wait3A_1485 = tpu.memref_slice %arg8[%select_n3A_1459, %dma_wait3A_1484] : memref<4x128xi32, #tpu.memory_space<vmem>> -> memref<1x128xi32, #tpu.memory_space<vmem>>
      %dma_wait3A_1486 = tpu.memref_squeeze %dma_wait3A_1485 : memref<1x128xi32, #tpu.memory_space<vmem>> -> memref<128xi32, #tpu.memory_space<vmem>>
      %dma_wait3A_1487 = arith.constant 0 : i32
      %dma_wait3A_1488 = arith.constant 0 : i32
      %dma_wait3A_1489 = tpu.memref_slice %arg2[%dma_wait3A_1487, %dma_wait3A_1488] : memref<10000x128xf32, #tpu.memory_space<hbm>> -> memref<10000x128xf32, #tpu.memory_space<hbm>>
      %dma_wait3A_1490 = tpu.memref_slice %arg12[%select_n3A_1479] : memref<2x!tpu.dma_semaphore, #tpu.memory_space<semaphore_mem>> -> memref<1x!tpu.dma_semaphore, #tpu.memory_space<semaphore_mem>>
      %dma_wait3A_1491 = tpu.memref_squeeze %dma_wait3A_1490 : memref<1x!tpu.dma_semaphore, #tpu.memory_space<semaphore_mem>> -> memref<!tpu.dma_semaphore, #tpu.memory_space<semaphore_mem>>
      tpu.wait_indirect_dma semaphore(%dma_wait3A_1491 : memref<!tpu.dma_semaphore, #tpu.memory_space<semaphore_mem>>) src(%dma_wait3A_1489 : memref<10000x128xf32, #tpu.memory_space<hbm>>) dst(%dma_wait3A_1483 : memref<128x128xf32, #tpu.memory_space<vmem>>)
      %add3A_1492 = arith.constant 4 : i32
      %add3A_1493 = arith.addi %select_n3A_1321, %add3A_1492 : i32
      %sub3A_1494 = arith.constant 1 : i32
      %sub3A_1495 = arith.subi %add3A_1493, %sub3A_1494 : i32
      %jit3A_1496 = arith.constant 4 : i32
      %eq3A_1497 = arith.constant 0 : i32
      %eq3A_1498 = arith.cmpi eq, %jit3A_1496, %eq3A_1497 : i32
      %jit3A_1499 = arith.constant 1 : i32
      %select_n3A_1500 = arith.select %eq3A_1498, %jit3A_1499, %jit3A_1496 : i32
      %rem3A_1501 = arith.remsi %sub3A_1495, %select_n3A_1500 : i32
      %ne3A_1502 = arith.constant 0 : i32
      %ne3A_1503 = arith.cmpi ne, %rem3A_1501, %ne3A_1502 : i32
      %lt3A_1504 = arith.constant 0 : i32
      %lt3A_1505 = arith.cmpi slt, %rem3A_1501, %lt3A_1504 : i32
      %lt3A_1506 = arith.constant 0 : i32
      %lt3A_1507 = arith.cmpi slt, %select_n3A_1500, %lt3A_1506 : i32
      %ne3A_1508 = arith.xori %lt3A_1505, %lt3A_1507 : i1
      %and3A_1509 = arith.andi %ne3A_1508, %ne3A_1503 : i1
      %add3A_1510 = arith.addi %rem3A_1501, %select_n3A_1500 : i32
      %select_n3A_1511 = arith.select %and3A_1509, %add3A_1510, %rem3A_1501 : i32
      %add3A_1512 = arith.constant 2 : i32
      %add3A_1513 = arith.addi %select_n3A_1305, %add3A_1512 : i32
      %sub3A_1514 = arith.constant 1 : i32
      %sub3A_1515 = arith.subi %add3A_1513, %sub3A_1514 : i32
      %jit3A_1516 = arith.constant 2 : i32
      %eq3A_1517 = arith.constant 0 : i32
      %eq3A_1518 = arith.cmpi eq, %jit3A_1516, %eq3A_1517 : i32
      %jit3A_1519 = arith.constant 1 : i32
      %select_n3A_1520 = arith.select %eq3A_1518, %jit3A_1519, %jit3A_1516 : i32
      %rem3A_1521 = arith.remsi %sub3A_1515, %select_n3A_1520 : i32
      %ne3A_1522 = arith.constant 0 : i32
      %ne3A_1523 = arith.cmpi ne, %rem3A_1521, %ne3A_1522 : i32
      %lt3A_1524 = arith.constant 0 : i32
      %lt3A_1525 = arith.cmpi slt, %rem3A_1521, %lt3A_1524 : i32
      %lt3A_1526 = arith.constant 0 : i32
      %lt3A_1527 = arith.cmpi slt, %select_n3A_1520, %lt3A_1526 : i32
      %ne3A_1528 = arith.xori %lt3A_1525, %lt3A_1527 : i1
      %and3A_1529 = arith.andi %ne3A_1528, %ne3A_1523 : i1
      %add3A_1530 = arith.addi %rem3A_1521, %select_n3A_1520 : i32
      %select_n3A_1531 = arith.select %and3A_1529, %add3A_1530, %rem3A_1521 : i32
      %dma_start3A_1532 = arith.constant 0 : i32
      %dma_start3A_1533 = arith.constant 0 : i32
      %dma_start3A_1534 = tpu.memref_slice %arg10[%select_n3A_1531, %dma_start3A_1532, %dma_start3A_1533] : memref<2x128x128xf32, #tpu.memory_space<vmem>> -> memref<1x128x128xf32, #tpu.memory_space<vmem>>
      %dma_start3A_1535 = tpu.memref_squeeze %dma_start3A_1534 : memref<1x128x128xf32, #tpu.memory_space<vmem>> -> memref<128x128xf32, #tpu.memory_space<vmem>>
      %dma_start3A_1536 = arith.constant 0 : i32
      %dma_start3A_1537 = tpu.memref_slice %arg9[%select_n3A_1511, %dma_start3A_1536] : memref<4x128xi32, #tpu.memory_space<vmem>> -> memref<1x128xi32, #tpu.memory_space<vmem>>
      %dma_start3A_1538 = tpu.memref_squeeze %dma_start3A_1537 : memref<1x128xi32, #tpu.memory_space<vmem>> -> memref<128xi32, #tpu.memory_space<vmem>>
      %dma_start3A_1539 = arith.constant 0 : i32
      %dma_start3A_1540 = arith.constant 0 : i32
      %dma_start3A_1541 = tpu.memref_slice %arg7[%dma_start3A_1539, %dma_start3A_1540] : memref<10240x128xf32, #tpu.memory_space<vmem_shared>> -> memref<10240x128xf32, #tpu.memory_space<vmem_shared>>
      %dma_start3A_1542 = tpu.memref_slice %arg13[%select_n3A_1511] : memref<4x!tpu.dma_semaphore, #tpu.memory_space<semaphore_mem>> -> memref<1x!tpu.dma_semaphore, #tpu.memory_space<semaphore_mem>>
      %dma_start3A_1543 = tpu.memref_squeeze %dma_start3A_1542 : memref<1x!tpu.dma_semaphore, #tpu.memory_space<semaphore_mem>> -> memref<!tpu.dma_semaphore, #tpu.memory_space<semaphore_mem>>
      tpu.enqueue_indirect_dma source(%dma_start3A_1535 : memref<128x128xf32, #tpu.memory_space<vmem>>) target(%dma_start3A_1541 : memref<10240x128xf32, #tpu.memory_space<vmem_shared>>) offsets(%dma_start3A_1538 : memref<128xi32, #tpu.memory_space<vmem>>) semaphore(%dma_start3A_1543 : memref<!tpu.dma_semaphore, #tpu.memory_space<semaphore_mem>>) {add = true}
    }
    %scan3A_269 = arith.constant 19 : i32
    %dma_wait3A_270 = arith.constant 0 : i32
    %dma_wait3A_271 = arith.constant 0 : i32
    %dma_wait3A_272 = arith.constant 0 : i32
    %dma_wait3A_273 = arith.constant 0 : i32
    %dma_wait3A_274 = arith.constant 0 : i32
    %dma_wait3A_275 = tpu.memref_slice %arg10[%dma_wait3A_270, %dma_wait3A_273, %dma_wait3A_274] : memref<2x128x128xf32, #tpu.memory_space<vmem>> -> memref<1x128x128xf32, #tpu.memory_space<vmem>>
    %dma_wait3A_276 = tpu.memref_squeeze %dma_wait3A_275 : memref<1x128x128xf32, #tpu.memory_space<vmem>> -> memref<128x128xf32, #tpu.memory_space<vmem>>
    %dma_wait3A_277 = arith.constant 0 : i32
    %dma_wait3A_278 = tpu.memref_slice %arg9[%dma_wait3A_271, %dma_wait3A_277] : memref<4x128xi32, #tpu.memory_space<vmem>> -> memref<1x128xi32, #tpu.memory_space<vmem>>
    %dma_wait3A_279 = tpu.memref_squeeze %dma_wait3A_278 : memref<1x128xi32, #tpu.memory_space<vmem>> -> memref<128xi32, #tpu.memory_space<vmem>>
    %dma_wait3A_280 = arith.constant 0 : i32
    %dma_wait3A_281 = arith.constant 0 : i32
    %dma_wait3A_282 = tpu.memref_slice %arg7[%dma_wait3A_280, %dma_wait3A_281] : memref<10240x128xf32, #tpu.memory_space<vmem_shared>> -> memref<10240x128xf32, #tpu.memory_space<vmem_shared>>
    %dma_wait3A_283 = tpu.memref_slice %arg13[%dma_wait3A_272] : memref<4x!tpu.dma_semaphore, #tpu.memory_space<semaphore_mem>> -> memref<1x!tpu.dma_semaphore, #tpu.memory_space<semaphore_mem>>
    %dma_wait3A_284 = tpu.memref_squeeze %dma_wait3A_283 : memref<1x!tpu.dma_semaphore, #tpu.memory_space<semaphore_mem>> -> memref<!tpu.dma_semaphore, #tpu.memory_space<semaphore_mem>>
    tpu.wait_indirect_dma semaphore(%dma_wait3A_284 : memref<!tpu.dma_semaphore, #tpu.memory_space<semaphore_mem>>) src(%dma_wait3A_276 : memref<128x128xf32, #tpu.memory_space<vmem>>) dst(%dma_wait3A_282 : memref<10240x128xf32, #tpu.memory_space<vmem_shared>>)
    %dma_wait3A_285 = arith.constant 78 : i32
    %dma_wait3A_286 = arith.constant 2 : i32
    %dma_wait3A_287 = arith.constant 2 : i32
    %dma_wait3A_288 = arith.constant 0 : i32
    %dma_wait3A_289 = tpu.memref_slice %arg8[%dma_wait3A_286, %dma_wait3A_288] : memref<4x128xi32, #tpu.memory_space<vmem>> -> memref<1x128xi32, #tpu.memory_space<vmem>>
    %dma_wait3A_290 = tpu.memref_squeeze %dma_wait3A_289 : memref<1x128xi32, #tpu.memory_space<vmem>> -> memref<128xi32, #tpu.memory_space<vmem>>
    %dma_wait3A_291 = arith.constant 0 : i32
    %dma_wait3A_292 = tpu.memref_slice %arg3[%add3A, %dma_wait3A_285, %dma_wait3A_291] : memref<32x80x128xi32, #tpu.memory_space<hbm>> -> memref<1x1x128xi32, #tpu.memory_space<hbm>>
    %dma_wait3A_293 = tpu.memref_squeeze %dma_wait3A_292 : memref<1x1x128xi32, #tpu.memory_space<hbm>> -> memref<128xi32, #tpu.memory_space<hbm>>
    %dma_wait3A_294 = tpu.memref_slice %arg11[%dma_wait3A_287] : memref<4x!tpu.dma_semaphore, #tpu.memory_space<semaphore_mem>> -> memref<1x!tpu.dma_semaphore, #tpu.memory_space<semaphore_mem>>
    %dma_wait3A_295 = tpu.memref_squeeze %dma_wait3A_294 : memref<1x!tpu.dma_semaphore, #tpu.memory_space<semaphore_mem>> -> memref<!tpu.dma_semaphore, #tpu.memory_space<semaphore_mem>>
    %dma_wait3A_296 = arith.constant 0 : i32
    %dma_wait3A_297 = tpu.memref_slice %arg8[%dma_wait3A_286, %dma_wait3A_296] : memref<4x128xi32, #tpu.memory_space<vmem>> -> memref<1x128xi32, #tpu.memory_space<vmem>>
    %dma_wait3A_298 = tpu.memref_squeeze %dma_wait3A_297 : memref<1x128xi32, #tpu.memory_space<vmem>> -> memref<128xi32, #tpu.memory_space<vmem>>
    %dma_wait3A_299 = arith.constant 0 : i32
    %dma_wait3A_300 = tpu.memref_slice %arg3[%add3A, %dma_wait3A_285, %dma_wait3A_299] : memref<32x80x128xi32, #tpu.memory_space<hbm>> -> memref<1x1x128xi32, #tpu.memory_space<hbm>>
    %dma_wait3A_301 = tpu.memref_squeeze %dma_wait3A_300 : memref<1x1x128xi32, #tpu.memory_space<hbm>> -> memref<128xi32, #tpu.memory_space<hbm>>
    tpu.wait_dma2 semaphore(%dma_wait3A_295 : memref<!tpu.dma_semaphore, #tpu.memory_space<semaphore_mem>>) src(%dma_wait3A_301 : memref<128xi32, #tpu.memory_space<hbm>>) dst(%dma_wait3A_298 : memref<128xi32, #tpu.memory_space<vmem>>)
    %dma_wait3A_302 = arith.constant 78 : i32
    %dma_wait3A_303 = arith.constant 2 : i32
    %dma_wait3A_304 = arith.constant 2 : i32
    %dma_wait3A_305 = arith.constant 0 : i32
    %dma_wait3A_306 = tpu.memref_slice %arg9[%dma_wait3A_303, %dma_wait3A_305] : memref<4x128xi32, #tpu.memory_space<vmem>> -> memref<1x128xi32, #tpu.memory_space<vmem>>
    %dma_wait3A_307 = tpu.memref_squeeze %dma_wait3A_306 : memref<1x128xi32, #tpu.memory_space<vmem>> -> memref<128xi32, #tpu.memory_space<vmem>>
    %dma_wait3A_308 = arith.constant 0 : i32
    %dma_wait3A_309 = tpu.memref_slice %arg4[%add3A, %dma_wait3A_302, %dma_wait3A_308] : memref<32x80x128xi32, #tpu.memory_space<hbm>> -> memref<1x1x128xi32, #tpu.memory_space<hbm>>
    %dma_wait3A_310 = tpu.memref_squeeze %dma_wait3A_309 : memref<1x1x128xi32, #tpu.memory_space<hbm>> -> memref<128xi32, #tpu.memory_space<hbm>>
    %dma_wait3A_311 = tpu.memref_slice %arg11[%dma_wait3A_304] : memref<4x!tpu.dma_semaphore, #tpu.memory_space<semaphore_mem>> -> memref<1x!tpu.dma_semaphore, #tpu.memory_space<semaphore_mem>>
    %dma_wait3A_312 = tpu.memref_squeeze %dma_wait3A_311 : memref<1x!tpu.dma_semaphore, #tpu.memory_space<semaphore_mem>> -> memref<!tpu.dma_semaphore, #tpu.memory_space<semaphore_mem>>
    %dma_wait3A_313 = arith.constant 0 : i32
    %dma_wait3A_314 = tpu.memref_slice %arg9[%dma_wait3A_303, %dma_wait3A_313] : memref<4x128xi32, #tpu.memory_space<vmem>> -> memref<1x128xi32, #tpu.memory_space<vmem>>
    %dma_wait3A_315 = tpu.memref_squeeze %dma_wait3A_314 : memref<1x128xi32, #tpu.memory_space<vmem>> -> memref<128xi32, #tpu.memory_space<vmem>>
    %dma_wait3A_316 = arith.constant 0 : i32
    %dma_wait3A_317 = tpu.memref_slice %arg4[%add3A, %dma_wait3A_302, %dma_wait3A_316] : memref<32x80x128xi32, #tpu.memory_space<hbm>> -> memref<1x1x128xi32, #tpu.memory_space<hbm>>
    %dma_wait3A_318 = tpu.memref_squeeze %dma_wait3A_317 : memref<1x1x128xi32, #tpu.memory_space<hbm>> -> memref<128xi32, #tpu.memory_space<hbm>>
    tpu.wait_dma2 semaphore(%dma_wait3A_312 : memref<!tpu.dma_semaphore, #tpu.memory_space<semaphore_mem>>) src(%dma_wait3A_318 : memref<128xi32, #tpu.memory_space<hbm>>) dst(%dma_wait3A_315 : memref<128xi32, #tpu.memory_space<vmem>>)
    %dma_start3A_319 = arith.constant 2 : i32
    %dma_start3A_320 = arith.constant 0 : i32
    %dma_start3A_321 = arith.constant 0 : i32
    %dma_start3A_322 = arith.constant 0 : i32
    %dma_start3A_323 = arith.constant 0 : i32
    %dma_start3A_324 = tpu.memref_slice %arg10[%dma_start3A_320, %dma_start3A_322, %dma_start3A_323] : memref<2x128x128xf32, #tpu.memory_space<vmem>> -> memref<1x128x128xf32, #tpu.memory_space<vmem>>
    %dma_start3A_325 = tpu.memref_squeeze %dma_start3A_324 : memref<1x128x128xf32, #tpu.memory_space<vmem>> -> memref<128x128xf32, #tpu.memory_space<vmem>>
    %dma_start3A_326 = arith.constant 0 : i32
    %dma_start3A_327 = tpu.memref_slice %arg8[%dma_start3A_319, %dma_start3A_326] : memref<4x128xi32, #tpu.memory_space<vmem>> -> memref<1x128xi32, #tpu.memory_space<vmem>>
    %dma_start3A_328 = tpu.memref_squeeze %dma_start3A_327 : memref<1x128xi32, #tpu.memory_space<vmem>> -> memref<128xi32, #tpu.memory_space<vmem>>
    %dma_start3A_329 = arith.constant 0 : i32
    %dma_start3A_330 = arith.constant 0 : i32
    %dma_start3A_331 = tpu.memref_slice %arg2[%dma_start3A_329, %dma_start3A_330] : memref<10000x128xf32, #tpu.memory_space<hbm>> -> memref<10000x128xf32, #tpu.memory_space<hbm>>
    %dma_start3A_332 = tpu.memref_slice %arg12[%dma_start3A_321] : memref<2x!tpu.dma_semaphore, #tpu.memory_space<semaphore_mem>> -> memref<1x!tpu.dma_semaphore, #tpu.memory_space<semaphore_mem>>
    %dma_start3A_333 = tpu.memref_squeeze %dma_start3A_332 : memref<1x!tpu.dma_semaphore, #tpu.memory_space<semaphore_mem>> -> memref<!tpu.dma_semaphore, #tpu.memory_space<semaphore_mem>>
    tpu.enqueue_indirect_dma source(%dma_start3A_331 : memref<10000x128xf32, #tpu.memory_space<hbm>>) target(%dma_start3A_325 : memref<128x128xf32, #tpu.memory_space<vmem>>) offsets(%dma_start3A_328 : memref<128xi32, #tpu.memory_space<vmem>>) semaphore(%dma_start3A_333 : memref<!tpu.dma_semaphore, #tpu.memory_space<semaphore_mem>>)
    %dma_wait3A_334 = arith.constant 1 : i32
    %dma_wait3A_335 = arith.constant 1 : i32
    %dma_wait3A_336 = arith.constant 1 : i32
    %dma_wait3A_337 = arith.constant 0 : i32
    %dma_wait3A_338 = arith.constant 0 : i32
    %dma_wait3A_339 = tpu.memref_slice %arg10[%dma_wait3A_335, %dma_wait3A_337, %dma_wait3A_338] : memref<2x128x128xf32, #tpu.memory_space<vmem>> -> memref<1x128x128xf32, #tpu.memory_space<vmem>>
    %dma_wait3A_340 = tpu.memref_squeeze %dma_wait3A_339 : memref<1x128x128xf32, #tpu.memory_space<vmem>> -> memref<128x128xf32, #tpu.memory_space<vmem>>
    %dma_wait3A_341 = arith.constant 0 : i32
    %dma_wait3A_342 = tpu.memref_slice %arg8[%dma_wait3A_334, %dma_wait3A_341] : memref<4x128xi32, #tpu.memory_space<vmem>> -> memref<1x128xi32, #tpu.memory_space<vmem>>
    %dma_wait3A_343 = tpu.memref_squeeze %dma_wait3A_342 : memref<1x128xi32, #tpu.memory_space<vmem>> -> memref<128xi32, #tpu.memory_space<vmem>>
    %dma_wait3A_344 = arith.constant 0 : i32
    %dma_wait3A_345 = arith.constant 0 : i32
    %dma_wait3A_346 = tpu.memref_slice %arg2[%dma_wait3A_344, %dma_wait3A_345] : memref<10000x128xf32, #tpu.memory_space<hbm>> -> memref<10000x128xf32, #tpu.memory_space<hbm>>
    %dma_wait3A_347 = tpu.memref_slice %arg12[%dma_wait3A_336] : memref<2x!tpu.dma_semaphore, #tpu.memory_space<semaphore_mem>> -> memref<1x!tpu.dma_semaphore, #tpu.memory_space<semaphore_mem>>
    %dma_wait3A_348 = tpu.memref_squeeze %dma_wait3A_347 : memref<1x!tpu.dma_semaphore, #tpu.memory_space<semaphore_mem>> -> memref<!tpu.dma_semaphore, #tpu.memory_space<semaphore_mem>>
    tpu.wait_indirect_dma semaphore(%dma_wait3A_348 : memref<!tpu.dma_semaphore, #tpu.memory_space<semaphore_mem>>) src(%dma_wait3A_346 : memref<10000x128xf32, #tpu.memory_space<hbm>>) dst(%dma_wait3A_340 : memref<128x128xf32, #tpu.memory_space<vmem>>)
    %dma_start3A_349 = arith.constant 1 : i32
    %dma_start3A_350 = arith.constant 1 : i32
    %dma_start3A_351 = arith.constant 1 : i32
    %dma_start3A_352 = arith.constant 0 : i32
    %dma_start3A_353 = arith.constant 0 : i32
    %dma_start3A_354 = tpu.memref_slice %arg10[%dma_start3A_349, %dma_start3A_352, %dma_start3A_353] : memref<2x128x128xf32, #tpu.memory_space<vmem>> -> memref<1x128x128xf32, #tpu.memory_space<vmem>>
    %dma_start3A_355 = tpu.memref_squeeze %dma_start3A_354 : memref<1x128x128xf32, #tpu.memory_space<vmem>> -> memref<128x128xf32, #tpu.memory_space<vmem>>
    %dma_start3A_356 = arith.constant 0 : i32
    %dma_start3A_357 = tpu.memref_slice %arg9[%dma_start3A_350, %dma_start3A_356] : memref<4x128xi32, #tpu.memory_space<vmem>> -> memref<1x128xi32, #tpu.memory_space<vmem>>
    %dma_start3A_358 = tpu.memref_squeeze %dma_start3A_357 : memref<1x128xi32, #tpu.memory_space<vmem>> -> memref<128xi32, #tpu.memory_space<vmem>>
    %dma_start3A_359 = arith.constant 0 : i32
    %dma_start3A_360 = arith.constant 0 : i32
    %dma_start3A_361 = tpu.memref_slice %arg7[%dma_start3A_359, %dma_start3A_360] : memref<10240x128xf32, #tpu.memory_space<vmem_shared>> -> memref<10240x128xf32, #tpu.memory_space<vmem_shared>>
    %dma_start3A_362 = tpu.memref_slice %arg13[%dma_start3A_351] : memref<4x!tpu.dma_semaphore, #tpu.memory_space<semaphore_mem>> -> memref<1x!tpu.dma_semaphore, #tpu.memory_space<semaphore_mem>>
    %dma_start3A_363 = tpu.memref_squeeze %dma_start3A_362 : memref<1x!tpu.dma_semaphore, #tpu.memory_space<semaphore_mem>> -> memref<!tpu.dma_semaphore, #tpu.memory_space<semaphore_mem>>
    tpu.enqueue_indirect_dma source(%dma_start3A_355 : memref<128x128xf32, #tpu.memory_space<vmem>>) target(%dma_start3A_361 : memref<10240x128xf32, #tpu.memory_space<vmem_shared>>) offsets(%dma_start3A_358 : memref<128xi32, #tpu.memory_space<vmem>>) semaphore(%dma_start3A_363 : memref<!tpu.dma_semaphore, #tpu.memory_space<semaphore_mem>>) {add = true}
    %dma_wait3A_364 = arith.constant 1 : i32
    %dma_wait3A_365 = arith.constant 1 : i32
    %dma_wait3A_366 = arith.constant 1 : i32
    %dma_wait3A_367 = arith.constant 0 : i32
    %dma_wait3A_368 = arith.constant 0 : i32
    %dma_wait3A_369 = tpu.memref_slice %arg10[%dma_wait3A_364, %dma_wait3A_367, %dma_wait3A_368] : memref<2x128x128xf32, #tpu.memory_space<vmem>> -> memref<1x128x128xf32, #tpu.memory_space<vmem>>
    %dma_wait3A_370 = tpu.memref_squeeze %dma_wait3A_369 : memref<1x128x128xf32, #tpu.memory_space<vmem>> -> memref<128x128xf32, #tpu.memory_space<vmem>>
    %dma_wait3A_371 = arith.constant 0 : i32
    %dma_wait3A_372 = tpu.memref_slice %arg9[%dma_wait3A_365, %dma_wait3A_371] : memref<4x128xi32, #tpu.memory_space<vmem>> -> memref<1x128xi32, #tpu.memory_space<vmem>>
    %dma_wait3A_373 = tpu.memref_squeeze %dma_wait3A_372 : memref<1x128xi32, #tpu.memory_space<vmem>> -> memref<128xi32, #tpu.memory_space<vmem>>
    %dma_wait3A_374 = arith.constant 0 : i32
    %dma_wait3A_375 = arith.constant 0 : i32
    %dma_wait3A_376 = tpu.memref_slice %arg7[%dma_wait3A_374, %dma_wait3A_375] : memref<10240x128xf32, #tpu.memory_space<vmem_shared>> -> memref<10240x128xf32, #tpu.memory_space<vmem_shared>>
    %dma_wait3A_377 = tpu.memref_slice %arg13[%dma_wait3A_366] : memref<4x!tpu.dma_semaphore, #tpu.memory_space<semaphore_mem>> -> memref<1x!tpu.dma_semaphore, #tpu.memory_space<semaphore_mem>>
    %dma_wait3A_378 = tpu.memref_squeeze %dma_wait3A_377 : memref<1x!tpu.dma_semaphore, #tpu.memory_space<semaphore_mem>> -> memref<!tpu.dma_semaphore, #tpu.memory_space<semaphore_mem>>
    tpu.wait_indirect_dma semaphore(%dma_wait3A_378 : memref<!tpu.dma_semaphore, #tpu.memory_space<semaphore_mem>>) src(%dma_wait3A_370 : memref<128x128xf32, #tpu.memory_space<vmem>>) dst(%dma_wait3A_376 : memref<10240x128xf32, #tpu.memory_space<vmem_shared>>)
    %dma_wait3A_379 = arith.constant 79 : i32
    %dma_wait3A_380 = arith.constant 3 : i32
    %dma_wait3A_381 = arith.constant 3 : i32
    %dma_wait3A_382 = arith.constant 0 : i32
    %dma_wait3A_383 = tpu.memref_slice %arg8[%dma_wait3A_380, %dma_wait3A_382] : memref<4x128xi32, #tpu.memory_space<vmem>> -> memref<1x128xi32, #tpu.memory_space<vmem>>
    %dma_wait3A_384 = tpu.memref_squeeze %dma_wait3A_383 : memref<1x128xi32, #tpu.memory_space<vmem>> -> memref<128xi32, #tpu.memory_space<vmem>>
    %dma_wait3A_385 = arith.constant 0 : i32
    %dma_wait3A_386 = tpu.memref_slice %arg3[%add3A, %dma_wait3A_379, %dma_wait3A_385] : memref<32x80x128xi32, #tpu.memory_space<hbm>> -> memref<1x1x128xi32, #tpu.memory_space<hbm>>
    %dma_wait3A_387 = tpu.memref_squeeze %dma_wait3A_386 : memref<1x1x128xi32, #tpu.memory_space<hbm>> -> memref<128xi32, #tpu.memory_space<hbm>>
    %dma_wait3A_388 = tpu.memref_slice %arg11[%dma_wait3A_381] : memref<4x!tpu.dma_semaphore, #tpu.memory_space<semaphore_mem>> -> memref<1x!tpu.dma_semaphore, #tpu.memory_space<semaphore_mem>>
    %dma_wait3A_389 = tpu.memref_squeeze %dma_wait3A_388 : memref<1x!tpu.dma_semaphore, #tpu.memory_space<semaphore_mem>> -> memref<!tpu.dma_semaphore, #tpu.memory_space<semaphore_mem>>
    %dma_wait3A_390 = arith.constant 0 : i32
    %dma_wait3A_391 = tpu.memref_slice %arg8[%dma_wait3A_380, %dma_wait3A_390] : memref<4x128xi32, #tpu.memory_space<vmem>> -> memref<1x128xi32, #tpu.memory_space<vmem>>
    %dma_wait3A_392 = tpu.memref_squeeze %dma_wait3A_391 : memref<1x128xi32, #tpu.memory_space<vmem>> -> memref<128xi32, #tpu.memory_space<vmem>>
    %dma_wait3A_393 = arith.constant 0 : i32
    %dma_wait3A_394 = tpu.memref_slice %arg3[%add3A, %dma_wait3A_379, %dma_wait3A_393] : memref<32x80x128xi32, #tpu.memory_space<hbm>> -> memref<1x1x128xi32, #tpu.memory_space<hbm>>
    %dma_wait3A_395 = tpu.memref_squeeze %dma_wait3A_394 : memref<1x1x128xi32, #tpu.memory_space<hbm>> -> memref<128xi32, #tpu.memory_space<hbm>>
    tpu.wait_dma2 semaphore(%dma_wait3A_389 : memref<!tpu.dma_semaphore, #tpu.memory_space<semaphore_mem>>) src(%dma_wait3A_395 : memref<128xi32, #tpu.memory_space<hbm>>) dst(%dma_wait3A_392 : memref<128xi32, #tpu.memory_space<vmem>>)
    %dma_wait3A_396 = arith.constant 79 : i32
    %dma_wait3A_397 = arith.constant 3 : i32
    %dma_wait3A_398 = arith.constant 3 : i32
    %dma_wait3A_399 = arith.constant 0 : i32
    %dma_wait3A_400 = tpu.memref_slice %arg9[%dma_wait3A_397, %dma_wait3A_399] : memref<4x128xi32, #tpu.memory_space<vmem>> -> memref<1x128xi32, #tpu.memory_space<vmem>>
    %dma_wait3A_401 = tpu.memref_squeeze %dma_wait3A_400 : memref<1x128xi32, #tpu.memory_space<vmem>> -> memref<128xi32, #tpu.memory_space<vmem>>
    %dma_wait3A_402 = arith.constant 0 : i32
    %dma_wait3A_403 = tpu.memref_slice %arg4[%add3A, %dma_wait3A_396, %dma_wait3A_402] : memref<32x80x128xi32, #tpu.memory_space<hbm>> -> memref<1x1x128xi32, #tpu.memory_space<hbm>>
    %dma_wait3A_404 = tpu.memref_squeeze %dma_wait3A_403 : memref<1x1x128xi32, #tpu.memory_space<hbm>> -> memref<128xi32, #tpu.memory_space<hbm>>
    %dma_wait3A_405 = tpu.memref_slice %arg11[%dma_wait3A_398] : memref<4x!tpu.dma_semaphore, #tpu.memory_space<semaphore_mem>> -> memref<1x!tpu.dma_semaphore, #tpu.memory_space<semaphore_mem>>
    %dma_wait3A_406 = tpu.memref_squeeze %dma_wait3A_405 : memref<1x!tpu.dma_semaphore, #tpu.memory_space<semaphore_mem>> -> memref<!tpu.dma_semaphore, #tpu.memory_space<semaphore_mem>>
    %dma_wait3A_407 = arith.constant 0 : i32
    %dma_wait3A_408 = tpu.memref_slice %arg9[%dma_wait3A_397, %dma_wait3A_407] : memref<4x128xi32, #tpu.memory_space<vmem>> -> memref<1x128xi32, #tpu.memory_space<vmem>>
    %dma_wait3A_409 = tpu.memref_squeeze %dma_wait3A_408 : memref<1x128xi32, #tpu.memory_space<vmem>> -> memref<128xi32, #tpu.memory_space<vmem>>
    %dma_wait3A_410 = arith.constant 0 : i32
    %dma_wait3A_411 = tpu.memref_slice %arg4[%add3A, %dma_wait3A_396, %dma_wait3A_410] : memref<32x80x128xi32, #tpu.memory_space<hbm>> -> memref<1x1x128xi32, #tpu.memory_space<hbm>>
    %dma_wait3A_412 = tpu.memref_squeeze %dma_wait3A_411 : memref<1x1x128xi32, #tpu.memory_space<hbm>> -> memref<128xi32, #tpu.memory_space<hbm>>
    tpu.wait_dma2 semaphore(%dma_wait3A_406 : memref<!tpu.dma_semaphore, #tpu.memory_space<semaphore_mem>>) src(%dma_wait3A_412 : memref<128xi32, #tpu.memory_space<hbm>>) dst(%dma_wait3A_409 : memref<128xi32, #tpu.memory_space<vmem>>)
    %dma_start3A_413 = arith.constant 3 : i32
    %dma_start3A_414 = arith.constant 1 : i32
    %dma_start3A_415 = arith.constant 1 : i32
    %dma_start3A_416 = arith.constant 0 : i32
    %dma_start3A_417 = arith.constant 0 : i32
    %dma_start3A_418 = tpu.memref_slice %arg10[%dma_start3A_414, %dma_start3A_416, %dma_start3A_417] : memref<2x128x128xf32, #tpu.memory_space<vmem>> -> memref<1x128x128xf32, #tpu.memory_space<vmem>>
    %dma_start3A_419 = tpu.memref_squeeze %dma_start3A_418 : memref<1x128x128xf32, #tpu.memory_space<vmem>> -> memref<128x128xf32, #tpu.memory_space<vmem>>
    %dma_start3A_420 = arith.constant 0 : i32
    %dma_start3A_421 = tpu.memref_slice %arg8[%dma_start3A_413, %dma_start3A_420] : memref<4x128xi32, #tpu.memory_space<vmem>> -> memref<1x128xi32, #tpu.memory_space<vmem>>
    %dma_start3A_422 = tpu.memref_squeeze %dma_start3A_421 : memref<1x128xi32, #tpu.memory_space<vmem>> -> memref<128xi32, #tpu.memory_space<vmem>>
    %dma_start3A_423 = arith.constant 0 : i32
    %dma_start3A_424 = arith.constant 0 : i32
    %dma_start3A_425 = tpu.memref_slice %arg2[%dma_start3A_423, %dma_start3A_424] : memref<10000x128xf32, #tpu.memory_space<hbm>> -> memref<10000x128xf32, #tpu.memory_space<hbm>>
    %dma_start3A_426 = tpu.memref_slice %arg12[%dma_start3A_415] : memref<2x!tpu.dma_semaphore, #tpu.memory_space<semaphore_mem>> -> memref<1x!tpu.dma_semaphore, #tpu.memory_space<semaphore_mem>>
    %dma_start3A_427 = tpu.memref_squeeze %dma_start3A_426 : memref<1x!tpu.dma_semaphore, #tpu.memory_space<semaphore_mem>> -> memref<!tpu.dma_semaphore, #tpu.memory_space<semaphore_mem>>
    tpu.enqueue_indirect_dma source(%dma_start3A_425 : memref<10000x128xf32, #tpu.memory_space<hbm>>) target(%dma_start3A_419 : memref<128x128xf32, #tpu.memory_space<vmem>>) offsets(%dma_start3A_422 : memref<128xi32, #tpu.memory_space<vmem>>) semaphore(%dma_start3A_427 : memref<!tpu.dma_semaphore, #tpu.memory_space<semaphore_mem>>)
    %dma_wait3A_428 = arith.constant 2 : i32
    %dma_wait3A_429 = arith.constant 0 : i32
    %dma_wait3A_430 = arith.constant 0 : i32
    %dma_wait3A_431 = arith.constant 0 : i32
    %dma_wait3A_432 = arith.constant 0 : i32
    %dma_wait3A_433 = tpu.memref_slice %arg10[%dma_wait3A_429, %dma_wait3A_431, %dma_wait3A_432] : memref<2x128x128xf32, #tpu.memory_space<vmem>> -> memref<1x128x128xf32, #tpu.memory_space<vmem>>
    %dma_wait3A_434 = tpu.memref_squeeze %dma_wait3A_433 : memref<1x128x128xf32, #tpu.memory_space<vmem>> -> memref<128x128xf32, #tpu.memory_space<vmem>>
    %dma_wait3A_435 = arith.constant 0 : i32
    %dma_wait3A_436 = tpu.memref_slice %arg8[%dma_wait3A_428, %dma_wait3A_435] : memref<4x128xi32, #tpu.memory_space<vmem>> -> memref<1x128xi32, #tpu.memory_space<vmem>>
    %dma_wait3A_437 = tpu.memref_squeeze %dma_wait3A_436 : memref<1x128xi32, #tpu.memory_space<vmem>> -> memref<128xi32, #tpu.memory_space<vmem>>
    %dma_wait3A_438 = arith.constant 0 : i32
    %dma_wait3A_439 = arith.constant 0 : i32
    %dma_wait3A_440 = tpu.memref_slice %arg2[%dma_wait3A_438, %dma_wait3A_439] : memref<10000x128xf32, #tpu.memory_space<hbm>> -> memref<10000x128xf32, #tpu.memory_space<hbm>>
    %dma_wait3A_441 = tpu.memref_slice %arg12[%dma_wait3A_430] : memref<2x!tpu.dma_semaphore, #tpu.memory_space<semaphore_mem>> -> memref<1x!tpu.dma_semaphore, #tpu.memory_space<semaphore_mem>>
    %dma_wait3A_442 = tpu.memref_squeeze %dma_wait3A_441 : memref<1x!tpu.dma_semaphore, #tpu.memory_space<semaphore_mem>> -> memref<!tpu.dma_semaphore, #tpu.memory_space<semaphore_mem>>
    tpu.wait_indirect_dma semaphore(%dma_wait3A_442 : memref<!tpu.dma_semaphore, #tpu.memory_space<semaphore_mem>>) src(%dma_wait3A_440 : memref<10000x128xf32, #tpu.memory_space<hbm>>) dst(%dma_wait3A_434 : memref<128x128xf32, #tpu.memory_space<vmem>>)
    %dma_start3A_443 = arith.constant 0 : i32
    %dma_start3A_444 = arith.constant 2 : i32
    %dma_start3A_445 = arith.constant 2 : i32
    %dma_start3A_446 = arith.constant 0 : i32
    %dma_start3A_447 = arith.constant 0 : i32
    %dma_start3A_448 = tpu.memref_slice %arg10[%dma_start3A_443, %dma_start3A_446, %dma_start3A_447] : memref<2x128x128xf32, #tpu.memory_space<vmem>> -> memref<1x128x128xf32, #tpu.memory_space<vmem>>
    %dma_start3A_449 = tpu.memref_squeeze %dma_start3A_448 : memref<1x128x128xf32, #tpu.memory_space<vmem>> -> memref<128x128xf32, #tpu.memory_space<vmem>>
    %dma_start3A_450 = arith.constant 0 : i32
    %dma_start3A_451 = tpu.memref_slice %arg9[%dma_start3A_444, %dma_start3A_450] : memref<4x128xi32, #tpu.memory_space<vmem>> -> memref<1x128xi32, #tpu.memory_space<vmem>>
    %dma_start3A_452 = tpu.memref_squeeze %dma_start3A_451 : memref<1x128xi32, #tpu.memory_space<vmem>> -> memref<128xi32, #tpu.memory_space<vmem>>
    %dma_start3A_453 = arith.constant 0 : i32
    %dma_start3A_454 = arith.constant 0 : i32
    %dma_start3A_455 = tpu.memref_slice %arg7[%dma_start3A_453, %dma_start3A_454] : memref<10240x128xf32, #tpu.memory_space<vmem_shared>> -> memref<10240x128xf32, #tpu.memory_space<vmem_shared>>
    %dma_start3A_456 = tpu.memref_slice %arg13[%dma_start3A_445] : memref<4x!tpu.dma_semaphore, #tpu.memory_space<semaphore_mem>> -> memref<1x!tpu.dma_semaphore, #tpu.memory_space<semaphore_mem>>
    %dma_start3A_457 = tpu.memref_squeeze %dma_start3A_456 : memref<1x!tpu.dma_semaphore, #tpu.memory_space<semaphore_mem>> -> memref<!tpu.dma_semaphore, #tpu.memory_space<semaphore_mem>>
    tpu.enqueue_indirect_dma source(%dma_start3A_449 : memref<128x128xf32, #tpu.memory_space<vmem>>) target(%dma_start3A_455 : memref<10240x128xf32, #tpu.memory_space<vmem_shared>>) offsets(%dma_start3A_452 : memref<128xi32, #tpu.memory_space<vmem>>) semaphore(%dma_start3A_457 : memref<!tpu.dma_semaphore, #tpu.memory_space<semaphore_mem>>) {add = true}
    %dma_wait3A_458 = arith.constant 3 : i32
    %dma_wait3A_459 = arith.constant 1 : i32
    %dma_wait3A_460 = arith.constant 1 : i32
    %dma_wait3A_461 = arith.constant 0 : i32
    %dma_wait3A_462 = arith.constant 0 : i32
    %dma_wait3A_463 = tpu.memref_slice %arg10[%dma_wait3A_459, %dma_wait3A_461, %dma_wait3A_462] : memref<2x128x128xf32, #tpu.memory_space<vmem>> -> memref<1x128x128xf32, #tpu.memory_space<vmem>>
    %dma_wait3A_464 = tpu.memref_squeeze %dma_wait3A_463 : memref<1x128x128xf32, #tpu.memory_space<vmem>> -> memref<128x128xf32, #tpu.memory_space<vmem>>
    %dma_wait3A_465 = arith.constant 0 : i32
    %dma_wait3A_466 = tpu.memref_slice %arg8[%dma_wait3A_458, %dma_wait3A_465] : memref<4x128xi32, #tpu.memory_space<vmem>> -> memref<1x128xi32, #tpu.memory_space<vmem>>
    %dma_wait3A_467 = tpu.memref_squeeze %dma_wait3A_466 : memref<1x128xi32, #tpu.memory_space<vmem>> -> memref<128xi32, #tpu.memory_space<vmem>>
    %dma_wait3A_468 = arith.constant 0 : i32
    %dma_wait3A_469 = arith.constant 0 : i32
    %dma_wait3A_470 = tpu.memref_slice %arg2[%dma_wait3A_468, %dma_wait3A_469] : memref<10000x128xf32, #tpu.memory_space<hbm>> -> memref<10000x128xf32, #tpu.memory_space<hbm>>
    %dma_wait3A_471 = tpu.memref_slice %arg12[%dma_wait3A_460] : memref<2x!tpu.dma_semaphore, #tpu.memory_space<semaphore_mem>> -> memref<1x!tpu.dma_semaphore, #tpu.memory_space<semaphore_mem>>
    %dma_wait3A_472 = tpu.memref_squeeze %dma_wait3A_471 : memref<1x!tpu.dma_semaphore, #tpu.memory_space<semaphore_mem>> -> memref<!tpu.dma_semaphore, #tpu.memory_space<semaphore_mem>>
    tpu.wait_indirect_dma semaphore(%dma_wait3A_472 : memref<!tpu.dma_semaphore, #tpu.memory_space<semaphore_mem>>) src(%dma_wait3A_470 : memref<10000x128xf32, #tpu.memory_space<hbm>>) dst(%dma_wait3A_464 : memref<128x128xf32, #tpu.memory_space<vmem>>)
    %dma_start3A_473 = arith.constant 1 : i32
    %dma_start3A_474 = arith.constant 3 : i32
    %dma_start3A_475 = arith.constant 3 : i32
    %dma_start3A_476 = arith.constant 0 : i32
    %dma_start3A_477 = arith.constant 0 : i32
    %dma_start3A_478 = tpu.memref_slice %arg10[%dma_start3A_473, %dma_start3A_476, %dma_start3A_477] : memref<2x128x128xf32, #tpu.memory_space<vmem>> -> memref<1x128x128xf32, #tpu.memory_space<vmem>>
    %dma_start3A_479 = tpu.memref_squeeze %dma_start3A_478 : memref<1x128x128xf32, #tpu.memory_space<vmem>> -> memref<128x128xf32, #tpu.memory_space<vmem>>
    %dma_start3A_480 = arith.constant 0 : i32
    %dma_start3A_481 = tpu.memref_slice %arg9[%dma_start3A_474, %dma_start3A_480] : memref<4x128xi32, #tpu.memory_space<vmem>> -> memref<1x128xi32, #tpu.memory_space<vmem>>
    %dma_start3A_482 = tpu.memref_squeeze %dma_start3A_481 : memref<1x128xi32, #tpu.memory_space<vmem>> -> memref<128xi32, #tpu.memory_space<vmem>>
    %dma_start3A_483 = arith.constant 0 : i32
    %dma_start3A_484 = arith.constant 0 : i32
    %dma_start3A_485 = tpu.memref_slice %arg7[%dma_start3A_483, %dma_start3A_484] : memref<10240x128xf32, #tpu.memory_space<vmem_shared>> -> memref<10240x128xf32, #tpu.memory_space<vmem_shared>>
    %dma_start3A_486 = tpu.memref_slice %arg13[%dma_start3A_475] : memref<4x!tpu.dma_semaphore, #tpu.memory_space<semaphore_mem>> -> memref<1x!tpu.dma_semaphore, #tpu.memory_space<semaphore_mem>>
    %dma_start3A_487 = tpu.memref_squeeze %dma_start3A_486 : memref<1x!tpu.dma_semaphore, #tpu.memory_space<semaphore_mem>> -> memref<!tpu.dma_semaphore, #tpu.memory_space<semaphore_mem>>
    tpu.enqueue_indirect_dma source(%dma_start3A_479 : memref<128x128xf32, #tpu.memory_space<vmem>>) target(%dma_start3A_485 : memref<10240x128xf32, #tpu.memory_space<vmem_shared>>) offsets(%dma_start3A_482 : memref<128xi32, #tpu.memory_space<vmem>>) semaphore(%dma_start3A_487 : memref<!tpu.dma_semaphore, #tpu.memory_space<semaphore_mem>>) {add = true}
    %dma_wait3A_488 = arith.constant 0 : i32
    %dma_wait3A_489 = arith.constant 2 : i32
    %dma_wait3A_490 = arith.constant 2 : i32
    %dma_wait3A_491 = arith.constant 0 : i32
    %dma_wait3A_492 = arith.constant 0 : i32
    %dma_wait3A_493 = tpu.memref_slice %arg10[%dma_wait3A_488, %dma_wait3A_491, %dma_wait3A_492] : memref<2x128x128xf32, #tpu.memory_space<vmem>> -> memref<1x128x128xf32, #tpu.memory_space<vmem>>
    %dma_wait3A_494 = tpu.memref_squeeze %dma_wait3A_493 : memref<1x128x128xf32, #tpu.memory_space<vmem>> -> memref<128x128xf32, #tpu.memory_space<vmem>>
    %dma_wait3A_495 = arith.constant 0 : i32
    %dma_wait3A_496 = tpu.memref_slice %arg9[%dma_wait3A_489, %dma_wait3A_495] : memref<4x128xi32, #tpu.memory_space<vmem>> -> memref<1x128xi32, #tpu.memory_space<vmem>>
    %dma_wait3A_497 = tpu.memref_squeeze %dma_wait3A_496 : memref<1x128xi32, #tpu.memory_space<vmem>> -> memref<128xi32, #tpu.memory_space<vmem>>
    %dma_wait3A_498 = arith.constant 0 : i32
    %dma_wait3A_499 = arith.constant 0 : i32
    %dma_wait3A_500 = tpu.memref_slice %arg7[%dma_wait3A_498, %dma_wait3A_499] : memref<10240x128xf32, #tpu.memory_space<vmem_shared>> -> memref<10240x128xf32, #tpu.memory_space<vmem_shared>>
    %dma_wait3A_501 = tpu.memref_slice %arg13[%dma_wait3A_490] : memref<4x!tpu.dma_semaphore, #tpu.memory_space<semaphore_mem>> -> memref<1x!tpu.dma_semaphore, #tpu.memory_space<semaphore_mem>>
    %dma_wait3A_502 = tpu.memref_squeeze %dma_wait3A_501 : memref<1x!tpu.dma_semaphore, #tpu.memory_space<semaphore_mem>> -> memref<!tpu.dma_semaphore, #tpu.memory_space<semaphore_mem>>
    tpu.wait_indirect_dma semaphore(%dma_wait3A_502 : memref<!tpu.dma_semaphore, #tpu.memory_space<semaphore_mem>>) src(%dma_wait3A_494 : memref<128x128xf32, #tpu.memory_space<vmem>>) dst(%dma_wait3A_500 : memref<10240x128xf32, #tpu.memory_space<vmem_shared>>)
    %dma_wait3A_503 = arith.constant 1 : i32
    %dma_wait3A_504 = arith.constant 3 : i32
    %dma_wait3A_505 = arith.constant 3 : i32
    %dma_wait3A_506 = arith.constant 0 : i32
    %dma_wait3A_507 = arith.constant 0 : i32
    %dma_wait3A_508 = tpu.memref_slice %arg10[%dma_wait3A_503, %dma_wait3A_506, %dma_wait3A_507] : memref<2x128x128xf32, #tpu.memory_space<vmem>> -> memref<1x128x128xf32, #tpu.memory_space<vmem>>
    %dma_wait3A_509 = tpu.memref_squeeze %dma_wait3A_508 : memref<1x128x128xf32, #tpu.memory_space<vmem>> -> memref<128x128xf32, #tpu.memory_space<vmem>>
    %dma_wait3A_510 = arith.constant 0 : i32
    %dma_wait3A_511 = tpu.memref_slice %arg9[%dma_wait3A_504, %dma_wait3A_510] : memref<4x128xi32, #tpu.memory_space<vmem>> -> memref<1x128xi32, #tpu.memory_space<vmem>>
    %dma_wait3A_512 = tpu.memref_squeeze %dma_wait3A_511 : memref<1x128xi32, #tpu.memory_space<vmem>> -> memref<128xi32, #tpu.memory_space<vmem>>
    %dma_wait3A_513 = arith.constant 0 : i32
    %dma_wait3A_514 = arith.constant 0 : i32
    %dma_wait3A_515 = tpu.memref_slice %arg7[%dma_wait3A_513, %dma_wait3A_514] : memref<10240x128xf32, #tpu.memory_space<vmem_shared>> -> memref<10240x128xf32, #tpu.memory_space<vmem_shared>>
    %dma_wait3A_516 = tpu.memref_slice %arg13[%dma_wait3A_505] : memref<4x!tpu.dma_semaphore, #tpu.memory_space<semaphore_mem>> -> memref<1x!tpu.dma_semaphore, #tpu.memory_space<semaphore_mem>>
    %dma_wait3A_517 = tpu.memref_squeeze %dma_wait3A_516 : memref<1x!tpu.dma_semaphore, #tpu.memory_space<semaphore_mem>> -> memref<!tpu.dma_semaphore, #tpu.memory_space<semaphore_mem>>
    tpu.wait_indirect_dma semaphore(%dma_wait3A_517 : memref<!tpu.dma_semaphore, #tpu.memory_space<semaphore_mem>>) src(%dma_wait3A_509 : memref<128x128xf32, #tpu.memory_space<vmem>>) dst(%dma_wait3A_515 : memref<10240x128xf32, #tpu.memory_space<vmem_shared>>)
    %barrier3A_518 = arith.constant 0 : index
    tpu.barrier barrier_id(%barrier3A_518)
    %mul3A_519 = arith.constant 640 : i32
    %mul3A_520 = arith.muli %arg1, %mul3A_519 : i32
    %mul3A_521 = arith.constant 640 : i32
    %mul3A_522 = arith.muli %arg1, %mul3A_521 : i32
    "tpu.region"() ({
      %run_scoped3A = tpu.sem_alloc : memref<!tpu.dma_semaphore, #tpu.memory_space<semaphore_mem>>
      %dma_start3A_523 = arith.constant 0 : i32
      %dma_start3A_524 = arith.constant 0 : i32
      %dma_start3A_525 = tpu.memref_slice %arg6[%arg0, %dma_start3A_523, %dma_start3A_524] : memref<2x10240x128xf32, #tpu.memory_space<hbm>> -> memref<1x10240x128xf32, #tpu.memory_space<hbm>>
      %dma_start3A_526 = tpu.memref_squeeze %dma_start3A_525 : memref<1x10240x128xf32, #tpu.memory_space<hbm>> -> memref<10240x128xf32, #tpu.memory_space<hbm>>
      %dma_start3A_527 = arith.constant 0 : i32
      %dma_start3A_528 = tpu.memref_slice %dma_start3A_526[%mul3A_522, %dma_start3A_527] : memref<10240x128xf32, #tpu.memory_space<hbm>> -> memref<640x128xf32, #tpu.memory_space<hbm>>
      %dma_start3A_529 = arith.constant 0 : i32
      %dma_start3A_530 = tpu.memref_slice %arg7[%mul3A_520, %dma_start3A_529] : memref<10240x128xf32, #tpu.memory_space<vmem_shared>> -> memref<640x128xf32, #tpu.memory_space<vmem_shared>>
      tpu.enqueue_dma source(%dma_start3A_530 : memref<640x128xf32, #tpu.memory_space<vmem_shared>>) target(%dma_start3A_528 : memref<640x128xf32, #tpu.memory_space<hbm>>) target_semaphore(%run_scoped3A : memref<!tpu.dma_semaphore, #tpu.memory_space<semaphore_mem>>)
      %dma_wait3A_531 = arith.constant 0 : i32
      %dma_wait3A_532 = arith.constant 0 : i32
      %dma_wait3A_533 = tpu.memref_slice %arg6[%arg0, %dma_wait3A_531, %dma_wait3A_532] : memref<2x10240x128xf32, #tpu.memory_space<hbm>> -> memref<1x10240x128xf32, #tpu.memory_space<hbm>>
      %dma_wait3A_534 = tpu.memref_squeeze %dma_wait3A_533 : memref<1x10240x128xf32, #tpu.memory_space<hbm>> -> memref<10240x128xf32, #tpu.memory_space<hbm>>
      %dma_wait3A_535 = arith.constant 0 : i32
      %dma_wait3A_536 = tpu.memref_slice %dma_wait3A_534[%mul3A_522, %dma_wait3A_535] : memref<10240x128xf32, #tpu.memory_space<hbm>> -> memref<640x128xf32, #tpu.memory_space<hbm>>
      %dma_wait3A_537 = arith.constant 0 : i32
      %dma_wait3A_538 = tpu.memref_slice %arg7[%mul3A_520, %dma_wait3A_537] : memref<10240x128xf32, #tpu.memory_space<vmem_shared>> -> memref<640x128xf32, #tpu.memory_space<vmem_shared>>
      tpu.wait_dma2 semaphore(%run_scoped3A : memref<!tpu.dma_semaphore, #tpu.memory_space<semaphore_mem>>) src(%dma_wait3A_538 : memref<640x128xf32, #tpu.memory_space<vmem_shared>>) dst(%dma_wait3A_536 : memref<640x128xf32, #tpu.memory_space<hbm>>)
      tpu.yield
    }) : () -> ()
    return
  }
}

module attributes {stable_mosaic.version = 14 : i64} {
  func.func @_prep_body(%arg0: i32, %arg1: memref<32x1x1024xf32, #tpu.memory_space<vmem>>, %arg2: memref<1024x128xf32, #tpu.memory_space<vmem>>, %arg3: memref<1024x1xf32, #tpu.memory_space<vmem>>, %arg4: memref<1024x128xf32, #tpu.memory_space<vmem>>) attributes {dimension_semantics = [#tpu.dimension_semantics<arbitrary>], iteration_bounds = array<i64: 10>, scalar_prefetch = 0 : i64, scratch_operands = 0 : i64, tpu.core_type = #tpu.core_type<tc>, window_params = [{transform_indices = @transform_0, window_bounds = array<i64: 32, 1, 1024>}, {transform_indices = @transform_1, window_bounds = array<i64: 1024, 128>}, {transform_indices = @transform_2, window_bounds = array<i64: 1024, 1>}, {transform_indices = @transform_3, window_bounds = array<i64: 1024, 128>}]} {
    %get3A = arith.constant 0 : index
    %get3A_0 = arith.constant 0 : index
    %get3A_1 = arith.constant 0 : index
    %get3A_2 = vector.load %arg1[%get3A, %get3A_0, %get3A_1] : memref<32x1x1024xf32, #tpu.memory_space<vmem>>, vector<32x1x1024xf32>
    %reduce_sum3A = arith.constant dense<0.000000e+00> : vector<1024xf32>
    %reduce_sum3A_3 = vector.multi_reduction <add>, %get3A_2, %reduce_sum3A [0, 1] : vector<32x1x1024xf32> to vector<1024xf32>
    %add3A = arith.constant 1.000000e+00 : f32
    %add3A_4 = vector.broadcast %add3A : f32 to vector<1024xf32>
    %add3A_5 = arith.addf %add3A_4, %reduce_sum3A_3 : vector<1024xf32>
    %rsqrt3A = math.rsqrt %add3A_5 : vector<1024xf32>
    %broadcast_in_dim3A = vector.shape_cast %rsqrt3A : vector<1024xf32> to vector<1024x1xf32>
    %swap3A = arith.constant 0 : index
    %swap3A_6 = arith.constant 0 : index
    %swap3A_7 = vector.load %arg3[%swap3A, %swap3A_6] : memref<1024x1xf32, #tpu.memory_space<vmem>>, vector<1024x1xf32>
    tpu.vector_store %arg3[%swap3A, %swap3A_6], %broadcast_in_dim3A {strides = array<i32>} : memref<1024x1xf32, #tpu.memory_space<vmem>>, vector<1024x1xf32>,
    %get3A_8 = arith.constant 0 : index
    %get3A_9 = arith.constant 0 : index
    %get3A_10 = vector.load %arg2[%get3A_8, %get3A_9] : memref<1024x128xf32, #tpu.memory_space<vmem>>, vector<1024x128xf32>
    %mul3A = vector.broadcast %broadcast_in_dim3A : vector<1024x1xf32> to vector<1024x128xf32>
    %mul3A_11 = arith.mulf %get3A_10, %mul3A : vector<1024x128xf32>
    %swap3A_12 = arith.constant 0 : index
    %swap3A_13 = arith.constant 0 : index
    %swap3A_14 = vector.load %arg4[%swap3A_12, %swap3A_13] : memref<1024x128xf32, #tpu.memory_space<vmem>>, vector<1024x128xf32>
    tpu.vector_store %arg4[%swap3A_12, %swap3A_13], %mul3A_11 {strides = array<i32>} : memref<1024x128xf32, #tpu.memory_space<vmem>>, vector<1024x128xf32>,
    return
  }
  func.func @transform_0(%arg0: i32) -> (i32, i32, i32) {
    %c0_i32 = arith.constant 0 : i32
    %c0_i32_0 = arith.constant 0 : i32
    %c0_i32_1 = arith.constant 0 : i32
    return %c0_i32, %c0_i32_0, %arg0 : i32, i32, i32
  }
  func.func @transform_1(%arg0: i32) -> (i32, i32) {
    %c0_i32 = arith.constant 0 : i32
    %c0_i32_0 = arith.constant 0 : i32
    return %arg0, %c0_i32 : i32, i32
  }
  func.func @transform_2(%arg0: i32) -> (i32, i32) {
    %c0_i32 = arith.constant 0 : i32
    %c0_i32_0 = arith.constant 0 : i32
    return %arg0, %c0_i32 : i32, i32
  }
  func.func @transform_3(%arg0: i32) -> (i32, i32) {
    %c0_i32 = arith.constant 0 : i32
    %c0_i32_0 = arith.constant 0 : i32
    return %arg0, %c0_i32 : i32, i32
  }
}

module attributes {stable_mosaic.version = 14 : i64} {
  func.func @_mid_body(%arg0: i32, %arg1: memref<2x1000x128xf32, #tpu.memory_space<vmem>>, %arg2: memref<1000x128xf32, #tpu.memory_space<vmem>>, %arg3: memref<1000x1xf32, #tpu.memory_space<vmem>>, %arg4: memref<128x256xf32, #tpu.memory_space<vmem>>, %arg5: memref<1x256xf32, #tpu.memory_space<vmem>>, %arg6: memref<256x64xf32, #tpu.memory_space<vmem>>, %arg7: memref<1000x128xf32, #tpu.memory_space<vmem>>) attributes {dimension_semantics = [#tpu.dimension_semantics<arbitrary>], iteration_bounds = array<i64: 10>, scalar_prefetch = 0 : i64, scratch_operands = 0 : i64, tpu.core_type = #tpu.core_type<tc>, window_params = [{transform_indices = @transform_0, window_bounds = array<i64: 2, 1000, 128>}, {transform_indices = @transform_1, window_bounds = array<i64: 1000, 128>}, {transform_indices = @transform_2, window_bounds = array<i64: 1000, 1>}, {pipeline_mode = #tpu.pipeline_mode<synchronous>, transform_indices = @transform_3, window_bounds = array<i64: 128, 256>}, {pipeline_mode = #tpu.pipeline_mode<synchronous>, transform_indices = @transform_4, window_bounds = array<i64: 1, 256>}, {pipeline_mode = #tpu.pipeline_mode<synchronous>, transform_indices = @transform_5, window_bounds = array<i64: 256, 64>}, {transform_indices = @transform_6, window_bounds = array<i64: 1000, 128>}]} {
    %get3A = arith.constant 0 : index
    %get3A_0 = arith.constant 0 : index
    %get3A_1 = vector.load %arg3[%get3A, %get3A_0] : memref<1000x1xf32, #tpu.memory_space<vmem>>, vector<1000x1xf32>
    %get3A_2 = arith.constant 0 : index
    %get3A_3 = arith.constant 0 : index
    %get3A_4 = arith.constant 0 : index
    %get3A_5 = vector.load %arg1[%get3A_2, %get3A_3, %get3A_4] : memref<2x1000x128xf32, #tpu.memory_space<vmem>>, vector<1x1000x128xf32>
    %get3A_6 = vector.shape_cast %get3A_5 : vector<1x1000x128xf32> to vector<1000x128xf32>
    %get3A_7 = arith.constant 1 : index
    %get3A_8 = arith.constant 0 : index
    %get3A_9 = arith.constant 0 : index
    %get3A_10 = vector.load %arg1[%get3A_7, %get3A_8, %get3A_9] : memref<2x1000x128xf32, #tpu.memory_space<vmem>>, vector<1x1000x128xf32>
    %get3A_11 = vector.shape_cast %get3A_10 : vector<1x1000x128xf32> to vector<1000x128xf32>
    %add3A = arith.addf %get3A_6, %get3A_11 : vector<1000x128xf32>
    %get3A_12 = arith.constant 0 : index
    %get3A_13 = arith.constant 0 : index
    %get3A_14 = vector.load %arg2[%get3A_12, %get3A_13] : memref<1000x128xf32, #tpu.memory_space<vmem>>, vector<1000x128xf32>
    %add3A_15 = arith.addf %add3A, %get3A_14 : vector<1000x128xf32>
    %mul3A = vector.broadcast %get3A_1 : vector<1000x1xf32> to vector<1000x128xf32>
    %mul3A_16 = arith.mulf %add3A_15, %mul3A : vector<1000x128xf32>
    %get3A_17 = arith.constant 0 : index
    %get3A_18 = arith.constant 0 : index
    %get3A_19 = vector.load %arg4[%get3A_17, %get3A_18] : memref<128x256xf32, #tpu.memory_space<vmem>>, vector<128x256xf32>
    %dot_general3A = arith.constant dense<0.000000e+00> : vector<1000x256xf32>
    %dot_general3A_20 = tpu.matmul %mul3A_16, %get3A_19, %dot_general3A {dimension_numbers = #tpu.dot_dimension_numbers<[1], [0], [0], [1], [0, 0, 1, 1], [], []>, transpose_lhs_hint = false} : vector<1000x128xf32>, vector<128x256xf32>, vector<1000x256xf32> -> vector<1000x256xf32>
    %get3A_21 = arith.constant 0 : index
    %get3A_22 = arith.constant 0 : index
    %get3A_23 = vector.load %arg5[%get3A_21, %get3A_22] : memref<1x256xf32, #tpu.memory_space<vmem>>, vector<1x256xf32>
    %add3A_24 = vector.broadcast %get3A_23 : vector<1x256xf32> to vector<1000x256xf32>
    %add3A_25 = arith.addf %dot_general3A_20, %add3A_24 : vector<1000x256xf32>
    %max3A = arith.constant 0.000000e+00 : f32
    %max3A_26 = vector.broadcast %max3A : f32 to vector<1000x256xf32>
    %max3A_27 = arith.maximumf %add3A_25, %max3A_26 : vector<1000x256xf32>
    %mul3A_28 = vector.broadcast %get3A_1 : vector<1000x1xf32> to vector<1000x256xf32>
    %mul3A_29 = arith.mulf %max3A_27, %mul3A_28 : vector<1000x256xf32>
    %get3A_30 = arith.constant 0 : index
    %get3A_31 = arith.constant 0 : index
    %get3A_32 = vector.load %arg6[%get3A_30, %get3A_31] : memref<256x64xf32, #tpu.memory_space<vmem>>, vector<256x64xf32>
    %dot_general3A_33 = arith.constant dense<0.000000e+00> : vector<1000x64xf32>
    %dot_general3A_34 = tpu.matmul %mul3A_29, %get3A_32, %dot_general3A_33 {dimension_numbers = #tpu.dot_dimension_numbers<[1], [0], [0], [1], [0, 0, 1, 1], [], []>, transpose_lhs_hint = false} : vector<1000x256xf32>, vector<256x64xf32>, vector<1000x64xf32> -> vector<1000x64xf32>
    %broadcast_in_dim3A = arith.constant 0.000000e+00 : f32
    %broadcast_in_dim3A_35 = vector.broadcast %broadcast_in_dim3A : f32 to vector<1000x64xf32>
    %concatenate3A = tpu.concatenate %dot_general3A_34, %broadcast_in_dim3A_35 in 1 : vector<1000x64xf32>, vector<1000x64xf32> -> vector<1000x128xf32>
    %swap3A = arith.constant 0 : index
    %swap3A_36 = arith.constant 0 : index
    %swap3A_37 = vector.load %arg7[%swap3A, %swap3A_36] : memref<1000x128xf32, #tpu.memory_space<vmem>>, vector<1000x128xf32>
    tpu.vector_store %arg7[%swap3A, %swap3A_36], %concatenate3A {strides = array<i32>} : memref<1000x128xf32, #tpu.memory_space<vmem>>, vector<1000x128xf32>,
    return
  }
  func.func @transform_0(%arg0: i32) -> (i32, i32, i32) {
    %c0_i32 = arith.constant 0 : i32
    %c0_i32_0 = arith.constant 0 : i32
    %c0_i32_1 = arith.constant 0 : i32
    return %c0_i32, %arg0, %c0_i32_0 : i32, i32, i32
  }
  func.func @transform_1(%arg0: i32) -> (i32, i32) {
    %c0_i32 = arith.constant 0 : i32
    %c0_i32_0 = arith.constant 0 : i32
    return %arg0, %c0_i32 : i32, i32
  }
  func.func @transform_2(%arg0: i32) -> (i32, i32) {
    %c0_i32 = arith.constant 0 : i32
    %c0_i32_0 = arith.constant 0 : i32
    return %arg0, %c0_i32 : i32, i32
  }
  func.func @transform_3(%arg0: i32) -> (i32, i32) {
    %c0_i32 = arith.constant 0 : i32
    %c0_i32_0 = arith.constant 0 : i32
    %c0_i32_1 = arith.constant 0 : i32
    return %c0_i32, %c0_i32_0 : i32, i32
  }
  func.func @transform_4(%arg0: i32) -> (i32, i32) {
    %c0_i32 = arith.constant 0 : i32
    %c0_i32_0 = arith.constant 0 : i32
    %c0_i32_1 = arith.constant 0 : i32
    return %c0_i32, %c0_i32_0 : i32, i32
  }
  func.func @transform_5(%arg0: i32) -> (i32, i32) {
    %c0_i32 = arith.constant 0 : i32
    %c0_i32_0 = arith.constant 0 : i32
    %c0_i32_1 = arith.constant 0 : i32
    return %c0_i32, %c0_i32_0 : i32, i32
  }
  func.func @transform_6(%arg0: i32) -> (i32, i32) {
    %c0_i32 = arith.constant 0 : i32
    %c0_i32_0 = arith.constant 0 : i32
    return %arg0, %c0_i32 : i32, i32
  }
}

module attributes {stable_mosaic.version = 14 : i64} {
  func.func @_fin_body(%arg0: i32, %arg1: memref<2x1000x128xf32, #tpu.memory_space<vmem>>, %arg2: memref<1000x128xf32, #tpu.memory_space<vmem>>, %arg3: memref<1000x1xf32, #tpu.memory_space<vmem>>, %arg4: memref<1x64xf32, #tpu.memory_space<vmem>>, %arg5: memref<1000x64xf32, #tpu.memory_space<vmem>>) attributes {dimension_semantics = [#tpu.dimension_semantics<arbitrary>], iteration_bounds = array<i64: 10>, scalar_prefetch = 0 : i64, scratch_operands = 0 : i64, tpu.core_type = #tpu.core_type<tc>, window_params = [{transform_indices = @transform_0, window_bounds = array<i64: 2, 1000, 128>}, {transform_indices = @transform_1, window_bounds = array<i64: 1000, 128>}, {transform_indices = @transform_2, window_bounds = array<i64: 1000, 1>}, {pipeline_mode = #tpu.pipeline_mode<synchronous>, transform_indices = @transform_3, window_bounds = array<i64: 1, 64>}, {transform_indices = @transform_4, window_bounds = array<i64: 1000, 64>}]} {
    %get3A = arith.constant 0 : index
    %get3A_0 = arith.constant 0 : index
    %get3A_1 = arith.constant 0 : index
    %get3A_2 = vector.load %arg1[%get3A, %get3A_0, %get3A_1] : memref<2x1000x128xf32, #tpu.memory_space<vmem>>, vector<1x1000x64xf32>
    %get3A_3 = vector.shape_cast %get3A_2 : vector<1x1000x64xf32> to vector<1000x64xf32>
    %get3A_4 = arith.constant 1 : index
    %get3A_5 = arith.constant 0 : index
    %get3A_6 = arith.constant 0 : index
    %get3A_7 = vector.load %arg1[%get3A_4, %get3A_5, %get3A_6] : memref<2x1000x128xf32, #tpu.memory_space<vmem>>, vector<1x1000x64xf32>
    %get3A_8 = vector.shape_cast %get3A_7 : vector<1x1000x64xf32> to vector<1000x64xf32>
    %add3A = arith.addf %get3A_3, %get3A_8 : vector<1000x64xf32>
    %get3A_9 = arith.constant 0 : index
    %get3A_10 = arith.constant 0 : index
    %get3A_11 = vector.load %arg2[%get3A_9, %get3A_10] : memref<1000x128xf32, #tpu.memory_space<vmem>>, vector<1000x64xf32>
    %add3A_12 = arith.addf %add3A, %get3A_11 : vector<1000x64xf32>
    %get3A_13 = arith.constant 0 : index
    %get3A_14 = arith.constant 0 : index
    %get3A_15 = vector.load %arg3[%get3A_13, %get3A_14] : memref<1000x1xf32, #tpu.memory_space<vmem>>, vector<1000x1xf32>
    %mul3A = vector.broadcast %get3A_15 : vector<1000x1xf32> to vector<1000x64xf32>
    %mul3A_16 = arith.mulf %add3A_12, %mul3A : vector<1000x64xf32>
    %get3A_17 = arith.constant 0 : index
    %get3A_18 = arith.constant 0 : index
    %get3A_19 = vector.load %arg4[%get3A_17, %get3A_18] : memref<1x64xf32, #tpu.memory_space<vmem>>, vector<1x64xf32>
    %add3A_20 = vector.broadcast %get3A_19 : vector<1x64xf32> to vector<1000x64xf32>
    %add3A_21 = arith.addf %mul3A_16, %add3A_20 : vector<1000x64xf32>
    %swap3A = arith.constant 0 : index
    %swap3A_22 = arith.constant 0 : index
    %swap3A_23 = vector.load %arg5[%swap3A, %swap3A_22] : memref<1000x64xf32, #tpu.memory_space<vmem>>, vector<1000x64xf32>
    tpu.vector_store %arg5[%swap3A, %swap3A_22], %add3A_21 {strides = array<i32>} : memref<1000x64xf32, #tpu.memory_space<vmem>>, vector<1000x64xf32>,
    return
  }
  func.func @transform_0(%arg0: i32) -> (i32, i32, i32) {
    %c0_i32 = arith.constant 0 : i32
    %c0_i32_0 = arith.constant 0 : i32
    %c0_i32_1 = arith.constant 0 : i32
    return %c0_i32, %arg0, %c0_i32_0 : i32, i32, i32
  }
  func.func @transform_1(%arg0: i32) -> (i32, i32) {
    %c0_i32 = arith.constant 0 : i32
    %c0_i32_0 = arith.constant 0 : i32
    return %arg0, %c0_i32 : i32, i32
  }
  func.func @transform_2(%arg0: i32) -> (i32, i32) {
    %c0_i32 = arith.constant 0 : i32
    %c0_i32_0 = arith.constant 0 : i32
    return %arg0, %c0_i32 : i32, i32
  }
  func.func @transform_3(%arg0: i32) -> (i32, i32) {
    %c0_i32 = arith.constant 0 : i32
    %c0_i32_0 = arith.constant 0 : i32
    %c0_i32_1 = arith.constant 0 : i32
    return %c0_i32, %c0_i32_0 : i32, i32
  }
  func.func @transform_4(%arg0: i32) -> (i32, i32) {
    %c0_i32 = arith.constant 0 : i32
    %c0_i32_0 = arith.constant 0 : i32
    return %arg0, %c0_i32 : i32, i32
  }
}

</mosaic_0001>

<sc_bundles>
// kernel: kernel.11.cloned.1.call-start
scs
__scs_entry_jumppad:
0x0: {  	(pc) =	sbr.rel $0x88, $3  }
0x1: {  	(tag) =	ssettag $0x0;
	lr =	simm.s32 $0x1  }
0x2: {  	[smem:$0x3F9B] =	sst lr;
	_ =	strace $0xD0000000  }
0x3: {  	_ = 	snop  }
0x4: {  	_ = 	snop  }
0x5: {  	_ = 	snop  }
0x6: {  	_ = 	snop  }
0x7: {  	_ = 	snop  }
__scs_overlays_trampoline_lowered:
0x8: {  	[smem:$0x3FAA] =	sst s0  }
0x9: {  	[smem:$0x3FAB] =	sst s1  }
0xa: {  	[smem:$0x3FAC] =	sst s2  }
0xb: {  	[smem:$0x3FAD] =	sst s3  }
0xc: {  	[smem:$0x3FAE] =	sst s4  }
0xd: {  	[smem:$0x3FAF] =	sst s5  }
0xe: {  	[smem:$0x3FB0] =	sst s6  }
0xf: {  	[smem:$0x3FB1] =	sst s7  }
0x10: {  	[smem:$0x3FB2] =	sst s8  }
0x11: {  	[smem:$0x3FB3] =	sst s9;
	s0 =	simm.s32 @!p0 $0x0  }
0x12: {  	s1 =	sld [smem:$0x3F99];
	s0 =	simm.s32 @p0 $0x1  }
0x13: {  	[smem:$0x3FB4] =	sst s0;
	s0 =	simm.s32 @!p1 $0x0  }
0x14: {  	s2 =	sld [smem:$0x3F98];
	s0 =	simm.s32 @p1 $0x1  }
0x15: {  	[smem:$0x3FB5] =	sst s0;
	s0 =	simm.s32 @!p2 $0x0  }
0x16: {  	s3 =	sld [smem:$0x3FDB];
	s0 =	simm.s32 @p2 $0x1  }
0x17: {  	s4 =	simm.s32 $0x1BF5;
	[smem:$0x3FB7] =	sst s0  }
0x18: {  	s0 =	sld [smem:$0x3F9A];
	_ =	swait.ge [sflag:s4], $0x0  }
0x19: {  	s7 =	sld [smem:$0x3F9B]  }
0x1a: {  	s8 =	sadd.s32 $0xFFFFE003, lr  }
0x1b: {  	s9 =	sadd.s32 $0xFFFFFEF7, lr;
	s5 =	simm.s32 $0xFFFFFFFF;
	p2 =	slt.u32 s8, $0xFFFFF086  }
0x1c: {  	p1 =	slt.u32 s9, $0xF7A;
	s5 =	simm.s32 @!p2 $0x0  }
0x1d: {  	s5 =	simm.s32 @p1 $0x1;
	p0 =	seq.s32 s7, s2  }
0x1e: {  	s7 =	smul.u32 @!p0 $0xF7A, s2;
	p2 =	seq.s32 @!p0 s5, $0x0  }
0x1f: {  	s9 =	smul.u32 $0xF7A, s1;
	s8 =	simm.s32 @!p0 $0x1BF5;
	p2 =	por !p2, p0  }
0x20: {  	[sflag:s8] =	ssyncset.s32 @!p0 $0xFFFFF086;
	s6 =	sadd.s32 @!p0 s3, s7;
	s7 =	simm.s32 @!p0 $0x108  }
0x21: {  	s3 =	sadd.s32 s3, s9;
	s6 =	sadd.s32 @!p0 $0x88, s6;
	s7 =	simm.s32 @p2 $0x1082  }
0x22: {  	[simem:s7], [sflag:s8] =	dma.local @!p0 [hbm:s6], $0xF7A  }
0x23: {  	s9 =	sor.u32 $0xD0000000, s2;
	s6 =	simm.s32 $0x108;
	_ =	swait.ge @!p0 [sflag:s8], $0x0  }
0x24: {  	s3 =	sadd.s32 $0x88, s3;
	s6 =	simm.s32 @!p1 $0x1082;
	[sflag:s4] =	ssyncset.s32 $0xFFFFF086  }
0x25: {  	[simem:s6], [sflag:s4] =	dma.local [hbm:s3], $0xF7A  }
0x26: {  	[smem:$0x3F9B] =	sst s1;
	(tag) =	ssettag s2;
	_ =	strace s9  }
0x27: {  	s1 =	sld [smem:$0x3FAB]  }
0x28: {  	s2 =	sld [smem:$0x3FAC]  }
0x29: {  	s4 =	sld [smem:$0x3FAE]  }
0x2a: {  	p0 =	seq.s32 s5, $0x0;
	s5 =	sld [smem:$0x3FAF]  }
0x2b: {  	s6 =	sld [smem:$0x3FB0]  }
0x2c: {  	s7 =	sld [smem:$0x3FB1]  }
0x2d: {  	s3 =	simm.s32 $0x108;
	s8 =	sld [smem:$0x3FB2]  }
0x2e: {  	s3 =	simm.s32 @!p0 $0x1082;
	s9 =	sld [smem:$0x3FB3]  }
0x2f: {  	lr =	sadd.s32 s0, s3;
	s0 =	sld [smem:$0x3FAA]  }
0x30: {  	s3 =	sld [smem:$0x3FAD]  }
0x31: {  	[smem:$0x3FB6] =	sst s10  }
0x32: {  	s10 =	sld [smem:$0x3FB4];
	_ =	sdelay $0x3  }
0x33: {  	p0 =	seq.s32 s10, $0x1;
	s10 =	sld [smem:$0x3FB6];
	_ =	sdelay $0x3  }
0x34: {  	[smem:$0x3FB6] =	sst s10  }
0x35: {  	s10 =	sld [smem:$0x3FB5];
	_ =	sdelay $0x3  }
0x36: {  	p1 =	seq.s32 s10, $0x1;
	s10 =	sld [smem:$0x3FB6];
	_ =	sdelay $0x3  }
0x37: {  	[smem:$0x3FB6] =	sst s10  }
0x38: {  	s10 =	sld [smem:$0x3FB7]  }
0x39: {  	_ = 	snop;
	(pc) =	sbr.ind lr, $3  }
0x3a: {  	_ = 	snop  }
0x3b: {  	_ = 	snop  }
0x3c: {  	p2 =	seq.s32 s10, $0x1;
	s10 =	sld [smem:$0x3FB6]  }
0x3d: {  	_ =	shalt  }
0x3e: {  	_ =	shalt  }
0x3f: {  	_ =	shalt  }
0x40: {  	_ =	shalt  }
0x41: {  	_ =	shalt  }
0x42: {  	_ =	shalt  }
0x43: {  	_ =	shalt  }
0x44: {  	_ =	shalt  }
0x45: {  	_ =	shalt  }
0x46: {  	_ =	shalt  }
0x47: {  	_ =	shalt  }
0x48: {  	_ =	shalt  }
0x49: {  	_ =	shalt  }
0x4a: {  	_ =	shalt  }
0x4b: {  	_ =	shalt  }
0x4c: {  	_ =	shalt  }
0x4d: {  	_ =	shalt  }
0x4e: {  	_ =	shalt  }
0x4f: {  	_ =	shalt  }
0x50: {  	_ =	shalt  }
0x51: {  	_ =	shalt  }
0x52: {  	_ =	shalt  }
0x53: {  	_ =	shalt  }
0x54: {  	_ =	shalt  }
0x55: {  	_ =	shalt  }
0x56: {  	_ =	shalt  }
0x57: {  	_ =	shalt  }
0x58: {  	_ =	shalt  }
0x59: {  	_ =	shalt  }
0x5a: {  	_ =	shalt  }
0x5b: {  	_ =	shalt  }
0x5c: {  	_ =	shalt  }
0x5d: {  	_ =	shalt  }
0x5e: {  	_ =	shalt  }
0x5f: {  	_ =	shalt  }
0x60: {  	_ =	shalt  }
0x61: {  	_ =	shalt  }
0x62: {  	_ =	shalt  }
0x63: {  	_ =	shalt  }
0x64: {  	_ =	shalt  }
0x65: {  	_ =	shalt  }
0x66: {  	_ =	shalt  }
0x67: {  	_ =	shalt  }
0x68: {  	_ =	shalt  }
0x69: {  	_ =	shalt  }
0x6a: {  	_ =	shalt  }
0x6b: {  	_ =	shalt  }
0x6c: {  	_ =	shalt  }
0x6d: {  	_ =	shalt  }
0x6e: {  	_ =	shalt  }
0x6f: {  	_ =	shalt  }
0x70: {  	_ =	shalt  }
0x71: {  	_ =	shalt  }
0x72: {  	_ =	shalt  }
0x73: {  	_ =	shalt  }
0x74: {  	_ =	shalt  }
0x75: {  	_ =	shalt  }
0x76: {  	_ =	shalt  }
0x77: {  	_ =	shalt  }
0x78: {  	_ =	shalt  }
0x79: {  	_ =	shalt  }
0x7a: {  	_ =	shalt  }
0x7b: {  	_ =	shalt  }
0x7c: {  	_ =	shalt  }
0x7d: {  	_ =	shalt  }
0x7e: {  	_ =	shalt  }
0x7f: {  	_ =	shalt  }
0x80: {  	_ =	shalt  }
0x81: {  	_ =	shalt  }
0x82: {  	_ =	shalt  }
0x83: {  	_ =	shalt  }
0x84: {  	_ =	shalt  }
0x85: {  	_ =	shalt  }
0x86: {  	_ =	shalt  }
0x87: {  	_ =	shalt  }
.Lfunc_end0:
.L_simem_size_0:
called_computation.1_lowered:
.L_overlay_start_0:
0x88: {  	s2 =	sld [smem:$0x3FD9]  }
0x89: {  	s3 =	sld [smem:$0x3FFE];
	_ =	sdelay $0x1  }
0x8a: {  	s1 =	srdreg.scid  }
0x8b: {  	s0 =	sand.u32 $0x1, s1  }
0x8c: {  	s17 =	sshll.u32 s0, $0xA;
	s2 =	sadd.s32 s3, s2  }
0x8d: {  	s2 =	sadd.s32 s2, s17  }
0x8e: {  	[smem:$0x3FC2] =	sst s2  }
0x8f: {  	_ = 	snop  }
0x90: {  	s2 =	sld [smem:$0x3FD0];
	(tm) =	ssettm $0x1  }
0x91: {  	s18 =	sld [smem:$0x3FFB];
	_ =	sdelay $0x3  }
0x92: {  	_ =	strace s18  }
0x93: {  	s3 =	sld [smem:$0x3FFC];
	_ =	sdelay $0x3  }
0x94: {  	_ =	strace s3  }
0x95: {  	s3 =	sld [smem:$0x3FFD];
	_ =	sdelay $0x3  }
0x96: {  	_ =	strace s3  }
0x97: {  	_ =	strace $0x8FFFFFFF  }
0x98: {  	s19 =	sld [smem:$0x3FDB];
	_ =	sdelay $0x1  }
0x99: {  	s4 =	simm.s32 $_scs_section_size  }
0x9a: {  	s5 =	simm.s32 $_size__tile_overlayer_lowered;
	s6 =	simm.s32 $_tile_overlayer_lowered  }
0x9b: {  	s22 =	simm.s32 $0x1BFF;
	s21 =	sshll.u32 s6, $0x1;
	s3 =	sadd.s32 s4, s19  }
0x9c: {  	s7 =	simm.s32 $0x0;
	s20 =	sshll.u32 s5, $0x1;
	s5 =	sadd.s32 s21, s3  }
0x9d: {  	[timem:s7], [sflag:s22] =	dma.local [hbm:s5], s20  }
0x9e: {  	_ =	swait.ge [sflag:s22], s20  }
0x9f: {  	s4 =	ssub.s32 $0x0, s20;
	[sflag:s22] =	ssyncset.done $0x0  }
0xa0: {  	[sflag:s22] =	ssyncadd.s32 s4;
	_ =	sdelay $0x1  }
0xa1: {  	s23 =	simm.s32 $0x1B8B  }
0xa2: {  	_ =	swait.ge [sflag:s23], $0x1  }
0xa3: {  	[sflag:s23] =	ssyncset.done $0x0  }
0xa4: {  	s25 =	simm.s32 $0x1B8E;
	s24 =	sld [smem:$0x3FFE];
	[sflag:s23] =	ssyncadd.s32 $0xFFFFFFFF  }
0xa5: {  	s26 =	simm.s32 $execute0_lowered;
	[smem:$0x3FD2] =	sst s25  }
0xa6: {  	s5 =	sshll.u32 s26, $0x1;
	_ =	strace $0x80000049;
	[dreg:$0x1] =	wrdreg $0xFFFFFFFF  }
0xa7: {  	s28 =	simm.s32 $_size_execute0_lowered;
	s3 =	sadd.s32 s3, s5;
	[dreg:$0x0] =	wrdreg $0x0  }
0xa8: {  	s5 =	sshll.u32 s28, $0x1;
	[dreg:$0x2] =	wrdreg s3  }
0xa9: {  	[dreg:$0x3] =	wrdreg s5  }
0xaa: {  	[dreg:$0x4] =	wrdreg $0xC0  }
0xab: {  	_ =	task [dreg:s7], $0x5FFFF  }
0xac: {  	[dreg:$0x1] =	wrdreg $0xFFFFFFFF  }
0xad: {  	[dreg:$0x0] =	wrdreg $0x60  }
0xae: {  	[dreg:$0x2] =	wrdreg s24  }
0xaf: {  	[dreg:$0x3] =	wrdreg s2  }
0xb0: {  	[dreg:$0x4] =	wrdreg $0x0  }
0xb1: {  	[dreg:$0x5] =	wrdreg $0x9  }
0xb2: {  	_ =	task.clear_ibuf [dreg:s7], $0x6FFFF;
	_ =	strace $0x90000049  }
0xb3: {  	s29 =	simm.s32 $0x9;
	_ =	strace $0x8000004B  }
0xb4: {  	_ =	swait.ge [sflag:s29], $0x1  }
0xb5: {  	[sflag:s29] =	ssyncadd.s32 $0xFFFFFFFF  }
0xb6: {  	_ =	strace $0x9000004B  }
0xb7: {  	_ =	sfence  }
0xb8: {  	s30 =	sld [smem:$0x0];
	_ =	sdelay $0x2  }
0xb9: {  	s31 =	sshll.u32 s1, $0xD;
	s1 =	sshrl.u32 s1, $0x2  }
0xba: {  	s3 =	sand.u32 $0x4000, s31;
	s1 =	sadd.s32 s1, s30  }
0xbb: {  	s0 =	sor.u32 s3, s0;
	s1 =	sshll.u32 s1, $0x11  }
0xbc: {  	s0 =	sor.u32 s1, s0  }
0xbd: {  	s0 =	sadd.s32 $0x8F2B, s0  }
0xbe: {  	[sflag:s0] =	ssyncadd.remote.s32 $0x1  }
0xbf: {  	_ =	sfence.sel $0xFFFF  }
0xc0: {  	[dreg:$0x0] =	wrdreg $0xFFFFFFFF;
	(pc) =	sbr.abs _section_cstart, $3  }
0xc1: {  	[dreg:$0x1] =	wrdreg $0xFFFFFFFF  }
0xc2: {  	_ =	task.clear_ibuf [dreg:s7], $0x2FFFF;
	_ =	strace $0x9FFFFFFF  }
0xc3: {  	(tm) =	ssettm $0x7FFFFFFF  }
tec
execute0_lowered:
.L_overlay_start_1:
0x0: {  	(tag) =	ssettag $0x1  }
0x1: {  	s0 =	rddreg [dreg:$0x0]  }
0x2: {  	s2 =	rddreg [dreg:$0x1]  }
0x3: {  	s3 =	rddreg [dreg:$0x2];
	s1 =	srdreg.scid  }
0x4: {  	s11 =	stileid.u32;
	s4 =	simm.s32 $0x0;
	s28 =	simm.s32 $0x14180  }
0x5: {  	s29 =	simm.s32 $0x14380;
	s31 =	simm.s32 $0x1;
	s13 =	simm.s32 $0x6  }
0x6: {  	s14 =	simm.s32 $0x8;
	s15 =	simm.s32 $0x4;
	s16 =	simm.s32 $0x9  }
0x7: {  	s1 =	sand.u32 $0x1, s1;
	s5 =	sshll.u32 s11, $0x1;
	[smem:$0x7FF] =	sst s4  }
0x8: {  	s7 =	sadd.s32 $0x16600, s0;
	s9 =	sadd.s32 $0x2800, s0;
	s23 =	smul.u32 $0x50000, s11  }
0x9: {  	s25 =	sshll.u32 s11, $0x6;
	s30 =	smul.u32 $0x2800, s11;
	s11 =	simm.s32 $0x7  }
0xa: {  	s6 =	sor.u32 s1, s5;
	_ =	strace $0x8000004A;
	s5 =	sadd.s32 $0x20600, s0  }
0xb: {  	s8 =	smul.u32 $0x28000, s1;
	s1 =	ssub.s32 $0x2, s1;
	[dreg:$0x4] =	wrdreg s9  }
0xc: {  	s6 =	smul.u32 $0x2800, s6;
	s17 =	sshrl.u32 s1, $0x1;
	s9 =	sshrl.u32 s23, $0x2  }
0xd: {  	s0 =	sadd.s32 s8, s0;
	s1 =	ssub.s32 s1, s17;
	s26 =	sadd.s32 s9, s3  }
0xe: {  	s9 =	simm.s32 $0x18400;
	s17 =	simm.s32 $0xA;
	s10 =	sshrl.u32 s6, $0x3  }
0xf: {  	[dreg:$0xd] =	wrdreg s26;
	s0 =	sadd.s32 $0x47800, s0;
	s1 =	smax.u32 s1, $0x1  }
0x10: {  	s26 =	simm.s32 $0x14300;
	s19 =	sadd.s32 s2, s10;
	[dreg:$0xf] =	wrdreg s1  }
0x11: {  	s18 =	sor.u32 $0x10, s10;
	s20 =	sadd.s32 s7, s10;
	[dreg:$0x5] =	wrdreg s19  }
0x12: {  	s22 =	sor.u32 $0x20, s10;
	s0 =	sadd.s32 s30, s0;
	[dreg:$0x6] =	wrdreg s20  }
0x13: {  	s24 =	sor.u32 $0x30, s10;
	s21 =	sadd.s32 s2, s18;
	[dreg:$0x10] =	wrdreg s0  }
0x14: {  	s1 =	simm.s32 $0x14400;
	s8 =	sadd.s32 s7, s18;
	[dreg:$0x7] =	wrdreg s21  }
0x15: {  	s12 =	sadd.s32 s2, s22;
	s10 =	sadd.s32 s2, s24;
	[dreg:$0x8] =	wrdreg s8  }
0x16: {  	s19 =	sor.u32 $0x1C0B, s25;
	s25 =	simm.s32 $0x14100;
	[dreg:$0x9] =	wrdreg s12  }
0x17: {  	s0 =	simm.s32 $0x80;
	s20 =	simm.s32 $0x0;
	[dreg:$0xb] =	wrdreg s10  }
0x18: {  	s8 =	sadd.s32 s7, s22;
	s10 =	simm.s32 $0x5;
	[dreg:$0xe] =	wrdreg s19  }
0x19: {  	s12 =	simm.s32 $0x3;
	[dreg:$0xa] =	wrdreg s8;
	s8 =	sadd.s32 s7, s24  }
0x1a: {  	s24 =	simm.s32 $0xB;
	[dreg:$0xc] =	wrdreg s8;
	s8 =	simm.s32 $0x2  }
.LBB2_1:
0x1b: {  	[dreg:$0x11] =	wrdreg s20  }
0x1c: {  	s18 =	rddreg [dreg:$0x5];
	s20 =	simm.s32 $0x14000  }
0x1d: {  	[tilespmem:s20], [sflag:$0x1] =	stream.linear.gather [hbm4b:s18+s4], $0x80, $0x38;
	[tilespmem:$0x1C400] =	vst v63  }
0x1e: {  	s22 =	rddreg [dreg:$0x6];
	s21 =	simm.s32 $0x14200  }
0x1f: {  	[tilespmem:s21], [sflag:$0x1] =	stream.linear.gather [hbm4b:s22+s4], $0x80, $0x38;
	[tilespmem:$0x1C400] =	vst v63  }
0x20: {  	s23 =	rddreg [dreg:$0x7];
	s22 =	simm.s32 $0x14080  }
0x21: {  	[tilespmem:s22], [sflag:$0x2] =	stream.linear.gather [hbm4b:s23+s4], $0x80, $0x38;
	[tilespmem:$0x1C400] =	vst v63  }
0x22: {  	s18 =	rddreg [dreg:$0x8];
	s23 =	simm.s32 $0x14280  }
0x23: {  	[tilespmem:s23], [sflag:$0x2] =	stream.linear.gather [hbm4b:s18+s4], $0x80, $0x38;
	[tilespmem:$0x1C400] =	vst v63  }
0x24: {  	s18 =	rddreg [dreg:$0x9]  }
0x25: {  	[tilespmem:s25], [sflag:$0x3] =	stream.linear.gather [hbm4b:s18+s4], $0x80, $0x38;
	[tilespmem:$0x1C400] =	vst v63  }
0x26: {  	s18 =	rddreg [dreg:$0xa]  }
0x27: {  	[tilespmem:s26], [sflag:$0x3] =	stream.linear.gather [hbm4b:s18+s4], $0x80, $0x38;
	[tilespmem:$0x1C400] =	vst v63  }
0x28: {  	s18 =	rddreg [dreg:$0xb]  }
0x29: {  	[tilespmem:s28], [sflag:$0x4] =	stream.linear.gather [hbm4b:s18+s4], $0x80, $0x38;
	[tilespmem:$0x1C400] =	vst v63  }
0x2a: {  	s18 =	rddreg [dreg:$0xc]  }
0x2b: {  	[tilespmem:s29], [sflag:$0x4] =	stream.linear.gather [hbm4b:s18+s4], $0x80, $0x38;
	[tilespmem:$0x1C400] =	vst v63  }
0x2c: {  	s18 =	rddreg [dreg:$0xd]  }
0x2d: {  	s30 =	sshrl.u32 s18, $0x3;
	s18 =	rddreg [dreg:$0x4]  }
0x2e: {  	[dreg:$0x12] =	wrdreg s30  }
0x2f: {  	[spmem:s30], [sflag:s19] =	dma.local [hbm:s18], $0x2800  }
0x30: {  	_ =	swait.ge [sflag:s24], $0x2800  }
0x31: {  	[sflag:s24] =	ssyncset.done $0x0  }
0x32: {  	[sflag:s24] =	ssyncadd.s32 $0xFFFFD800  }
0x33: {  	_ =	swait.ge [sflag:s31], $0x80  }
0x34: {  	[sflag:s31] =	ssyncset.done $0x0  }
0x35: {  	[sflag:s31] =	ssyncadd.s32 $0xFFFFFF80  }
0x36: {  	_ =	swait.ge [sflag:s31], $0x80  }
0x37: {  	[sflag:s31] =	ssyncset.done $0x0  }
0x38: {  	[sflag:s31] =	ssyncadd.s32 $0xFFFFFF80  }
0x39: {  	[tilespmem:s1], [sflag:$0x5] =	stream.indirect.gather [hbm4b:s5+s0], $0x80, s20, s0, $0xb8;
	[tilespmem:$0x1C400] =	vst v63  }
0x3a: {  	_ =	swait.ge [sflag:s8], $0x80  }
0x3b: {  	[sflag:s8] =	ssyncset.done $0x0  }
0x3c: {  	[sflag:s8] =	ssyncadd.s32 $0xFFFFFF80  }
0x3d: {  	_ =	swait.ge [sflag:s8], $0x80  }
0x3e: {  	[sflag:s8] =	ssyncset.done $0x0  }
0x3f: {  	[sflag:s8] =	ssyncadd.s32 $0xFFFFFF80  }
0x40: {  	[tilespmem:s9], [sflag:$0x6] =	stream.indirect.gather [hbm4b:s5+s0], $0x80, s22, s0, $0xb8;
	[tilespmem:$0x1C400] =	vst v63  }
0x41: {  	[bflag:$0x0] =	sbarrier.arrive $0xFFFF  }
0x42: {  	s19 =	simm.s32 $0x200;
	_ =	swait.ge [sflag:s10], $0x4000  }
0x43: {  	s24 =	sand.u32 $0x7C00, s19;
	[sflag:s10] =	ssyncset.done $0x0  }
0x44: {  	s18 =	sand.u32 $0x200, s19;
	s19 =	sadd.s32 s6, s24;
	[sflag:s10] =	ssyncadd.s32 $0xFFFFC000  }
0x45: {  	[spmem:s3] =	stream.indirect.scatter.add.f32 [tilespmem:s1], [sflag:$0x7], $0x80, s21, s0, $0xb8;
	[tilespmem:$0x1C400] =	vst v63  }
0x46: {  	s18 =	sor.u32 s18, s19;
	_ =	swait.ge [sflag:s11], $0x4000  }
0x47: {  	s18 =	sshrl.u32 s18, $0x3;
	[sflag:s11] =	ssyncset.done $0x0  }
0x48: {  	s24 =	sadd.s32 s2, s18;
	[sflag:s11] =	ssyncadd.s32 $0xFFFFC000  }
0x49: {  	[tilespmem:s20], [sflag:$0x1] =	stream.linear.gather [hbm4b:s24+s4], $0x80, $0x38;
	[tilespmem:$0x1C400] =	vst v63  }
0x4a: {  	s18 =	sadd.s32 s7, s18  }
0x4b: {  	[tilespmem:s21], [sflag:$0x1] =	stream.linear.gather [hbm4b:s18+s4], $0x80, $0x38;
	[tilespmem:$0x1C400] =	vst v63  }
0x4c: {  	_ =	swait.ge [sflag:s12], $0x80  }
0x4d: {  	[sflag:s12] =	ssyncset.done $0x0  }
0x4e: {  	[sflag:s12] =	ssyncadd.s32 $0xFFFFFF80  }
0x4f: {  	_ =	swait.ge [sflag:s12], $0x80  }
0x50: {  	[sflag:s12] =	ssyncset.done $0x0  }
0x51: {  	[sflag:s12] =	ssyncadd.s32 $0xFFFFFF80  }
0x52: {  	[tilespmem:s1], [sflag:$0x5] =	stream.indirect.gather [hbm4b:s5+s0], $0x80, s25, s0, $0xb8;
	[tilespmem:$0x1C400] =	vst v63  }
0x53: {  	s21 =	simm.s32 $0x280;
	_ =	swait.ge [sflag:s13], $0x4000  }
0x54: {  	s24 =	sand.u32 $0x7C00, s21;
	[sflag:s13] =	ssyncset.done $0x0  }
0x55: {  	s18 =	sand.u32 $0x280, s21;
	s19 =	sadd.s32 s6, s24;
	[sflag:s13] =	ssyncadd.s32 $0xFFFFC000  }
0x56: {  	[spmem:s3] =	stream.indirect.scatter.add.f32 [tilespmem:s9], [sflag:$0x8], $0x80, s23, s0, $0xb8;
	[tilespmem:$0x1C400] =	vst v63  }
0x57: {  	s18 =	sor.u32 s18, s19;
	_ =	swait.ge [sflag:s14], $0x4000  }
0x58: {  	s18 =	sshrl.u32 s18, $0x3;
	[sflag:s14] =	ssyncset.done $0x0  }
0x59: {  	s21 =	sadd.s32 s2, s18;
	[sflag:s14] =	ssyncadd.s32 $0xFFFFC000  }
0x5a: {  	[tilespmem:s22], [sflag:$0x2] =	stream.linear.gather [hbm4b:s21+s4], $0x80, $0x38;
	[tilespmem:$0x1C400] =	vst v63  }
0x5b: {  	s18 =	sadd.s32 s7, s18  }
0x5c: {  	[tilespmem:s23], [sflag:$0x2] =	stream.linear.gather [hbm4b:s18+s4], $0x80, $0x38;
	[tilespmem:$0x1C400] =	vst v63  }
0x5d: {  	_ =	swait.ge [sflag:s15], $0x80  }
0x5e: {  	[sflag:s15] =	ssyncset.done $0x0  }
0x5f: {  	[sflag:s15] =	ssyncadd.s32 $0xFFFFFF80  }
0x60: {  	_ =	swait.ge [sflag:s15], $0x80  }
0x61: {  	[sflag:s15] =	ssyncset.done $0x0  }
0x62: {  	[sflag:s15] =	ssyncadd.s32 $0xFFFFFF80  }
0x63: {  	[tilespmem:s9], [sflag:$0x6] =	stream.indirect.gather [hbm4b:s5+s0], $0x80, s28, s0, $0xb8;
	[tilespmem:$0x1C400] =	vst v63  }
0x64: {  	s22 =	simm.s32 $0x300;
	_ =	swait.ge [sflag:s10], $0x4000  }
0x65: {  	s23 =	sand.u32 $0x7C00, s22;
	[sflag:s10] =	ssyncset.done $0x0  }
0x66: {  	s18 =	sand.u32 $0x300, s22;
	s19 =	sadd.s32 s6, s23;
	[sflag:s10] =	ssyncadd.s32 $0xFFFFC000  }
0x67: {  	[spmem:s3] =	stream.indirect.scatter.add.f32 [tilespmem:s1], [sflag:$0x9], $0x80, s26, s0, $0xb8;
	[tilespmem:$0x1C400] =	vst v63  }
0x68: {  	s18 =	sor.u32 s18, s19;
	_ =	swait.ge [sflag:s16], $0x4000  }
0x69: {  	s18 =	sshrl.u32 s18, $0x3;
	[sflag:s16] =	ssyncset.done $0x0  }
0x6a: {  	s24 =	sadd.s32 s2, s18;
	[sflag:s16] =	ssyncadd.s32 $0xFFFFC000  }
0x6b: {  	[tilespmem:s25], [sflag:$0x3] =	stream.linear.gather [hbm4b:s24+s4], $0x80, $0x38;
	[tilespmem:$0x1C400] =	vst v63  }
0x6c: {  	s18 =	sadd.s32 s7, s18  }
0x6d: {  	[tilespmem:s26], [sflag:$0x3] =	stream.linear.gather [hbm4b:s18+s4], $0x80, $0x38;
	[tilespmem:$0x1C400] =	vst v63  }
0x6e: {  	_ =	swait.ge [sflag:s31], $0x80  }
0x6f: {  	[sflag:s31] =	ssyncset.done $0x0  }
0x70: {  	[sflag:s31] =	ssyncadd.s32 $0xFFFFFF80  }
0x71: {  	_ =	swait.ge [sflag:s31], $0x80  }
0x72: {  	[sflag:s31] =	ssyncset.done $0x0  }
0x73: {  	[sflag:s31] =	ssyncadd.s32 $0xFFFFFF80  }
0x74: {  	[tilespmem:s1], [sflag:$0x5] =	stream.indirect.gather [hbm4b:s5+s0], $0x80, s20, s0, $0xb8;
	[tilespmem:$0x1C400] =	vst v63  }
0x75: {  	s20 =	simm.s32 $0x380;
	_ =	swait.ge [sflag:s13], $0x4000  }
0x76: {  	s21 =	sand.u32 $0x7C00, s20;
	[sflag:s13] =	ssyncset.done $0x0  }
0x77: {  	s18 =	sand.u32 $0x380, s20;
	s19 =	sadd.s32 s6, s21;
	[sflag:s13] =	ssyncadd.s32 $0xFFFFC000  }
0x78: {  	[spmem:s3] =	stream.indirect.scatter.add.f32 [tilespmem:s9], [sflag:$0xA], $0x80, s29, s0, $0xb8;
	[tilespmem:$0x1C400] =	vst v63  }
0x79: {  	s18 =	sor.u32 s18, s19;
	_ =	swait.ge [sflag:s17], $0x4000  }
0x7a: {  	s18 =	sshrl.u32 s18, $0x3;
	[sflag:s17] =	ssyncset.done $0x0  }
0x7b: {  	s22 =	sadd.s32 s2, s18;
	[sflag:s17] =	ssyncadd.s32 $0xFFFFC000  }
0x7c: {  	[tilespmem:s28], [sflag:$0x4] =	stream.linear.gather [hbm4b:s22+s4], $0x80, $0x38;
	[tilespmem:$0x1C400] =	vst v63  }
0x7d: {  	s18 =	sadd.s32 s7, s18  }
0x7e: {  	[tilespmem:s29], [sflag:$0x4] =	stream.linear.gather [hbm4b:s18+s4], $0x80, $0x38;
	[tilespmem:$0x1C400] =	vst v63  }
0x7f: {  	_ =	swait.ge [sflag:s8], $0x80  }
0x80: {  	[sflag:s8] =	ssyncset.done $0x0  }
0x81: {  	s23 =	simm.s32 $0x400;
	[sflag:s8] =	ssyncadd.s32 $0xFFFFFF80  }
0x82: {  	s30 =	simm.s32 $0x780;
	s24 =	sand.u32 $0x7C00, s23;
	_ =	swait.ge [sflag:s8], $0x80  }
0x83: {  	s19 =	sand.u32 $0x200, s23;
	s18 =	simm.s32 $0x580;
	[sflag:s8] =	ssyncset.done $0x0  }
.LBB2_2:
0x84: {  	s21 =	sadd.s32 s6, s24;
	[sflag:s8] =	ssyncadd.s32 $0xFFFFFF80  }
0x85: {  	s24 =	smov.u32 s30;
	s20 =	sadd.s32 $0x200, s30;
	s23 =	simm.s32 $0x14080  }
0x86: {  	[tilespmem:s9], [sflag:$0x6] =	stream.indirect.gather [hbm4b:s5+s0], $0x80, s23, s0, $0xb8;
	[tilespmem:$0x1C400] =	vst v63  }
0x87: {  	p0 =	sne.s32 s30, $0x2780;
	s19 =	sor.u32 s19, s21;
	_ =	swait.ge [sflag:s10], $0x4000  }
0x88: {  	s19 =	sshrl.u32 s19, $0x3;
	[sflag:s10] =	ssyncset.done $0x0  }
0x89: {  	s22 =	simm.s32 $0x14200;
	[sflag:s10] =	ssyncadd.s32 $0xFFFFC000  }
0x8a: {  	[spmem:s3] =	stream.indirect.scatter.add.f32 [tilespmem:s1], [sflag:$0x7], $0x80, s22, s0, $0xb8;
	[tilespmem:$0x1C400] =	vst v63  }
0x8b: {  	_ =	swait.ge [sflag:s11], $0x4000  }
0x8c: {  	s21 =	sadd.s32 s2, s19;
	[sflag:s11] =	ssyncset.done $0x0  }
0x8d: {  	s30 =	simm.s32 $0x14000;
	[sflag:s11] =	ssyncadd.s32 $0xFFFFC000  }
0x8e: {  	[tilespmem:s30], [sflag:$0x1] =	stream.linear.gather [hbm4b:s21+s4], $0x80, $0x38;
	[tilespmem:$0x1C400] =	vst v63  }
0x8f: {  	s19 =	sadd.s32 s7, s19  }
0x90: {  	[tilespmem:s22], [sflag:$0x1] =	stream.linear.gather [hbm4b:s19+s4], $0x80, $0x38;
	[tilespmem:$0x1C400] =	vst v63  }
0x91: {  	_ =	swait.ge [sflag:s12], $0x80  }
0x92: {  	[sflag:s12] =	ssyncset.done $0x0  }
0x93: {  	[sflag:s12] =	ssyncadd.s32 $0xFFFFFF80  }
0x94: {  	_ =	swait.ge [sflag:s12], $0x80  }
0x95: {  	[sflag:s12] =	ssyncset.done $0x0  }
0x96: {  	[sflag:s12] =	ssyncadd.s32 $0xFFFFFF80  }
0x97: {  	[tilespmem:s1], [sflag:$0x5] =	stream.indirect.gather [hbm4b:s5+s0], $0x80, s25, s0, $0xb8;
	[tilespmem:$0x1C400] =	vst v63  }
0x98: {  	s19 =	sadd.s32 $0xFFFFFF00, s18;
	_ =	swait.ge [sflag:s13], $0x4000  }
0x99: {  	s21 =	sand.u32 $0x7C00, s19;
	s19 =	sand.u32 $0x280, s19;
	[sflag:s13] =	ssyncset.done $0x0  }
0x9a: {  	s22 =	simm.s32 $0x14280;
	s21 =	sadd.s32 s6, s21;
	[sflag:s13] =	ssyncadd.s32 $0xFFFFC000  }
0x9b: {  	[spmem:s3] =	stream.indirect.scatter.add.f32 [tilespmem:s9], [sflag:$0x8], $0x80, s22, s0, $0xb8;
	[tilespmem:$0x1C400] =	vst v63  }
0x9c: {  	s19 =	sor.u32 s19, s21;
	_ =	swait.ge [sflag:s14], $0x4000  }
0x9d: {  	s19 =	sshrl.u32 s19, $0x3;
	[sflag:s14] =	ssyncset.done $0x0  }
0x9e: {  	s21 =	sadd.s32 s2, s19;
	s19 =	sadd.s32 s7, s19;
	[sflag:s14] =	ssyncadd.s32 $0xFFFFC000  }
0x9f: {  	[tilespmem:s23], [sflag:$0x2] =	stream.linear.gather [hbm4b:s21+s4], $0x80, $0x38;
	[tilespmem:$0x1C400] =	vst v63  }
0xa0: {  	_ = 	snop  }
0xa1: {  	[tilespmem:s22], [sflag:$0x2] =	stream.linear.gather [hbm4b:s19+s4], $0x80, $0x38;
	[tilespmem:$0x1C400] =	vst v63  }
0xa2: {  	_ =	swait.ge [sflag:s15], $0x80  }
0xa3: {  	[sflag:s15] =	ssyncset.done $0x0  }
0xa4: {  	[sflag:s15] =	ssyncadd.s32 $0xFFFFFF80  }
0xa5: {  	_ =	swait.ge [sflag:s15], $0x80  }
0xa6: {  	[sflag:s15] =	ssyncset.done $0x0  }
0xa7: {  	[sflag:s15] =	ssyncadd.s32 $0xFFFFFF80  }
0xa8: {  	[tilespmem:s9], [sflag:$0x6] =	stream.indirect.gather [hbm4b:s5+s0], $0x80, s28, s0, $0xb8;
	[tilespmem:$0x1C400] =	vst v63  }
0xa9: {  	s19 =	sadd.s32 $0xFFFFFF80, s18;
	_ =	swait.ge [sflag:s10], $0x4000  }
0xaa: {  	s21 =	sand.u32 $0x7C00, s19;
	s19 =	sand.u32 $0x300, s19;
	[sflag:s10] =	ssyncset.done $0x0  }
0xab: {  	s21 =	sadd.s32 s6, s21;
	[sflag:s10] =	ssyncadd.s32 $0xFFFFC000  }
0xac: {  	[spmem:s3] =	stream.indirect.scatter.add.f32 [tilespmem:s1], [sflag:$0x9], $0x80, s26, s0, $0xb8;
	[tilespmem:$0x1C400] =	vst v63  }
0xad: {  	s19 =	sor.u32 s19, s21;
	_ =	swait.ge [sflag:s16], $0x4000  }
0xae: {  	s19 =	sshrl.u32 s19, $0x3;
	[sflag:s16] =	ssyncset.done $0x0  }
0xaf: {  	s21 =	sadd.s32 s2, s19;
	s19 =	sadd.s32 s7, s19;
	[sflag:s16] =	ssyncadd.s32 $0xFFFFC000  }
0xb0: {  	[tilespmem:s25], [sflag:$0x3] =	stream.linear.gather [hbm4b:s21+s4], $0x80, $0x38;
	[tilespmem:$0x1C400] =	vst v63  }
0xb1: {  	_ = 	snop  }
0xb2: {  	[tilespmem:s26], [sflag:$0x3] =	stream.linear.gather [hbm4b:s19+s4], $0x80, $0x38;
	[tilespmem:$0x1C400] =	vst v63  }
0xb3: {  	_ =	swait.ge [sflag:s31], $0x80  }
0xb4: {  	[sflag:s31] =	ssyncset.done $0x0  }
0xb5: {  	[sflag:s31] =	ssyncadd.s32 $0xFFFFFF80  }
0xb6: {  	_ =	swait.ge [sflag:s31], $0x80  }
0xb7: {  	[sflag:s31] =	ssyncset.done $0x0  }
0xb8: {  	[sflag:s31] =	ssyncadd.s32 $0xFFFFFF80  }
0xb9: {  	[tilespmem:s1], [sflag:$0x5] =	stream.indirect.gather [hbm4b:s5+s0], $0x80, s30, s0, $0xb8;
	[tilespmem:$0x1C400] =	vst v63  }
0xba: {  	_ =	swait.ge [sflag:s13], $0x4000  }
0xbb: {  	s19 =	sand.u32 $0x7C00, s18;
	[sflag:s13] =	ssyncset.done $0x0  }
0xbc: {  	s18 =	sand.u32 $0x380, s18;
	s19 =	sadd.s32 s6, s19;
	[sflag:s13] =	ssyncadd.s32 $0xFFFFC000  }
0xbd: {  	[spmem:s3] =	stream.indirect.scatter.add.f32 [tilespmem:s9], [sflag:$0xA], $0x80, s29, s0, $0xb8;
	[tilespmem:$0x1C400] =	vst v63  }
0xbe: {  	s19 =	sor.u32 s18, s19;
	s18 =	smov.u32 s24;
	_ =	swait.ge [sflag:s17], $0x4000  }
0xbf: {  	s19 =	sshrl.u32 s19, $0x3;
	[sflag:s17] =	ssyncset.done $0x0  }
0xc0: {  	s21 =	sadd.s32 s2, s19;
	s19 =	sadd.s32 s7, s19;
	[sflag:s17] =	ssyncadd.s32 $0xFFFFC000  }
0xc1: {  	[tilespmem:s28], [sflag:$0x4] =	stream.linear.gather [hbm4b:s21+s4], $0x80, $0x38;
	[tilespmem:$0x1C400] =	vst v63  }
0xc2: {  	_ = 	snop  }
0xc3: {  	[tilespmem:s29], [sflag:$0x4] =	stream.linear.gather [hbm4b:s19+s4], $0x80, $0x38;
	[tilespmem:$0x1C400] =	vst v63  }
.Ltmp0:
0xc4: {  	_ =	swait.ge [sflag:s8], $0x80;
	(pc) =	sbr.rel @p0 .LBB2_2-.Ltmp0, $4  }
0xc5: {  	[sflag:s8] =	ssyncset.done $0x0  }
0xc6: {  	[sflag:s8] =	ssyncadd.s32 $0xFFFFFF80  }
0xc7: {  	s30 =	smov.u32 s20;
	s19 =	sadd.s32 $0xFFFFFE80, s18;
	_ =	swait.ge [sflag:s8], $0x80  }
0xc8: {  	s24 =	sand.u32 $0x7C00, s19;
	s19 =	sand.u32 $0x200, s19;
	[sflag:s8] =	ssyncset.done $0x0  }
0xc9: {  	[sflag:s8] =	ssyncadd.s32 $0xFFFFFF80;
	s22 =	simm.s32 $0x14080  }
0xca: {  	[tilespmem:s9], [sflag:$0x6] =	stream.indirect.gather [hbm4b:s5+s0], $0x80, s22, s0, $0xb8;
	[tilespmem:$0x1C400] =	vst v63  }
0xcb: {  	_ =	swait.ge [sflag:s10], $0x4000  }
0xcc: {  	[sflag:s10] =	ssyncset.done $0x0  }
0xcd: {  	s20 =	sadd.s32 s6, s24;
	s24 =	simm.s32 $0x14200;
	[sflag:s10] =	ssyncadd.s32 $0xFFFFC000  }
0xce: {  	[spmem:s3] =	stream.indirect.scatter.add.f32 [tilespmem:s1], [sflag:$0x7], $0x80, s24, s0, $0xb8;
	[tilespmem:$0x1C400] =	vst v63  }
0xcf: {  	s19 =	sor.u32 s19, s20;
	_ =	swait.ge [sflag:s11], $0x4000  }
0xd0: {  	s19 =	sshrl.u32 s19, $0x3;
	[sflag:s11] =	ssyncset.done $0x0  }
0xd1: {  	s21 =	simm.s32 $0x14000;
	s30 =	sadd.s32 s2, s19;
	[sflag:s11] =	ssyncadd.s32 $0xFFFFC000  }
0xd2: {  	[tilespmem:s21], [sflag:$0x1] =	stream.linear.gather [hbm4b:s30+s4], $0x80, $0x38;
	[tilespmem:$0x1C400] =	vst v63  }
0xd3: {  	s19 =	sadd.s32 s7, s19  }
0xd4: {  	[tilespmem:s24], [sflag:$0x1] =	stream.linear.gather [hbm4b:s19+s4], $0x80, $0x38;
	[tilespmem:$0x1C400] =	vst v63  }
0xd5: {  	_ =	swait.ge [sflag:s12], $0x80  }
0xd6: {  	[sflag:s12] =	ssyncset.done $0x0  }
0xd7: {  	[sflag:s12] =	ssyncadd.s32 $0xFFFFFF80  }
0xd8: {  	_ =	swait.ge [sflag:s12], $0x80  }
0xd9: {  	[sflag:s12] =	ssyncset.done $0x0  }
0xda: {  	[sflag:s12] =	ssyncadd.s32 $0xFFFFFF80  }
0xdb: {  	[tilespmem:s1], [sflag:$0x5] =	stream.indirect.gather [hbm4b:s5+s0], $0x80, s25, s0, $0xb8;
	[tilespmem:$0x1C400] =	vst v63  }
0xdc: {  	s20 =	sadd.s32 $0xFFFFFF00, s18;
	_ =	swait.ge [sflag:s13], $0x4000  }
0xdd: {  	s23 =	sand.u32 $0x7C00, s20;
	s19 =	sand.u32 $0x280, s20;
	[sflag:s13] =	ssyncset.done $0x0  }
0xde: {  	s20 =	sadd.s32 s6, s23;
	s23 =	simm.s32 $0x14280;
	[sflag:s13] =	ssyncadd.s32 $0xFFFFC000  }
0xdf: {  	[spmem:s3] =	stream.indirect.scatter.add.f32 [tilespmem:s9], [sflag:$0x8], $0x80, s23, s0, $0xb8;
	[tilespmem:$0x1C400] =	vst v63  }
0xe0: {  	s19 =	sor.u32 s19, s20;
	_ =	swait.ge [sflag:s14], $0x4000  }
0xe1: {  	s19 =	sshrl.u32 s19, $0x3;
	[sflag:s14] =	ssyncset.done $0x0  }
0xe2: {  	s30 =	sadd.s32 s2, s19;
	[sflag:s14] =	ssyncadd.s32 $0xFFFFC000  }
0xe3: {  	[tilespmem:s22], [sflag:$0x2] =	stream.linear.gather [hbm4b:s30+s4], $0x80, $0x38;
	[tilespmem:$0x1C400] =	vst v63  }
0xe4: {  	s19 =	sadd.s32 s7, s19  }
0xe5: {  	[tilespmem:s23], [sflag:$0x2] =	stream.linear.gather [hbm4b:s19+s4], $0x80, $0x38;
	[tilespmem:$0x1C400] =	vst v63  }
0xe6: {  	_ =	swait.ge [sflag:s15], $0x80  }
0xe7: {  	[sflag:s15] =	ssyncset.done $0x0  }
0xe8: {  	[sflag:s15] =	ssyncadd.s32 $0xFFFFFF80  }
0xe9: {  	_ =	swait.ge [sflag:s15], $0x80  }
0xea: {  	[sflag:s15] =	ssyncset.done $0x0  }
0xeb: {  	[sflag:s15] =	ssyncadd.s32 $0xFFFFFF80  }
0xec: {  	[tilespmem:s9], [sflag:$0x6] =	stream.indirect.gather [hbm4b:s5+s0], $0x80, s28, s0, $0xb8;
	[tilespmem:$0x1C400] =	vst v63  }
0xed: {  	s20 =	sadd.s32 $0xFFFFFF80, s18;
	_ =	swait.ge [sflag:s10], $0x4000  }
0xee: {  	s30 =	sand.u32 $0x7C00, s20;
	[sflag:s10] =	ssyncset.done $0x0  }
0xef: {  	s19 =	sand.u32 $0x300, s20;
	s20 =	sadd.s32 s6, s30;
	[sflag:s10] =	ssyncadd.s32 $0xFFFFC000  }
0xf0: {  	[spmem:s3] =	stream.indirect.scatter.add.f32 [tilespmem:s1], [sflag:$0x9], $0x80, s26, s0, $0xb8;
	[tilespmem:$0x1C400] =	vst v63  }
0xf1: {  	s19 =	sor.u32 s19, s20;
	_ =	swait.ge [sflag:s16], $0x4000  }
0xf2: {  	s19 =	sshrl.u32 s19, $0x3;
	[sflag:s16] =	ssyncset.done $0x0  }
0xf3: {  	s30 =	sadd.s32 s2, s19;
	[sflag:s16] =	ssyncadd.s32 $0xFFFFC000  }
0xf4: {  	[tilespmem:s25], [sflag:$0x3] =	stream.linear.gather [hbm4b:s30+s4], $0x80, $0x38;
	[tilespmem:$0x1C400] =	vst v63  }
0xf5: {  	s19 =	sadd.s32 s7, s19  }
0xf6: {  	[tilespmem:s26], [sflag:$0x3] =	stream.linear.gather [hbm4b:s19+s4], $0x80, $0x38;
	[tilespmem:$0x1C400] =	vst v63  }
0xf7: {  	_ =	swait.ge [sflag:s31], $0x80  }
0xf8: {  	[sflag:s31] =	ssyncset.done $0x0  }
0xf9: {  	[sflag:s31] =	ssyncadd.s32 $0xFFFFFF80  }
0xfa: {  	_ =	swait.ge [sflag:s31], $0x80  }
0xfb: {  	[sflag:s31] =	ssyncset.done $0x0  }
0xfc: {  	[sflag:s31] =	ssyncadd.s32 $0xFFFFFF80  }
0xfd: {  	[tilespmem:s1], [sflag:$0x5] =	stream.indirect.gather [hbm4b:s5+s0], $0x80, s21, s0, $0xb8;
	[tilespmem:$0x1C400] =	vst v63  }
0xfe: {  	_ =	swait.ge [sflag:s13], $0x4000  }
0xff: {  	s21 =	sand.u32 $0x7C00, s18;
	[sflag:s13] =	ssyncset.done $0x0  }
0x100: {  	s30 =	sand.u32 $0x380, s18;
	s19 =	sadd.s32 s6, s21;
	[sflag:s13] =	ssyncadd.s32 $0xFFFFC000  }
0x101: {  	[spmem:s3] =	stream.indirect.scatter.add.f32 [tilespmem:s9], [sflag:$0xA], $0x80, s29, s0, $0xb8;
	[tilespmem:$0x1C400] =	vst v63  }
0x102: {  	s18 =	sor.u32 s30, s19;
	_ =	swait.ge [sflag:s17], $0x4000  }
0x103: {  	s18 =	sshrl.u32 s18, $0x3;
	[sflag:s17] =	ssyncset.done $0x0  }
0x104: {  	s20 =	sadd.s32 s2, s18;
	[sflag:s17] =	ssyncadd.s32 $0xFFFFC000  }
0x105: {  	[tilespmem:s28], [sflag:$0x4] =	stream.linear.gather [hbm4b:s20+s4], $0x80, $0x38;
	[tilespmem:$0x1C400] =	vst v63  }
0x106: {  	s18 =	sadd.s32 s7, s18  }
0x107: {  	[tilespmem:s29], [sflag:$0x4] =	stream.linear.gather [hbm4b:s18+s4], $0x80, $0x38;
	[tilespmem:$0x1C400] =	vst v63  }
0x108: {  	_ =	swait.ge [sflag:s8], $0x80  }
0x109: {  	[sflag:s8] =	ssyncset.done $0x0  }
0x10a: {  	[sflag:s8] =	ssyncadd.s32 $0xFFFFFF80  }
0x10b: {  	_ =	swait.ge [sflag:s8], $0x80  }
0x10c: {  	[sflag:s8] =	ssyncset.done $0x0  }
0x10d: {  	[sflag:s8] =	ssyncadd.s32 $0xFFFFFF80  }
0x10e: {  	[tilespmem:s9], [sflag:$0x6] =	stream.indirect.gather [hbm4b:s5+s0], $0x80, s22, s0, $0xb8;
	[tilespmem:$0x1C400] =	vst v63  }
0x10f: {  	_ =	swait.ge [sflag:s10], $0x4000  }
0x110: {  	[sflag:s10] =	ssyncset.done $0x0  }
0x111: {  	[sflag:s10] =	ssyncadd.s32 $0xFFFFC000  }
0x112: {  	[spmem:s3] =	stream.indirect.scatter.add.f32 [tilespmem:s1], [sflag:$0x7], $0x80, s24, s0, $0xb8;
	[tilespmem:$0x1C400] =	vst v63  }
0x113: {  	_ =	swait.ge [sflag:s11], $0x4000  }
0x114: {  	[sflag:s11] =	ssyncset.done $0x0  }
0x115: {  	[sflag:s11] =	ssyncadd.s32 $0xFFFFC000  }
0x116: {  	_ =	swait.ge [sflag:s12], $0x80  }
0x117: {  	[sflag:s12] =	ssyncset.done $0x0  }
0x118: {  	[sflag:s12] =	ssyncadd.s32 $0xFFFFFF80  }
0x119: {  	_ =	swait.ge [sflag:s12], $0x80  }
0x11a: {  	[sflag:s12] =	ssyncset.done $0x0  }
0x11b: {  	[sflag:s12] =	ssyncadd.s32 $0xFFFFFF80  }
0x11c: {  	[tilespmem:s1], [sflag:$0x5] =	stream.indirect.gather [hbm4b:s5+s0], $0x80, s25, s0, $0xb8;
	[tilespmem:$0x1C400] =	vst v63  }
0x11d: {  	_ =	swait.ge [sflag:s13], $0x4000  }
0x11e: {  	[sflag:s13] =	ssyncset.done $0x0  }
0x11f: {  	[sflag:s13] =	ssyncadd.s32 $0xFFFFC000  }
0x120: {  	[spmem:s3] =	stream.indirect.scatter.add.f32 [tilespmem:s9], [sflag:$0x8], $0x80, s23, s0, $0xb8;
	[tilespmem:$0x1C400] =	vst v63  }
0x121: {  	_ =	swait.ge [sflag:s14], $0x4000  }
0x122: {  	[sflag:s14] =	ssyncset.done $0x0  }
0x123: {  	[sflag:s14] =	ssyncadd.s32 $0xFFFFC000  }
0x124: {  	_ =	swait.ge [sflag:s15], $0x80  }
0x125: {  	[sflag:s15] =	ssyncset.done $0x0  }
0x126: {  	[sflag:s15] =	ssyncadd.s32 $0xFFFFFF80  }
0x127: {  	_ =	swait.ge [sflag:s15], $0x80  }
0x128: {  	[sflag:s15] =	ssyncset.done $0x0  }
0x129: {  	[sflag:s15] =	ssyncadd.s32 $0xFFFFFF80  }
0x12a: {  	[tilespmem:s9], [sflag:$0x6] =	stream.indirect.gather [hbm4b:s5+s0], $0x80, s28, s0, $0xb8;
	[tilespmem:$0x1C400] =	vst v63  }
0x12b: {  	_ =	swait.ge [sflag:s10], $0x4000  }
0x12c: {  	[sflag:s10] =	ssyncset.done $0x0  }
0x12d: {  	[sflag:s10] =	ssyncadd.s32 $0xFFFFC000  }
0x12e: {  	[spmem:s3] =	stream.indirect.scatter.add.f32 [tilespmem:s1], [sflag:$0x9], $0x80, s26, s0, $0xb8;
	[tilespmem:$0x1C400] =	vst v63  }
0x12f: {  	_ =	swait.ge [sflag:s13], $0x4000  }
0x130: {  	[sflag:s13] =	ssyncset.done $0x0  }
0x131: {  	[sflag:s13] =	ssyncadd.s32 $0xFFFFC000  }
0x132: {  	[spmem:s3] =	stream.indirect.scatter.add.f32 [tilespmem:s9], [sflag:$0xA], $0x80, s29, s0, $0xb8;
	[tilespmem:$0x1C400] =	vst v63  }
0x133: {  	_ =	swait.ge [sflag:s16], $0x4000  }
0x134: {  	[sflag:s16] =	ssyncset.done $0x0  }
0x135: {  	[sflag:s16] =	ssyncadd.s32 $0xFFFFC000  }
0x136: {  	_ =	swait.ge [sflag:s17], $0x4000  }
0x137: {  	[sflag:s17] =	ssyncset.done $0x0  }
0x138: {  	[sflag:s17] =	ssyncadd.s32 $0xFFFFC000  }
0x139: {  	[bflag:$0x0] =	sbarrier.arrive $0xFFFF  }
0x13a: {  	s19 =	rddreg [dreg:$0xe]  }
0x13b: {  	s21 =	rddreg [dreg:$0x10]  }
0x13c: {  	s24 =	simm.s32 $0xB;
	s22 =	rddreg [dreg:$0x12]  }
0x13d: {  	[hbm:s21], [sflag:s19] =	dma.local [spmem:s22], $0x2800  }
0x13e: {  	_ =	swait.ge [sflag:s24], $0x2800  }
0x13f: {  	s23 =	rddreg [dreg:$0x11]  }
0x140: {  	s30 =	rddreg [dreg:$0xf];
	s20 =	sadd.s32 $0x1, s23  }
0x141: {  	p0 =	sne.s32 s20, s30  }
.Ltmp1:
0x142: {  	_ = 	snop;
	(pc) =	sbr.rel @p0 .LBB2_1-.Ltmp1, $3  }
0x143: {  	_ =	sdelay $0x1  }
0x144: {  	[sflag:s24] =	ssyncset.done $0x0  }
0x145: {  	[sflag:s24] =	ssyncadd.s32 $0xFFFFD800  }
0x146: {  	_ =	sfence.sel $0x180000  }
0x147: {  	[bflag:$0x0] =	sbarrier.arrive $0xFFFF  }
0x148: {  	_ =	strace $0x9000004A  }
0x149: {  	s0 =	stileid.u32;
	[bflag:$0x2] =	sbarrier.arrive $0xFFFF  }
0x14a: {  	p0 =	sne.s32 s0, $0x0;
	s0 =	rddreg [dreg:$0x3]  }
0x14b: {  	s0 =	sadd.s32 @!p0 $0x100000, s0  }
0x14c: {  	[sflag:s0] =	ssyncadd.tile.s32 @!p0 $0x1;
	_ =	shalt  }
.Lfunc_end2:
_tile_overlayer_lowered:
.L_overlay_start_2:
0x14d: {  	(tag) =	ssettag $0x2  }
0x14e: {  	s0 =	rddreg [dreg:$0x0];
	s2 =	stileid.u32  }
0x14f: {  	s1 =	rddreg [dreg:$0x1];
	p0 =	sne.s32 s2, $0x0  }
0x150: {  	s3 =	rddreg [dreg:$0x2];
	[bflag:$0x3] =	sbarrier.arrive $0xFFFF;
	s2 =	simm.s32 @!p0 $0x1C0B  }
0x151: {  	[timem:s3], [sflag:s2] =	dma.local @!p0 [hbm:s0], s1  }
0x152: {  	s0 =	simm.s32 @!p0 $0xB  }
0x153: {  	_ =	swait.ge @!p0 [sflag:s0], s1  }
0x154: {  	s1 =	ssub.s32 @!p0 $0x0, s1;
	[sflag:s0] =	ssyncset.done @!p0 $0x0  }
0x155: {  	[sflag:s0] =	ssyncadd.s32 @!p0 s1  }
0x156: {  	[bflag:$0x3] =	sbarrier.arrive $0xFFFF  }
0x157: {  	_ =	shalt  }

// kernel: kernel.14.cloned.1.call-start
scs
__scs_entry_jumppad:
0x0: {  	(pc) =	sbr.rel $0x88, $3  }
0x1: {  	(tag) =	ssettag $0x0;
	lr =	simm.s32 $0x1  }
0x2: {  	[smem:$0x3F9B] =	sst lr;
	_ =	strace $0xD0000000  }
0x3: {  	_ = 	snop  }
0x4: {  	_ = 	snop  }
0x5: {  	_ = 	snop  }
0x6: {  	_ = 	snop  }
0x7: {  	_ = 	snop  }
__scs_overlays_trampoline_lowered:
0x8: {  	[smem:$0x3FAA] =	sst s0  }
0x9: {  	[smem:$0x3FAB] =	sst s1  }
0xa: {  	[smem:$0x3FAC] =	sst s2  }
0xb: {  	[smem:$0x3FAD] =	sst s3  }
0xc: {  	[smem:$0x3FAE] =	sst s4  }
0xd: {  	[smem:$0x3FAF] =	sst s5  }
0xe: {  	[smem:$0x3FB0] =	sst s6  }
0xf: {  	[smem:$0x3FB1] =	sst s7  }
0x10: {  	[smem:$0x3FB2] =	sst s8  }
0x11: {  	[smem:$0x3FB3] =	sst s9;
	s0 =	simm.s32 @!p0 $0x0  }
0x12: {  	s1 =	sld [smem:$0x3F99];
	s0 =	simm.s32 @p0 $0x1  }
0x13: {  	[smem:$0x3FB4] =	sst s0;
	s0 =	simm.s32 @!p1 $0x0  }
0x14: {  	s2 =	sld [smem:$0x3F98];
	s0 =	simm.s32 @p1 $0x1  }
0x15: {  	[smem:$0x3FB5] =	sst s0;
	s0 =	simm.s32 @!p2 $0x0  }
0x16: {  	s3 =	sld [smem:$0x3FDB];
	s0 =	simm.s32 @p2 $0x1  }
0x17: {  	s4 =	simm.s32 $0x1BF5;
	[smem:$0x3FB7] =	sst s0  }
0x18: {  	s0 =	sld [smem:$0x3F9A];
	_ =	swait.ge [sflag:s4], $0x0  }
0x19: {  	s7 =	sld [smem:$0x3F9B]  }
0x1a: {  	s8 =	sadd.s32 $0xFFFFE003, lr  }
0x1b: {  	s9 =	sadd.s32 $0xFFFFFEF7, lr;
	s5 =	simm.s32 $0xFFFFFFFF;
	p2 =	slt.u32 s8, $0xFFFFF086  }
0x1c: {  	p1 =	slt.u32 s9, $0xF7A;
	s5 =	simm.s32 @!p2 $0x0  }
0x1d: {  	s5 =	simm.s32 @p1 $0x1;
	p0 =	seq.s32 s7, s2  }
0x1e: {  	s7 =	smul.u32 @!p0 $0xF7A, s2;
	p2 =	seq.s32 @!p0 s5, $0x0  }
0x1f: {  	s9 =	smul.u32 $0xF7A, s1;
	s8 =	simm.s32 @!p0 $0x1BF5;
	p2 =	por !p2, p0  }
0x20: {  	[sflag:s8] =	ssyncset.s32 @!p0 $0xFFFFF086;
	s6 =	sadd.s32 @!p0 s3, s7;
	s7 =	simm.s32 @!p0 $0x108  }
0x21: {  	s3 =	sadd.s32 s3, s9;
	s6 =	sadd.s32 @!p0 $0x88, s6;
	s7 =	simm.s32 @p2 $0x1082  }
0x22: {  	[simem:s7], [sflag:s8] =	dma.local @!p0 [hbm:s6], $0xF7A  }
0x23: {  	s9 =	sor.u32 $0xD0000000, s2;
	s6 =	simm.s32 $0x108;
	_ =	swait.ge @!p0 [sflag:s8], $0x0  }
0x24: {  	s3 =	sadd.s32 $0x88, s3;
	s6 =	simm.s32 @!p1 $0x1082;
	[sflag:s4] =	ssyncset.s32 $0xFFFFF086  }
0x25: {  	[simem:s6], [sflag:s4] =	dma.local [hbm:s3], $0xF7A  }
0x26: {  	[smem:$0x3F9B] =	sst s1;
	(tag) =	ssettag s2;
	_ =	strace s9  }
0x27: {  	s1 =	sld [smem:$0x3FAB]  }
0x28: {  	s2 =	sld [smem:$0x3FAC]  }
0x29: {  	s4 =	sld [smem:$0x3FAE]  }
0x2a: {  	p0 =	seq.s32 s5, $0x0;
	s5 =	sld [smem:$0x3FAF]  }
0x2b: {  	s6 =	sld [smem:$0x3FB0]  }
0x2c: {  	s7 =	sld [smem:$0x3FB1]  }
0x2d: {  	s3 =	simm.s32 $0x108;
	s8 =	sld [smem:$0x3FB2]  }
0x2e: {  	s3 =	simm.s32 @!p0 $0x1082;
	s9 =	sld [smem:$0x3FB3]  }
0x2f: {  	lr =	sadd.s32 s0, s3;
	s0 =	sld [smem:$0x3FAA]  }
0x30: {  	s3 =	sld [smem:$0x3FAD]  }
0x31: {  	[smem:$0x3FB6] =	sst s10  }
0x32: {  	s10 =	sld [smem:$0x3FB4];
	_ =	sdelay $0x3  }
0x33: {  	p0 =	seq.s32 s10, $0x1;
	s10 =	sld [smem:$0x3FB6];
	_ =	sdelay $0x3  }
0x34: {  	[smem:$0x3FB6] =	sst s10  }
0x35: {  	s10 =	sld [smem:$0x3FB5];
	_ =	sdelay $0x3  }
0x36: {  	p1 =	seq.s32 s10, $0x1;
	s10 =	sld [smem:$0x3FB6];
	_ =	sdelay $0x3  }
0x37: {  	[smem:$0x3FB6] =	sst s10  }
0x38: {  	s10 =	sld [smem:$0x3FB7]  }
0x39: {  	_ = 	snop;
	(pc) =	sbr.ind lr, $3  }
0x3a: {  	_ = 	snop  }
0x3b: {  	_ = 	snop  }
0x3c: {  	p2 =	seq.s32 s10, $0x1;
	s10 =	sld [smem:$0x3FB6]  }
0x3d: {  	_ =	shalt  }
0x3e: {  	_ =	shalt  }
0x3f: {  	_ =	shalt  }
0x40: {  	_ =	shalt  }
0x41: {  	_ =	shalt  }
0x42: {  	_ =	shalt  }
0x43: {  	_ =	shalt  }
0x44: {  	_ =	shalt  }
0x45: {  	_ =	shalt  }
0x46: {  	_ =	shalt  }
0x47: {  	_ =	shalt  }
0x48: {  	_ =	shalt  }
0x49: {  	_ =	shalt  }
0x4a: {  	_ =	shalt  }
0x4b: {  	_ =	shalt  }
0x4c: {  	_ =	shalt  }
0x4d: {  	_ =	shalt  }
0x4e: {  	_ =	shalt  }
0x4f: {  	_ =	shalt  }
0x50: {  	_ =	shalt  }
0x51: {  	_ =	shalt  }
0x52: {  	_ =	shalt  }
0x53: {  	_ =	shalt  }
0x54: {  	_ =	shalt  }
0x55: {  	_ =	shalt  }
0x56: {  	_ =	shalt  }
0x57: {  	_ =	shalt  }
0x58: {  	_ =	shalt  }
0x59: {  	_ =	shalt  }
0x5a: {  	_ =	shalt  }
0x5b: {  	_ =	shalt  }
0x5c: {  	_ =	shalt  }
0x5d: {  	_ =	shalt  }
0x5e: {  	_ =	shalt  }
0x5f: {  	_ =	shalt  }
0x60: {  	_ =	shalt  }
0x61: {  	_ =	shalt  }
0x62: {  	_ =	shalt  }
0x63: {  	_ =	shalt  }
0x64: {  	_ =	shalt  }
0x65: {  	_ =	shalt  }
0x66: {  	_ =	shalt  }
0x67: {  	_ =	shalt  }
0x68: {  	_ =	shalt  }
0x69: {  	_ =	shalt  }
0x6a: {  	_ =	shalt  }
0x6b: {  	_ =	shalt  }
0x6c: {  	_ =	shalt  }
0x6d: {  	_ =	shalt  }
0x6e: {  	_ =	shalt  }
0x6f: {  	_ =	shalt  }
0x70: {  	_ =	shalt  }
0x71: {  	_ =	shalt  }
0x72: {  	_ =	shalt  }
0x73: {  	_ =	shalt  }
0x74: {  	_ =	shalt  }
0x75: {  	_ =	shalt  }
0x76: {  	_ =	shalt  }
0x77: {  	_ =	shalt  }
0x78: {  	_ =	shalt  }
0x79: {  	_ =	shalt  }
0x7a: {  	_ =	shalt  }
0x7b: {  	_ =	shalt  }
0x7c: {  	_ =	shalt  }
0x7d: {  	_ =	shalt  }
0x7e: {  	_ =	shalt  }
0x7f: {  	_ =	shalt  }
0x80: {  	_ =	shalt  }
0x81: {  	_ =	shalt  }
0x82: {  	_ =	shalt  }
0x83: {  	_ =	shalt  }
0x84: {  	_ =	shalt  }
0x85: {  	_ =	shalt  }
0x86: {  	_ =	shalt  }
0x87: {  	_ =	shalt  }
.Lfunc_end0:
.L_simem_size_0:
called_computation.2_lowered:
.L_overlay_start_0:
0x88: {  	s2 =	sld [smem:$0x3FD9]  }
0x89: {  	s3 =	sld [smem:$0x3FFE];
	_ =	sdelay $0x1  }
0x8a: {  	s1 =	srdreg.scid  }
0x8b: {  	s0 =	sand.u32 $0x1, s1  }
0x8c: {  	s17 =	sshll.u32 s0, $0xA;
	s2 =	sadd.s32 s3, s2  }
0x8d: {  	s2 =	sadd.s32 s2, s17  }
0x8e: {  	[smem:$0x3FC2] =	sst s2  }
0x8f: {  	_ = 	snop  }
0x90: {  	s2 =	sld [smem:$0x3FD0];
	(tm) =	ssettm $0x1  }
0x91: {  	s18 =	sld [smem:$0x3FFB];
	_ =	sdelay $0x3  }
0x92: {  	_ =	strace s18  }
0x93: {  	s3 =	sld [smem:$0x3FFC];
	_ =	sdelay $0x3  }
0x94: {  	_ =	strace s3  }
0x95: {  	s3 =	sld [smem:$0x3FFD];
	_ =	sdelay $0x3  }
0x96: {  	_ =	strace s3  }
0x97: {  	_ =	strace $0x8FFFFFFF  }
0x98: {  	s19 =	sld [smem:$0x3FDB];
	_ =	sdelay $0x1  }
0x99: {  	s4 =	simm.s32 $_scs_section_size  }
0x9a: {  	s5 =	simm.s32 $_size__tile_overlayer_lowered;
	s6 =	simm.s32 $_tile_overlayer_lowered  }
0x9b: {  	s22 =	simm.s32 $0x1BFF;
	s21 =	sshll.u32 s6, $0x1;
	s3 =	sadd.s32 s4, s19  }
0x9c: {  	s7 =	simm.s32 $0x0;
	s20 =	sshll.u32 s5, $0x1;
	s5 =	sadd.s32 s21, s3  }
0x9d: {  	[timem:s7], [sflag:s22] =	dma.local [hbm:s5], s20  }
0x9e: {  	_ =	swait.ge [sflag:s22], s20  }
0x9f: {  	s4 =	ssub.s32 $0x0, s20;
	[sflag:s22] =	ssyncset.done $0x0  }
0xa0: {  	[sflag:s22] =	ssyncadd.s32 s4;
	_ =	sdelay $0x1  }
0xa1: {  	s23 =	simm.s32 $0x1B8B  }
0xa2: {  	_ =	swait.ge [sflag:s23], $0x1  }
0xa3: {  	[sflag:s23] =	ssyncset.done $0x0  }
0xa4: {  	s25 =	simm.s32 $0x1B8E;
	s24 =	sld [smem:$0x3FFE];
	[sflag:s23] =	ssyncadd.s32 $0xFFFFFFFF  }
0xa5: {  	s26 =	simm.s32 $execute0_lowered;
	[smem:$0x3FD2] =	sst s25  }
0xa6: {  	s5 =	sshll.u32 s26, $0x1;
	_ =	strace $0x8000004C;
	[dreg:$0x1] =	wrdreg $0xFFFFFFFF  }
0xa7: {  	s28 =	simm.s32 $_size_execute0_lowered;
	s3 =	sadd.s32 s3, s5;
	[dreg:$0x0] =	wrdreg $0x0  }
0xa8: {  	s5 =	sshll.u32 s28, $0x1;
	[dreg:$0x2] =	wrdreg s3  }
0xa9: {  	[dreg:$0x3] =	wrdreg s5  }
0xaa: {  	[dreg:$0x4] =	wrdreg $0xC0  }
0xab: {  	_ =	task [dreg:s7], $0x5FFFF  }
0xac: {  	[dreg:$0x1] =	wrdreg $0xFFFFFFFF  }
0xad: {  	[dreg:$0x0] =	wrdreg $0x60  }
0xae: {  	[dreg:$0x2] =	wrdreg s24  }
0xaf: {  	[dreg:$0x3] =	wrdreg s2  }
0xb0: {  	[dreg:$0x4] =	wrdreg $0x0  }
0xb1: {  	[dreg:$0x5] =	wrdreg $0x9  }
0xb2: {  	_ =	task.clear_ibuf [dreg:s7], $0x6FFFF;
	_ =	strace $0x9000004C  }
0xb3: {  	s29 =	simm.s32 $0x9;
	_ =	strace $0x8000004E  }
0xb4: {  	_ =	swait.ge [sflag:s29], $0x1  }
0xb5: {  	[sflag:s29] =	ssyncadd.s32 $0xFFFFFFFF  }
0xb6: {  	_ =	strace $0x9000004E  }
0xb7: {  	_ =	sfence  }
0xb8: {  	s30 =	sld [smem:$0x0];
	_ =	sdelay $0x2  }
0xb9: {  	s31 =	sshll.u32 s1, $0xD;
	s1 =	sshrl.u32 s1, $0x2  }
0xba: {  	s3 =	sand.u32 $0x4000, s31;
	s1 =	sadd.s32 s1, s30  }
0xbb: {  	s0 =	sor.u32 s3, s0;
	s1 =	sshll.u32 s1, $0x11  }
0xbc: {  	s0 =	sor.u32 s1, s0  }
0xbd: {  	s0 =	sadd.s32 $0x8F2B, s0  }
0xbe: {  	[sflag:s0] =	ssyncadd.remote.s32 $0x1  }
0xbf: {  	_ =	sfence.sel $0xFFFF  }
0xc0: {  	[dreg:$0x0] =	wrdreg $0xFFFFFFFF;
	(pc) =	sbr.abs _section_cstart, $3  }
0xc1: {  	[dreg:$0x1] =	wrdreg $0xFFFFFFFF  }
0xc2: {  	_ =	task.clear_ibuf [dreg:s7], $0x2FFFF;
	_ =	strace $0x9FFFFFFF  }
0xc3: {  	(tm) =	ssettm $0x7FFFFFFF  }
tec
execute0_lowered:
.L_overlay_start_1:
0x0: {  	(tag) =	ssettag $0x1  }
0x1: {  	s0 =	rddreg [dreg:$0x0]  }
0x2: {  	s2 =	rddreg [dreg:$0x1]  }
0x3: {  	s3 =	rddreg [dreg:$0x2];
	s1 =	srdreg.scid  }
0x4: {  	s11 =	stileid.u32;
	s4 =	simm.s32 $0x0;
	s28 =	simm.s32 $0x14180  }
0x5: {  	s29 =	simm.s32 $0x14380;
	s31 =	simm.s32 $0x1;
	s13 =	simm.s32 $0x6  }
0x6: {  	s14 =	simm.s32 $0x8;
	s15 =	simm.s32 $0x4;
	s16 =	simm.s32 $0x9  }
0x7: {  	s1 =	sand.u32 $0x1, s1;
	s5 =	sshll.u32 s11, $0x1;
	[smem:$0x7FF] =	sst s4  }
0x8: {  	s7 =	sadd.s32 $0x16600, s0;
	s9 =	sadd.s32 $0x2800, s0;
	s23 =	smul.u32 $0x50000, s11  }
0x9: {  	s25 =	sshll.u32 s11, $0x6;
	s30 =	smul.u32 $0x2800, s11;
	s11 =	simm.s32 $0x7  }
0xa: {  	s6 =	sor.u32 s1, s5;
	_ =	strace $0x8000004D;
	s5 =	sadd.s32 $0x20600, s0  }
0xb: {  	s8 =	smul.u32 $0x28000, s1;
	s1 =	ssub.s32 $0x2, s1;
	[dreg:$0x4] =	wrdreg s9  }
0xc: {  	s6 =	smul.u32 $0x2800, s6;
	s17 =	sshrl.u32 s1, $0x1;
	s9 =	sshrl.u32 s23, $0x2  }
0xd: {  	s0 =	sadd.s32 s8, s0;
	s1 =	ssub.s32 s1, s17;
	s26 =	sadd.s32 s9, s3  }
0xe: {  	s9 =	simm.s32 $0x18400;
	s17 =	simm.s32 $0xA;
	s10 =	sshrl.u32 s6, $0x3  }
0xf: {  	[dreg:$0xd] =	wrdreg s26;
	s0 =	sadd.s32 $0x47800, s0;
	s1 =	smax.u32 s1, $0x1  }
0x10: {  	s26 =	simm.s32 $0x14300;
	s19 =	sadd.s32 s2, s10;
	[dreg:$0xf] =	wrdreg s1  }
0x11: {  	s18 =	sor.u32 $0x10, s10;
	s20 =	sadd.s32 s7, s10;
	[dreg:$0x5] =	wrdreg s19  }
0x12: {  	s22 =	sor.u32 $0x20, s10;
	s0 =	sadd.s32 s30, s0;
	[dreg:$0x6] =	wrdreg s20  }
0x13: {  	s24 =	sor.u32 $0x30, s10;
	s21 =	sadd.s32 s2, s18;
	[dreg:$0x10] =	wrdreg s0  }
0x14: {  	s1 =	simm.s32 $0x14400;
	s8 =	sadd.s32 s7, s18;
	[dreg:$0x7] =	wrdreg s21  }
0x15: {  	s12 =	sadd.s32 s2, s22;
	s10 =	sadd.s32 s2, s24;
	[dreg:$0x8] =	wrdreg s8  }
0x16: {  	s19 =	sor.u32 $0x1C0B, s25;
	s25 =	simm.s32 $0x14100;
	[dreg:$0x9] =	wrdreg s12  }
0x17: {  	s0 =	simm.s32 $0x80;
	s20 =	simm.s32 $0x0;
	[dreg:$0xb] =	wrdreg s10  }
0x18: {  	s8 =	sadd.s32 s7, s22;
	s10 =	simm.s32 $0x5;
	[dreg:$0xe] =	wrdreg s19  }
0x19: {  	s12 =	simm.s32 $0x3;
	[dreg:$0xa] =	wrdreg s8;
	s8 =	sadd.s32 s7, s24  }
0x1a: {  	s24 =	simm.s32 $0xB;
	[dreg:$0xc] =	wrdreg s8;
	s8 =	simm.s32 $0x2  }
.LBB2_1:
0x1b: {  	[dreg:$0x11] =	wrdreg s20  }
0x1c: {  	s18 =	rddreg [dreg:$0x5];
	s20 =	simm.s32 $0x14000  }
0x1d: {  	[tilespmem:s20], [sflag:$0x1] =	stream.linear.gather [hbm4b:s18+s4], $0x80, $0x38;
	[tilespmem:$0x1C400] =	vst v63  }
0x1e: {  	s22 =	rddreg [dreg:$0x6];
	s21 =	simm.s32 $0x14200  }
0x1f: {  	[tilespmem:s21], [sflag:$0x1] =	stream.linear.gather [hbm4b:s22+s4], $0x80, $0x38;
	[tilespmem:$0x1C400] =	vst v63  }
0x20: {  	s23 =	rddreg [dreg:$0x7];
	s22 =	simm.s32 $0x14080  }
0x21: {  	[tilespmem:s22], [sflag:$0x2] =	stream.linear.gather [hbm4b:s23+s4], $0x80, $0x38;
	[tilespmem:$0x1C400] =	vst v63  }
0x22: {  	s18 =	rddreg [dreg:$0x8];
	s23 =	simm.s32 $0x14280  }
0x23: {  	[tilespmem:s23], [sflag:$0x2] =	stream.linear.gather [hbm4b:s18+s4], $0x80, $0x38;
	[tilespmem:$0x1C400] =	vst v63  }
0x24: {  	s18 =	rddreg [dreg:$0x9]  }
0x25: {  	[tilespmem:s25], [sflag:$0x3] =	stream.linear.gather [hbm4b:s18+s4], $0x80, $0x38;
	[tilespmem:$0x1C400] =	vst v63  }
0x26: {  	s18 =	rddreg [dreg:$0xa]  }
0x27: {  	[tilespmem:s26], [sflag:$0x3] =	stream.linear.gather [hbm4b:s18+s4], $0x80, $0x38;
	[tilespmem:$0x1C400] =	vst v63  }
0x28: {  	s18 =	rddreg [dreg:$0xb]  }
0x29: {  	[tilespmem:s28], [sflag:$0x4] =	stream.linear.gather [hbm4b:s18+s4], $0x80, $0x38;
	[tilespmem:$0x1C400] =	vst v63  }
0x2a: {  	s18 =	rddreg [dreg:$0xc]  }
0x2b: {  	[tilespmem:s29], [sflag:$0x4] =	stream.linear.gather [hbm4b:s18+s4], $0x80, $0x38;
	[tilespmem:$0x1C400] =	vst v63  }
0x2c: {  	s18 =	rddreg [dreg:$0xd]  }
0x2d: {  	s30 =	sshrl.u32 s18, $0x3;
	s18 =	rddreg [dreg:$0x4]  }
0x2e: {  	[dreg:$0x12] =	wrdreg s30  }
0x2f: {  	[spmem:s30], [sflag:s19] =	dma.local [hbm:s18], $0x2800  }
0x30: {  	_ =	swait.ge [sflag:s24], $0x2800  }
0x31: {  	[sflag:s24] =	ssyncset.done $0x0  }
0x32: {  	[sflag:s24] =	ssyncadd.s32 $0xFFFFD800  }
0x33: {  	_ =	swait.ge [sflag:s31], $0x80  }
0x34: {  	[sflag:s31] =	ssyncset.done $0x0  }
0x35: {  	[sflag:s31] =	ssyncadd.s32 $0xFFFFFF80  }
0x36: {  	_ =	swait.ge [sflag:s31], $0x80  }
0x37: {  	[sflag:s31] =	ssyncset.done $0x0  }
0x38: {  	[sflag:s31] =	ssyncadd.s32 $0xFFFFFF80  }
0x39: {  	[tilespmem:s1], [sflag:$0x5] =	stream.indirect.gather [hbm4b:s5+s0], $0x80, s20, s0, $0xb8;
	[tilespmem:$0x1C400] =	vst v63  }
0x3a: {  	_ =	swait.ge [sflag:s8], $0x80  }
0x3b: {  	[sflag:s8] =	ssyncset.done $0x0  }
0x3c: {  	[sflag:s8] =	ssyncadd.s32 $0xFFFFFF80  }
0x3d: {  	_ =	swait.ge [sflag:s8], $0x80  }
0x3e: {  	[sflag:s8] =	ssyncset.done $0x0  }
0x3f: {  	[sflag:s8] =	ssyncadd.s32 $0xFFFFFF80  }
0x40: {  	[tilespmem:s9], [sflag:$0x6] =	stream.indirect.gather [hbm4b:s5+s0], $0x80, s22, s0, $0xb8;
	[tilespmem:$0x1C400] =	vst v63  }
0x41: {  	[bflag:$0x0] =	sbarrier.arrive $0xFFFF  }
0x42: {  	s19 =	simm.s32 $0x200;
	_ =	swait.ge [sflag:s10], $0x4000  }
0x43: {  	s24 =	sand.u32 $0x7C00, s19;
	[sflag:s10] =	ssyncset.done $0x0  }
0x44: {  	s18 =	sand.u32 $0x200, s19;
	s19 =	sadd.s32 s6, s24;
	[sflag:s10] =	ssyncadd.s32 $0xFFFFC000  }
0x45: {  	[spmem:s3] =	stream.indirect.scatter.add.f32 [tilespmem:s1], [sflag:$0x7], $0x80, s21, s0, $0xb8;
	[tilespmem:$0x1C400] =	vst v63  }
0x46: {  	s18 =	sor.u32 s18, s19;
	_ =	swait.ge [sflag:s11], $0x4000  }
0x47: {  	s18 =	sshrl.u32 s18, $0x3;
	[sflag:s11] =	ssyncset.done $0x0  }
0x48: {  	s24 =	sadd.s32 s2, s18;
	[sflag:s11] =	ssyncadd.s32 $0xFFFFC000  }
0x49: {  	[tilespmem:s20], [sflag:$0x1] =	stream.linear.gather [hbm4b:s24+s4], $0x80, $0x38;
	[tilespmem:$0x1C400] =	vst v63  }
0x4a: {  	s18 =	sadd.s32 s7, s18  }
0x4b: {  	[tilespmem:s21], [sflag:$0x1] =	stream.linear.gather [hbm4b:s18+s4], $0x80, $0x38;
	[tilespmem:$0x1C400] =	vst v63  }
0x4c: {  	_ =	swait.ge [sflag:s12], $0x80  }
0x4d: {  	[sflag:s12] =	ssyncset.done $0x0  }
0x4e: {  	[sflag:s12] =	ssyncadd.s32 $0xFFFFFF80  }
0x4f: {  	_ =	swait.ge [sflag:s12], $0x80  }
0x50: {  	[sflag:s12] =	ssyncset.done $0x0  }
0x51: {  	[sflag:s12] =	ssyncadd.s32 $0xFFFFFF80  }
0x52: {  	[tilespmem:s1], [sflag:$0x5] =	stream.indirect.gather [hbm4b:s5+s0], $0x80, s25, s0, $0xb8;
	[tilespmem:$0x1C400] =	vst v63  }
0x53: {  	s21 =	simm.s32 $0x280;
	_ =	swait.ge [sflag:s13], $0x4000  }
0x54: {  	s24 =	sand.u32 $0x7C00, s21;
	[sflag:s13] =	ssyncset.done $0x0  }
0x55: {  	s18 =	sand.u32 $0x280, s21;
	s19 =	sadd.s32 s6, s24;
	[sflag:s13] =	ssyncadd.s32 $0xFFFFC000  }
0x56: {  	[spmem:s3] =	stream.indirect.scatter.add.f32 [tilespmem:s9], [sflag:$0x8], $0x80, s23, s0, $0xb8;
	[tilespmem:$0x1C400] =	vst v63  }
0x57: {  	s18 =	sor.u32 s18, s19;
	_ =	swait.ge [sflag:s14], $0x4000  }
0x58: {  	s18 =	sshrl.u32 s18, $0x3;
	[sflag:s14] =	ssyncset.done $0x0  }
0x59: {  	s21 =	sadd.s32 s2, s18;
	[sflag:s14] =	ssyncadd.s32 $0xFFFFC000  }
0x5a: {  	[tilespmem:s22], [sflag:$0x2] =	stream.linear.gather [hbm4b:s21+s4], $0x80, $0x38;
	[tilespmem:$0x1C400] =	vst v63  }
0x5b: {  	s18 =	sadd.s32 s7, s18  }
0x5c: {  	[tilespmem:s23], [sflag:$0x2] =	stream.linear.gather [hbm4b:s18+s4], $0x80, $0x38;
	[tilespmem:$0x1C400] =	vst v63  }
0x5d: {  	_ =	swait.ge [sflag:s15], $0x80  }
0x5e: {  	[sflag:s15] =	ssyncset.done $0x0  }
0x5f: {  	[sflag:s15] =	ssyncadd.s32 $0xFFFFFF80  }
0x60: {  	_ =	swait.ge [sflag:s15], $0x80  }
0x61: {  	[sflag:s15] =	ssyncset.done $0x0  }
0x62: {  	[sflag:s15] =	ssyncadd.s32 $0xFFFFFF80  }
0x63: {  	[tilespmem:s9], [sflag:$0x6] =	stream.indirect.gather [hbm4b:s5+s0], $0x80, s28, s0, $0xb8;
	[tilespmem:$0x1C400] =	vst v63  }
0x64: {  	s22 =	simm.s32 $0x300;
	_ =	swait.ge [sflag:s10], $0x4000  }
0x65: {  	s23 =	sand.u32 $0x7C00, s22;
	[sflag:s10] =	ssyncset.done $0x0  }
0x66: {  	s18 =	sand.u32 $0x300, s22;
	s19 =	sadd.s32 s6, s23;
	[sflag:s10] =	ssyncadd.s32 $0xFFFFC000  }
0x67: {  	[spmem:s3] =	stream.indirect.scatter.add.f32 [tilespmem:s1], [sflag:$0x9], $0x80, s26, s0, $0xb8;
	[tilespmem:$0x1C400] =	vst v63  }
0x68: {  	s18 =	sor.u32 s18, s19;
	_ =	swait.ge [sflag:s16], $0x4000  }
0x69: {  	s18 =	sshrl.u32 s18, $0x3;
	[sflag:s16] =	ssyncset.done $0x0  }
0x6a: {  	s24 =	sadd.s32 s2, s18;
	[sflag:s16] =	ssyncadd.s32 $0xFFFFC000  }
0x6b: {  	[tilespmem:s25], [sflag:$0x3] =	stream.linear.gather [hbm4b:s24+s4], $0x80, $0x38;
	[tilespmem:$0x1C400] =	vst v63  }
0x6c: {  	s18 =	sadd.s32 s7, s18  }
0x6d: {  	[tilespmem:s26], [sflag:$0x3] =	stream.linear.gather [hbm4b:s18+s4], $0x80, $0x38;
	[tilespmem:$0x1C400] =	vst v63  }
0x6e: {  	_ =	swait.ge [sflag:s31], $0x80  }
0x6f: {  	[sflag:s31] =	ssyncset.done $0x0  }
0x70: {  	[sflag:s31] =	ssyncadd.s32 $0xFFFFFF80  }
0x71: {  	_ =	swait.ge [sflag:s31], $0x80  }
0x72: {  	[sflag:s31] =	ssyncset.done $0x0  }
0x73: {  	[sflag:s31] =	ssyncadd.s32 $0xFFFFFF80  }
0x74: {  	[tilespmem:s1], [sflag:$0x5] =	stream.indirect.gather [hbm4b:s5+s0], $0x80, s20, s0, $0xb8;
	[tilespmem:$0x1C400] =	vst v63  }
0x75: {  	s20 =	simm.s32 $0x380;
	_ =	swait.ge [sflag:s13], $0x4000  }
0x76: {  	s21 =	sand.u32 $0x7C00, s20;
	[sflag:s13] =	ssyncset.done $0x0  }
0x77: {  	s18 =	sand.u32 $0x380, s20;
	s19 =	sadd.s32 s6, s21;
	[sflag:s13] =	ssyncadd.s32 $0xFFFFC000  }
0x78: {  	[spmem:s3] =	stream.indirect.scatter.add.f32 [tilespmem:s9], [sflag:$0xA], $0x80, s29, s0, $0xb8;
	[tilespmem:$0x1C400] =	vst v63  }
0x79: {  	s18 =	sor.u32 s18, s19;
	_ =	swait.ge [sflag:s17], $0x4000  }
0x7a: {  	s18 =	sshrl.u32 s18, $0x3;
	[sflag:s17] =	ssyncset.done $0x0  }
0x7b: {  	s22 =	sadd.s32 s2, s18;
	[sflag:s17] =	ssyncadd.s32 $0xFFFFC000  }
0x7c: {  	[tilespmem:s28], [sflag:$0x4] =	stream.linear.gather [hbm4b:s22+s4], $0x80, $0x38;
	[tilespmem:$0x1C400] =	vst v63  }
0x7d: {  	s18 =	sadd.s32 s7, s18  }
0x7e: {  	[tilespmem:s29], [sflag:$0x4] =	stream.linear.gather [hbm4b:s18+s4], $0x80, $0x38;
	[tilespmem:$0x1C400] =	vst v63  }
0x7f: {  	_ =	swait.ge [sflag:s8], $0x80  }
0x80: {  	[sflag:s8] =	ssyncset.done $0x0  }
0x81: {  	s23 =	simm.s32 $0x400;
	[sflag:s8] =	ssyncadd.s32 $0xFFFFFF80  }
0x82: {  	s30 =	simm.s32 $0x780;
	s24 =	sand.u32 $0x7C00, s23;
	_ =	swait.ge [sflag:s8], $0x80  }
0x83: {  	s19 =	sand.u32 $0x200, s23;
	s18 =	simm.s32 $0x580;
	[sflag:s8] =	ssyncset.done $0x0  }
.LBB2_2:
0x84: {  	s21 =	sadd.s32 s6, s24;
	[sflag:s8] =	ssyncadd.s32 $0xFFFFFF80  }
0x85: {  	s24 =	smov.u32 s30;
	s20 =	sadd.s32 $0x200, s30;
	s23 =	simm.s32 $0x14080  }
0x86: {  	[tilespmem:s9], [sflag:$0x6] =	stream.indirect.gather [hbm4b:s5+s0], $0x80, s23, s0, $0xb8;
	[tilespmem:$0x1C400] =	vst v63  }
0x87: {  	p0 =	sne.s32 s30, $0x2780;
	s19 =	sor.u32 s19, s21;
	_ =	swait.ge [sflag:s10], $0x4000  }
0x88: {  	s19 =	sshrl.u32 s19, $0x3;
	[sflag:s10] =	ssyncset.done $0x0  }
0x89: {  	s22 =	simm.s32 $0x14200;
	[sflag:s10] =	ssyncadd.s32 $0xFFFFC000  }
0x8a: {  	[spmem:s3] =	stream.indirect.scatter.add.f32 [tilespmem:s1], [sflag:$0x7], $0x80, s22, s0, $0xb8;
	[tilespmem:$0x1C400] =	vst v63  }
0x8b: {  	_ =	swait.ge [sflag:s11], $0x4000  }
0x8c: {  	s21 =	sadd.s32 s2, s19;
	[sflag:s11] =	ssyncset.done $0x0  }
0x8d: {  	s30 =	simm.s32 $0x14000;
	[sflag:s11] =	ssyncadd.s32 $0xFFFFC000  }
0x8e: {  	[tilespmem:s30], [sflag:$0x1] =	stream.linear.gather [hbm4b:s21+s4], $0x80, $0x38;
	[tilespmem:$0x1C400] =	vst v63  }
0x8f: {  	s19 =	sadd.s32 s7, s19  }
0x90: {  	[tilespmem:s22], [sflag:$0x1] =	stream.linear.gather [hbm4b:s19+s4], $0x80, $0x38;
	[tilespmem:$0x1C400] =	vst v63  }
0x91: {  	_ =	swait.ge [sflag:s12], $0x80  }
0x92: {  	[sflag:s12] =	ssyncset.done $0x0  }
0x93: {  	[sflag:s12] =	ssyncadd.s32 $0xFFFFFF80  }
0x94: {  	_ =	swait.ge [sflag:s12], $0x80  }
0x95: {  	[sflag:s12] =	ssyncset.done $0x0  }
0x96: {  	[sflag:s12] =	ssyncadd.s32 $0xFFFFFF80  }
0x97: {  	[tilespmem:s1], [sflag:$0x5] =	stream.indirect.gather [hbm4b:s5+s0], $0x80, s25, s0, $0xb8;
	[tilespmem:$0x1C400] =	vst v63  }
0x98: {  	s19 =	sadd.s32 $0xFFFFFF00, s18;
	_ =	swait.ge [sflag:s13], $0x4000  }
0x99: {  	s21 =	sand.u32 $0x7C00, s19;
	s19 =	sand.u32 $0x280, s19;
	[sflag:s13] =	ssyncset.done $0x0  }
0x9a: {  	s22 =	simm.s32 $0x14280;
	s21 =	sadd.s32 s6, s21;
	[sflag:s13] =	ssyncadd.s32 $0xFFFFC000  }
0x9b: {  	[spmem:s3] =	stream.indirect.scatter.add.f32 [tilespmem:s9], [sflag:$0x8], $0x80, s22, s0, $0xb8;
	[tilespmem:$0x1C400] =	vst v63  }
0x9c: {  	s19 =	sor.u32 s19, s21;
	_ =	swait.ge [sflag:s14], $0x4000  }
0x9d: {  	s19 =	sshrl.u32 s19, $0x3;
	[sflag:s14] =	ssyncset.done $0x0  }
0x9e: {  	s21 =	sadd.s32 s2, s19;
	s19 =	sadd.s32 s7, s19;
	[sflag:s14] =	ssyncadd.s32 $0xFFFFC000  }
0x9f: {  	[tilespmem:s23], [sflag:$0x2] =	stream.linear.gather [hbm4b:s21+s4], $0x80, $0x38;
	[tilespmem:$0x1C400] =	vst v63  }
0xa0: {  	_ = 	snop  }
0xa1: {  	[tilespmem:s22], [sflag:$0x2] =	stream.linear.gather [hbm4b:s19+s4], $0x80, $0x38;
	[tilespmem:$0x1C400] =	vst v63  }
0xa2: {  	_ =	swait.ge [sflag:s15], $0x80  }
0xa3: {  	[sflag:s15] =	ssyncset.done $0x0  }
0xa4: {  	[sflag:s15] =	ssyncadd.s32 $0xFFFFFF80  }
0xa5: {  	_ =	swait.ge [sflag:s15], $0x80  }
0xa6: {  	[sflag:s15] =	ssyncset.done $0x0  }
0xa7: {  	[sflag:s15] =	ssyncadd.s32 $0xFFFFFF80  }
0xa8: {  	[tilespmem:s9], [sflag:$0x6] =	stream.indirect.gather [hbm4b:s5+s0], $0x80, s28, s0, $0xb8;
	[tilespmem:$0x1C400] =	vst v63  }
0xa9: {  	s19 =	sadd.s32 $0xFFFFFF80, s18;
	_ =	swait.ge [sflag:s10], $0x4000  }
0xaa: {  	s21 =	sand.u32 $0x7C00, s19;
	s19 =	sand.u32 $0x300, s19;
	[sflag:s10] =	ssyncset.done $0x0  }
0xab: {  	s21 =	sadd.s32 s6, s21;
	[sflag:s10] =	ssyncadd.s32 $0xFFFFC000  }
0xac: {  	[spmem:s3] =	stream.indirect.scatter.add.f32 [tilespmem:s1], [sflag:$0x9], $0x80, s26, s0, $0xb8;
	[tilespmem:$0x1C400] =	vst v63  }
0xad: {  	s19 =	sor.u32 s19, s21;
	_ =	swait.ge [sflag:s16], $0x4000  }
0xae: {  	s19 =	sshrl.u32 s19, $0x3;
	[sflag:s16] =	ssyncset.done $0x0  }
0xaf: {  	s21 =	sadd.s32 s2, s19;
	s19 =	sadd.s32 s7, s19;
	[sflag:s16] =	ssyncadd.s32 $0xFFFFC000  }
0xb0: {  	[tilespmem:s25], [sflag:$0x3] =	stream.linear.gather [hbm4b:s21+s4], $0x80, $0x38;
	[tilespmem:$0x1C400] =	vst v63  }
0xb1: {  	_ = 	snop  }
0xb2: {  	[tilespmem:s26], [sflag:$0x3] =	stream.linear.gather [hbm4b:s19+s4], $0x80, $0x38;
	[tilespmem:$0x1C400] =	vst v63  }
0xb3: {  	_ =	swait.ge [sflag:s31], $0x80  }
0xb4: {  	[sflag:s31] =	ssyncset.done $0x0  }
0xb5: {  	[sflag:s31] =	ssyncadd.s32 $0xFFFFFF80  }
0xb6: {  	_ =	swait.ge [sflag:s31], $0x80  }
0xb7: {  	[sflag:s31] =	ssyncset.done $0x0  }
0xb8: {  	[sflag:s31] =	ssyncadd.s32 $0xFFFFFF80  }
0xb9: {  	[tilespmem:s1], [sflag:$0x5] =	stream.indirect.gather [hbm4b:s5+s0], $0x80, s30, s0, $0xb8;
	[tilespmem:$0x1C400] =	vst v63  }
0xba: {  	_ =	swait.ge [sflag:s13], $0x4000  }
0xbb: {  	s19 =	sand.u32 $0x7C00, s18;
	[sflag:s13] =	ssyncset.done $0x0  }
0xbc: {  	s18 =	sand.u32 $0x380, s18;
	s19 =	sadd.s32 s6, s19;
	[sflag:s13] =	ssyncadd.s32 $0xFFFFC000  }
0xbd: {  	[spmem:s3] =	stream.indirect.scatter.add.f32 [tilespmem:s9], [sflag:$0xA], $0x80, s29, s0, $0xb8;
	[tilespmem:$0x1C400] =	vst v63  }
0xbe: {  	s19 =	sor.u32 s18, s19;
	s18 =	smov.u32 s24;
	_ =	swait.ge [sflag:s17], $0x4000  }
0xbf: {  	s19 =	sshrl.u32 s19, $0x3;
	[sflag:s17] =	ssyncset.done $0x0  }
0xc0: {  	s21 =	sadd.s32 s2, s19;
	s19 =	sadd.s32 s7, s19;
	[sflag:s17] =	ssyncadd.s32 $0xFFFFC000  }
0xc1: {  	[tilespmem:s28], [sflag:$0x4] =	stream.linear.gather [hbm4b:s21+s4], $0x80, $0x38;
	[tilespmem:$0x1C400] =	vst v63  }
0xc2: {  	_ = 	snop  }
0xc3: {  	[tilespmem:s29], [sflag:$0x4] =	stream.linear.gather [hbm4b:s19+s4], $0x80, $0x38;
	[tilespmem:$0x1C400] =	vst v63  }
.Ltmp0:
0xc4: {  	_ =	swait.ge [sflag:s8], $0x80;
	(pc) =	sbr.rel @p0 .LBB2_2-.Ltmp0, $4  }
0xc5: {  	[sflag:s8] =	ssyncset.done $0x0  }
0xc6: {  	[sflag:s8] =	ssyncadd.s32 $0xFFFFFF80  }
0xc7: {  	s30 =	smov.u32 s20;
	s19 =	sadd.s32 $0xFFFFFE80, s18;
	_ =	swait.ge [sflag:s8], $0x80  }
0xc8: {  	s24 =	sand.u32 $0x7C00, s19;
	s19 =	sand.u32 $0x200, s19;
	[sflag:s8] =	ssyncset.done $0x0  }
0xc9: {  	[sflag:s8] =	ssyncadd.s32 $0xFFFFFF80;
	s22 =	simm.s32 $0x14080  }
0xca: {  	[tilespmem:s9], [sflag:$0x6] =	stream.indirect.gather [hbm4b:s5+s0], $0x80, s22, s0, $0xb8;
	[tilespmem:$0x1C400] =	vst v63  }
0xcb: {  	_ =	swait.ge [sflag:s10], $0x4000  }
0xcc: {  	[sflag:s10] =	ssyncset.done $0x0  }
0xcd: {  	s20 =	sadd.s32 s6, s24;
	s24 =	simm.s32 $0x14200;
	[sflag:s10] =	ssyncadd.s32 $0xFFFFC000  }
0xce: {  	[spmem:s3] =	stream.indirect.scatter.add.f32 [tilespmem:s1], [sflag:$0x7], $0x80, s24, s0, $0xb8;
	[tilespmem:$0x1C400] =	vst v63  }
0xcf: {  	s19 =	sor.u32 s19, s20;
	_ =	swait.ge [sflag:s11], $0x4000  }
0xd0: {  	s19 =	sshrl.u32 s19, $0x3;
	[sflag:s11] =	ssyncset.done $0x0  }
0xd1: {  	s21 =	simm.s32 $0x14000;
	s30 =	sadd.s32 s2, s19;
	[sflag:s11] =	ssyncadd.s32 $0xFFFFC000  }
0xd2: {  	[tilespmem:s21], [sflag:$0x1] =	stream.linear.gather [hbm4b:s30+s4], $0x80, $0x38;
	[tilespmem:$0x1C400] =	vst v63  }
0xd3: {  	s19 =	sadd.s32 s7, s19  }
0xd4: {  	[tilespmem:s24], [sflag:$0x1] =	stream.linear.gather [hbm4b:s19+s4], $0x80, $0x38;
	[tilespmem:$0x1C400] =	vst v63  }
0xd5: {  	_ =	swait.ge [sflag:s12], $0x80  }
0xd6: {  	[sflag:s12] =	ssyncset.done $0x0  }
0xd7: {  	[sflag:s12] =	ssyncadd.s32 $0xFFFFFF80  }
0xd8: {  	_ =	swait.ge [sflag:s12], $0x80  }
0xd9: {  	[sflag:s12] =	ssyncset.done $0x0  }
0xda: {  	[sflag:s12] =	ssyncadd.s32 $0xFFFFFF80  }
0xdb: {  	[tilespmem:s1], [sflag:$0x5] =	stream.indirect.gather [hbm4b:s5+s0], $0x80, s25, s0, $0xb8;
	[tilespmem:$0x1C400] =	vst v63  }
0xdc: {  	s20 =	sadd.s32 $0xFFFFFF00, s18;
	_ =	swait.ge [sflag:s13], $0x4000  }
0xdd: {  	s23 =	sand.u32 $0x7C00, s20;
	s19 =	sand.u32 $0x280, s20;
	[sflag:s13] =	ssyncset.done $0x0  }
0xde: {  	s20 =	sadd.s32 s6, s23;
	s23 =	simm.s32 $0x14280;
	[sflag:s13] =	ssyncadd.s32 $0xFFFFC000  }
0xdf: {  	[spmem:s3] =	stream.indirect.scatter.add.f32 [tilespmem:s9], [sflag:$0x8], $0x80, s23, s0, $0xb8;
	[tilespmem:$0x1C400] =	vst v63  }
0xe0: {  	s19 =	sor.u32 s19, s20;
	_ =	swait.ge [sflag:s14], $0x4000  }
0xe1: {  	s19 =	sshrl.u32 s19, $0x3;
	[sflag:s14] =	ssyncset.done $0x0  }
0xe2: {  	s30 =	sadd.s32 s2, s19;
	[sflag:s14] =	ssyncadd.s32 $0xFFFFC000  }
0xe3: {  	[tilespmem:s22], [sflag:$0x2] =	stream.linear.gather [hbm4b:s30+s4], $0x80, $0x38;
	[tilespmem:$0x1C400] =	vst v63  }
0xe4: {  	s19 =	sadd.s32 s7, s19  }
0xe5: {  	[tilespmem:s23], [sflag:$0x2] =	stream.linear.gather [hbm4b:s19+s4], $0x80, $0x38;
	[tilespmem:$0x1C400] =	vst v63  }
0xe6: {  	_ =	swait.ge [sflag:s15], $0x80  }
0xe7: {  	[sflag:s15] =	ssyncset.done $0x0  }
0xe8: {  	[sflag:s15] =	ssyncadd.s32 $0xFFFFFF80  }
0xe9: {  	_ =	swait.ge [sflag:s15], $0x80  }
0xea: {  	[sflag:s15] =	ssyncset.done $0x0  }
0xeb: {  	[sflag:s15] =	ssyncadd.s32 $0xFFFFFF80  }
0xec: {  	[tilespmem:s9], [sflag:$0x6] =	stream.indirect.gather [hbm4b:s5+s0], $0x80, s28, s0, $0xb8;
	[tilespmem:$0x1C400] =	vst v63  }
0xed: {  	s20 =	sadd.s32 $0xFFFFFF80, s18;
	_ =	swait.ge [sflag:s10], $0x4000  }
0xee: {  	s30 =	sand.u32 $0x7C00, s20;
	[sflag:s10] =	ssyncset.done $0x0  }
0xef: {  	s19 =	sand.u32 $0x300, s20;
	s20 =	sadd.s32 s6, s30;
	[sflag:s10] =	ssyncadd.s32 $0xFFFFC000  }
0xf0: {  	[spmem:s3] =	stream.indirect.scatter.add.f32 [tilespmem:s1], [sflag:$0x9], $0x80, s26, s0, $0xb8;
	[tilespmem:$0x1C400] =	vst v63  }
0xf1: {  	s19 =	sor.u32 s19, s20;
	_ =	swait.ge [sflag:s16], $0x4000  }
0xf2: {  	s19 =	sshrl.u32 s19, $0x3;
	[sflag:s16] =	ssyncset.done $0x0  }
0xf3: {  	s30 =	sadd.s32 s2, s19;
	[sflag:s16] =	ssyncadd.s32 $0xFFFFC000  }
0xf4: {  	[tilespmem:s25], [sflag:$0x3] =	stream.linear.gather [hbm4b:s30+s4], $0x80, $0x38;
	[tilespmem:$0x1C400] =	vst v63  }
0xf5: {  	s19 =	sadd.s32 s7, s19  }
0xf6: {  	[tilespmem:s26], [sflag:$0x3] =	stream.linear.gather [hbm4b:s19+s4], $0x80, $0x38;
	[tilespmem:$0x1C400] =	vst v63  }
0xf7: {  	_ =	swait.ge [sflag:s31], $0x80  }
0xf8: {  	[sflag:s31] =	ssyncset.done $0x0  }
0xf9: {  	[sflag:s31] =	ssyncadd.s32 $0xFFFFFF80  }
0xfa: {  	_ =	swait.ge [sflag:s31], $0x80  }
0xfb: {  	[sflag:s31] =	ssyncset.done $0x0  }
0xfc: {  	[sflag:s31] =	ssyncadd.s32 $0xFFFFFF80  }
0xfd: {  	[tilespmem:s1], [sflag:$0x5] =	stream.indirect.gather [hbm4b:s5+s0], $0x80, s21, s0, $0xb8;
	[tilespmem:$0x1C400] =	vst v63  }
0xfe: {  	_ =	swait.ge [sflag:s13], $0x4000  }
0xff: {  	s21 =	sand.u32 $0x7C00, s18;
	[sflag:s13] =	ssyncset.done $0x0  }
0x100: {  	s30 =	sand.u32 $0x380, s18;
	s19 =	sadd.s32 s6, s21;
	[sflag:s13] =	ssyncadd.s32 $0xFFFFC000  }
0x101: {  	[spmem:s3] =	stream.indirect.scatter.add.f32 [tilespmem:s9], [sflag:$0xA], $0x80, s29, s0, $0xb8;
	[tilespmem:$0x1C400] =	vst v63  }
0x102: {  	s18 =	sor.u32 s30, s19;
	_ =	swait.ge [sflag:s17], $0x4000  }
0x103: {  	s18 =	sshrl.u32 s18, $0x3;
	[sflag:s17] =	ssyncset.done $0x0  }
0x104: {  	s20 =	sadd.s32 s2, s18;
	[sflag:s17] =	ssyncadd.s32 $0xFFFFC000  }
0x105: {  	[tilespmem:s28], [sflag:$0x4] =	stream.linear.gather [hbm4b:s20+s4], $0x80, $0x38;
	[tilespmem:$0x1C400] =	vst v63  }
0x106: {  	s18 =	sadd.s32 s7, s18  }
0x107: {  	[tilespmem:s29], [sflag:$0x4] =	stream.linear.gather [hbm4b:s18+s4], $0x80, $0x38;
	[tilespmem:$0x1C400] =	vst v63  }
0x108: {  	_ =	swait.ge [sflag:s8], $0x80  }
0x109: {  	[sflag:s8] =	ssyncset.done $0x0  }
0x10a: {  	[sflag:s8] =	ssyncadd.s32 $0xFFFFFF80  }
0x10b: {  	_ =	swait.ge [sflag:s8], $0x80  }
0x10c: {  	[sflag:s8] =	ssyncset.done $0x0  }
0x10d: {  	[sflag:s8] =	ssyncadd.s32 $0xFFFFFF80  }
0x10e: {  	[tilespmem:s9], [sflag:$0x6] =	stream.indirect.gather [hbm4b:s5+s0], $0x80, s22, s0, $0xb8;
	[tilespmem:$0x1C400] =	vst v63  }
0x10f: {  	_ =	swait.ge [sflag:s10], $0x4000  }
0x110: {  	[sflag:s10] =	ssyncset.done $0x0  }
0x111: {  	[sflag:s10] =	ssyncadd.s32 $0xFFFFC000  }
0x112: {  	[spmem:s3] =	stream.indirect.scatter.add.f32 [tilespmem:s1], [sflag:$0x7], $0x80, s24, s0, $0xb8;
	[tilespmem:$0x1C400] =	vst v63  }
0x113: {  	_ =	swait.ge [sflag:s11], $0x4000  }
0x114: {  	[sflag:s11] =	ssyncset.done $0x0  }
0x115: {  	[sflag:s11] =	ssyncadd.s32 $0xFFFFC000  }
0x116: {  	_ =	swait.ge [sflag:s12], $0x80  }
0x117: {  	[sflag:s12] =	ssyncset.done $0x0  }
0x118: {  	[sflag:s12] =	ssyncadd.s32 $0xFFFFFF80  }
0x119: {  	_ =	swait.ge [sflag:s12], $0x80  }
0x11a: {  	[sflag:s12] =	ssyncset.done $0x0  }
0x11b: {  	[sflag:s12] =	ssyncadd.s32 $0xFFFFFF80  }
0x11c: {  	[tilespmem:s1], [sflag:$0x5] =	stream.indirect.gather [hbm4b:s5+s0], $0x80, s25, s0, $0xb8;
	[tilespmem:$0x1C400] =	vst v63  }
0x11d: {  	_ =	swait.ge [sflag:s13], $0x4000  }
0x11e: {  	[sflag:s13] =	ssyncset.done $0x0  }
0x11f: {  	[sflag:s13] =	ssyncadd.s32 $0xFFFFC000  }
0x120: {  	[spmem:s3] =	stream.indirect.scatter.add.f32 [tilespmem:s9], [sflag:$0x8], $0x80, s23, s0, $0xb8;
	[tilespmem:$0x1C400] =	vst v63  }
0x121: {  	_ =	swait.ge [sflag:s14], $0x4000  }
0x122: {  	[sflag:s14] =	ssyncset.done $0x0  }
0x123: {  	[sflag:s14] =	ssyncadd.s32 $0xFFFFC000  }
0x124: {  	_ =	swait.ge [sflag:s15], $0x80  }
0x125: {  	[sflag:s15] =	ssyncset.done $0x0  }
0x126: {  	[sflag:s15] =	ssyncadd.s32 $0xFFFFFF80  }
0x127: {  	_ =	swait.ge [sflag:s15], $0x80  }
0x128: {  	[sflag:s15] =	ssyncset.done $0x0  }
0x129: {  	[sflag:s15] =	ssyncadd.s32 $0xFFFFFF80  }
0x12a: {  	[tilespmem:s9], [sflag:$0x6] =	stream.indirect.gather [hbm4b:s5+s0], $0x80, s28, s0, $0xb8;
	[tilespmem:$0x1C400] =	vst v63  }
0x12b: {  	_ =	swait.ge [sflag:s10], $0x4000  }
0x12c: {  	[sflag:s10] =	ssyncset.done $0x0  }
0x12d: {  	[sflag:s10] =	ssyncadd.s32 $0xFFFFC000  }
0x12e: {  	[spmem:s3] =	stream.indirect.scatter.add.f32 [tilespmem:s1], [sflag:$0x9], $0x80, s26, s0, $0xb8;
	[tilespmem:$0x1C400] =	vst v63  }
0x12f: {  	_ =	swait.ge [sflag:s13], $0x4000  }
0x130: {  	[sflag:s13] =	ssyncset.done $0x0  }
0x131: {  	[sflag:s13] =	ssyncadd.s32 $0xFFFFC000  }
0x132: {  	[spmem:s3] =	stream.indirect.scatter.add.f32 [tilespmem:s9], [sflag:$0xA], $0x80, s29, s0, $0xb8;
	[tilespmem:$0x1C400] =	vst v63  }
0x133: {  	_ =	swait.ge [sflag:s16], $0x4000  }
0x134: {  	[sflag:s16] =	ssyncset.done $0x0  }
0x135: {  	[sflag:s16] =	ssyncadd.s32 $0xFFFFC000  }
0x136: {  	_ =	swait.ge [sflag:s17], $0x4000  }
0x137: {  	[sflag:s17] =	ssyncset.done $0x0  }
0x138: {  	[sflag:s17] =	ssyncadd.s32 $0xFFFFC000  }
0x139: {  	[bflag:$0x0] =	sbarrier.arrive $0xFFFF  }
0x13a: {  	s19 =	rddreg [dreg:$0xe]  }
0x13b: {  	s21 =	rddreg [dreg:$0x10]  }
0x13c: {  	s24 =	simm.s32 $0xB;
	s22 =	rddreg [dreg:$0x12]  }
0x13d: {  	[hbm:s21], [sflag:s19] =	dma.local [spmem:s22], $0x2800  }
0x13e: {  	_ =	swait.ge [sflag:s24], $0x2800  }
0x13f: {  	s23 =	rddreg [dreg:$0x11]  }
0x140: {  	s30 =	rddreg [dreg:$0xf];
	s20 =	sadd.s32 $0x1, s23  }
0x141: {  	p0 =	sne.s32 s20, s30  }
.Ltmp1:
0x142: {  	_ = 	snop;
	(pc) =	sbr.rel @p0 .LBB2_1-.Ltmp1, $3  }
0x143: {  	_ =	sdelay $0x1  }
0x144: {  	[sflag:s24] =	ssyncset.done $0x0  }
0x145: {  	[sflag:s24] =	ssyncadd.s32 $0xFFFFD800  }
0x146: {  	_ =	sfence.sel $0x180000  }
0x147: {  	[bflag:$0x0] =	sbarrier.arrive $0xFFFF  }
0x148: {  	_ =	strace $0x9000004D  }
0x149: {  	s0 =	stileid.u32;
	[bflag:$0x2] =	sbarrier.arrive $0xFFFF  }
0x14a: {  	p0 =	sne.s32 s0, $0x0;
	s0 =	rddreg [dreg:$0x3]  }
0x14b: {  	s0 =	sadd.s32 @!p0 $0x100000, s0  }
0x14c: {  	[sflag:s0] =	ssyncadd.tile.s32 @!p0 $0x1;
	_ =	shalt  }
.Lfunc_end2:
_tile_overlayer_lowered:
.L_overlay_start_2:
0x14d: {  	(tag) =	ssettag $0x2  }
0x14e: {  	s0 =	rddreg [dreg:$0x0];
	s2 =	stileid.u32  }
0x14f: {  	s1 =	rddreg [dreg:$0x1];
	p0 =	sne.s32 s2, $0x0  }
0x150: {  	s3 =	rddreg [dreg:$0x2];
	[bflag:$0x3] =	sbarrier.arrive $0xFFFF;
	s2 =	simm.s32 @!p0 $0x1C0B  }
0x151: {  	[timem:s3], [sflag:s2] =	dma.local @!p0 [hbm:s0], s1  }
0x152: {  	s0 =	simm.s32 @!p0 $0xB  }
0x153: {  	_ =	swait.ge @!p0 [sflag:s0], s1  }
0x154: {  	s1 =	ssub.s32 @!p0 $0x0, s1;
	[sflag:s0] =	ssyncset.done @!p0 $0x0  }
0x155: {  	[sflag:s0] =	ssyncadd.s32 @!p0 s1  }
0x156: {  	[bflag:$0x3] =	sbarrier.arrive $0xFFFF  }
0x157: {  	_ =	shalt  }

// kernel: kernel.8.cloned.1.call-start
scs
__scs_entry_jumppad:
0x0: {  	(pc) =	sbr.rel $0x88, $3  }
0x1: {  	(tag) =	ssettag $0x0;
	lr =	simm.s32 $0x1  }
0x2: {  	[smem:$0x3F9B] =	sst lr;
	_ =	strace $0xD0000000  }
0x3: {  	_ = 	snop  }
0x4: {  	_ = 	snop  }
0x5: {  	_ = 	snop  }
0x6: {  	_ = 	snop  }
0x7: {  	_ = 	snop  }
__scs_overlays_trampoline_lowered:
0x8: {  	[smem:$0x3FAA] =	sst s0  }
0x9: {  	[smem:$0x3FAB] =	sst s1  }
0xa: {  	[smem:$0x3FAC] =	sst s2  }
0xb: {  	[smem:$0x3FAD] =	sst s3  }
0xc: {  	[smem:$0x3FAE] =	sst s4  }
0xd: {  	[smem:$0x3FAF] =	sst s5  }
0xe: {  	[smem:$0x3FB0] =	sst s6  }
0xf: {  	[smem:$0x3FB1] =	sst s7  }
0x10: {  	[smem:$0x3FB2] =	sst s8  }
0x11: {  	[smem:$0x3FB3] =	sst s9;
	s0 =	simm.s32 @!p0 $0x0  }
0x12: {  	s1 =	sld [smem:$0x3F99];
	s0 =	simm.s32 @p0 $0x1  }
0x13: {  	[smem:$0x3FB4] =	sst s0;
	s0 =	simm.s32 @!p1 $0x0  }
0x14: {  	s2 =	sld [smem:$0x3F98];
	s0 =	simm.s32 @p1 $0x1  }
0x15: {  	[smem:$0x3FB5] =	sst s0;
	s0 =	simm.s32 @!p2 $0x0  }
0x16: {  	s3 =	sld [smem:$0x3FDB];
	s0 =	simm.s32 @p2 $0x1  }
0x17: {  	s4 =	simm.s32 $0x1BF5;
	[smem:$0x3FB7] =	sst s0  }
0x18: {  	s0 =	sld [smem:$0x3F9A];
	_ =	swait.ge [sflag:s4], $0x0  }
0x19: {  	s7 =	sld [smem:$0x3F9B]  }
0x1a: {  	s8 =	sadd.s32 $0xFFFFE003, lr  }
0x1b: {  	s9 =	sadd.s32 $0xFFFFFEF7, lr;
	s5 =	simm.s32 $0xFFFFFFFF;
	p2 =	slt.u32 s8, $0xFFFFF086  }
0x1c: {  	p1 =	slt.u32 s9, $0xF7A;
	s5 =	simm.s32 @!p2 $0x0  }
0x1d: {  	s5 =	simm.s32 @p1 $0x1;
	p0 =	seq.s32 s7, s2  }
0x1e: {  	s7 =	smul.u32 @!p0 $0xF7A, s2;
	p2 =	seq.s32 @!p0 s5, $0x0  }
0x1f: {  	s9 =	smul.u32 $0xF7A, s1;
	s8 =	simm.s32 @!p0 $0x1BF5;
	p2 =	por !p2, p0  }
0x20: {  	[sflag:s8] =	ssyncset.s32 @!p0 $0xFFFFF086;
	s6 =	sadd.s32 @!p0 s3, s7;
	s7 =	simm.s32 @!p0 $0x108  }
0x21: {  	s3 =	sadd.s32 s3, s9;
	s6 =	sadd.s32 @!p0 $0x88, s6;
	s7 =	simm.s32 @p2 $0x1082  }
0x22: {  	[simem:s7], [sflag:s8] =	dma.local @!p0 [hbm:s6], $0xF7A  }
0x23: {  	s9 =	sor.u32 $0xD0000000, s2;
	s6 =	simm.s32 $0x108;
	_ =	swait.ge @!p0 [sflag:s8], $0x0  }
0x24: {  	s3 =	sadd.s32 $0x88, s3;
	s6 =	simm.s32 @!p1 $0x1082;
	[sflag:s4] =	ssyncset.s32 $0xFFFFF086  }
0x25: {  	[simem:s6], [sflag:s4] =	dma.local [hbm:s3], $0xF7A  }
0x26: {  	[smem:$0x3F9B] =	sst s1;
	(tag) =	ssettag s2;
	_ =	strace s9  }
0x27: {  	s1 =	sld [smem:$0x3FAB]  }
0x28: {  	s2 =	sld [smem:$0x3FAC]  }
0x29: {  	s4 =	sld [smem:$0x3FAE]  }
0x2a: {  	p0 =	seq.s32 s5, $0x0;
	s5 =	sld [smem:$0x3FAF]  }
0x2b: {  	s6 =	sld [smem:$0x3FB0]  }
0x2c: {  	s7 =	sld [smem:$0x3FB1]  }
0x2d: {  	s3 =	simm.s32 $0x108;
	s8 =	sld [smem:$0x3FB2]  }
0x2e: {  	s3 =	simm.s32 @!p0 $0x1082;
	s9 =	sld [smem:$0x3FB3]  }
0x2f: {  	lr =	sadd.s32 s0, s3;
	s0 =	sld [smem:$0x3FAA]  }
0x30: {  	s3 =	sld [smem:$0x3FAD]  }
0x31: {  	[smem:$0x3FB6] =	sst s10  }
0x32: {  	s10 =	sld [smem:$0x3FB4];
	_ =	sdelay $0x3  }
0x33: {  	p0 =	seq.s32 s10, $0x1;
	s10 =	sld [smem:$0x3FB6];
	_ =	sdelay $0x3  }
0x34: {  	[smem:$0x3FB6] =	sst s10  }
0x35: {  	s10 =	sld [smem:$0x3FB5];
	_ =	sdelay $0x3  }
0x36: {  	p1 =	seq.s32 s10, $0x1;
	s10 =	sld [smem:$0x3FB6];
	_ =	sdelay $0x3  }
0x37: {  	[smem:$0x3FB6] =	sst s10  }
0x38: {  	s10 =	sld [smem:$0x3FB7]  }
0x39: {  	_ = 	snop;
	(pc) =	sbr.ind lr, $3  }
0x3a: {  	_ = 	snop  }
0x3b: {  	_ = 	snop  }
0x3c: {  	p2 =	seq.s32 s10, $0x1;
	s10 =	sld [smem:$0x3FB6]  }
0x3d: {  	_ =	shalt  }
0x3e: {  	_ =	shalt  }
0x3f: {  	_ =	shalt  }
0x40: {  	_ =	shalt  }
0x41: {  	_ =	shalt  }
0x42: {  	_ =	shalt  }
0x43: {  	_ =	shalt  }
0x44: {  	_ =	shalt  }
0x45: {  	_ =	shalt  }
0x46: {  	_ =	shalt  }
0x47: {  	_ =	shalt  }
0x48: {  	_ =	shalt  }
0x49: {  	_ =	shalt  }
0x4a: {  	_ =	shalt  }
0x4b: {  	_ =	shalt  }
0x4c: {  	_ =	shalt  }
0x4d: {  	_ =	shalt  }
0x4e: {  	_ =	shalt  }
0x4f: {  	_ =	shalt  }
0x50: {  	_ =	shalt  }
0x51: {  	_ =	shalt  }
0x52: {  	_ =	shalt  }
0x53: {  	_ =	shalt  }
0x54: {  	_ =	shalt  }
0x55: {  	_ =	shalt  }
0x56: {  	_ =	shalt  }
0x57: {  	_ =	shalt  }
0x58: {  	_ =	shalt  }
0x59: {  	_ =	shalt  }
0x5a: {  	_ =	shalt  }
0x5b: {  	_ =	shalt  }
0x5c: {  	_ =	shalt  }
0x5d: {  	_ =	shalt  }
0x5e: {  	_ =	shalt  }
0x5f: {  	_ =	shalt  }
0x60: {  	_ =	shalt  }
0x61: {  	_ =	shalt  }
0x62: {  	_ =	shalt  }
0x63: {  	_ =	shalt  }
0x64: {  	_ =	shalt  }
0x65: {  	_ =	shalt  }
0x66: {  	_ =	shalt  }
0x67: {  	_ =	shalt  }
0x68: {  	_ =	shalt  }
0x69: {  	_ =	shalt  }
0x6a: {  	_ =	shalt  }
0x6b: {  	_ =	shalt  }
0x6c: {  	_ =	shalt  }
0x6d: {  	_ =	shalt  }
0x6e: {  	_ =	shalt  }
0x6f: {  	_ =	shalt  }
0x70: {  	_ =	shalt  }
0x71: {  	_ =	shalt  }
0x72: {  	_ =	shalt  }
0x73: {  	_ =	shalt  }
0x74: {  	_ =	shalt  }
0x75: {  	_ =	shalt  }
0x76: {  	_ =	shalt  }
0x77: {  	_ =	shalt  }
0x78: {  	_ =	shalt  }
0x79: {  	_ =	shalt  }
0x7a: {  	_ =	shalt  }
0x7b: {  	_ =	shalt  }
0x7c: {  	_ =	shalt  }
0x7d: {  	_ =	shalt  }
0x7e: {  	_ =	shalt  }
0x7f: {  	_ =	shalt  }
0x80: {  	_ =	shalt  }
0x81: {  	_ =	shalt  }
0x82: {  	_ =	shalt  }
0x83: {  	_ =	shalt  }
0x84: {  	_ =	shalt  }
0x85: {  	_ =	shalt  }
0x86: {  	_ =	shalt  }
0x87: {  	_ =	shalt  }
.Lfunc_end0:
.L_simem_size_0:
called_computation_lowered:
.L_overlay_start_0:
0x88: {  	s2 =	sld [smem:$0x3FD9]  }
0x89: {  	s3 =	sld [smem:$0x3FFE];
	_ =	sdelay $0x1  }
0x8a: {  	s1 =	srdreg.scid  }
0x8b: {  	s0 =	sand.u32 $0x1, s1  }
0x8c: {  	s16 =	sshll.u32 s0, $0xA;
	s2 =	sadd.s32 s3, s2  }
0x8d: {  	s2 =	sadd.s32 s2, s16  }
0x8e: {  	[smem:$0x3FC2] =	sst s2  }
0x8f: {  	_ = 	snop  }
0x90: {  	(tm) =	ssettm $0x1  }
0x91: {  	s17 =	sld [smem:$0x3FFB];
	_ =	sdelay $0x3  }
0x92: {  	_ =	strace s17  }
0x93: {  	s2 =	sld [smem:$0x3FFC];
	_ =	sdelay $0x3  }
0x94: {  	_ =	strace s2  }
0x95: {  	s2 =	sld [smem:$0x3FFD];
	_ =	sdelay $0x3  }
0x96: {  	_ =	strace s2  }
0x97: {  	_ =	strace $0x8FFFFFFF  }
0x98: {  	s18 =	sld [smem:$0x3FDB];
	_ =	sdelay $0x1  }
0x99: {  	s19 =	simm.s32 $_scs_section_size  }
0x9a: {  	s4 =	simm.s32 $_size__tile_overlayer_lowered;
	s5 =	simm.s32 $_tile_overlayer_lowered  }
0x9b: {  	s22 =	simm.s32 $0x1BFF;
	s21 =	sshll.u32 s5, $0x1;
	s2 =	sadd.s32 s19, s18  }
0x9c: {  	s6 =	simm.s32 $0x0;
	s20 =	sshll.u32 s4, $0x1;
	s4 =	sadd.s32 s21, s2  }
0x9d: {  	[timem:s6], [sflag:s22] =	dma.local [hbm:s4], s20  }
0x9e: {  	_ =	swait.ge [sflag:s22], s20  }
0x9f: {  	s3 =	ssub.s32 $0x0, s20;
	[sflag:s22] =	ssyncset.done $0x0  }
0xa0: {  	[sflag:s22] =	ssyncadd.s32 s3;
	_ =	sdelay $0x1  }
0xa1: {  	s23 =	simm.s32 $0x1B8B  }
0xa2: {  	_ =	swait.ge [sflag:s23], $0x1  }
0xa3: {  	[sflag:s23] =	ssyncset.done $0x0  }
0xa4: {  	s25 =	simm.s32 $0x1B8E;
	s24 =	sld [smem:$0x3FFE];
	[sflag:s23] =	ssyncadd.s32 $0xFFFFFFFF  }
0xa5: {  	s26 =	simm.s32 $execute0_lowered;
	[smem:$0x3FD2] =	sst s25  }
0xa6: {  	s4 =	sshll.u32 s26, $0x1;
	_ =	strace $0x80000046;
	[dreg:$0x1] =	wrdreg $0xFFFFFFFF  }
0xa7: {  	s28 =	simm.s32 $_size_execute0_lowered;
	s2 =	sadd.s32 s2, s4;
	[dreg:$0x0] =	wrdreg $0x0  }
0xa8: {  	s4 =	sshll.u32 s28, $0x1;
	[dreg:$0x2] =	wrdreg s2  }
0xa9: {  	[dreg:$0x3] =	wrdreg s4  }
0xaa: {  	[dreg:$0x4] =	wrdreg $0xC0  }
0xab: {  	_ =	task [dreg:s6], $0x5FFFF  }
0xac: {  	[dreg:$0x1] =	wrdreg $0xFFFFFFFF  }
0xad: {  	[dreg:$0x0] =	wrdreg $0x60  }
0xae: {  	[dreg:$0x2] =	wrdreg s24  }
0xaf: {  	[dreg:$0x3] =	wrdreg $0x9  }
0xb0: {  	_ =	task.clear_ibuf [dreg:s6], $0x4FFFF;
	_ =	strace $0x90000046  }
0xb1: {  	s29 =	simm.s32 $0x9;
	_ =	strace $0x80000048  }
0xb2: {  	_ =	swait.ge [sflag:s29], $0x1  }
0xb3: {  	[sflag:s29] =	ssyncadd.s32 $0xFFFFFFFF  }
0xb4: {  	_ =	strace $0x90000048  }
0xb5: {  	_ =	sfence  }
0xb6: {  	s30 =	sld [smem:$0x0];
	_ =	sdelay $0x2  }
0xb7: {  	s31 =	sshll.u32 s1, $0xD;
	s1 =	sshrl.u32 s1, $0x2  }
0xb8: {  	s3 =	sand.u32 $0x4000, s31;
	s1 =	sadd.s32 s1, s30  }
0xb9: {  	s0 =	sor.u32 s3, s0;
	s1 =	sshll.u32 s1, $0x11  }
0xba: {  	s0 =	sor.u32 s1, s0  }
0xbb: {  	s0 =	sadd.s32 $0x8F2B, s0  }
0xbc: {  	[sflag:s0] =	ssyncadd.remote.s32 $0x1  }
0xbd: {  	_ =	sfence.sel $0xFFFF  }
0xbe: {  	[dreg:$0x0] =	wrdreg $0xFFFFFFFF;
	(pc) =	sbr.abs _section_cstart, $3  }
0xbf: {  	[dreg:$0x1] =	wrdreg $0xFFFFFFFF  }
0xc0: {  	_ =	task.clear_ibuf [dreg:s6], $0x2FFFF;
	_ =	strace $0x9FFFFFFF  }
0xc1: {  	(tm) =	ssettm $0x7FFFFFFF  }
tec
execute0_lowered:
.L_overlay_start_1:
0x0: {  	(tag) =	ssettag $0x1  }
0x1: {  	s1 =	srdreg.scid;
	s0 =	stileid.u32  }
0x2: {  	s4 =	rddreg [dreg:$0x0];
	s3 =	sand.u32 $0x1, s1;
	s30 =	sshll.u32 s0, $0x1  }
0x3: {  	s2 =	simm.s32 $0x0;
	s8 =	simm.s32 $0x0;
	s5 =	sor.u32 s3, s30  }
0x4: {  	s1 =	rddreg [dreg:$0x1];
	s3 =	ssub.s32 $0x2, s3;
	s6 =	smul.u32 $0x4E2, s5  }
0x5: {  	[smem:$0x7FF] =	sst s2;
	s5 =	smul.u32 $0x500, s5;
	s7 =	sshrl.u32 s3, $0x1  }
0x6: {  	_ =	strace $0x80000047;
	s31 =	ssub.s32 s3, s7;
	s7 =	simm.s32 $0x2780  }
0x7: {  	s6 =	sadd.s32 s6, s4;
	s4 =	sadd.s32 s5, s4;
	s5 =	smax.u32 s31, $0x1  }
0x8: {  	v0 =	vimm.f32 $0.0e+00;
	v1 =	vimm.f32 $1.000000000e+00;
	s3 =	sadd.s32 $0x2800, s6;
	s4 =	sadd.s32 $0xC600, s4;
	s6 =	simm.s32 $0x1  }
.LBB2_1:
0x9: {  	[tilespmem:s2], [sflag:$0x1] =	stream.linear.gather [hbm4b:s3+s2], $0x2710, $0x38;
	[tilespmem:$0x4F80] =	vst v63  }
0xa: {  	_ =	swait.ge [sflag:s6], $0x2710  }
0xb: {  	[sflag:s6] =	ssyncset.done $0x0  }
0xc: {  	s9 =	simm.s32 $0x0;
	s10 =	simm.s32 $0x200;
	[sflag:s6] =	ssyncadd.s32 $0xFFFFD8F0  }
.LBB2_2:
0xd: {  	p0 =	sne.s32 s10, $0x9E00;
	[tilespmem:s9+$0x27F0] =	vst v0  }
0xe: {  	[tilespmem:s9+$0x2780] =	vst v0  }
0xf: {  	[tilespmem:s9+$0x2790] =	vst v0  }
.Ltmp0:
0x10: {  	[tilespmem:s9+$0x27A0] =	vst v0;
	(pc) =	sbr.rel @p0 .LBB2_2-.Ltmp0, $4  }
0x11: {  	[tilespmem:s9+$0x27B0] =	vst v0  }
0x12: {  	[tilespmem:s9+$0x27C0] =	vst v0  }
0x13: {  	[tilespmem:s9+$0x27D0] =	vst v0  }
0x14: {  	[tilespmem:s9+$0x27E0] =	vst v0;
	s9 =	sshra.s32 s10, $0x2;
	s10 =	sadd.s32 $0x200, s10  }
0x15: {  	[tilespmem:s9+$0x27F0] =	vst v0  }
0x16: {  	[tilespmem:s9+$0x2780] =	vst v0  }
0x17: {  	[tilespmem:s9+$0x2790] =	vst v0  }
0x18: {  	[tilespmem:s9+$0x27A0] =	vst v0  }
0x19: {  	[tilespmem:s9+$0x27B0] =	vst v0  }
0x1a: {  	[tilespmem:s9+$0x27C0] =	vst v0  }
0x1b: {  	[tilespmem:s9+$0x27D0] =	vst v0  }
0x1c: {  	[tilespmem:s9+$0x27E0] =	vst v0;
	s9 =	simm.s32 $0x0  }
.LBB2_4:
0x1d: {  	s10 =	sshra.s32 s9, $0x2  }
0x1e: {  	v2 =	vld [tilespmem:s10+$0x0];
	_ =	sdelay $0x7  }
0x1f: {  	[tilespmem:v2+s7+$0x0] =	vst.idx.add.f32.msk $0xffff, v1  }
0x20: {  	v2 =	vld [tilespmem:s10+$0x10];
	_ =	sdelay $0x7  }
0x21: {  	[tilespmem:v2+s7+$0x0] =	vst.idx.add.f32.msk $0xffff, v1  }
0x22: {  	v2 =	vld [tilespmem:s10+$0x20];
	_ =	sdelay $0x7  }
0x23: {  	[tilespmem:v2+s7+$0x0] =	vst.idx.add.f32.msk $0xffff, v1  }
0x24: {  	v2 =	vld [tilespmem:s10+$0x30];
	_ =	sdelay $0x7  }
0x25: {  	[tilespmem:v2+s7+$0x0] =	vst.idx.add.f32.msk $0xffff, v1  }
0x26: {  	v2 =	vld [tilespmem:s10+$0x40];
	_ =	sdelay $0x2  }
0x27: {  	p0 =	sne.s32 s9, $0x9B00  }
.Ltmp1:
0x28: {  	_ = 	snop;
	(pc) =	sbr.rel @p0 .LBB2_4-.Ltmp1, $2  }
0x29: {  	_ =	sdelay $0x2  }
0x2a: {  	s9 =	sadd.s32 $0x140, s9;
	[tilespmem:v2+s7+$0x0] =	vst.idx.add.f32.msk $0xffff, v1  }
0x2b: {  	s8 =	sadd.s32 $0x1, s8  }
0x2c: {  	p0 =	sne.s32 s8, s5  }
.Ltmp2:
0x2d: {  	_ = 	snop;
	(pc) =	sbr.rel @p0 .LBB2_1-.Ltmp2, $4  }
0x2e: {  	[hbm4b:s4+s2] =	stream.linear.scatter [tilespmem:s7], [sflag:$0x1], $0x2800, $0x38;
	[tilespmem:$0x4F80] =	vst v63  }
0x2f: {  	_ =	swait.ge [sflag:s6], $0x2800  }
0x30: {  	[sflag:s6] =	ssyncset.done $0x0  }
0x31: {  	[sflag:s6] =	ssyncadd.s32 $0xFFFFD800  }
0x32: {  	_ =	sfence.sel $0x180000  }
0x33: {  	[bflag:$0x0] =	sbarrier.arrive $0xFFFF  }
0x34: {  	p0 =	sne.s32 s0, $0x0;
	_ =	strace $0x90000047  }
0x35: {  	s0 =	sadd.s32 @!p0 $0x100000, s1;
	[bflag:$0x2] =	sbarrier.arrive $0xFFFF  }
0x36: {  	[sflag:s0] =	ssyncadd.tile.s32 @!p0 $0x1;
	_ =	shalt  }
.Lfunc_end2:
_tile_overlayer_lowered:
.L_overlay_start_2:
0x37: {  	(tag) =	ssettag $0x2  }
0x38: {  	s0 =	rddreg [dreg:$0x0];
	s2 =	stileid.u32  }
0x39: {  	s1 =	rddreg [dreg:$0x1];
	p0 =	sne.s32 s2, $0x0  }
0x3a: {  	s3 =	rddreg [dreg:$0x2];
	[bflag:$0x3] =	sbarrier.arrive $0xFFFF;
	s2 =	simm.s32 @!p0 $0x1C01  }
0x3b: {  	[timem:s3], [sflag:s2] =	dma.local @!p0 [hbm:s0], s1  }
0x3c: {  	s0 =	simm.s32 @!p0 $0x1  }
0x3d: {  	_ =	swait.ge @!p0 [sflag:s0], s1  }
0x3e: {  	s1 =	ssub.s32 @!p0 $0x0, s1;
	[sflag:s0] =	ssyncset.done @!p0 $0x0  }
0x3f: {  	[sflag:s0] =	ssyncadd.s32 @!p0 s1  }
0x40: {  	[bflag:$0x3] =	sbarrier.arrive $0xFFFF  }
0x41: {  	_ =	shalt  }

</sc_bundles>
